<compile_context>
chip_gen: v7x
topology: tpu7x:2x2x1
jax: 0.10.2.dev20260603
libtpu: 0.0.44.dev20260713+nightly
codegen_flags: <defaults>
</compile_context>

<pallas_src>
import functools

import jax
import jax.numpy as jnp
import numpy as np
from jax import lax
from jax.experimental import pallas as pl
from jax.experimental.pallas import tpu as pltpu
from jax.experimental.pallas import tpu_sc as plsc

_PERM = np.arange(256).reshape(8, 2, 16).transpose(0, 2, 1).reshape(256)


def _pack_i32(a, b):
    au = lax.bitcast_convert_type(a.astype(jnp.bfloat16), jnp.uint16)
    bu = lax.bitcast_convert_type(b.astype(jnp.bfloat16), jnp.uint16)
    return (au.astype(jnp.int32) | jnp.left_shift(bu.astype(jnp.int32), 16))


def _nodeproj_body(x_ref, wdl_ref, wdh_ref, wsl_ref, wsh_ref, bl_ref, bh_ref,
                   pd_ref, ps_ref):
    xv = x_ref[...]
    pdl = jnp.dot(xv, wdl_ref[...], preferred_element_type=jnp.float32)
    pdh = jnp.dot(xv, wdh_ref[...], preferred_element_type=jnp.float32)
    pd_ref[...] = _pack_i32(pdl + bl_ref[...], pdh + bh_ref[...])
    psl = jnp.dot(xv, wsl_ref[...], preferred_element_type=jnp.float32)
    psh = jnp.dot(xv, wsh_ref[...], preferred_element_type=jnp.float32)
    ps_ref[...] = _pack_i32(psl, psh)


def _nodeproj(x, wdl, wdh, wsl, wsh, bl, bh):
    n, f = x.shape
    bn = 2000
    wspec = pl.BlockSpec((f, 128), lambda i: (0, 0))
    bspec = pl.BlockSpec((1, 128), lambda i: (0, 0))
    return pl.pallas_call(
        _nodeproj_body,
        grid=(n // bn,),
        in_specs=[pl.BlockSpec((bn, f), lambda i: (i, 0)),
                  wspec, wspec, wspec, wspec, bspec, bspec],
        out_specs=[
            pl.BlockSpec((bn, 128), lambda i: (i, 0)),
            pl.BlockSpec((bn, 128), lambda i: (i, 0)),
        ],
        out_shape=[jax.ShapeDtypeStruct((n, 128), jnp.int32)] * 2,
    )(x, wdl, wdh, wsl, wsh, bl, bh)


def _edgeproj_body(ea_ref, wel_ref, weh_ref, ep_ref):
    eav = ea_ref[...]
    epl = jnp.dot(eav, wel_ref[...], preferred_element_type=jnp.float32)
    eph = jnp.dot(eav, weh_ref[...], preferred_element_type=jnp.float32)
    ep_ref[...] = _pack_i32(epl, eph)


def _edgeproj(edge_attr, wel, weh):
    e, d = edge_attr.shape
    be = 3200
    wspec = pl.BlockSpec((d, 128), lambda i: (0, 0))
    return pl.pallas_call(
        _edgeproj_body,
        grid=(e // be,),
        in_specs=[pl.BlockSpec((be, d), lambda i: (i, 0)), wspec, wspec],
        out_specs=pl.BlockSpec((be, 128), lambda i: (i, 0)),
        out_shape=jax.ShapeDtypeStruct((e, 128), jnp.int32),
    )(edge_attr, wel, weh)


_C = 40
_STG = 32


def _UNPK(v):
    a = lax.bitcast_convert_type(jnp.left_shift(v, 16), jnp.float32)
    b = lax.bitcast_convert_type(
        jnp.bitwise_and(v, jnp.int32(-65536)), jnp.float32
    )
    return a, b


def _compute_chunk(pdv, psv, epv, msgv):

    @plsc.parallel_loop(0, _C, unroll=2)
    def _row(r):
        for b in range(4):
            gsl = pl.ds(16 * b, 16)
            csl = pl.ds(64 + 16 * b, 16)
            pg0, pg1 = _UNPK(pdv[r, gsl])
            sg0, sg1 = _UNPK(psv[r, gsl])
            eg0, eg1 = _UNPK(epv[r, gsl])
            pc0, pc1 = _UNPK(pdv[r, csl])
            sc0, sc1 = _UNPK(psv[r, csl])
            ec0, ec1 = _UNPK(epv[r, csl])
            for q, g, cz in (
                (2 * b, pg0 + sg0 + eg0, pc0 + sc0 + ec0),
                (2 * b + 1, pg1 + sg1 + eg1, pc1 + sc1 + ec1),
            ):
                eg = jnp.exp(-g)
                u = jnp.exp(-jnp.abs(cz))
                u2 = u + 2.0
                t = u / u2
                t2 = t * t
                poly = 1.0 + t2 * (0.33333334 + t2 * (0.2 + t2 * 0.14285715))
                num = jnp.maximum(cz, 0.0) * u2 + 2.0 * u * poly
                den = u2 * (1.0 + eg)
                msgv[r, pl.ds(16 * q, 16)] = num / den


def _sc_body(
    dst_hbm, src_hbm, pd_hbm, ps_hbm, ep_hbm,
    agg_out,
    dsti0, srci0, dsts0, pdv0, psv0, epv0, msgv0,
    dsti1, srci1, dsts1, pdv1, psv1, epv1, msgv1,
    stg, aggsh,
    spd0, sps0, sep0, ssc0, spd1, sps1, sep1, ssc1,
):
    npad = aggsh.shape[0]
    e = dst_hbm.shape[0]
    cid = lax.axis_index("c")
    sid = lax.axis_index("s")
    epc = e // 2
    epw = epc // 16
    nchunk = epw // _C
    rpt = npad // 16
    nstg = rpt // _STG

    sets = (
        (dsti0, srci0, dsts0, pdv0, psv0, epv0, msgv0, spd0, sps0, sep0, ssc0),
        (dsti1, srci1, dsts1, pdv1, psv1, epv1, msgv1, spd1, sps1, sep1, ssc1),
    )

    zero16 = jnp.zeros((16,), jnp.float32)

    def _zrow(r, carry):
        for j in range(8):
            stg[r, pl.ds(16 * j, 16)] = zero16
        return carry

    lax.fori_loop(0, _STG, _zrow, 0)

    def _zcp(k, carry):
        off = sid * rpt + k * _STG
        pltpu.sync_copy(stg, aggsh.at[pl.ds(off, _STG)])
        return carry

    lax.fori_loop(0, nstg, _zcp, 0)

    plsc.subcore_barrier()

    ebase = cid * epc + sid * epw

    def _load_idx(eb, s):
        dsti, srci = sets[s][0], sets[s][1]
        pltpu.sync_copy(dst_hbm.at[pl.ds(eb, _C)], dsti)
        pltpu.sync_copy(src_hbm.at[pl.ds(eb, _C)], srci)

    def _issue_gathers(eb, s):
        dsti, srci, _, pdv, psv, epv, _, spd, sps, sep, _ = sets[s]
        pltpu.async_copy(pd_hbm.at[dsti], pdv, spd)
        pltpu.async_copy(ps_hbm.at[srci], psv, sps)
        pltpu.async_copy(ep_hbm.at[pl.ds(eb, _C)], epv, sep)

    def _wait_gathers(s):
        dsti, srci, _, pdv, psv, epv, _, spd, sps, sep, _ = sets[s]
        pltpu.make_async_copy(pd_hbm.at[dsti], pdv, spd).wait()
        pltpu.make_async_copy(ps_hbm.at[srci], psv, sps).wait()
        pltpu.make_async_copy(ep_hbm.at[pl.ds(0, _C)], epv, sep).wait()

    def _wait_scatter(s):
        _, _, dsts, _, _, _, msgv, _, _, _, ssc = sets[s]
        pltpu.make_async_copy(msgv, aggsh.at[dsts], ssc).wait()

    _load_idx(ebase, 0)
    _issue_gathers(ebase, 0)

    def _pair(kk, carry):
        for s in range(2):
            o = 1 - s
            ci = 2 * kk + s
            dsti, srci, dsts, pdv, psv, epv, msgv, spd, sps, sep, ssc = sets[s]
            _wait_gathers(s)
            @pl.when(ci > 0)
            def _():
                _wait_scatter(o)

            ebn = ebase + jnp.minimum(ci + 1, nchunk - 1) * _C
            _load_idx(ebn, o)
            _issue_gathers(ebn, o)
            _compute_chunk(pdv, psv, epv, msgv)
            for off in (0, 16, 24):
                dsts[pl.ds(off, 16)] = dsti[pl.ds(off, 16)]
            pltpu.async_copy(msgv, aggsh.at[dsts], ssc, add=True)
        return carry

    lax.fori_loop(0, nchunk // 2, _pair, 0)

    _wait_scatter(1)
    _wait_gathers(0)

    plsc.subcore_barrier()

    def _rd(k, carry):
        off = sid * rpt + k * _STG
        pltpu.sync_copy(aggsh.at[pl.ds(off, _STG)], stg)
        pltpu.sync_copy(stg, agg_out.at[cid, pl.ds(off, _STG)])
        return carry

    lax.fori_loop(0, nstg, _rd, 0)


def _sc_edge_pass(dst, src, pd, ps, ep, npad):
    mesh = plsc.VectorSubcoreMesh(core_axis_name="c", subcore_axis_name="s")
    bufset = [
        pltpu.VMEM((_C,), jnp.int32),
        pltpu.VMEM((_C,), jnp.int32),
        pltpu.VMEM((_C,), jnp.int32),
        pltpu.VMEM((_C, 128), jnp.int32),
        pltpu.VMEM((_C, 128), jnp.int32),
        pltpu.VMEM((_C, 128), jnp.int32),
        pltpu.VMEM((_C, 128), jnp.float32),
    ]
    kern = pl.kernel(
        _sc_body,
        mesh=mesh,
        out_type=jax.ShapeDtypeStruct((2, npad, 128), jnp.float32),
        scratch_types=bufset + bufset + [
            pltpu.VMEM((_STG, 128), jnp.float32),
            pltpu.VMEM_SHARED((npad, 128), jnp.float32),
        ] + [pltpu.SemaphoreType.DMA] * 8,
    )
    return kern(dst, src, pd, ps, ep)


_CC = 80


def _sc_count_body(dst_hbm, cnt_out, dsti, onesv, stg16, cntsh):
    npad = cntsh.shape[0]
    e = dst_hbm.shape[0]
    cid = lax.axis_index("c")
    sid = lax.axis_index("s")
    epc = e // 2
    epw = epc // 16
    nchunk = epw // _CC
    rpt = npad // 16
    nstg = rpt // _STG

    zero16 = jnp.zeros((16,), jnp.float32)
    lanes = lax.iota(jnp.int32, 16)
    onerow = jnp.where(lanes == 0, 1.0, 0.0).astype(jnp.float32)

    def _init(r, carry):
        for j in range(8):
            stg16[r, pl.ds(16 * j, 16)] = zero16
        return carry

    lax.fori_loop(0, _STG, _init, 0)

    def _orow(r, carry):
        onesv[r, pl.ds(0, 16)] = onerow
        for j in range(1, 8):
            onesv[r, pl.ds(16 * j, 16)] = zero16
        return carry

    lax.fori_loop(0, _CC, _orow, 0)

    def _zcp(k, carry):
        off = sid * rpt + k * _STG
        pltpu.sync_copy(stg16, cntsh.at[pl.ds(off, _STG)])
        return carry

    lax.fori_loop(0, nstg, _zcp, 0)

    plsc.subcore_barrier()

    ebase = cid * epc + sid * epw

    def _chunk(ci, carry):
        eb = ebase + ci * _CC
        pltpu.sync_copy(dst_hbm.at[pl.ds(eb, _CC)], dsti)
        pltpu.sync_copy(onesv, cntsh.at[dsti], add=True)
        return carry

    lax.fori_loop(0, nchunk, _chunk, 0)

    plsc.subcore_barrier()

    def _rd(k, carry):
        off = sid * rpt + k * _STG
        pltpu.sync_copy(cntsh.at[pl.ds(off, _STG)], stg16)
        pltpu.sync_copy(stg16, cnt_out.at[cid, pl.ds(off, _STG)])
        return carry

    lax.fori_loop(0, nstg, _rd, 0)


def _sc_count_pass(dst, npad):
    mesh = plsc.VectorSubcoreMesh(core_axis_name="c", subcore_axis_name="s")
    kern = pl.kernel(
        _sc_count_body,
        mesh=mesh,
        out_type=jax.ShapeDtypeStruct((2, npad, 128), jnp.float32),
        scratch_types=[
            pltpu.VMEM((_CC,), jnp.int32),
            pltpu.VMEM((_CC, 128), jnp.float32),
            pltpu.VMEM((_STG, 128), jnp.float32),
            pltpu.VMEM_SHARED((npad, 128), jnp.float32),
        ],
    )
    return kern(dst)


def _final_body(x_ref, aggp_ref, cntp_ref, g_ref, b_ref, out_ref):
    n = x_ref.shape[0]
    agg = (aggp_ref[0] + aggp_ref[1])[:n]
    cnt = (cntp_ref[0] + cntp_ref[1])[:n]
    c = cnt[:, 0:1]
    out = x_ref[...] + agg / jnp.maximum(c, 1.0)
    m = jnp.mean(out, axis=0, keepdims=True)
    d = out - m
    v = jnp.mean(d * d, axis=0, keepdims=True)
    out_ref[...] = d * lax.rsqrt(v + 1e-5) * g_ref[...] + b_ref[...]


def _final(x, aggp, cntp, gamma, beta):
    n, f = x.shape
    return pl.pallas_call(
        _final_body,
        out_shape=jax.ShapeDtypeStruct((n, f), jnp.float32),
    )(x, aggp, cntp, gamma, beta)


def kernel(x, edge_index, edge_attr, Wf, bf, Ws, bs, gamma, beta):
    n, f = x.shape
    src = edge_index[0]
    dst = edge_index[1]
    cols_lo = jnp.asarray(_PERM[0::2])
    cols_hi = jnp.asarray(_PERM[1::2])
    wd = jnp.concatenate([Wf[:f], Ws[:f]], axis=1)
    wsrc = jnp.concatenate([Wf[f:2 * f], Ws[f:2 * f]], axis=1)
    we = jnp.concatenate([Wf[2 * f:], Ws[2 * f:]], axis=1)
    bias = jnp.concatenate([bf, bs])
    npad = ((n + 16 * _STG - 1) // (16 * _STG)) * (16 * _STG)
    pd3, ps3 = _nodeproj(
        x, wd[:, cols_lo], wd[:, cols_hi], wsrc[:, cols_lo], wsrc[:, cols_hi],
        bias[cols_lo].reshape(1, 128), bias[cols_hi].reshape(1, 128),
    )
    ep3 = _edgeproj(edge_attr, we[:, cols_lo], we[:, cols_hi])
    cntp = _sc_count_pass(dst, npad)
    aggp = _sc_edge_pass(dst, src, pd3, ps3, ep3, npad)
    return _final(
        x, aggp, cntp, gamma.reshape(1, f), beta.reshape(1, f)
    )

# --- scband reference (transcript-rebuilt; emitter-appended) ---
"""Pipeline reference for scband-interaction-block-46042049413575 (READ-ONLY COPY).

The authoritative reference and input builder live on the scoring server;
editing this copy changes nothing except your own understanding.
"""

import jax, jax.numpy as jnp
import numpy as np

N = 10000
F = 128
D = 16
E = 320000

def setup_inputs(seed: int = 0) -> dict:
    key = jax.random.key(seed)
    ks = jax.random.split(key, 9)
    x = jax.random.normal(ks[0], (N, F), dtype=jnp.float32)
    edge_index = jax.random.randint(ks[1], (2, E), 0, N, dtype=jnp.int32)
    edge_attr = jax.random.normal(ks[2], (E, D), dtype=jnp.float32)
    # CGConv params: lin_f, lin_s map (2F + D) -> F
    Wf = jax.random.normal(ks[3], (2 * F + D, F), dtype=jnp.float32) * 0.05
    bf = jnp.zeros((F,), dtype=jnp.float32)
    Ws = jax.random.normal(ks[4], (2 * F + D, F), dtype=jnp.float32) * 0.05
    bs = jnp.zeros((F,), dtype=jnp.float32)
    # BatchNorm1d params
    gamma = jnp.ones((F,), dtype=jnp.float32)
    beta = jnp.zeros((F,), dtype=jnp.float32)
    return {"x": x, "edge_index": edge_index, "edge_attr": edge_attr,
            "Wf": Wf, "bf": bf, "Ws": Ws, "bs": bs,
            "gamma": gamma, "beta": beta}


def reference(x, edge_index, edge_attr, Wf, bf, Ws, bs, gamma, beta):
    n = x.shape[0]
    src = edge_index[0]  # x_j (source / neighbor)
    dst = edge_index[1]  # x_i (target)
    # CGConv message: z = [x_i || x_j || e_ij]
    z = jnp.concatenate([x[dst], x[src], edge_attr], axis=-1)
    gate = jax.nn.sigmoid(z @ Wf + bf)
    core = jax.nn.softplus(z @ Ws + bs)
    msg = gate * core
    # aggr='mean' over incoming edges per target node
    agg = jax.ops.segment_sum(msg, dst, num_segments=n)
    cnt = jax.ops.segment_sum(jnp.ones((msg.shape[0], 1), dtype=msg.dtype), dst, num_segments=n)
    agg = agg / jnp.maximum(cnt, 1.0)
    # residual update (CGConv): out = x + aggregated messages
    out = x + agg
    # BatchNorm1d (training-mode batch statistics, eps=1e-5)
    mean = jnp.mean(out, axis=0)
    var = jnp.var(out, axis=0)
    out = (out - mean) / jnp.sqrt(var + 1e-5) * gamma + beta
    return out

if __name__ == "__main__":
    import jax
    _d = setup_inputs()
    print(jax.jit(kernel)(*tuple(_d.values())))

</pallas_src>

<mosaic_0001>
#map = affine_map<(d0, d1) -> (0)>
#map1 = affine_map<(d0, d1) -> (0, 0, 0)>
module attributes {stable_mosaic.version = 14 : i64} {
  func.func @_sc_count_body(%arg0: i32, %arg1: i32, %arg2: memref<320000xi32, #tpu.memory_space<hbm>>, %arg3: memref<2x10240x128xf32, #tpu.memory_space<hbm>>, %arg4: memref<80xi32, #tpu.memory_space<vmem>>, %arg5: memref<80x128xf32, #tpu.memory_space<vmem>>, %arg6: memref<32x128xf32, #tpu.memory_space<vmem>>, %arg7: memref<10240x128xf32, #tpu.memory_space<vmem_shared>>) attributes {dimension_semantics = [#tpu.dimension_semantics<core_parallel>, #tpu.dimension_semantics<subcore_parallel>], iteration_bounds = array<i64: 2, 16>, scalar_prefetch = 0 : i64, scratch_operands = 4 : i64, tpu.core_type = #tpu.core_type<sc_vector_subcore>, window_params = [{transform_indices = #map}, {transform_indices = #map1}]} {
    %broadcast_in_dim3A = arith.constant 0.000000e+00 : f32
    %broadcast_in_dim3A_0 = vector.broadcast %broadcast_in_dim3A : f32 to vector<16xf32>
    %iota3A = tpu.iota {dimensions = array<i32: 0>} : vector<16xi32>
    %eq3A = arith.constant 0 : i32
    %eq3A_1 = vector.broadcast %eq3A : i32 to vector<16xi32>
    %eq3A_2 = arith.cmpi eq, %iota3A, %eq3A_1 : vector<16xi32>
    %jit3A = arith.constant 1.000000e+00 : f32
    %jit3A_3 = arith.constant 0.000000e+00 : f32
    %broadcast_in_dim3A_4 = vector.broadcast %jit3A : f32 to vector<16xf32>
    %broadcast_in_dim3A_5 = vector.broadcast %jit3A_3 : f32 to vector<16xf32>
    %select_n3A = arith.select %eq3A_2, %broadcast_in_dim3A_4, %broadcast_in_dim3A_5 : vector<16xi1>, vector<16xf32>
    %scan3A = arith.constant 0 : i32
    %scan3A_6 = arith.constant 0 : i32
    %scan3A_7 = arith.constant 32 : i32
    %scan3A_8 = arith.addi %scan3A_6, %scan3A_7 : i32
    %scan3A_9 = arith.constant 1 : i32
    scf.for %scan3A_39 = %scan3A_6 to %scan3A_8 step %scan3A_9  : i32 {
      %swap3A = arith.index_cast %scan3A_39 : i32 to index
      %swap3A_40 = arith.constant 0 : index
      %swap3A_41 = tpu.vector_load %arg6[%swap3A, %swap3A_40] {strides = array<i32>} : memref<32x128xf32, #tpu.memory_space<vmem>>, vector<1x16xf32>,
      %swap3A_42 = vector.shape_cast %swap3A_41 : vector<1x16xf32> to vector<16xf32>
      %swap3A_43 = vector.shape_cast %broadcast_in_dim3A_0 : vector<16xf32> to vector<1x16xf32>
      tpu.vector_store %arg6[%swap3A, %swap3A_40], %swap3A_43 {strides = array<i32>} : memref<32x128xf32, #tpu.memory_space<vmem>>, vector<1x16xf32>,
      %swap3A_44 = arith.index_cast %scan3A_39 : i32 to index
      %swap3A_45 = arith.constant 16 : index
      %swap3A_46 = tpu.vector_load %arg6[%swap3A_44, %swap3A_45] {strides = array<i32>} : memref<32x128xf32, #tpu.memory_space<vmem>>, vector<1x16xf32>,
      %swap3A_47 = vector.shape_cast %swap3A_46 : vector<1x16xf32> to vector<16xf32>
      %swap3A_48 = vector.shape_cast %broadcast_in_dim3A_0 : vector<16xf32> to vector<1x16xf32>
      tpu.vector_store %arg6[%swap3A_44, %swap3A_45], %swap3A_48 {strides = array<i32>} : memref<32x128xf32, #tpu.memory_space<vmem>>, vector<1x16xf32>,
      %swap3A_49 = arith.index_cast %scan3A_39 : i32 to index
      %swap3A_50 = arith.constant 32 : index
      %swap3A_51 = tpu.vector_load %arg6[%swap3A_49, %swap3A_50] {strides = array<i32>} : memref<32x128xf32, #tpu.memory_space<vmem>>, vector<1x16xf32>,
      %swap3A_52 = vector.shape_cast %swap3A_51 : vector<1x16xf32> to vector<16xf32>
      %swap3A_53 = vector.shape_cast %broadcast_in_dim3A_0 : vector<16xf32> to vector<1x16xf32>
      tpu.vector_store %arg6[%swap3A_49, %swap3A_50], %swap3A_53 {strides = array<i32>} : memref<32x128xf32, #tpu.memory_space<vmem>>, vector<1x16xf32>,
      %swap3A_54 = arith.index_cast %scan3A_39 : i32 to index
      %swap3A_55 = arith.constant 48 : index
      %swap3A_56 = tpu.vector_load %arg6[%swap3A_54, %swap3A_55] {strides = array<i32>} : memref<32x128xf32, #tpu.memory_space<vmem>>, vector<1x16xf32>,
      %swap3A_57 = vector.shape_cast %swap3A_56 : vector<1x16xf32> to vector<16xf32>
      %swap3A_58 = vector.shape_cast %broadcast_in_dim3A_0 : vector<16xf32> to vector<1x16xf32>
      tpu.vector_store %arg6[%swap3A_54, %swap3A_55], %swap3A_58 {strides = array<i32>} : memref<32x128xf32, #tpu.memory_space<vmem>>, vector<1x16xf32>,
      %swap3A_59 = arith.index_cast %scan3A_39 : i32 to index
      %swap3A_60 = arith.constant 64 : index
      %swap3A_61 = tpu.vector_load %arg6[%swap3A_59, %swap3A_60] {strides = array<i32>} : memref<32x128xf32, #tpu.memory_space<vmem>>, vector<1x16xf32>,
      %swap3A_62 = vector.shape_cast %swap3A_61 : vector<1x16xf32> to vector<16xf32>
      %swap3A_63 = vector.shape_cast %broadcast_in_dim3A_0 : vector<16xf32> to vector<1x16xf32>
      tpu.vector_store %arg6[%swap3A_59, %swap3A_60], %swap3A_63 {strides = array<i32>} : memref<32x128xf32, #tpu.memory_space<vmem>>, vector<1x16xf32>,
      %swap3A_64 = arith.index_cast %scan3A_39 : i32 to index
      %swap3A_65 = arith.constant 80 : index
      %swap3A_66 = tpu.vector_load %arg6[%swap3A_64, %swap3A_65] {strides = array<i32>} : memref<32x128xf32, #tpu.memory_space<vmem>>, vector<1x16xf32>,
      %swap3A_67 = vector.shape_cast %swap3A_66 : vector<1x16xf32> to vector<16xf32>
      %swap3A_68 = vector.shape_cast %broadcast_in_dim3A_0 : vector<16xf32> to vector<1x16xf32>
      tpu.vector_store %arg6[%swap3A_64, %swap3A_65], %swap3A_68 {strides = array<i32>} : memref<32x128xf32, #tpu.memory_space<vmem>>, vector<1x16xf32>,
      %swap3A_69 = arith.index_cast %scan3A_39 : i32 to index
      %swap3A_70 = arith.constant 96 : index
      %swap3A_71 = tpu.vector_load %arg6[%swap3A_69, %swap3A_70] {strides = array<i32>} : memref<32x128xf32, #tpu.memory_space<vmem>>, vector<1x16xf32>,
      %swap3A_72 = vector.shape_cast %swap3A_71 : vector<1x16xf32> to vector<16xf32>
      %swap3A_73 = vector.shape_cast %broadcast_in_dim3A_0 : vector<16xf32> to vector<1x16xf32>
      tpu.vector_store %arg6[%swap3A_69, %swap3A_70], %swap3A_73 {strides = array<i32>} : memref<32x128xf32, #tpu.memory_space<vmem>>, vector<1x16xf32>,
      %swap3A_74 = arith.index_cast %scan3A_39 : i32 to index
      %swap3A_75 = arith.constant 112 : index
      %swap3A_76 = tpu.vector_load %arg6[%swap3A_74, %swap3A_75] {strides = array<i32>} : memref<32x128xf32, #tpu.memory_space<vmem>>, vector<1x16xf32>,
      %swap3A_77 = vector.shape_cast %swap3A_76 : vector<1x16xf32> to vector<16xf32>
      %swap3A_78 = vector.shape_cast %broadcast_in_dim3A_0 : vector<16xf32> to vector<1x16xf32>
      tpu.vector_store %arg6[%swap3A_74, %swap3A_75], %swap3A_78 {strides = array<i32>} : memref<32x128xf32, #tpu.memory_space<vmem>>, vector<1x16xf32>,
    }
    %scan3A_10 = arith.constant 32 : i32
    %scan3A_11 = arith.constant 0 : i32
    %scan3A_12 = arith.constant 0 : i32
    %scan3A_13 = arith.constant 80 : i32
    %scan3A_14 = arith.addi %scan3A_12, %scan3A_13 : i32
    %scan3A_15 = arith.constant 1 : i32
    scf.for %scan3A_39 = %scan3A_12 to %scan3A_14 step %scan3A_15  : i32 {
      %swap3A = arith.index_cast %scan3A_39 : i32 to index
      %swap3A_40 = arith.constant 0 : index
      %swap3A_41 = tpu.vector_load %arg5[%swap3A, %swap3A_40] {strides = array<i32>} : memref<80x128xf32, #tpu.memory_space<vmem>>, vector<1x16xf32>,
      %swap3A_42 = vector.shape_cast %swap3A_41 : vector<1x16xf32> to vector<16xf32>
      %swap3A_43 = vector.shape_cast %select_n3A : vector<16xf32> to vector<1x16xf32>
      tpu.vector_store %arg5[%swap3A, %swap3A_40], %swap3A_43 {strides = array<i32>} : memref<80x128xf32, #tpu.memory_space<vmem>>, vector<1x16xf32>,
      %swap3A_44 = arith.index_cast %scan3A_39 : i32 to index
      %swap3A_45 = arith.constant 16 : index
      %swap3A_46 = tpu.vector_load %arg5[%swap3A_44, %swap3A_45] {strides = array<i32>} : memref<80x128xf32, #tpu.memory_space<vmem>>, vector<1x16xf32>,
      %swap3A_47 = vector.shape_cast %swap3A_46 : vector<1x16xf32> to vector<16xf32>
      %swap3A_48 = vector.shape_cast %broadcast_in_dim3A_0 : vector<16xf32> to vector<1x16xf32>
      tpu.vector_store %arg5[%swap3A_44, %swap3A_45], %swap3A_48 {strides = array<i32>} : memref<80x128xf32, #tpu.memory_space<vmem>>, vector<1x16xf32>,
      %swap3A_49 = arith.index_cast %scan3A_39 : i32 to index
      %swap3A_50 = arith.constant 32 : index
      %swap3A_51 = tpu.vector_load %arg5[%swap3A_49, %swap3A_50] {strides = array<i32>} : memref<80x128xf32, #tpu.memory_space<vmem>>, vector<1x16xf32>,
      %swap3A_52 = vector.shape_cast %swap3A_51 : vector<1x16xf32> to vector<16xf32>
      %swap3A_53 = vector.shape_cast %broadcast_in_dim3A_0 : vector<16xf32> to vector<1x16xf32>
      tpu.vector_store %arg5[%swap3A_49, %swap3A_50], %swap3A_53 {strides = array<i32>} : memref<80x128xf32, #tpu.memory_space<vmem>>, vector<1x16xf32>,
      %swap3A_54 = arith.index_cast %scan3A_39 : i32 to index
      %swap3A_55 = arith.constant 48 : index
      %swap3A_56 = tpu.vector_load %arg5[%swap3A_54, %swap3A_55] {strides = array<i32>} : memref<80x128xf32, #tpu.memory_space<vmem>>, vector<1x16xf32>,
      %swap3A_57 = vector.shape_cast %swap3A_56 : vector<1x16xf32> to vector<16xf32>
      %swap3A_58 = vector.shape_cast %broadcast_in_dim3A_0 : vector<16xf32> to vector<1x16xf32>
      tpu.vector_store %arg5[%swap3A_54, %swap3A_55], %swap3A_58 {strides = array<i32>} : memref<80x128xf32, #tpu.memory_space<vmem>>, vector<1x16xf32>,
      %swap3A_59 = arith.index_cast %scan3A_39 : i32 to index
      %swap3A_60 = arith.constant 64 : index
      %swap3A_61 = tpu.vector_load %arg5[%swap3A_59, %swap3A_60] {strides = array<i32>} : memref<80x128xf32, #tpu.memory_space<vmem>>, vector<1x16xf32>,
      %swap3A_62 = vector.shape_cast %swap3A_61 : vector<1x16xf32> to vector<16xf32>
      %swap3A_63 = vector.shape_cast %broadcast_in_dim3A_0 : vector<16xf32> to vector<1x16xf32>
      tpu.vector_store %arg5[%swap3A_59, %swap3A_60], %swap3A_63 {strides = array<i32>} : memref<80x128xf32, #tpu.memory_space<vmem>>, vector<1x16xf32>,
      %swap3A_64 = arith.index_cast %scan3A_39 : i32 to index
      %swap3A_65 = arith.constant 80 : index
      %swap3A_66 = tpu.vector_load %arg5[%swap3A_64, %swap3A_65] {strides = array<i32>} : memref<80x128xf32, #tpu.memory_space<vmem>>, vector<1x16xf32>,
      %swap3A_67 = vector.shape_cast %swap3A_66 : vector<1x16xf32> to vector<16xf32>
      %swap3A_68 = vector.shape_cast %broadcast_in_dim3A_0 : vector<16xf32> to vector<1x16xf32>
      tpu.vector_store %arg5[%swap3A_64, %swap3A_65], %swap3A_68 {strides = array<i32>} : memref<80x128xf32, #tpu.memory_space<vmem>>, vector<1x16xf32>,
      %swap3A_69 = arith.index_cast %scan3A_39 : i32 to index
      %swap3A_70 = arith.constant 96 : index
      %swap3A_71 = tpu.vector_load %arg5[%swap3A_69, %swap3A_70] {strides = array<i32>} : memref<80x128xf32, #tpu.memory_space<vmem>>, vector<1x16xf32>,
      %swap3A_72 = vector.shape_cast %swap3A_71 : vector<1x16xf32> to vector<16xf32>
      %swap3A_73 = vector.shape_cast %broadcast_in_dim3A_0 : vector<16xf32> to vector<1x16xf32>
      tpu.vector_store %arg5[%swap3A_69, %swap3A_70], %swap3A_73 {strides = array<i32>} : memref<80x128xf32, #tpu.memory_space<vmem>>, vector<1x16xf32>,
      %swap3A_74 = arith.index_cast %scan3A_39 : i32 to index
      %swap3A_75 = arith.constant 112 : index
      %swap3A_76 = tpu.vector_load %arg5[%swap3A_74, %swap3A_75] {strides = array<i32>} : memref<80x128xf32, #tpu.memory_space<vmem>>, vector<1x16xf32>,
      %swap3A_77 = vector.shape_cast %swap3A_76 : vector<1x16xf32> to vector<16xf32>
      %swap3A_78 = vector.shape_cast %broadcast_in_dim3A_0 : vector<16xf32> to vector<1x16xf32>
      tpu.vector_store %arg5[%swap3A_74, %swap3A_75], %swap3A_78 {strides = array<i32>} : memref<80x128xf32, #tpu.memory_space<vmem>>, vector<1x16xf32>,
    }
    %scan3A_16 = arith.constant 80 : i32
    %scan3A_17 = arith.constant 0 : i32
    %scan3A_18 = arith.constant 0 : i32
    %scan3A_19 = arith.constant 20 : i32
    %scan3A_20 = arith.addi %scan3A_18, %scan3A_19 : i32
    %scan3A_21 = arith.constant 1 : i32
    scf.for %scan3A_39 = %scan3A_18 to %scan3A_20 step %scan3A_21  : i32 {
      %mul3A_40 = arith.constant 640 : i32
      %mul3A_41 = arith.muli %arg1, %mul3A_40 : i32
      %mul3A_42 = arith.constant 32 : i32
      %mul3A_43 = arith.muli %scan3A_39, %mul3A_42 : i32
      %add3A_44 = arith.addi %mul3A_41, %mul3A_43 : i32
      "tpu.region"() ({
        %run_scoped3A = tpu.sem_alloc : memref<!tpu.dma_semaphore, #tpu.memory_space<semaphore_mem>>
        %dma_start3A = arith.constant 0 : i32
        %dma_start3A_45 = tpu.memref_slice %arg7[%add3A_44, %dma_start3A] : memref<10240x128xf32, #tpu.memory_space<vmem_shared>> -> memref<32x128xf32, #tpu.memory_space<vmem_shared>>
        %dma_start3A_46 = arith.constant 0 : i32
        %dma_start3A_47 = tpu.memref_slice %arg7[%add3A_44, %dma_start3A_46] : memref<10240x128xf32, #tpu.memory_space<vmem_shared>> -> memref<32x128xf32, #tpu.memory_space<vmem_shared>>
        tpu.enqueue_dma source(%arg6 : memref<32x128xf32, #tpu.memory_space<vmem>>) target(%dma_start3A_47 : memref<32x128xf32, #tpu.memory_space<vmem_shared>>) target_semaphore(%run_scoped3A : memref<!tpu.dma_semaphore, #tpu.memory_space<semaphore_mem>>)
        %dma_wait3A = arith.constant 0 : i32
        %dma_wait3A_48 = tpu.memref_slice %arg7[%add3A_44, %dma_wait3A] : memref<10240x128xf32, #tpu.memory_space<vmem_shared>> -> memref<32x128xf32, #tpu.memory_space<vmem_shared>>
        %dma_wait3A_49 = arith.constant 0 : i32
        %dma_wait3A_50 = tpu.memref_slice %arg7[%add3A_44, %dma_wait3A_49] : memref<10240x128xf32, #tpu.memory_space<vmem_shared>> -> memref<32x128xf32, #tpu.memory_space<vmem_shared>>
        tpu.wait_dma2 semaphore(%run_scoped3A : memref<!tpu.dma_semaphore, #tpu.memory_space<semaphore_mem>>) src(%arg6 : memref<32x128xf32, #tpu.memory_space<vmem>>) dst(%dma_wait3A_50 : memref<32x128xf32, #tpu.memory_space<vmem_shared>>)
        tpu.yield
      }) : () -> ()
    }
    %scan3A_22 = arith.constant 20 : i32
    %barrier3A = arith.constant 0 : index
    tpu.barrier barrier_id(%barrier3A)
    %mul3A = arith.constant 160000 : i32
    %mul3A_23 = arith.muli %arg0, %mul3A : i32
    %mul3A_24 = arith.constant 10000 : i32
    %mul3A_25 = arith.muli %arg1, %mul3A_24 : i32
    %add3A = arith.addi %mul3A_23, %mul3A_25 : i32
    %scan3A_26 = arith.constant 0 : i32
    %scan3A_27 = arith.constant 0 : i32
    %scan3A_28 = arith.constant 125 : i32
    %scan3A_29 = arith.addi %scan3A_27, %scan3A_28 : i32
    %scan3A_30 = arith.constant 1 : i32
    scf.for %scan3A_39 = %scan3A_27 to %scan3A_29 step %scan3A_30  : i32 {
      %mul3A_40 = arith.constant 80 : i32
      %mul3A_41 = arith.muli %scan3A_39, %mul3A_40 : i32
      %add3A_42 = arith.addi %add3A, %mul3A_41 : i32
      "tpu.region"() ({
        %run_scoped3A = tpu.sem_alloc : memref<!tpu.dma_semaphore, #tpu.memory_space<semaphore_mem>>
        %dma_start3A = tpu.memref_slice %arg2[%add3A_42] : memref<320000xi32, #tpu.memory_space<hbm>> -> memref<80xi32, #tpu.memory_space<hbm>>
        %dma_start3A_43 = tpu.memref_slice %arg2[%add3A_42] : memref<320000xi32, #tpu.memory_space<hbm>> -> memref<80xi32, #tpu.memory_space<hbm>>
        tpu.enqueue_dma source(%dma_start3A_43 : memref<80xi32, #tpu.memory_space<hbm>>) target(%arg4 : memref<80xi32, #tpu.memory_space<vmem>>) target_semaphore(%run_scoped3A : memref<!tpu.dma_semaphore, #tpu.memory_space<semaphore_mem>>)
        %dma_wait3A = tpu.memref_slice %arg2[%add3A_42] : memref<320000xi32, #tpu.memory_space<hbm>> -> memref<80xi32, #tpu.memory_space<hbm>>
        %dma_wait3A_44 = tpu.memref_slice %arg2[%add3A_42] : memref<320000xi32, #tpu.memory_space<hbm>> -> memref<80xi32, #tpu.memory_space<hbm>>
        tpu.wait_dma2 semaphore(%run_scoped3A : memref<!tpu.dma_semaphore, #tpu.memory_space<semaphore_mem>>) src(%dma_wait3A_44 : memref<80xi32, #tpu.memory_space<hbm>>) dst(%arg4 : memref<80xi32, #tpu.memory_space<vmem>>)
        tpu.yield
      }) : () -> ()
      "tpu.region"() ({
        %run_scoped3A = tpu.sem_alloc : memref<!tpu.dma_semaphore, #tpu.memory_space<semaphore_mem>>
        %dma_start3A = arith.constant 0 : i32
        %dma_start3A_43 = arith.constant 0 : i32
        %dma_start3A_44 = tpu.memref_slice %arg7[%dma_start3A, %dma_start3A_43] : memref<10240x128xf32, #tpu.memory_space<vmem_shared>> -> memref<10240x128xf32, #tpu.memory_space<vmem_shared>>
        tpu.enqueue_indirect_dma source(%arg5 : memref<80x128xf32, #tpu.memory_space<vmem>>) target(%dma_start3A_44 : memref<10240x128xf32, #tpu.memory_space<vmem_shared>>) offsets(%arg4 : memref<80xi32, #tpu.memory_space<vmem>>) semaphore(%run_scoped3A : memref<!tpu.dma_semaphore, #tpu.memory_space<semaphore_mem>>) {add = true}
        %dma_wait3A = arith.constant 0 : i32
        %dma_wait3A_45 = arith.constant 0 : i32
        %dma_wait3A_46 = tpu.memref_slice %arg7[%dma_wait3A, %dma_wait3A_45] : memref<10240x128xf32, #tpu.memory_space<vmem_shared>> -> memref<10240x128xf32, #tpu.memory_space<vmem_shared>>
        tpu.wait_indirect_dma semaphore(%run_scoped3A : memref<!tpu.dma_semaphore, #tpu.memory_space<semaphore_mem>>) src(%arg5 : memref<80x128xf32, #tpu.memory_space<vmem>>) dst(%dma_wait3A_46 : memref<10240x128xf32, #tpu.memory_space<vmem_shared>>)
        tpu.yield
      }) : () -> ()
    }
    %scan3A_31 = arith.constant 125 : i32
    %barrier3A_32 = arith.constant 0 : index
    tpu.barrier barrier_id(%barrier3A_32)
    %scan3A_33 = arith.constant 0 : i32
    %scan3A_34 = arith.constant 0 : i32
    %scan3A_35 = arith.constant 20 : i32
    %scan3A_36 = arith.addi %scan3A_34, %scan3A_35 : i32
    %scan3A_37 = arith.constant 1 : i32
    scf.for %scan3A_39 = %scan3A_34 to %scan3A_36 step %scan3A_37  : i32 {
      %mul3A_40 = arith.constant 640 : i32
      %mul3A_41 = arith.muli %arg1, %mul3A_40 : i32
      %mul3A_42 = arith.constant 32 : i32
      %mul3A_43 = arith.muli %scan3A_39, %mul3A_42 : i32
      %add3A_44 = arith.addi %mul3A_41, %mul3A_43 : i32
      "tpu.region"() ({
        %run_scoped3A = tpu.sem_alloc : memref<!tpu.dma_semaphore, #tpu.memory_space<semaphore_mem>>
        %dma_start3A = arith.constant 0 : i32
        %dma_start3A_45 = tpu.memref_slice %arg7[%add3A_44, %dma_start3A] : memref<10240x128xf32, #tpu.memory_space<vmem_shared>> -> memref<32x128xf32, #tpu.memory_space<vmem_shared>>
        %dma_start3A_46 = arith.constant 0 : i32
        %dma_start3A_47 = tpu.memref_slice %arg7[%add3A_44, %dma_start3A_46] : memref<10240x128xf32, #tpu.memory_space<vmem_shared>> -> memref<32x128xf32, #tpu.memory_space<vmem_shared>>
        tpu.enqueue_dma source(%dma_start3A_47 : memref<32x128xf32, #tpu.memory_space<vmem_shared>>) target(%arg6 : memref<32x128xf32, #tpu.memory_space<vmem>>) target_semaphore(%run_scoped3A : memref<!tpu.dma_semaphore, #tpu.memory_space<semaphore_mem>>)
        %dma_wait3A = arith.constant 0 : i32
        %dma_wait3A_48 = tpu.memref_slice %arg7[%add3A_44, %dma_wait3A] : memref<10240x128xf32, #tpu.memory_space<vmem_shared>> -> memref<32x128xf32, #tpu.memory_space<vmem_shared>>
        %dma_wait3A_49 = arith.constant 0 : i32
        %dma_wait3A_50 = tpu.memref_slice %arg7[%add3A_44, %dma_wait3A_49] : memref<10240x128xf32, #tpu.memory_space<vmem_shared>> -> memref<32x128xf32, #tpu.memory_space<vmem_shared>>
        tpu.wait_dma2 semaphore(%run_scoped3A : memref<!tpu.dma_semaphore, #tpu.memory_space<semaphore_mem>>) src(%dma_wait3A_50 : memref<32x128xf32, #tpu.memory_space<vmem_shared>>) dst(%arg6 : memref<32x128xf32, #tpu.memory_space<vmem>>)
        tpu.yield
      }) : () -> ()
      "tpu.region"() ({
        %run_scoped3A = tpu.sem_alloc : memref<!tpu.dma_semaphore, #tpu.memory_space<semaphore_mem>>
        %dma_start3A = arith.constant 0 : i32
        %dma_start3A_45 = tpu.memref_slice %arg3[%arg0, %add3A_44, %dma_start3A] : memref<2x10240x128xf32, #tpu.memory_space<hbm>> -> memref<1x32x128xf32, #tpu.memory_space<hbm>>
        %dma_start3A_46 = tpu.memref_squeeze %dma_start3A_45 : memref<1x32x128xf32, #tpu.memory_space<hbm>> -> memref<32x128xf32, #tpu.memory_space<hbm>>
        %dma_start3A_47 = arith.constant 0 : i32
        %dma_start3A_48 = tpu.memref_slice %arg3[%arg0, %add3A_44, %dma_start3A_47] : memref<2x10240x128xf32, #tpu.memory_space<hbm>> -> memref<1x32x128xf32, #tpu.memory_space<hbm>>
        %dma_start3A_49 = tpu.memref_squeeze %dma_start3A_48 : memref<1x32x128xf32, #tpu.memory_space<hbm>> -> memref<32x128xf32, #tpu.memory_space<hbm>>
        tpu.enqueue_dma source(%arg6 : memref<32x128xf32, #tpu.memory_space<vmem>>) target(%dma_start3A_49 : memref<32x128xf32, #tpu.memory_space<hbm>>) target_semaphore(%run_scoped3A : memref<!tpu.dma_semaphore, #tpu.memory_space<semaphore_mem>>)
        %dma_wait3A = arith.constant 0 : i32
        %dma_wait3A_50 = tpu.memref_slice %arg3[%arg0, %add3A_44, %dma_wait3A] : memref<2x10240x128xf32, #tpu.memory_space<hbm>> -> memref<1x32x128xf32, #tpu.memory_space<hbm>>
        %dma_wait3A_51 = tpu.memref_squeeze %dma_wait3A_50 : memref<1x32x128xf32, #tpu.memory_space<hbm>> -> memref<32x128xf32, #tpu.memory_space<hbm>>
        %dma_wait3A_52 = arith.constant 0 : i32
        %dma_wait3A_53 = tpu.memref_slice %arg3[%arg0, %add3A_44, %dma_wait3A_52] : memref<2x10240x128xf32, #tpu.memory_space<hbm>> -> memref<1x32x128xf32, #tpu.memory_space<hbm>>
        %dma_wait3A_54 = tpu.memref_squeeze %dma_wait3A_53 : memref<1x32x128xf32, #tpu.memory_space<hbm>> -> memref<32x128xf32, #tpu.memory_space<hbm>>
        tpu.wait_dma2 semaphore(%run_scoped3A : memref<!tpu.dma_semaphore, #tpu.memory_space<semaphore_mem>>) src(%arg6 : memref<32x128xf32, #tpu.memory_space<vmem>>) dst(%dma_wait3A_54 : memref<32x128xf32, #tpu.memory_space<hbm>>)
        tpu.yield
      }) : () -> ()
    }
    %scan3A_38 = arith.constant 20 : i32
    return
  }
}

#map = affine_map<(d0, d1) -> (0)>
#map1 = affine_map<(d0, d1) -> (0, 0)>
#map2 = affine_map<(d0, d1) -> (0, 0, 0)>
module attributes {stable_mosaic.version = 14 : i64} {
  func.func @_sc_body(%arg0: i32, %arg1: i32, %arg2: memref<320000xi32, #tpu.memory_space<hbm>>, %arg3: memref<320000xi32, #tpu.memory_space<hbm>>, %arg4: memref<10000x128xi32, #tpu.memory_space<hbm>>, %arg5: memref<10000x128xi32, #tpu.memory_space<hbm>>, %arg6: memref<320000x128xi32, #tpu.memory_space<hbm>>, %arg7: memref<2x10240x128xf32, #tpu.memory_space<hbm>>, %arg8: memref<40xi32, #tpu.memory_space<vmem>>, %arg9: memref<40xi32, #tpu.memory_space<vmem>>, %arg10: memref<40xi32, #tpu.memory_space<vmem>>, %arg11: memref<40x128xi32, #tpu.memory_space<vmem>>, %arg12: memref<40x128xi32, #tpu.memory_space<vmem>>, %arg13: memref<40x128xi32, #tpu.memory_space<vmem>>, %arg14: memref<40x128xf32, #tpu.memory_space<vmem>>, %arg15: memref<40xi32, #tpu.memory_space<vmem>>, %arg16: memref<40xi32, #tpu.memory_space<vmem>>, %arg17: memref<40xi32, #tpu.memory_space<vmem>>, %arg18: memref<40x128xi32, #tpu.memory_space<vmem>>, %arg19: memref<40x128xi32, #tpu.memory_space<vmem>>, %arg20: memref<40x128xi32, #tpu.memory_space<vmem>>, %arg21: memref<40x128xf32, #tpu.memory_space<vmem>>, %arg22: memref<32x128xf32, #tpu.memory_space<vmem>>, %arg23: memref<10240x128xf32, #tpu.memory_space<vmem_shared>>, %arg24: memref<!tpu.dma_semaphore, #tpu.memory_space<semaphore_mem>>, %arg25: memref<!tpu.dma_semaphore, #tpu.memory_space<semaphore_mem>>, %arg26: memref<!tpu.dma_semaphore, #tpu.memory_space<semaphore_mem>>, %arg27: memref<!tpu.dma_semaphore, #tpu.memory_space<semaphore_mem>>, %arg28: memref<!tpu.dma_semaphore, #tpu.memory_space<semaphore_mem>>, %arg29: memref<!tpu.dma_semaphore, #tpu.memory_space<semaphore_mem>>, %arg30: memref<!tpu.dma_semaphore, #tpu.memory_space<semaphore_mem>>, %arg31: memref<!tpu.dma_semaphore, #tpu.memory_space<semaphore_mem>>) attributes {dimension_semantics = [#tpu.dimension_semantics<core_parallel>, #tpu.dimension_semantics<subcore_parallel>], iteration_bounds = array<i64: 2, 16>, scalar_prefetch = 0 : i64, scratch_operands = 24 : i64, tpu.core_type = #tpu.core_type<sc_vector_subcore>, window_params = [{transform_indices = #map}, {transform_indices = #map}, {transform_indices = #map1}, {transform_indices = #map1}, {transform_indices = #map1}, {transform_indices = #map2}]} {
    %broadcast_in_dim3A = arith.constant 0.000000e+00 : f32
    %broadcast_in_dim3A_0 = vector.broadcast %broadcast_in_dim3A : f32 to vector<16xf32>
    %scan3A = arith.constant 0 : i32
    %scan3A_1 = arith.constant 0 : i32
    %scan3A_2 = arith.constant 32 : i32
    %scan3A_3 = arith.addi %scan3A_1, %scan3A_2 : i32
    %scan3A_4 = arith.constant 1 : i32
    scf.for %scan3A_51 = %scan3A_1 to %scan3A_3 step %scan3A_4  : i32 {
      %swap3A = arith.index_cast %scan3A_51 : i32 to index
      %swap3A_52 = arith.constant 0 : index
      %swap3A_53 = tpu.vector_load %arg22[%swap3A, %swap3A_52] {strides = array<i32>} : memref<32x128xf32, #tpu.memory_space<vmem>>, vector<1x16xf32>,
      %swap3A_54 = vector.shape_cast %swap3A_53 : vector<1x16xf32> to vector<16xf32>
      %swap3A_55 = vector.shape_cast %broadcast_in_dim3A_0 : vector<16xf32> to vector<1x16xf32>
      tpu.vector_store %arg22[%swap3A, %swap3A_52], %swap3A_55 {strides = array<i32>} : memref<32x128xf32, #tpu.memory_space<vmem>>, vector<1x16xf32>,
      %swap3A_56 = arith.index_cast %scan3A_51 : i32 to index
      %swap3A_57 = arith.constant 16 : index
      %swap3A_58 = tpu.vector_load %arg22[%swap3A_56, %swap3A_57] {strides = array<i32>} : memref<32x128xf32, #tpu.memory_space<vmem>>, vector<1x16xf32>,
      %swap3A_59 = vector.shape_cast %swap3A_58 : vector<1x16xf32> to vector<16xf32>
      %swap3A_60 = vector.shape_cast %broadcast_in_dim3A_0 : vector<16xf32> to vector<1x16xf32>
      tpu.vector_store %arg22[%swap3A_56, %swap3A_57], %swap3A_60 {strides = array<i32>} : memref<32x128xf32, #tpu.memory_space<vmem>>, vector<1x16xf32>,
      %swap3A_61 = arith.index_cast %scan3A_51 : i32 to index
      %swap3A_62 = arith.constant 32 : index
      %swap3A_63 = tpu.vector_load %arg22[%swap3A_61, %swap3A_62] {strides = array<i32>} : memref<32x128xf32, #tpu.memory_space<vmem>>, vector<1x16xf32>,
      %swap3A_64 = vector.shape_cast %swap3A_63 : vector<1x16xf32> to vector<16xf32>
      %swap3A_65 = vector.shape_cast %broadcast_in_dim3A_0 : vector<16xf32> to vector<1x16xf32>
      tpu.vector_store %arg22[%swap3A_61, %swap3A_62], %swap3A_65 {strides = array<i32>} : memref<32x128xf32, #tpu.memory_space<vmem>>, vector<1x16xf32>,
      %swap3A_66 = arith.index_cast %scan3A_51 : i32 to index
      %swap3A_67 = arith.constant 48 : index
      %swap3A_68 = tpu.vector_load %arg22[%swap3A_66, %swap3A_67] {strides = array<i32>} : memref<32x128xf32, #tpu.memory_space<vmem>>, vector<1x16xf32>,
      %swap3A_69 = vector.shape_cast %swap3A_68 : vector<1x16xf32> to vector<16xf32>
      %swap3A_70 = vector.shape_cast %broadcast_in_dim3A_0 : vector<16xf32> to vector<1x16xf32>
      tpu.vector_store %arg22[%swap3A_66, %swap3A_67], %swap3A_70 {strides = array<i32>} : memref<32x128xf32, #tpu.memory_space<vmem>>, vector<1x16xf32>,
      %swap3A_71 = arith.index_cast %scan3A_51 : i32 to index
      %swap3A_72 = arith.constant 64 : index
      %swap3A_73 = tpu.vector_load %arg22[%swap3A_71, %swap3A_72] {strides = array<i32>} : memref<32x128xf32, #tpu.memory_space<vmem>>, vector<1x16xf32>,
      %swap3A_74 = vector.shape_cast %swap3A_73 : vector<1x16xf32> to vector<16xf32>
      %swap3A_75 = vector.shape_cast %broadcast_in_dim3A_0 : vector<16xf32> to vector<1x16xf32>
      tpu.vector_store %arg22[%swap3A_71, %swap3A_72], %swap3A_75 {strides = array<i32>} : memref<32x128xf32, #tpu.memory_space<vmem>>, vector<1x16xf32>,
      %swap3A_76 = arith.index_cast %scan3A_51 : i32 to index
      %swap3A_77 = arith.constant 80 : index
      %swap3A_78 = tpu.vector_load %arg22[%swap3A_76, %swap3A_77] {strides = array<i32>} : memref<32x128xf32, #tpu.memory_space<vmem>>, vector<1x16xf32>,
      %swap3A_79 = vector.shape_cast %swap3A_78 : vector<1x16xf32> to vector<16xf32>
      %swap3A_80 = vector.shape_cast %broadcast_in_dim3A_0 : vector<16xf32> to vector<1x16xf32>
      tpu.vector_store %arg22[%swap3A_76, %swap3A_77], %swap3A_80 {strides = array<i32>} : memref<32x128xf32, #tpu.memory_space<vmem>>, vector<1x16xf32>,
      %swap3A_81 = arith.index_cast %scan3A_51 : i32 to index
      %swap3A_82 = arith.constant 96 : index
      %swap3A_83 = tpu.vector_load %arg22[%swap3A_81, %swap3A_82] {strides = array<i32>} : memref<32x128xf32, #tpu.memory_space<vmem>>, vector<1x16xf32>,
      %swap3A_84 = vector.shape_cast %swap3A_83 : vector<1x16xf32> to vector<16xf32>
      %swap3A_85 = vector.shape_cast %broadcast_in_dim3A_0 : vector<16xf32> to vector<1x16xf32>
      tpu.vector_store %arg22[%swap3A_81, %swap3A_82], %swap3A_85 {strides = array<i32>} : memref<32x128xf32, #tpu.memory_space<vmem>>, vector<1x16xf32>,
      %swap3A_86 = arith.index_cast %scan3A_51 : i32 to index
      %swap3A_87 = arith.constant 112 : index
      %swap3A_88 = tpu.vector_load %arg22[%swap3A_86, %swap3A_87] {strides = array<i32>} : memref<32x128xf32, #tpu.memory_space<vmem>>, vector<1x16xf32>,
      %swap3A_89 = vector.shape_cast %swap3A_88 : vector<1x16xf32> to vector<16xf32>
      %swap3A_90 = vector.shape_cast %broadcast_in_dim3A_0 : vector<16xf32> to vector<1x16xf32>
      tpu.vector_store %arg22[%swap3A_86, %swap3A_87], %swap3A_90 {strides = array<i32>} : memref<32x128xf32, #tpu.memory_space<vmem>>, vector<1x16xf32>,
    }
    %scan3A_5 = arith.constant 32 : i32
    %scan3A_6 = arith.constant 0 : i32
    %scan3A_7 = arith.constant 0 : i32
    %scan3A_8 = arith.constant 20 : i32
    %scan3A_9 = arith.addi %scan3A_7, %scan3A_8 : i32
    %scan3A_10 = arith.constant 1 : i32
    scf.for %scan3A_51 = %scan3A_7 to %scan3A_9 step %scan3A_10  : i32 {
      %mul3A_52 = arith.constant 640 : i32
      %mul3A_53 = arith.muli %arg1, %mul3A_52 : i32
      %mul3A_54 = arith.constant 32 : i32
      %mul3A_55 = arith.muli %scan3A_51, %mul3A_54 : i32
      %add3A_56 = arith.addi %mul3A_53, %mul3A_55 : i32
      "tpu.region"() ({
        %run_scoped3A = tpu.sem_alloc : memref<!tpu.dma_semaphore, #tpu.memory_space<semaphore_mem>>
        %dma_start3A_57 = arith.constant 0 : i32
        %dma_start3A_58 = tpu.memref_slice %arg23[%add3A_56, %dma_start3A_57] : memref<10240x128xf32, #tpu.memory_space<vmem_shared>> -> memref<32x128xf32, #tpu.memory_space<vmem_shared>>
        %dma_start3A_59 = arith.constant 0 : i32
        %dma_start3A_60 = tpu.memref_slice %arg23[%add3A_56, %dma_start3A_59] : memref<10240x128xf32, #tpu.memory_space<vmem_shared>> -> memref<32x128xf32, #tpu.memory_space<vmem_shared>>
        tpu.enqueue_dma source(%arg22 : memref<32x128xf32, #tpu.memory_space<vmem>>) target(%dma_start3A_60 : memref<32x128xf32, #tpu.memory_space<vmem_shared>>) target_semaphore(%run_scoped3A : memref<!tpu.dma_semaphore, #tpu.memory_space<semaphore_mem>>)
        %dma_wait3A_61 = arith.constant 0 : i32
        %dma_wait3A_62 = tpu.memref_slice %arg23[%add3A_56, %dma_wait3A_61] : memref<10240x128xf32, #tpu.memory_space<vmem_shared>> -> memref<32x128xf32, #tpu.memory_space<vmem_shared>>
        %dma_wait3A_63 = arith.constant 0 : i32
        %dma_wait3A_64 = tpu.memref_slice %arg23[%add3A_56, %dma_wait3A_63] : memref<10240x128xf32, #tpu.memory_space<vmem_shared>> -> memref<32x128xf32, #tpu.memory_space<vmem_shared>>
        tpu.wait_dma2 semaphore(%run_scoped3A : memref<!tpu.dma_semaphore, #tpu.memory_space<semaphore_mem>>) src(%arg22 : memref<32x128xf32, #tpu.memory_space<vmem>>) dst(%dma_wait3A_64 : memref<32x128xf32, #tpu.memory_space<vmem_shared>>)
        tpu.yield
      }) : () -> ()
    }
    %scan3A_11 = arith.constant 20 : i32
    %barrier3A = arith.constant 0 : index
    tpu.barrier barrier_id(%barrier3A)
    %mul3A = arith.constant 160000 : i32
    %mul3A_12 = arith.muli %arg0, %mul3A : i32
    %mul3A_13 = arith.constant 10000 : i32
    %mul3A_14 = arith.muli %arg1, %mul3A_13 : i32
    %add3A = arith.addi %mul3A_12, %mul3A_14 : i32
    "tpu.region"() ({
      %run_scoped3A = tpu.sem_alloc : memref<!tpu.dma_semaphore, #tpu.memory_space<semaphore_mem>>
      %dma_start3A_51 = tpu.memref_slice %arg2[%add3A] : memref<320000xi32, #tpu.memory_space<hbm>> -> memref<40xi32, #tpu.memory_space<hbm>>
      %dma_start3A_52 = tpu.memref_slice %arg2[%add3A] : memref<320000xi32, #tpu.memory_space<hbm>> -> memref<40xi32, #tpu.memory_space<hbm>>
      tpu.enqueue_dma source(%dma_start3A_52 : memref<40xi32, #tpu.memory_space<hbm>>) target(%arg8 : memref<40xi32, #tpu.memory_space<vmem>>) target_semaphore(%run_scoped3A : memref<!tpu.dma_semaphore, #tpu.memory_space<semaphore_mem>>)
      %dma_wait3A_53 = tpu.memref_slice %arg2[%add3A] : memref<320000xi32, #tpu.memory_space<hbm>> -> memref<40xi32, #tpu.memory_space<hbm>>
      %dma_wait3A_54 = tpu.memref_slice %arg2[%add3A] : memref<320000xi32, #tpu.memory_space<hbm>> -> memref<40xi32, #tpu.memory_space<hbm>>
      tpu.wait_dma2 semaphore(%run_scoped3A : memref<!tpu.dma_semaphore, #tpu.memory_space<semaphore_mem>>) src(%dma_wait3A_54 : memref<40xi32, #tpu.memory_space<hbm>>) dst(%arg8 : memref<40xi32, #tpu.memory_space<vmem>>)
      tpu.yield
    }) : () -> ()
    "tpu.region"() ({
      %run_scoped3A = tpu.sem_alloc : memref<!tpu.dma_semaphore, #tpu.memory_space<semaphore_mem>>
      %dma_start3A_51 = tpu.memref_slice %arg3[%add3A] : memref<320000xi32, #tpu.memory_space<hbm>> -> memref<40xi32, #tpu.memory_space<hbm>>
      %dma_start3A_52 = tpu.memref_slice %arg3[%add3A] : memref<320000xi32, #tpu.memory_space<hbm>> -> memref<40xi32, #tpu.memory_space<hbm>>
      tpu.enqueue_dma source(%dma_start3A_52 : memref<40xi32, #tpu.memory_space<hbm>>) target(%arg9 : memref<40xi32, #tpu.memory_space<vmem>>) target_semaphore(%run_scoped3A : memref<!tpu.dma_semaphore, #tpu.memory_space<semaphore_mem>>)
      %dma_wait3A_53 = tpu.memref_slice %arg3[%add3A] : memref<320000xi32, #tpu.memory_space<hbm>> -> memref<40xi32, #tpu.memory_space<hbm>>
      %dma_wait3A_54 = tpu.memref_slice %arg3[%add3A] : memref<320000xi32, #tpu.memory_space<hbm>> -> memref<40xi32, #tpu.memory_space<hbm>>
      tpu.wait_dma2 semaphore(%run_scoped3A : memref<!tpu.dma_semaphore, #tpu.memory_space<semaphore_mem>>) src(%dma_wait3A_54 : memref<40xi32, #tpu.memory_space<hbm>>) dst(%arg9 : memref<40xi32, #tpu.memory_space<vmem>>)
      tpu.yield
    }) : () -> ()
    %dma_start3A = arith.constant 0 : i32
    %dma_start3A_15 = arith.constant 0 : i32
    %dma_start3A_16 = tpu.memref_slice %arg4[%dma_start3A, %dma_start3A_15] : memref<10000x128xi32, #tpu.memory_space<hbm>> -> memref<10000x128xi32, #tpu.memory_space<hbm>>
    tpu.enqueue_indirect_dma source(%dma_start3A_16 : memref<10000x128xi32, #tpu.memory_space<hbm>>) target(%arg11 : memref<40x128xi32, #tpu.memory_space<vmem>>) offsets(%arg8 : memref<40xi32, #tpu.memory_space<vmem>>) semaphore(%arg24 : memref<!tpu.dma_semaphore, #tpu.memory_space<semaphore_mem>>)
    %dma_start3A_17 = arith.constant 0 : i32
    %dma_start3A_18 = arith.constant 0 : i32
    %dma_start3A_19 = tpu.memref_slice %arg5[%dma_start3A_17, %dma_start3A_18] : memref<10000x128xi32, #tpu.memory_space<hbm>> -> memref<10000x128xi32, #tpu.memory_space<hbm>>
    tpu.enqueue_indirect_dma source(%dma_start3A_19 : memref<10000x128xi32, #tpu.memory_space<hbm>>) target(%arg12 : memref<40x128xi32, #tpu.memory_space<vmem>>) offsets(%arg9 : memref<40xi32, #tpu.memory_space<vmem>>) semaphore(%arg25 : memref<!tpu.dma_semaphore, #tpu.memory_space<semaphore_mem>>)
    %dma_start3A_20 = arith.constant 0 : i32
    %dma_start3A_21 = tpu.memref_slice %arg6[%add3A, %dma_start3A_20] : memref<320000x128xi32, #tpu.memory_space<hbm>> -> memref<40x128xi32, #tpu.memory_space<hbm>>
    %dma_start3A_22 = arith.constant 0 : i32
    %dma_start3A_23 = tpu.memref_slice %arg6[%add3A, %dma_start3A_22] : memref<320000x128xi32, #tpu.memory_space<hbm>> -> memref<40x128xi32, #tpu.memory_space<hbm>>
    tpu.enqueue_dma source(%dma_start3A_23 : memref<40x128xi32, #tpu.memory_space<hbm>>) target(%arg13 : memref<40x128xi32, #tpu.memory_space<vmem>>) target_semaphore(%arg26 : memref<!tpu.dma_semaphore, #tpu.memory_space<semaphore_mem>>)
    %scan3A_24 = arith.constant 0 : i32
    %scan3A_25 = arith.constant 0 : i32
    %scan3A_26 = arith.constant 125 : i32
    %scan3A_27 = arith.addi %scan3A_25, %scan3A_26 : i32
    %scan3A_28 = arith.constant 1 : i32
    scf.for %scan3A_51 = %scan3A_25 to %scan3A_27 step %scan3A_28  : i32 {
      %mul3A_52 = arith.constant 2 : i32
      %mul3A_53 = arith.muli %mul3A_52, %scan3A_51 : i32
      %add3A_54 = arith.constant 0 : i32
      %add3A_55 = arith.addi %mul3A_53, %add3A_54 : i32
      %dma_wait3A_56 = arith.constant 0 : i32
      %dma_wait3A_57 = arith.constant 0 : i32
      %dma_wait3A_58 = tpu.memref_slice %arg4[%dma_wait3A_56, %dma_wait3A_57] : memref<10000x128xi32, #tpu.memory_space<hbm>> -> memref<10000x128xi32, #tpu.memory_space<hbm>>
      tpu.wait_indirect_dma semaphore(%arg24 : memref<!tpu.dma_semaphore, #tpu.memory_space<semaphore_mem>>) src(%dma_wait3A_58 : memref<10000x128xi32, #tpu.memory_space<hbm>>) dst(%arg11 : memref<40x128xi32, #tpu.memory_space<vmem>>)
      %dma_wait3A_59 = arith.constant 0 : i32
      %dma_wait3A_60 = arith.constant 0 : i32
      %dma_wait3A_61 = tpu.memref_slice %arg5[%dma_wait3A_59, %dma_wait3A_60] : memref<10000x128xi32, #tpu.memory_space<hbm>> -> memref<10000x128xi32, #tpu.memory_space<hbm>>
      tpu.wait_indirect_dma semaphore(%arg25 : memref<!tpu.dma_semaphore, #tpu.memory_space<semaphore_mem>>) src(%dma_wait3A_61 : memref<10000x128xi32, #tpu.memory_space<hbm>>) dst(%arg12 : memref<40x128xi32, #tpu.memory_space<vmem>>)
      %dma_wait3A_62 = arith.constant 0 : i32
      %dma_wait3A_63 = arith.constant 0 : i32
      %dma_wait3A_64 = tpu.memref_slice %arg6[%dma_wait3A_62, %dma_wait3A_63] : memref<320000x128xi32, #tpu.memory_space<hbm>> -> memref<40x128xi32, #tpu.memory_space<hbm>>
      %dma_wait3A_65 = arith.constant 0 : i32
      %dma_wait3A_66 = arith.constant 0 : i32
      %dma_wait3A_67 = tpu.memref_slice %arg6[%dma_wait3A_65, %dma_wait3A_66] : memref<320000x128xi32, #tpu.memory_space<hbm>> -> memref<40x128xi32, #tpu.memory_space<hbm>>
      tpu.wait_dma2 semaphore(%arg26 : memref<!tpu.dma_semaphore, #tpu.memory_space<semaphore_mem>>) src(%dma_wait3A_67 : memref<40x128xi32, #tpu.memory_space<hbm>>) dst(%arg13 : memref<40x128xi32, #tpu.memory_space<vmem>>)
      %gt3A = arith.constant 0 : i32
      %gt3A_68 = arith.cmpi sgt, %add3A_55, %gt3A : i32
      %convert_element_type3A = arith.extui %gt3A_68 : i1 to i32
      %cond3A = arith.constant 0 : i32
      %cond3A_69 = arith.cmpi ne, %convert_element_type3A, %cond3A : i32
      scf.if %cond3A_69 {
        %dma_wait3A_175 = arith.constant 0 : i32
        %dma_wait3A_176 = arith.constant 0 : i32
        %dma_wait3A_177 = tpu.memref_slice %arg23[%dma_wait3A_175, %dma_wait3A_176] : memref<10240x128xf32, #tpu.memory_space<vmem_shared>> -> memref<10240x128xf32, #tpu.memory_space<vmem_shared>>
        tpu.wait_indirect_dma semaphore(%arg31 : memref<!tpu.dma_semaphore, #tpu.memory_space<semaphore_mem>>) src(%arg21 : memref<40x128xf32, #tpu.memory_space<vmem>>) dst(%dma_wait3A_177 : memref<10240x128xf32, #tpu.memory_space<vmem_shared>>)
      } else {
      }
      %add3A_70 = arith.constant 1 : i32
      %add3A_71 = arith.addi %add3A_55, %add3A_70 : i32
      %min3A = arith.constant 249 : i32
      %min3A_72 = arith.minsi %add3A_71, %min3A : i32
      %mul3A_73 = arith.constant 40 : i32
      %mul3A_74 = arith.muli %min3A_72, %mul3A_73 : i32
      %add3A_75 = arith.addi %add3A, %mul3A_74 : i32
      "tpu.region"() ({
        %run_scoped3A = tpu.sem_alloc : memref<!tpu.dma_semaphore, #tpu.memory_space<semaphore_mem>>
        %dma_start3A_175 = tpu.memref_slice %arg2[%add3A_75] : memref<320000xi32, #tpu.memory_space<hbm>> -> memref<40xi32, #tpu.memory_space<hbm>>
        %dma_start3A_176 = tpu.memref_slice %arg2[%add3A_75] : memref<320000xi32, #tpu.memory_space<hbm>> -> memref<40xi32, #tpu.memory_space<hbm>>
        tpu.enqueue_dma source(%dma_start3A_176 : memref<40xi32, #tpu.memory_space<hbm>>) target(%arg15 : memref<40xi32, #tpu.memory_space<vmem>>) target_semaphore(%run_scoped3A : memref<!tpu.dma_semaphore, #tpu.memory_space<semaphore_mem>>)
        %dma_wait3A_177 = tpu.memref_slice %arg2[%add3A_75] : memref<320000xi32, #tpu.memory_space<hbm>> -> memref<40xi32, #tpu.memory_space<hbm>>
        %dma_wait3A_178 = tpu.memref_slice %arg2[%add3A_75] : memref<320000xi32, #tpu.memory_space<hbm>> -> memref<40xi32, #tpu.memory_space<hbm>>
        tpu.wait_dma2 semaphore(%run_scoped3A : memref<!tpu.dma_semaphore, #tpu.memory_space<semaphore_mem>>) src(%dma_wait3A_178 : memref<40xi32, #tpu.memory_space<hbm>>) dst(%arg15 : memref<40xi32, #tpu.memory_space<vmem>>)
        tpu.yield
      }) : () -> ()
      "tpu.region"() ({
        %run_scoped3A = tpu.sem_alloc : memref<!tpu.dma_semaphore, #tpu.memory_space<semaphore_mem>>
        %dma_start3A_175 = tpu.memref_slice %arg3[%add3A_75] : memref<320000xi32, #tpu.memory_space<hbm>> -> memref<40xi32, #tpu.memory_space<hbm>>
        %dma_start3A_176 = tpu.memref_slice %arg3[%add3A_75] : memref<320000xi32, #tpu.memory_space<hbm>> -> memref<40xi32, #tpu.memory_space<hbm>>
        tpu.enqueue_dma source(%dma_start3A_176 : memref<40xi32, #tpu.memory_space<hbm>>) target(%arg16 : memref<40xi32, #tpu.memory_space<vmem>>) target_semaphore(%run_scoped3A : memref<!tpu.dma_semaphore, #tpu.memory_space<semaphore_mem>>)
        %dma_wait3A_177 = tpu.memref_slice %arg3[%add3A_75] : memref<320000xi32, #tpu.memory_space<hbm>> -> memref<40xi32, #tpu.memory_space<hbm>>
        %dma_wait3A_178 = tpu.memref_slice %arg3[%add3A_75] : memref<320000xi32, #tpu.memory_space<hbm>> -> memref<40xi32, #tpu.memory_space<hbm>>
        tpu.wait_dma2 semaphore(%run_scoped3A : memref<!tpu.dma_semaphore, #tpu.memory_space<semaphore_mem>>) src(%dma_wait3A_178 : memref<40xi32, #tpu.memory_space<hbm>>) dst(%arg16 : memref<40xi32, #tpu.memory_space<vmem>>)
        tpu.yield
      }) : () -> ()
      %dma_start3A_76 = arith.constant 0 : i32
      %dma_start3A_77 = arith.constant 0 : i32
      %dma_start3A_78 = tpu.memref_slice %arg4[%dma_start3A_76, %dma_start3A_77] : memref<10000x128xi32, #tpu.memory_space<hbm>> -> memref<10000x128xi32, #tpu.memory_space<hbm>>
      tpu.enqueue_indirect_dma source(%dma_start3A_78 : memref<10000x128xi32, #tpu.memory_space<hbm>>) target(%arg18 : memref<40x128xi32, #tpu.memory_space<vmem>>) offsets(%arg15 : memref<40xi32, #tpu.memory_space<vmem>>) semaphore(%arg28 : memref<!tpu.dma_semaphore, #tpu.memory_space<semaphore_mem>>)
      %dma_start3A_79 = arith.constant 0 : i32
      %dma_start3A_80 = arith.constant 0 : i32
      %dma_start3A_81 = tpu.memref_slice %arg5[%dma_start3A_79, %dma_start3A_80] : memref<10000x128xi32, #tpu.memory_space<hbm>> -> memref<10000x128xi32, #tpu.memory_space<hbm>>
      tpu.enqueue_indirect_dma source(%dma_start3A_81 : memref<10000x128xi32, #tpu.memory_space<hbm>>) target(%arg19 : memref<40x128xi32, #tpu.memory_space<vmem>>) offsets(%arg16 : memref<40xi32, #tpu.memory_space<vmem>>) semaphore(%arg29 : memref<!tpu.dma_semaphore, #tpu.memory_space<semaphore_mem>>)
      %dma_start3A_82 = arith.constant 0 : i32
      %dma_start3A_83 = tpu.memref_slice %arg6[%add3A_75, %dma_start3A_82] : memref<320000x128xi32, #tpu.memory_space<hbm>> -> memref<40x128xi32, #tpu.memory_space<hbm>>
      %dma_start3A_84 = arith.constant 0 : i32
      %dma_start3A_85 = tpu.memref_slice %arg6[%add3A_75, %dma_start3A_84] : memref<320000x128xi32, #tpu.memory_space<hbm>> -> memref<40x128xi32, #tpu.memory_space<hbm>>
      tpu.enqueue_dma source(%dma_start3A_85 : memref<40x128xi32, #tpu.memory_space<hbm>>) target(%arg20 : memref<40x128xi32, #tpu.memory_space<vmem>>) target_semaphore(%arg30 : memref<!tpu.dma_semaphore, #tpu.memory_space<semaphore_mem>>)
      %parallel_loop3A = arith.constant 0 : i32
      %parallel_loop3A_86 = arith.constant 40 : i32
      %parallel_loop3A_87 = arith.constant 1 : i32
      scf.for %parallel_loop3A_175 = %parallel_loop3A to %parallel_loop3A_86 step %parallel_loop3A_87  : i32 {
        %parallel_loop3A_176 = arith.index_cast %parallel_loop3A_175 : i32 to index
        %parallel_loop3A_177 = arith.constant 0 : index
        %parallel_loop3A_178 = tpu.vector_load %arg11[%parallel_loop3A_176, %parallel_loop3A_177] {strides = array<i32>} : memref<40x128xi32, #tpu.memory_space<vmem>>, vector<1x16xi32>,
        %parallel_loop3A_179 = vector.shape_cast %parallel_loop3A_178 : vector<1x16xi32> to vector<16xi32>
        %parallel_loop3A_180 = arith.constant 16 : i32
        %parallel_loop3A_181 = vector.broadcast %parallel_loop3A_180 : i32 to vector<16xi32>
        %parallel_loop3A_182 = arith.shli %parallel_loop3A_179, %parallel_loop3A_181 : vector<16xi32>
        %parallel_loop3A_183 = tpu.bitcast %parallel_loop3A_182 : vector<16xi32> -> vector<16xf32>
        %parallel_loop3A_184 = arith.constant -65536 : i32
        %parallel_loop3A_185 = vector.broadcast %parallel_loop3A_184 : i32 to vector<16xi32>
        %parallel_loop3A_186 = arith.andi %parallel_loop3A_179, %parallel_loop3A_185 : vector<16xi32>
        %parallel_loop3A_187 = tpu.bitcast %parallel_loop3A_186 : vector<16xi32> -> vector<16xf32>
        %parallel_loop3A_188 = arith.index_cast %parallel_loop3A_175 : i32 to index
        %parallel_loop3A_189 = arith.constant 0 : index
        %parallel_loop3A_190 = tpu.vector_load %arg12[%parallel_loop3A_188, %parallel_loop3A_189] {strides = array<i32>} : memref<40x128xi32, #tpu.memory_space<vmem>>, vector<1x16xi32>,
        %parallel_loop3A_191 = vector.shape_cast %parallel_loop3A_190 : vector<1x16xi32> to vector<16xi32>
        %parallel_loop3A_192 = arith.constant 16 : i32
        %parallel_loop3A_193 = vector.broadcast %parallel_loop3A_192 : i32 to vector<16xi32>
        %parallel_loop3A_194 = arith.shli %parallel_loop3A_191, %parallel_loop3A_193 : vector<16xi32>
        %parallel_loop3A_195 = tpu.bitcast %parallel_loop3A_194 : vector<16xi32> -> vector<16xf32>
        %parallel_loop3A_196 = arith.constant -65536 : i32
        %parallel_loop3A_197 = vector.broadcast %parallel_loop3A_196 : i32 to vector<16xi32>
        %parallel_loop3A_198 = arith.andi %parallel_loop3A_191, %parallel_loop3A_197 : vector<16xi32>
        %parallel_loop3A_199 = tpu.bitcast %parallel_loop3A_198 : vector<16xi32> -> vector<16xf32>
        %parallel_loop3A_200 = arith.index_cast %parallel_loop3A_175 : i32 to index
        %parallel_loop3A_201 = arith.constant 0 : index
        %parallel_loop3A_202 = tpu.vector_load %arg13[%parallel_loop3A_200, %parallel_loop3A_201] {strides = array<i32>} : memref<40x128xi32, #tpu.memory_space<vmem>>, vector<1x16xi32>,
        %parallel_loop3A_203 = vector.shape_cast %parallel_loop3A_202 : vector<1x16xi32> to vector<16xi32>
        %parallel_loop3A_204 = arith.constant 16 : i32
        %parallel_loop3A_205 = vector.broadcast %parallel_loop3A_204 : i32 to vector<16xi32>
        %parallel_loop3A_206 = arith.shli %parallel_loop3A_203, %parallel_loop3A_205 : vector<16xi32>
        %parallel_loop3A_207 = tpu.bitcast %parallel_loop3A_206 : vector<16xi32> -> vector<16xf32>
        %parallel_loop3A_208 = arith.constant -65536 : i32
        %parallel_loop3A_209 = vector.broadcast %parallel_loop3A_208 : i32 to vector<16xi32>
        %parallel_loop3A_210 = arith.andi %parallel_loop3A_203, %parallel_loop3A_209 : vector<16xi32>
        %parallel_loop3A_211 = tpu.bitcast %parallel_loop3A_210 : vector<16xi32> -> vector<16xf32>
        %parallel_loop3A_212 = arith.index_cast %parallel_loop3A_175 : i32 to index
        %parallel_loop3A_213 = arith.constant 64 : index
        %parallel_loop3A_214 = tpu.vector_load %arg11[%parallel_loop3A_212, %parallel_loop3A_213] {strides = array<i32>} : memref<40x128xi32, #tpu.memory_space<vmem>>, vector<1x16xi32>,
        %parallel_loop3A_215 = vector.shape_cast %parallel_loop3A_214 : vector<1x16xi32> to vector<16xi32>
        %parallel_loop3A_216 = arith.constant 16 : i32
        %parallel_loop3A_217 = vector.broadcast %parallel_loop3A_216 : i32 to vector<16xi32>
        %parallel_loop3A_218 = arith.shli %parallel_loop3A_215, %parallel_loop3A_217 : vector<16xi32>
        %parallel_loop3A_219 = tpu.bitcast %parallel_loop3A_218 : vector<16xi32> -> vector<16xf32>
        %parallel_loop3A_220 = arith.constant -65536 : i32
        %parallel_loop3A_221 = vector.broadcast %parallel_loop3A_220 : i32 to vector<16xi32>
        %parallel_loop3A_222 = arith.andi %parallel_loop3A_215, %parallel_loop3A_221 : vector<16xi32>
        %parallel_loop3A_223 = tpu.bitcast %parallel_loop3A_222 : vector<16xi32> -> vector<16xf32>
        %parallel_loop3A_224 = arith.index_cast %parallel_loop3A_175 : i32 to index
        %parallel_loop3A_225 = arith.constant 64 : index
        %parallel_loop3A_226 = tpu.vector_load %arg12[%parallel_loop3A_224, %parallel_loop3A_225] {strides = array<i32>} : memref<40x128xi32, #tpu.memory_space<vmem>>, vector<1x16xi32>,
        %parallel_loop3A_227 = vector.shape_cast %parallel_loop3A_226 : vector<1x16xi32> to vector<16xi32>
        %parallel_loop3A_228 = arith.constant 16 : i32
        %parallel_loop3A_229 = vector.broadcast %parallel_loop3A_228 : i32 to vector<16xi32>
        %parallel_loop3A_230 = arith.shli %parallel_loop3A_227, %parallel_loop3A_229 : vector<16xi32>
        %parallel_loop3A_231 = tpu.bitcast %parallel_loop3A_230 : vector<16xi32> -> vector<16xf32>
        %parallel_loop3A_232 = arith.constant -65536 : i32
        %parallel_loop3A_233 = vector.broadcast %parallel_loop3A_232 : i32 to vector<16xi32>
        %parallel_loop3A_234 = arith.andi %parallel_loop3A_227, %parallel_loop3A_233 : vector<16xi32>
        %parallel_loop3A_235 = tpu.bitcast %parallel_loop3A_234 : vector<16xi32> -> vector<16xf32>
        %parallel_loop3A_236 = arith.index_cast %parallel_loop3A_175 : i32 to index
        %parallel_loop3A_237 = arith.constant 64 : index
        %parallel_loop3A_238 = tpu.vector_load %arg13[%parallel_loop3A_236, %parallel_loop3A_237] {strides = array<i32>} : memref<40x128xi32, #tpu.memory_space<vmem>>, vector<1x16xi32>,
        %parallel_loop3A_239 = vector.shape_cast %parallel_loop3A_238 : vector<1x16xi32> to vector<16xi32>
        %parallel_loop3A_240 = arith.constant 16 : i32
        %parallel_loop3A_241 = vector.broadcast %parallel_loop3A_240 : i32 to vector<16xi32>
        %parallel_loop3A_242 = arith.shli %parallel_loop3A_239, %parallel_loop3A_241 : vector<16xi32>
        %parallel_loop3A_243 = tpu.bitcast %parallel_loop3A_242 : vector<16xi32> -> vector<16xf32>
        %parallel_loop3A_244 = arith.constant -65536 : i32
        %parallel_loop3A_245 = vector.broadcast %parallel_loop3A_244 : i32 to vector<16xi32>
        %parallel_loop3A_246 = arith.andi %parallel_loop3A_239, %parallel_loop3A_245 : vector<16xi32>
        %parallel_loop3A_247 = tpu.bitcast %parallel_loop3A_246 : vector<16xi32> -> vector<16xf32>
        %parallel_loop3A_248 = arith.addf %parallel_loop3A_183, %parallel_loop3A_195 : vector<16xf32>
        %parallel_loop3A_249 = arith.addf %parallel_loop3A_248, %parallel_loop3A_207 : vector<16xf32>
        %parallel_loop3A_250 = arith.addf %parallel_loop3A_219, %parallel_loop3A_231 : vector<16xf32>
        %parallel_loop3A_251 = arith.addf %parallel_loop3A_250, %parallel_loop3A_243 : vector<16xf32>
        %parallel_loop3A_252 = arith.addf %parallel_loop3A_187, %parallel_loop3A_199 : vector<16xf32>
        %parallel_loop3A_253 = arith.addf %parallel_loop3A_252, %parallel_loop3A_211 : vector<16xf32>
        %parallel_loop3A_254 = arith.addf %parallel_loop3A_223, %parallel_loop3A_235 : vector<16xf32>
        %parallel_loop3A_255 = arith.addf %parallel_loop3A_254, %parallel_loop3A_247 : vector<16xf32>
        %parallel_loop3A_256 = arith.constant 0.000000e+00 : f32
        %parallel_loop3A_257 = vector.broadcast %parallel_loop3A_256 : f32 to vector<16xf32>
        %parallel_loop3A_258 = arith.subf %parallel_loop3A_257, %parallel_loop3A_249 : vector<16xf32>
        %parallel_loop3A_259 = math.exp %parallel_loop3A_258 : vector<16xf32>
        %parallel_loop3A_260 = math.absf %parallel_loop3A_251 : vector<16xf32>
        %parallel_loop3A_261 = arith.constant 0.000000e+00 : f32
        %parallel_loop3A_262 = vector.broadcast %parallel_loop3A_261 : f32 to vector<16xf32>
        %parallel_loop3A_263 = arith.subf %parallel_loop3A_262, %parallel_loop3A_260 : vector<16xf32>
        %parallel_loop3A_264 = math.exp %parallel_loop3A_263 : vector<16xf32>
        %parallel_loop3A_265 = arith.constant 2.000000e+00 : f32
        %parallel_loop3A_266 = vector.broadcast %parallel_loop3A_265 : f32 to vector<16xf32>
        %parallel_loop3A_267 = arith.addf %parallel_loop3A_264, %parallel_loop3A_266 : vector<16xf32>
        %parallel_loop3A_268 = arith.divf %parallel_loop3A_264, %parallel_loop3A_267 : vector<16xf32>
        %parallel_loop3A_269 = arith.mulf %parallel_loop3A_268, %parallel_loop3A_268 : vector<16xf32>
        %parallel_loop3A_270 = arith.constant 0.142857149 : f32
        %parallel_loop3A_271 = vector.broadcast %parallel_loop3A_270 : f32 to vector<16xf32>
        %parallel_loop3A_272 = arith.mulf %parallel_loop3A_269, %parallel_loop3A_271 : vector<16xf32>
        %parallel_loop3A_273 = arith.constant 2.000000e-01 : f32
        %parallel_loop3A_274 = vector.broadcast %parallel_loop3A_273 : f32 to vector<16xf32>
        %parallel_loop3A_275 = arith.addf %parallel_loop3A_274, %parallel_loop3A_272 : vector<16xf32>
        %parallel_loop3A_276 = arith.mulf %parallel_loop3A_269, %parallel_loop3A_275 : vector<16xf32>
        %parallel_loop3A_277 = arith.constant 0.333333343 : f32
        %parallel_loop3A_278 = vector.broadcast %parallel_loop3A_277 : f32 to vector<16xf32>
        %parallel_loop3A_279 = arith.addf %parallel_loop3A_278, %parallel_loop3A_276 : vector<16xf32>
        %parallel_loop3A_280 = arith.mulf %parallel_loop3A_269, %parallel_loop3A_279 : vector<16xf32>
        %parallel_loop3A_281 = arith.constant 1.000000e+00 : f32
        %parallel_loop3A_282 = vector.broadcast %parallel_loop3A_281 : f32 to vector<16xf32>
        %parallel_loop3A_283 = arith.addf %parallel_loop3A_282, %parallel_loop3A_280 : vector<16xf32>
        %parallel_loop3A_284 = arith.constant 0.000000e+00 : f32
        %parallel_loop3A_285 = vector.broadcast %parallel_loop3A_284 : f32 to vector<16xf32>
        %parallel_loop3A_286 = arith.maximumf %parallel_loop3A_251, %parallel_loop3A_285 : vector<16xf32>
        %parallel_loop3A_287 = arith.mulf %parallel_loop3A_286, %parallel_loop3A_267 : vector<16xf32>
        %parallel_loop3A_288 = arith.constant 2.000000e+00 : f32
        %parallel_loop3A_289 = vector.broadcast %parallel_loop3A_288 : f32 to vector<16xf32>
        %parallel_loop3A_290 = arith.mulf %parallel_loop3A_289, %parallel_loop3A_264 : vector<16xf32>
        %parallel_loop3A_291 = arith.mulf %parallel_loop3A_290, %parallel_loop3A_283 : vector<16xf32>
        %parallel_loop3A_292 = arith.addf %parallel_loop3A_287, %parallel_loop3A_291 : vector<16xf32>
        %parallel_loop3A_293 = arith.constant 1.000000e+00 : f32
        %parallel_loop3A_294 = vector.broadcast %parallel_loop3A_293 : f32 to vector<16xf32>
        %parallel_loop3A_295 = arith.addf %parallel_loop3A_294, %parallel_loop3A_259 : vector<16xf32>
        %parallel_loop3A_296 = arith.mulf %parallel_loop3A_267, %parallel_loop3A_295 : vector<16xf32>
        %parallel_loop3A_297 = arith.divf %parallel_loop3A_292, %parallel_loop3A_296 : vector<16xf32>
        %parallel_loop3A_298 = arith.index_cast %parallel_loop3A_175 : i32 to index
        %parallel_loop3A_299 = arith.constant 0 : index
        %parallel_loop3A_300 = tpu.vector_load %arg14[%parallel_loop3A_298, %parallel_loop3A_299] {strides = array<i32>} : memref<40x128xf32, #tpu.memory_space<vmem>>, vector<1x16xf32>,
        %parallel_loop3A_301 = vector.shape_cast %parallel_loop3A_300 : vector<1x16xf32> to vector<16xf32>
        %parallel_loop3A_302 = vector.shape_cast %parallel_loop3A_297 : vector<16xf32> to vector<1x16xf32>
        tpu.vector_store %arg14[%parallel_loop3A_298, %parallel_loop3A_299], %parallel_loop3A_302 {strides = array<i32>} : memref<40x128xf32, #tpu.memory_space<vmem>>, vector<1x16xf32>,
        %parallel_loop3A_303 = arith.constant 0.000000e+00 : f32
        %parallel_loop3A_304 = vector.broadcast %parallel_loop3A_303 : f32 to vector<16xf32>
        %parallel_loop3A_305 = arith.subf %parallel_loop3A_304, %parallel_loop3A_253 : vector<16xf32>
        %parallel_loop3A_306 = math.exp %parallel_loop3A_305 : vector<16xf32>
        %parallel_loop3A_307 = math.absf %parallel_loop3A_255 : vector<16xf32>
        %parallel_loop3A_308 = arith.constant 0.000000e+00 : f32
        %parallel_loop3A_309 = vector.broadcast %parallel_loop3A_308 : f32 to vector<16xf32>
        %parallel_loop3A_310 = arith.subf %parallel_loop3A_309, %parallel_loop3A_307 : vector<16xf32>
        %parallel_loop3A_311 = math.exp %parallel_loop3A_310 : vector<16xf32>
        %parallel_loop3A_312 = arith.constant 2.000000e+00 : f32
        %parallel_loop3A_313 = vector.broadcast %parallel_loop3A_312 : f32 to vector<16xf32>
        %parallel_loop3A_314 = arith.addf %parallel_loop3A_311, %parallel_loop3A_313 : vector<16xf32>
        %parallel_loop3A_315 = arith.divf %parallel_loop3A_311, %parallel_loop3A_314 : vector<16xf32>
        %parallel_loop3A_316 = arith.mulf %parallel_loop3A_315, %parallel_loop3A_315 : vector<16xf32>
        %parallel_loop3A_317 = arith.constant 0.142857149 : f32
        %parallel_loop3A_318 = vector.broadcast %parallel_loop3A_317 : f32 to vector<16xf32>
        %parallel_loop3A_319 = arith.mulf %parallel_loop3A_316, %parallel_loop3A_318 : vector<16xf32>
        %parallel_loop3A_320 = arith.constant 2.000000e-01 : f32
        %parallel_loop3A_321 = vector.broadcast %parallel_loop3A_320 : f32 to vector<16xf32>
        %parallel_loop3A_322 = arith.addf %parallel_loop3A_321, %parallel_loop3A_319 : vector<16xf32>
        %parallel_loop3A_323 = arith.mulf %parallel_loop3A_316, %parallel_loop3A_322 : vector<16xf32>
        %parallel_loop3A_324 = arith.constant 0.333333343 : f32
        %parallel_loop3A_325 = vector.broadcast %parallel_loop3A_324 : f32 to vector<16xf32>
        %parallel_loop3A_326 = arith.addf %parallel_loop3A_325, %parallel_loop3A_323 : vector<16xf32>
        %parallel_loop3A_327 = arith.mulf %parallel_loop3A_316, %parallel_loop3A_326 : vector<16xf32>
        %parallel_loop3A_328 = arith.constant 1.000000e+00 : f32
        %parallel_loop3A_329 = vector.broadcast %parallel_loop3A_328 : f32 to vector<16xf32>
        %parallel_loop3A_330 = arith.addf %parallel_loop3A_329, %parallel_loop3A_327 : vector<16xf32>
        %parallel_loop3A_331 = arith.constant 0.000000e+00 : f32
        %parallel_loop3A_332 = vector.broadcast %parallel_loop3A_331 : f32 to vector<16xf32>
        %parallel_loop3A_333 = arith.maximumf %parallel_loop3A_255, %parallel_loop3A_332 : vector<16xf32>
        %parallel_loop3A_334 = arith.mulf %parallel_loop3A_333, %parallel_loop3A_314 : vector<16xf32>
        %parallel_loop3A_335 = arith.constant 2.000000e+00 : f32
        %parallel_loop3A_336 = vector.broadcast %parallel_loop3A_335 : f32 to vector<16xf32>
        %parallel_loop3A_337 = arith.mulf %parallel_loop3A_336, %parallel_loop3A_311 : vector<16xf32>
        %parallel_loop3A_338 = arith.mulf %parallel_loop3A_337, %parallel_loop3A_330 : vector<16xf32>
        %parallel_loop3A_339 = arith.addf %parallel_loop3A_334, %parallel_loop3A_338 : vector<16xf32>
        %parallel_loop3A_340 = arith.constant 1.000000e+00 : f32
        %parallel_loop3A_341 = vector.broadcast %parallel_loop3A_340 : f32 to vector<16xf32>
        %parallel_loop3A_342 = arith.addf %parallel_loop3A_341, %parallel_loop3A_306 : vector<16xf32>
        %parallel_loop3A_343 = arith.mulf %parallel_loop3A_314, %parallel_loop3A_342 : vector<16xf32>
        %parallel_loop3A_344 = arith.divf %parallel_loop3A_339, %parallel_loop3A_343 : vector<16xf32>
        %parallel_loop3A_345 = arith.index_cast %parallel_loop3A_175 : i32 to index
        %parallel_loop3A_346 = arith.constant 16 : index
        %parallel_loop3A_347 = tpu.vector_load %arg14[%parallel_loop3A_345, %parallel_loop3A_346] {strides = array<i32>} : memref<40x128xf32, #tpu.memory_space<vmem>>, vector<1x16xf32>,
        %parallel_loop3A_348 = vector.shape_cast %parallel_loop3A_347 : vector<1x16xf32> to vector<16xf32>
        %parallel_loop3A_349 = vector.shape_cast %parallel_loop3A_344 : vector<16xf32> to vector<1x16xf32>
        tpu.vector_store %arg14[%parallel_loop3A_345, %parallel_loop3A_346], %parallel_loop3A_349 {strides = array<i32>} : memref<40x128xf32, #tpu.memory_space<vmem>>, vector<1x16xf32>,
        %parallel_loop3A_350 = arith.index_cast %parallel_loop3A_175 : i32 to index
        %parallel_loop3A_351 = arith.constant 16 : index
        %parallel_loop3A_352 = tpu.vector_load %arg11[%parallel_loop3A_350, %parallel_loop3A_351] {strides = array<i32>} : memref<40x128xi32, #tpu.memory_space<vmem>>, vector<1x16xi32>,
        %parallel_loop3A_353 = vector.shape_cast %parallel_loop3A_352 : vector<1x16xi32> to vector<16xi32>
        %parallel_loop3A_354 = arith.constant 16 : i32
        %parallel_loop3A_355 = vector.broadcast %parallel_loop3A_354 : i32 to vector<16xi32>
        %parallel_loop3A_356 = arith.shli %parallel_loop3A_353, %parallel_loop3A_355 : vector<16xi32>
        %parallel_loop3A_357 = tpu.bitcast %parallel_loop3A_356 : vector<16xi32> -> vector<16xf32>
        %parallel_loop3A_358 = arith.constant -65536 : i32
        %parallel_loop3A_359 = vector.broadcast %parallel_loop3A_358 : i32 to vector<16xi32>
        %parallel_loop3A_360 = arith.andi %parallel_loop3A_353, %parallel_loop3A_359 : vector<16xi32>
        %parallel_loop3A_361 = tpu.bitcast %parallel_loop3A_360 : vector<16xi32> -> vector<16xf32>
        %parallel_loop3A_362 = arith.index_cast %parallel_loop3A_175 : i32 to index
        %parallel_loop3A_363 = arith.constant 16 : index
        %parallel_loop3A_364 = tpu.vector_load %arg12[%parallel_loop3A_362, %parallel_loop3A_363] {strides = array<i32>} : memref<40x128xi32, #tpu.memory_space<vmem>>, vector<1x16xi32>,
        %parallel_loop3A_365 = vector.shape_cast %parallel_loop3A_364 : vector<1x16xi32> to vector<16xi32>
        %parallel_loop3A_366 = arith.constant 16 : i32
        %parallel_loop3A_367 = vector.broadcast %parallel_loop3A_366 : i32 to vector<16xi32>
        %parallel_loop3A_368 = arith.shli %parallel_loop3A_365, %parallel_loop3A_367 : vector<16xi32>
        %parallel_loop3A_369 = tpu.bitcast %parallel_loop3A_368 : vector<16xi32> -> vector<16xf32>
        %parallel_loop3A_370 = arith.constant -65536 : i32
        %parallel_loop3A_371 = vector.broadcast %parallel_loop3A_370 : i32 to vector<16xi32>
        %parallel_loop3A_372 = arith.andi %parallel_loop3A_365, %parallel_loop3A_371 : vector<16xi32>
        %parallel_loop3A_373 = tpu.bitcast %parallel_loop3A_372 : vector<16xi32> -> vector<16xf32>
        %parallel_loop3A_374 = arith.index_cast %parallel_loop3A_175 : i32 to index
        %parallel_loop3A_375 = arith.constant 16 : index
        %parallel_loop3A_376 = tpu.vector_load %arg13[%parallel_loop3A_374, %parallel_loop3A_375] {strides = array<i32>} : memref<40x128xi32, #tpu.memory_space<vmem>>, vector<1x16xi32>,
        %parallel_loop3A_377 = vector.shape_cast %parallel_loop3A_376 : vector<1x16xi32> to vector<16xi32>
        %parallel_loop3A_378 = arith.constant 16 : i32
        %parallel_loop3A_379 = vector.broadcast %parallel_loop3A_378 : i32 to vector<16xi32>
        %parallel_loop3A_380 = arith.shli %parallel_loop3A_377, %parallel_loop3A_379 : vector<16xi32>
        %parallel_loop3A_381 = tpu.bitcast %parallel_loop3A_380 : vector<16xi32> -> vector<16xf32>
        %parallel_loop3A_382 = arith.constant -65536 : i32
        %parallel_loop3A_383 = vector.broadcast %parallel_loop3A_382 : i32 to vector<16xi32>
        %parallel_loop3A_384 = arith.andi %parallel_loop3A_377, %parallel_loop3A_383 : vector<16xi32>
        %parallel_loop3A_385 = tpu.bitcast %parallel_loop3A_384 : vector<16xi32> -> vector<16xf32>
        %parallel_loop3A_386 = arith.index_cast %parallel_loop3A_175 : i32 to index
        %parallel_loop3A_387 = arith.constant 80 : index
        %parallel_loop3A_388 = tpu.vector_load %arg11[%parallel_loop3A_386, %parallel_loop3A_387] {strides = array<i32>} : memref<40x128xi32, #tpu.memory_space<vmem>>, vector<1x16xi32>,
        %parallel_loop3A_389 = vector.shape_cast %parallel_loop3A_388 : vector<1x16xi32> to vector<16xi32>
        %parallel_loop3A_390 = arith.constant 16 : i32
        %parallel_loop3A_391 = vector.broadcast %parallel_loop3A_390 : i32 to vector<16xi32>
        %parallel_loop3A_392 = arith.shli %parallel_loop3A_389, %parallel_loop3A_391 : vector<16xi32>
        %parallel_loop3A_393 = tpu.bitcast %parallel_loop3A_392 : vector<16xi32> -> vector<16xf32>
        %parallel_loop3A_394 = arith.constant -65536 : i32
        %parallel_loop3A_395 = vector.broadcast %parallel_loop3A_394 : i32 to vector<16xi32>
        %parallel_loop3A_396 = arith.andi %parallel_loop3A_389, %parallel_loop3A_395 : vector<16xi32>
        %parallel_loop3A_397 = tpu.bitcast %parallel_loop3A_396 : vector<16xi32> -> vector<16xf32>
        %parallel_loop3A_398 = arith.index_cast %parallel_loop3A_175 : i32 to index
        %parallel_loop3A_399 = arith.constant 80 : index
        %parallel_loop3A_400 = tpu.vector_load %arg12[%parallel_loop3A_398, %parallel_loop3A_399] {strides = array<i32>} : memref<40x128xi32, #tpu.memory_space<vmem>>, vector<1x16xi32>,
        %parallel_loop3A_401 = vector.shape_cast %parallel_loop3A_400 : vector<1x16xi32> to vector<16xi32>
        %parallel_loop3A_402 = arith.constant 16 : i32
        %parallel_loop3A_403 = vector.broadcast %parallel_loop3A_402 : i32 to vector<16xi32>
        %parallel_loop3A_404 = arith.shli %parallel_loop3A_401, %parallel_loop3A_403 : vector<16xi32>
        %parallel_loop3A_405 = tpu.bitcast %parallel_loop3A_404 : vector<16xi32> -> vector<16xf32>
        %parallel_loop3A_406 = arith.constant -65536 : i32
        %parallel_loop3A_407 = vector.broadcast %parallel_loop3A_406 : i32 to vector<16xi32>
        %parallel_loop3A_408 = arith.andi %parallel_loop3A_401, %parallel_loop3A_407 : vector<16xi32>
        %parallel_loop3A_409 = tpu.bitcast %parallel_loop3A_408 : vector<16xi32> -> vector<16xf32>
        %parallel_loop3A_410 = arith.index_cast %parallel_loop3A_175 : i32 to index
        %parallel_loop3A_411 = arith.constant 80 : index
        %parallel_loop3A_412 = tpu.vector_load %arg13[%parallel_loop3A_410, %parallel_loop3A_411] {strides = array<i32>} : memref<40x128xi32, #tpu.memory_space<vmem>>, vector<1x16xi32>,
        %parallel_loop3A_413 = vector.shape_cast %parallel_loop3A_412 : vector<1x16xi32> to vector<16xi32>
        %parallel_loop3A_414 = arith.constant 16 : i32
        %parallel_loop3A_415 = vector.broadcast %parallel_loop3A_414 : i32 to vector<16xi32>
        %parallel_loop3A_416 = arith.shli %parallel_loop3A_413, %parallel_loop3A_415 : vector<16xi32>
        %parallel_loop3A_417 = tpu.bitcast %parallel_loop3A_416 : vector<16xi32> -> vector<16xf32>
        %parallel_loop3A_418 = arith.constant -65536 : i32
        %parallel_loop3A_419 = vector.broadcast %parallel_loop3A_418 : i32 to vector<16xi32>
        %parallel_loop3A_420 = arith.andi %parallel_loop3A_413, %parallel_loop3A_419 : vector<16xi32>
        %parallel_loop3A_421 = tpu.bitcast %parallel_loop3A_420 : vector<16xi32> -> vector<16xf32>
        %parallel_loop3A_422 = arith.addf %parallel_loop3A_357, %parallel_loop3A_369 : vector<16xf32>
        %parallel_loop3A_423 = arith.addf %parallel_loop3A_422, %parallel_loop3A_381 : vector<16xf32>
        %parallel_loop3A_424 = arith.addf %parallel_loop3A_393, %parallel_loop3A_405 : vector<16xf32>
        %parallel_loop3A_425 = arith.addf %parallel_loop3A_424, %parallel_loop3A_417 : vector<16xf32>
        %parallel_loop3A_426 = arith.addf %parallel_loop3A_361, %parallel_loop3A_373 : vector<16xf32>
        %parallel_loop3A_427 = arith.addf %parallel_loop3A_426, %parallel_loop3A_385 : vector<16xf32>
        %parallel_loop3A_428 = arith.addf %parallel_loop3A_397, %parallel_loop3A_409 : vector<16xf32>
        %parallel_loop3A_429 = arith.addf %parallel_loop3A_428, %parallel_loop3A_421 : vector<16xf32>
        %parallel_loop3A_430 = arith.constant 0.000000e+00 : f32
        %parallel_loop3A_431 = vector.broadcast %parallel_loop3A_430 : f32 to vector<16xf32>
        %parallel_loop3A_432 = arith.subf %parallel_loop3A_431, %parallel_loop3A_423 : vector<16xf32>
        %parallel_loop3A_433 = math.exp %parallel_loop3A_432 : vector<16xf32>
        %parallel_loop3A_434 = math.absf %parallel_loop3A_425 : vector<16xf32>
        %parallel_loop3A_435 = arith.constant 0.000000e+00 : f32
        %parallel_loop3A_436 = vector.broadcast %parallel_loop3A_435 : f32 to vector<16xf32>
        %parallel_loop3A_437 = arith.subf %parallel_loop3A_436, %parallel_loop3A_434 : vector<16xf32>
        %parallel_loop3A_438 = math.exp %parallel_loop3A_437 : vector<16xf32>
        %parallel_loop3A_439 = arith.constant 2.000000e+00 : f32
        %parallel_loop3A_440 = vector.broadcast %parallel_loop3A_439 : f32 to vector<16xf32>
        %parallel_loop3A_441 = arith.addf %parallel_loop3A_438, %parallel_loop3A_440 : vector<16xf32>
        %parallel_loop3A_442 = arith.divf %parallel_loop3A_438, %parallel_loop3A_441 : vector<16xf32>
        %parallel_loop3A_443 = arith.mulf %parallel_loop3A_442, %parallel_loop3A_442 : vector<16xf32>
        %parallel_loop3A_444 = arith.constant 0.142857149 : f32
        %parallel_loop3A_445 = vector.broadcast %parallel_loop3A_444 : f32 to vector<16xf32>
        %parallel_loop3A_446 = arith.mulf %parallel_loop3A_443, %parallel_loop3A_445 : vector<16xf32>
        %parallel_loop3A_447 = arith.constant 2.000000e-01 : f32
        %parallel_loop3A_448 = vector.broadcast %parallel_loop3A_447 : f32 to vector<16xf32>
        %parallel_loop3A_449 = arith.addf %parallel_loop3A_448, %parallel_loop3A_446 : vector<16xf32>
        %parallel_loop3A_450 = arith.mulf %parallel_loop3A_443, %parallel_loop3A_449 : vector<16xf32>
        %parallel_loop3A_451 = arith.constant 0.333333343 : f32
        %parallel_loop3A_452 = vector.broadcast %parallel_loop3A_451 : f32 to vector<16xf32>
        %parallel_loop3A_453 = arith.addf %parallel_loop3A_452, %parallel_loop3A_450 : vector<16xf32>
        %parallel_loop3A_454 = arith.mulf %parallel_loop3A_443, %parallel_loop3A_453 : vector<16xf32>
        %parallel_loop3A_455 = arith.constant 1.000000e+00 : f32
        %parallel_loop3A_456 = vector.broadcast %parallel_loop3A_455 : f32 to vector<16xf32>
        %parallel_loop3A_457 = arith.addf %parallel_loop3A_456, %parallel_loop3A_454 : vector<16xf32>
        %parallel_loop3A_458 = arith.constant 0.000000e+00 : f32
        %parallel_loop3A_459 = vector.broadcast %parallel_loop3A_458 : f32 to vector<16xf32>
        %parallel_loop3A_460 = arith.maximumf %parallel_loop3A_425, %parallel_loop3A_459 : vector<16xf32>
        %parallel_loop3A_461 = arith.mulf %parallel_loop3A_460, %parallel_loop3A_441 : vector<16xf32>
        %parallel_loop3A_462 = arith.constant 2.000000e+00 : f32
        %parallel_loop3A_463 = vector.broadcast %parallel_loop3A_462 : f32 to vector<16xf32>
        %parallel_loop3A_464 = arith.mulf %parallel_loop3A_463, %parallel_loop3A_438 : vector<16xf32>
        %parallel_loop3A_465 = arith.mulf %parallel_loop3A_464, %parallel_loop3A_457 : vector<16xf32>
        %parallel_loop3A_466 = arith.addf %parallel_loop3A_461, %parallel_loop3A_465 : vector<16xf32>
        %parallel_loop3A_467 = arith.constant 1.000000e+00 : f32
        %parallel_loop3A_468 = vector.broadcast %parallel_loop3A_467 : f32 to vector<16xf32>
        %parallel_loop3A_469 = arith.addf %parallel_loop3A_468, %parallel_loop3A_433 : vector<16xf32>
        %parallel_loop3A_470 = arith.mulf %parallel_loop3A_441, %parallel_loop3A_469 : vector<16xf32>
        %parallel_loop3A_471 = arith.divf %parallel_loop3A_466, %parallel_loop3A_470 : vector<16xf32>
        %parallel_loop3A_472 = arith.index_cast %parallel_loop3A_175 : i32 to index
        %parallel_loop3A_473 = arith.constant 32 : index
        %parallel_loop3A_474 = tpu.vector_load %arg14[%parallel_loop3A_472, %parallel_loop3A_473] {strides = array<i32>} : memref<40x128xf32, #tpu.memory_space<vmem>>, vector<1x16xf32>,
        %parallel_loop3A_475 = vector.shape_cast %parallel_loop3A_474 : vector<1x16xf32> to vector<16xf32>
        %parallel_loop3A_476 = vector.shape_cast %parallel_loop3A_471 : vector<16xf32> to vector<1x16xf32>
        tpu.vector_store %arg14[%parallel_loop3A_472, %parallel_loop3A_473], %parallel_loop3A_476 {strides = array<i32>} : memref<40x128xf32, #tpu.memory_space<vmem>>, vector<1x16xf32>,
        %parallel_loop3A_477 = arith.constant 0.000000e+00 : f32
        %parallel_loop3A_478 = vector.broadcast %parallel_loop3A_477 : f32 to vector<16xf32>
        %parallel_loop3A_479 = arith.subf %parallel_loop3A_478, %parallel_loop3A_427 : vector<16xf32>
        %parallel_loop3A_480 = math.exp %parallel_loop3A_479 : vector<16xf32>
        %parallel_loop3A_481 = math.absf %parallel_loop3A_429 : vector<16xf32>
        %parallel_loop3A_482 = arith.constant 0.000000e+00 : f32
        %parallel_loop3A_483 = vector.broadcast %parallel_loop3A_482 : f32 to vector<16xf32>
        %parallel_loop3A_484 = arith.subf %parallel_loop3A_483, %parallel_loop3A_481 : vector<16xf32>
        %parallel_loop3A_485 = math.exp %parallel_loop3A_484 : vector<16xf32>
        %parallel_loop3A_486 = arith.constant 2.000000e+00 : f32
        %parallel_loop3A_487 = vector.broadcast %parallel_loop3A_486 : f32 to vector<16xf32>
        %parallel_loop3A_488 = arith.addf %parallel_loop3A_485, %parallel_loop3A_487 : vector<16xf32>
        %parallel_loop3A_489 = arith.divf %parallel_loop3A_485, %parallel_loop3A_488 : vector<16xf32>
        %parallel_loop3A_490 = arith.mulf %parallel_loop3A_489, %parallel_loop3A_489 : vector<16xf32>
        %parallel_loop3A_491 = arith.constant 0.142857149 : f32
        %parallel_loop3A_492 = vector.broadcast %parallel_loop3A_491 : f32 to vector<16xf32>
        %parallel_loop3A_493 = arith.mulf %parallel_loop3A_490, %parallel_loop3A_492 : vector<16xf32>
        %parallel_loop3A_494 = arith.constant 2.000000e-01 : f32
        %parallel_loop3A_495 = vector.broadcast %parallel_loop3A_494 : f32 to vector<16xf32>
        %parallel_loop3A_496 = arith.addf %parallel_loop3A_495, %parallel_loop3A_493 : vector<16xf32>
        %parallel_loop3A_497 = arith.mulf %parallel_loop3A_490, %parallel_loop3A_496 : vector<16xf32>
        %parallel_loop3A_498 = arith.constant 0.333333343 : f32
        %parallel_loop3A_499 = vector.broadcast %parallel_loop3A_498 : f32 to vector<16xf32>
        %parallel_loop3A_500 = arith.addf %parallel_loop3A_499, %parallel_loop3A_497 : vector<16xf32>
        %parallel_loop3A_501 = arith.mulf %parallel_loop3A_490, %parallel_loop3A_500 : vector<16xf32>
        %parallel_loop3A_502 = arith.constant 1.000000e+00 : f32
        %parallel_loop3A_503 = vector.broadcast %parallel_loop3A_502 : f32 to vector<16xf32>
        %parallel_loop3A_504 = arith.addf %parallel_loop3A_503, %parallel_loop3A_501 : vector<16xf32>
        %parallel_loop3A_505 = arith.constant 0.000000e+00 : f32
        %parallel_loop3A_506 = vector.broadcast %parallel_loop3A_505 : f32 to vector<16xf32>
        %parallel_loop3A_507 = arith.maximumf %parallel_loop3A_429, %parallel_loop3A_506 : vector<16xf32>
        %parallel_loop3A_508 = arith.mulf %parallel_loop3A_507, %parallel_loop3A_488 : vector<16xf32>
        %parallel_loop3A_509 = arith.constant 2.000000e+00 : f32
        %parallel_loop3A_510 = vector.broadcast %parallel_loop3A_509 : f32 to vector<16xf32>
        %parallel_loop3A_511 = arith.mulf %parallel_loop3A_510, %parallel_loop3A_485 : vector<16xf32>
        %parallel_loop3A_512 = arith.mulf %parallel_loop3A_511, %parallel_loop3A_504 : vector<16xf32>
        %parallel_loop3A_513 = arith.addf %parallel_loop3A_508, %parallel_loop3A_512 : vector<16xf32>
        %parallel_loop3A_514 = arith.constant 1.000000e+00 : f32
        %parallel_loop3A_515 = vector.broadcast %parallel_loop3A_514 : f32 to vector<16xf32>
        %parallel_loop3A_516 = arith.addf %parallel_loop3A_515, %parallel_loop3A_480 : vector<16xf32>
        %parallel_loop3A_517 = arith.mulf %parallel_loop3A_488, %parallel_loop3A_516 : vector<16xf32>
        %parallel_loop3A_518 = arith.divf %parallel_loop3A_513, %parallel_loop3A_517 : vector<16xf32>
        %parallel_loop3A_519 = arith.index_cast %parallel_loop3A_175 : i32 to index
        %parallel_loop3A_520 = arith.constant 48 : index
        %parallel_loop3A_521 = tpu.vector_load %arg14[%parallel_loop3A_519, %parallel_loop3A_520] {strides = array<i32>} : memref<40x128xf32, #tpu.memory_space<vmem>>, vector<1x16xf32>,
        %parallel_loop3A_522 = vector.shape_cast %parallel_loop3A_521 : vector<1x16xf32> to vector<16xf32>
        %parallel_loop3A_523 = vector.shape_cast %parallel_loop3A_518 : vector<16xf32> to vector<1x16xf32>
        tpu.vector_store %arg14[%parallel_loop3A_519, %parallel_loop3A_520], %parallel_loop3A_523 {strides = array<i32>} : memref<40x128xf32, #tpu.memory_space<vmem>>, vector<1x16xf32>,
        %parallel_loop3A_524 = arith.index_cast %parallel_loop3A_175 : i32 to index
        %parallel_loop3A_525 = arith.constant 32 : index
        %parallel_loop3A_526 = tpu.vector_load %arg11[%parallel_loop3A_524, %parallel_loop3A_525] {strides = array<i32>} : memref<40x128xi32, #tpu.memory_space<vmem>>, vector<1x16xi32>,
        %parallel_loop3A_527 = vector.shape_cast %parallel_loop3A_526 : vector<1x16xi32> to vector<16xi32>
        %parallel_loop3A_528 = arith.constant 16 : i32
        %parallel_loop3A_529 = vector.broadcast %parallel_loop3A_528 : i32 to vector<16xi32>
        %parallel_loop3A_530 = arith.shli %parallel_loop3A_527, %parallel_loop3A_529 : vector<16xi32>
        %parallel_loop3A_531 = tpu.bitcast %parallel_loop3A_530 : vector<16xi32> -> vector<16xf32>
        %parallel_loop3A_532 = arith.constant -65536 : i32
        %parallel_loop3A_533 = vector.broadcast %parallel_loop3A_532 : i32 to vector<16xi32>
        %parallel_loop3A_534 = arith.andi %parallel_loop3A_527, %parallel_loop3A_533 : vector<16xi32>
        %parallel_loop3A_535 = tpu.bitcast %parallel_loop3A_534 : vector<16xi32> -> vector<16xf32>
        %parallel_loop3A_536 = arith.index_cast %parallel_loop3A_175 : i32 to index
        %parallel_loop3A_537 = arith.constant 32 : index
        %parallel_loop3A_538 = tpu.vector_load %arg12[%parallel_loop3A_536, %parallel_loop3A_537] {strides = array<i32>} : memref<40x128xi32, #tpu.memory_space<vmem>>, vector<1x16xi32>,
        %parallel_loop3A_539 = vector.shape_cast %parallel_loop3A_538 : vector<1x16xi32> to vector<16xi32>
        %parallel_loop3A_540 = arith.constant 16 : i32
        %parallel_loop3A_541 = vector.broadcast %parallel_loop3A_540 : i32 to vector<16xi32>
        %parallel_loop3A_542 = arith.shli %parallel_loop3A_539, %parallel_loop3A_541 : vector<16xi32>
        %parallel_loop3A_543 = tpu.bitcast %parallel_loop3A_542 : vector<16xi32> -> vector<16xf32>
        %parallel_loop3A_544 = arith.constant -65536 : i32
        %parallel_loop3A_545 = vector.broadcast %parallel_loop3A_544 : i32 to vector<16xi32>
        %parallel_loop3A_546 = arith.andi %parallel_loop3A_539, %parallel_loop3A_545 : vector<16xi32>
        %parallel_loop3A_547 = tpu.bitcast %parallel_loop3A_546 : vector<16xi32> -> vector<16xf32>
        %parallel_loop3A_548 = arith.index_cast %parallel_loop3A_175 : i32 to index
        %parallel_loop3A_549 = arith.constant 32 : index
        %parallel_loop3A_550 = tpu.vector_load %arg13[%parallel_loop3A_548, %parallel_loop3A_549] {strides = array<i32>} : memref<40x128xi32, #tpu.memory_space<vmem>>, vector<1x16xi32>,
        %parallel_loop3A_551 = vector.shape_cast %parallel_loop3A_550 : vector<1x16xi32> to vector<16xi32>
        %parallel_loop3A_552 = arith.constant 16 : i32
        %parallel_loop3A_553 = vector.broadcast %parallel_loop3A_552 : i32 to vector<16xi32>
        %parallel_loop3A_554 = arith.shli %parallel_loop3A_551, %parallel_loop3A_553 : vector<16xi32>
        %parallel_loop3A_555 = tpu.bitcast %parallel_loop3A_554 : vector<16xi32> -> vector<16xf32>
        %parallel_loop3A_556 = arith.constant -65536 : i32
        %parallel_loop3A_557 = vector.broadcast %parallel_loop3A_556 : i32 to vector<16xi32>
        %parallel_loop3A_558 = arith.andi %parallel_loop3A_551, %parallel_loop3A_557 : vector<16xi32>
        %parallel_loop3A_559 = tpu.bitcast %parallel_loop3A_558 : vector<16xi32> -> vector<16xf32>
        %parallel_loop3A_560 = arith.index_cast %parallel_loop3A_175 : i32 to index
        %parallel_loop3A_561 = arith.constant 96 : index
        %parallel_loop3A_562 = tpu.vector_load %arg11[%parallel_loop3A_560, %parallel_loop3A_561] {strides = array<i32>} : memref<40x128xi32, #tpu.memory_space<vmem>>, vector<1x16xi32>,
        %parallel_loop3A_563 = vector.shape_cast %parallel_loop3A_562 : vector<1x16xi32> to vector<16xi32>
        %parallel_loop3A_564 = arith.constant 16 : i32
        %parallel_loop3A_565 = vector.broadcast %parallel_loop3A_564 : i32 to vector<16xi32>
        %parallel_loop3A_566 = arith.shli %parallel_loop3A_563, %parallel_loop3A_565 : vector<16xi32>
        %parallel_loop3A_567 = tpu.bitcast %parallel_loop3A_566 : vector<16xi32> -> vector<16xf32>
        %parallel_loop3A_568 = arith.constant -65536 : i32
        %parallel_loop3A_569 = vector.broadcast %parallel_loop3A_568 : i32 to vector<16xi32>
        %parallel_loop3A_570 = arith.andi %parallel_loop3A_563, %parallel_loop3A_569 : vector<16xi32>
        %parallel_loop3A_571 = tpu.bitcast %parallel_loop3A_570 : vector<16xi32> -> vector<16xf32>
        %parallel_loop3A_572 = arith.index_cast %parallel_loop3A_175 : i32 to index
        %parallel_loop3A_573 = arith.constant 96 : index
        %parallel_loop3A_574 = tpu.vector_load %arg12[%parallel_loop3A_572, %parallel_loop3A_573] {strides = array<i32>} : memref<40x128xi32, #tpu.memory_space<vmem>>, vector<1x16xi32>,
        %parallel_loop3A_575 = vector.shape_cast %parallel_loop3A_574 : vector<1x16xi32> to vector<16xi32>
        %parallel_loop3A_576 = arith.constant 16 : i32
        %parallel_loop3A_577 = vector.broadcast %parallel_loop3A_576 : i32 to vector<16xi32>
        %parallel_loop3A_578 = arith.shli %parallel_loop3A_575, %parallel_loop3A_577 : vector<16xi32>
        %parallel_loop3A_579 = tpu.bitcast %parallel_loop3A_578 : vector<16xi32> -> vector<16xf32>
        %parallel_loop3A_580 = arith.constant -65536 : i32
        %parallel_loop3A_581 = vector.broadcast %parallel_loop3A_580 : i32 to vector<16xi32>
        %parallel_loop3A_582 = arith.andi %parallel_loop3A_575, %parallel_loop3A_581 : vector<16xi32>
        %parallel_loop3A_583 = tpu.bitcast %parallel_loop3A_582 : vector<16xi32> -> vector<16xf32>
        %parallel_loop3A_584 = arith.index_cast %parallel_loop3A_175 : i32 to index
        %parallel_loop3A_585 = arith.constant 96 : index
        %parallel_loop3A_586 = tpu.vector_load %arg13[%parallel_loop3A_584, %parallel_loop3A_585] {strides = array<i32>} : memref<40x128xi32, #tpu.memory_space<vmem>>, vector<1x16xi32>,
        %parallel_loop3A_587 = vector.shape_cast %parallel_loop3A_586 : vector<1x16xi32> to vector<16xi32>
        %parallel_loop3A_588 = arith.constant 16 : i32
        %parallel_loop3A_589 = vector.broadcast %parallel_loop3A_588 : i32 to vector<16xi32>
        %parallel_loop3A_590 = arith.shli %parallel_loop3A_587, %parallel_loop3A_589 : vector<16xi32>
        %parallel_loop3A_591 = tpu.bitcast %parallel_loop3A_590 : vector<16xi32> -> vector<16xf32>
        %parallel_loop3A_592 = arith.constant -65536 : i32
        %parallel_loop3A_593 = vector.broadcast %parallel_loop3A_592 : i32 to vector<16xi32>
        %parallel_loop3A_594 = arith.andi %parallel_loop3A_587, %parallel_loop3A_593 : vector<16xi32>
        %parallel_loop3A_595 = tpu.bitcast %parallel_loop3A_594 : vector<16xi32> -> vector<16xf32>
        %parallel_loop3A_596 = arith.addf %parallel_loop3A_531, %parallel_loop3A_543 : vector<16xf32>
        %parallel_loop3A_597 = arith.addf %parallel_loop3A_596, %parallel_loop3A_555 : vector<16xf32>
        %parallel_loop3A_598 = arith.addf %parallel_loop3A_567, %parallel_loop3A_579 : vector<16xf32>
        %parallel_loop3A_599 = arith.addf %parallel_loop3A_598, %parallel_loop3A_591 : vector<16xf32>
        %parallel_loop3A_600 = arith.addf %parallel_loop3A_535, %parallel_loop3A_547 : vector<16xf32>
        %parallel_loop3A_601 = arith.addf %parallel_loop3A_600, %parallel_loop3A_559 : vector<16xf32>
        %parallel_loop3A_602 = arith.addf %parallel_loop3A_571, %parallel_loop3A_583 : vector<16xf32>
        %parallel_loop3A_603 = arith.addf %parallel_loop3A_602, %parallel_loop3A_595 : vector<16xf32>
        %parallel_loop3A_604 = arith.constant 0.000000e+00 : f32
        %parallel_loop3A_605 = vector.broadcast %parallel_loop3A_604 : f32 to vector<16xf32>
        %parallel_loop3A_606 = arith.subf %parallel_loop3A_605, %parallel_loop3A_597 : vector<16xf32>
        %parallel_loop3A_607 = math.exp %parallel_loop3A_606 : vector<16xf32>
        %parallel_loop3A_608 = math.absf %parallel_loop3A_599 : vector<16xf32>
        %parallel_loop3A_609 = arith.constant 0.000000e+00 : f32
        %parallel_loop3A_610 = vector.broadcast %parallel_loop3A_609 : f32 to vector<16xf32>
        %parallel_loop3A_611 = arith.subf %parallel_loop3A_610, %parallel_loop3A_608 : vector<16xf32>
        %parallel_loop3A_612 = math.exp %parallel_loop3A_611 : vector<16xf32>
        %parallel_loop3A_613 = arith.constant 2.000000e+00 : f32
        %parallel_loop3A_614 = vector.broadcast %parallel_loop3A_613 : f32 to vector<16xf32>
        %parallel_loop3A_615 = arith.addf %parallel_loop3A_612, %parallel_loop3A_614 : vector<16xf32>
        %parallel_loop3A_616 = arith.divf %parallel_loop3A_612, %parallel_loop3A_615 : vector<16xf32>
        %parallel_loop3A_617 = arith.mulf %parallel_loop3A_616, %parallel_loop3A_616 : vector<16xf32>
        %parallel_loop3A_618 = arith.constant 0.142857149 : f32
        %parallel_loop3A_619 = vector.broadcast %parallel_loop3A_618 : f32 to vector<16xf32>
        %parallel_loop3A_620 = arith.mulf %parallel_loop3A_617, %parallel_loop3A_619 : vector<16xf32>
        %parallel_loop3A_621 = arith.constant 2.000000e-01 : f32
        %parallel_loop3A_622 = vector.broadcast %parallel_loop3A_621 : f32 to vector<16xf32>
        %parallel_loop3A_623 = arith.addf %parallel_loop3A_622, %parallel_loop3A_620 : vector<16xf32>
        %parallel_loop3A_624 = arith.mulf %parallel_loop3A_617, %parallel_loop3A_623 : vector<16xf32>
        %parallel_loop3A_625 = arith.constant 0.333333343 : f32
        %parallel_loop3A_626 = vector.broadcast %parallel_loop3A_625 : f32 to vector<16xf32>
        %parallel_loop3A_627 = arith.addf %parallel_loop3A_626, %parallel_loop3A_624 : vector<16xf32>
        %parallel_loop3A_628 = arith.mulf %parallel_loop3A_617, %parallel_loop3A_627 : vector<16xf32>
        %parallel_loop3A_629 = arith.constant 1.000000e+00 : f32
        %parallel_loop3A_630 = vector.broadcast %parallel_loop3A_629 : f32 to vector<16xf32>
        %parallel_loop3A_631 = arith.addf %parallel_loop3A_630, %parallel_loop3A_628 : vector<16xf32>
        %parallel_loop3A_632 = arith.constant 0.000000e+00 : f32
        %parallel_loop3A_633 = vector.broadcast %parallel_loop3A_632 : f32 to vector<16xf32>
        %parallel_loop3A_634 = arith.maximumf %parallel_loop3A_599, %parallel_loop3A_633 : vector<16xf32>
        %parallel_loop3A_635 = arith.mulf %parallel_loop3A_634, %parallel_loop3A_615 : vector<16xf32>
        %parallel_loop3A_636 = arith.constant 2.000000e+00 : f32
        %parallel_loop3A_637 = vector.broadcast %parallel_loop3A_636 : f32 to vector<16xf32>
        %parallel_loop3A_638 = arith.mulf %parallel_loop3A_637, %parallel_loop3A_612 : vector<16xf32>
        %parallel_loop3A_639 = arith.mulf %parallel_loop3A_638, %parallel_loop3A_631 : vector<16xf32>
        %parallel_loop3A_640 = arith.addf %parallel_loop3A_635, %parallel_loop3A_639 : vector<16xf32>
        %parallel_loop3A_641 = arith.constant 1.000000e+00 : f32
        %parallel_loop3A_642 = vector.broadcast %parallel_loop3A_641 : f32 to vector<16xf32>
        %parallel_loop3A_643 = arith.addf %parallel_loop3A_642, %parallel_loop3A_607 : vector<16xf32>
        %parallel_loop3A_644 = arith.mulf %parallel_loop3A_615, %parallel_loop3A_643 : vector<16xf32>
        %parallel_loop3A_645 = arith.divf %parallel_loop3A_640, %parallel_loop3A_644 : vector<16xf32>
        %parallel_loop3A_646 = arith.index_cast %parallel_loop3A_175 : i32 to index
        %parallel_loop3A_647 = arith.constant 64 : index
        %parallel_loop3A_648 = tpu.vector_load %arg14[%parallel_loop3A_646, %parallel_loop3A_647] {strides = array<i32>} : memref<40x128xf32, #tpu.memory_space<vmem>>, vector<1x16xf32>,
        %parallel_loop3A_649 = vector.shape_cast %parallel_loop3A_648 : vector<1x16xf32> to vector<16xf32>
        %parallel_loop3A_650 = vector.shape_cast %parallel_loop3A_645 : vector<16xf32> to vector<1x16xf32>
        tpu.vector_store %arg14[%parallel_loop3A_646, %parallel_loop3A_647], %parallel_loop3A_650 {strides = array<i32>} : memref<40x128xf32, #tpu.memory_space<vmem>>, vector<1x16xf32>,
        %parallel_loop3A_651 = arith.constant 0.000000e+00 : f32
        %parallel_loop3A_652 = vector.broadcast %parallel_loop3A_651 : f32 to vector<16xf32>
        %parallel_loop3A_653 = arith.subf %parallel_loop3A_652, %parallel_loop3A_601 : vector<16xf32>
        %parallel_loop3A_654 = math.exp %parallel_loop3A_653 : vector<16xf32>
        %parallel_loop3A_655 = math.absf %parallel_loop3A_603 : vector<16xf32>
        %parallel_loop3A_656 = arith.constant 0.000000e+00 : f32
        %parallel_loop3A_657 = vector.broadcast %parallel_loop3A_656 : f32 to vector<16xf32>
        %parallel_loop3A_658 = arith.subf %parallel_loop3A_657, %parallel_loop3A_655 : vector<16xf32>
        %parallel_loop3A_659 = math.exp %parallel_loop3A_658 : vector<16xf32>
        %parallel_loop3A_660 = arith.constant 2.000000e+00 : f32
        %parallel_loop3A_661 = vector.broadcast %parallel_loop3A_660 : f32 to vector<16xf32>
        %parallel_loop3A_662 = arith.addf %parallel_loop3A_659, %parallel_loop3A_661 : vector<16xf32>
        %parallel_loop3A_663 = arith.divf %parallel_loop3A_659, %parallel_loop3A_662 : vector<16xf32>
        %parallel_loop3A_664 = arith.mulf %parallel_loop3A_663, %parallel_loop3A_663 : vector<16xf32>
        %parallel_loop3A_665 = arith.constant 0.142857149 : f32
        %parallel_loop3A_666 = vector.broadcast %parallel_loop3A_665 : f32 to vector<16xf32>
        %parallel_loop3A_667 = arith.mulf %parallel_loop3A_664, %parallel_loop3A_666 : vector<16xf32>
        %parallel_loop3A_668 = arith.constant 2.000000e-01 : f32
        %parallel_loop3A_669 = vector.broadcast %parallel_loop3A_668 : f32 to vector<16xf32>
        %parallel_loop3A_670 = arith.addf %parallel_loop3A_669, %parallel_loop3A_667 : vector<16xf32>
        %parallel_loop3A_671 = arith.mulf %parallel_loop3A_664, %parallel_loop3A_670 : vector<16xf32>
        %parallel_loop3A_672 = arith.constant 0.333333343 : f32
        %parallel_loop3A_673 = vector.broadcast %parallel_loop3A_672 : f32 to vector<16xf32>
        %parallel_loop3A_674 = arith.addf %parallel_loop3A_673, %parallel_loop3A_671 : vector<16xf32>
        %parallel_loop3A_675 = arith.mulf %parallel_loop3A_664, %parallel_loop3A_674 : vector<16xf32>
        %parallel_loop3A_676 = arith.constant 1.000000e+00 : f32
        %parallel_loop3A_677 = vector.broadcast %parallel_loop3A_676 : f32 to vector<16xf32>
        %parallel_loop3A_678 = arith.addf %parallel_loop3A_677, %parallel_loop3A_675 : vector<16xf32>
        %parallel_loop3A_679 = arith.constant 0.000000e+00 : f32
        %parallel_loop3A_680 = vector.broadcast %parallel_loop3A_679 : f32 to vector<16xf32>
        %parallel_loop3A_681 = arith.maximumf %parallel_loop3A_603, %parallel_loop3A_680 : vector<16xf32>
        %parallel_loop3A_682 = arith.mulf %parallel_loop3A_681, %parallel_loop3A_662 : vector<16xf32>
        %parallel_loop3A_683 = arith.constant 2.000000e+00 : f32
        %parallel_loop3A_684 = vector.broadcast %parallel_loop3A_683 : f32 to vector<16xf32>
        %parallel_loop3A_685 = arith.mulf %parallel_loop3A_684, %parallel_loop3A_659 : vector<16xf32>
        %parallel_loop3A_686 = arith.mulf %parallel_loop3A_685, %parallel_loop3A_678 : vector<16xf32>
        %parallel_loop3A_687 = arith.addf %parallel_loop3A_682, %parallel_loop3A_686 : vector<16xf32>
        %parallel_loop3A_688 = arith.constant 1.000000e+00 : f32
        %parallel_loop3A_689 = vector.broadcast %parallel_loop3A_688 : f32 to vector<16xf32>
        %parallel_loop3A_690 = arith.addf %parallel_loop3A_689, %parallel_loop3A_654 : vector<16xf32>
        %parallel_loop3A_691 = arith.mulf %parallel_loop3A_662, %parallel_loop3A_690 : vector<16xf32>
        %parallel_loop3A_692 = arith.divf %parallel_loop3A_687, %parallel_loop3A_691 : vector<16xf32>
        %parallel_loop3A_693 = arith.index_cast %parallel_loop3A_175 : i32 to index
        %parallel_loop3A_694 = arith.constant 80 : index
        %parallel_loop3A_695 = tpu.vector_load %arg14[%parallel_loop3A_693, %parallel_loop3A_694] {strides = array<i32>} : memref<40x128xf32, #tpu.memory_space<vmem>>, vector<1x16xf32>,
        %parallel_loop3A_696 = vector.shape_cast %parallel_loop3A_695 : vector<1x16xf32> to vector<16xf32>
        %parallel_loop3A_697 = vector.shape_cast %parallel_loop3A_692 : vector<16xf32> to vector<1x16xf32>
        tpu.vector_store %arg14[%parallel_loop3A_693, %parallel_loop3A_694], %parallel_loop3A_697 {strides = array<i32>} : memref<40x128xf32, #tpu.memory_space<vmem>>, vector<1x16xf32>,
        %parallel_loop3A_698 = arith.index_cast %parallel_loop3A_175 : i32 to index
        %parallel_loop3A_699 = arith.constant 48 : index
        %parallel_loop3A_700 = tpu.vector_load %arg11[%parallel_loop3A_698, %parallel_loop3A_699] {strides = array<i32>} : memref<40x128xi32, #tpu.memory_space<vmem>>, vector<1x16xi32>,
        %parallel_loop3A_701 = vector.shape_cast %parallel_loop3A_700 : vector<1x16xi32> to vector<16xi32>
        %parallel_loop3A_702 = arith.constant 16 : i32
        %parallel_loop3A_703 = vector.broadcast %parallel_loop3A_702 : i32 to vector<16xi32>
        %parallel_loop3A_704 = arith.shli %parallel_loop3A_701, %parallel_loop3A_703 : vector<16xi32>
        %parallel_loop3A_705 = tpu.bitcast %parallel_loop3A_704 : vector<16xi32> -> vector<16xf32>
        %parallel_loop3A_706 = arith.constant -65536 : i32
        %parallel_loop3A_707 = vector.broadcast %parallel_loop3A_706 : i32 to vector<16xi32>
        %parallel_loop3A_708 = arith.andi %parallel_loop3A_701, %parallel_loop3A_707 : vector<16xi32>
        %parallel_loop3A_709 = tpu.bitcast %parallel_loop3A_708 : vector<16xi32> -> vector<16xf32>
        %parallel_loop3A_710 = arith.index_cast %parallel_loop3A_175 : i32 to index
        %parallel_loop3A_711 = arith.constant 48 : index
        %parallel_loop3A_712 = tpu.vector_load %arg12[%parallel_loop3A_710, %parallel_loop3A_711] {strides = array<i32>} : memref<40x128xi32, #tpu.memory_space<vmem>>, vector<1x16xi32>,
        %parallel_loop3A_713 = vector.shape_cast %parallel_loop3A_712 : vector<1x16xi32> to vector<16xi32>
        %parallel_loop3A_714 = arith.constant 16 : i32
        %parallel_loop3A_715 = vector.broadcast %parallel_loop3A_714 : i32 to vector<16xi32>
        %parallel_loop3A_716 = arith.shli %parallel_loop3A_713, %parallel_loop3A_715 : vector<16xi32>
        %parallel_loop3A_717 = tpu.bitcast %parallel_loop3A_716 : vector<16xi32> -> vector<16xf32>
        %parallel_loop3A_718 = arith.constant -65536 : i32
        %parallel_loop3A_719 = vector.broadcast %parallel_loop3A_718 : i32 to vector<16xi32>
        %parallel_loop3A_720 = arith.andi %parallel_loop3A_713, %parallel_loop3A_719 : vector<16xi32>
        %parallel_loop3A_721 = tpu.bitcast %parallel_loop3A_720 : vector<16xi32> -> vector<16xf32>
        %parallel_loop3A_722 = arith.index_cast %parallel_loop3A_175 : i32 to index
        %parallel_loop3A_723 = arith.constant 48 : index
        %parallel_loop3A_724 = tpu.vector_load %arg13[%parallel_loop3A_722, %parallel_loop3A_723] {strides = array<i32>} : memref<40x128xi32, #tpu.memory_space<vmem>>, vector<1x16xi32>,
        %parallel_loop3A_725 = vector.shape_cast %parallel_loop3A_724 : vector<1x16xi32> to vector<16xi32>
        %parallel_loop3A_726 = arith.constant 16 : i32
        %parallel_loop3A_727 = vector.broadcast %parallel_loop3A_726 : i32 to vector<16xi32>
        %parallel_loop3A_728 = arith.shli %parallel_loop3A_725, %parallel_loop3A_727 : vector<16xi32>
        %parallel_loop3A_729 = tpu.bitcast %parallel_loop3A_728 : vector<16xi32> -> vector<16xf32>
        %parallel_loop3A_730 = arith.constant -65536 : i32
        %parallel_loop3A_731 = vector.broadcast %parallel_loop3A_730 : i32 to vector<16xi32>
        %parallel_loop3A_732 = arith.andi %parallel_loop3A_725, %parallel_loop3A_731 : vector<16xi32>
        %parallel_loop3A_733 = tpu.bitcast %parallel_loop3A_732 : vector<16xi32> -> vector<16xf32>
        %parallel_loop3A_734 = arith.index_cast %parallel_loop3A_175 : i32 to index
        %parallel_loop3A_735 = arith.constant 112 : index
        %parallel_loop3A_736 = tpu.vector_load %arg11[%parallel_loop3A_734, %parallel_loop3A_735] {strides = array<i32>} : memref<40x128xi32, #tpu.memory_space<vmem>>, vector<1x16xi32>,
        %parallel_loop3A_737 = vector.shape_cast %parallel_loop3A_736 : vector<1x16xi32> to vector<16xi32>
        %parallel_loop3A_738 = arith.constant 16 : i32
        %parallel_loop3A_739 = vector.broadcast %parallel_loop3A_738 : i32 to vector<16xi32>
        %parallel_loop3A_740 = arith.shli %parallel_loop3A_737, %parallel_loop3A_739 : vector<16xi32>
        %parallel_loop3A_741 = tpu.bitcast %parallel_loop3A_740 : vector<16xi32> -> vector<16xf32>
        %parallel_loop3A_742 = arith.constant -65536 : i32
        %parallel_loop3A_743 = vector.broadcast %parallel_loop3A_742 : i32 to vector<16xi32>
        %parallel_loop3A_744 = arith.andi %parallel_loop3A_737, %parallel_loop3A_743 : vector<16xi32>
        %parallel_loop3A_745 = tpu.bitcast %parallel_loop3A_744 : vector<16xi32> -> vector<16xf32>
        %parallel_loop3A_746 = arith.index_cast %parallel_loop3A_175 : i32 to index
        %parallel_loop3A_747 = arith.constant 112 : index
        %parallel_loop3A_748 = tpu.vector_load %arg12[%parallel_loop3A_746, %parallel_loop3A_747] {strides = array<i32>} : memref<40x128xi32, #tpu.memory_space<vmem>>, vector<1x16xi32>,
        %parallel_loop3A_749 = vector.shape_cast %parallel_loop3A_748 : vector<1x16xi32> to vector<16xi32>
        %parallel_loop3A_750 = arith.constant 16 : i32
        %parallel_loop3A_751 = vector.broadcast %parallel_loop3A_750 : i32 to vector<16xi32>
        %parallel_loop3A_752 = arith.shli %parallel_loop3A_749, %parallel_loop3A_751 : vector<16xi32>
        %parallel_loop3A_753 = tpu.bitcast %parallel_loop3A_752 : vector<16xi32> -> vector<16xf32>
        %parallel_loop3A_754 = arith.constant -65536 : i32
        %parallel_loop3A_755 = vector.broadcast %parallel_loop3A_754 : i32 to vector<16xi32>
        %parallel_loop3A_756 = arith.andi %parallel_loop3A_749, %parallel_loop3A_755 : vector<16xi32>
        %parallel_loop3A_757 = tpu.bitcast %parallel_loop3A_756 : vector<16xi32> -> vector<16xf32>
        %parallel_loop3A_758 = arith.index_cast %parallel_loop3A_175 : i32 to index
        %parallel_loop3A_759 = arith.constant 112 : index
        %parallel_loop3A_760 = tpu.vector_load %arg13[%parallel_loop3A_758, %parallel_loop3A_759] {strides = array<i32>} : memref<40x128xi32, #tpu.memory_space<vmem>>, vector<1x16xi32>,
        %parallel_loop3A_761 = vector.shape_cast %parallel_loop3A_760 : vector<1x16xi32> to vector<16xi32>
        %parallel_loop3A_762 = arith.constant 16 : i32
        %parallel_loop3A_763 = vector.broadcast %parallel_loop3A_762 : i32 to vector<16xi32>
        %parallel_loop3A_764 = arith.shli %parallel_loop3A_761, %parallel_loop3A_763 : vector<16xi32>
        %parallel_loop3A_765 = tpu.bitcast %parallel_loop3A_764 : vector<16xi32> -> vector<16xf32>
        %parallel_loop3A_766 = arith.constant -65536 : i32
        %parallel_loop3A_767 = vector.broadcast %parallel_loop3A_766 : i32 to vector<16xi32>
        %parallel_loop3A_768 = arith.andi %parallel_loop3A_761, %parallel_loop3A_767 : vector<16xi32>
        %parallel_loop3A_769 = tpu.bitcast %parallel_loop3A_768 : vector<16xi32> -> vector<16xf32>
        %parallel_loop3A_770 = arith.addf %parallel_loop3A_705, %parallel_loop3A_717 : vector<16xf32>
        %parallel_loop3A_771 = arith.addf %parallel_loop3A_770, %parallel_loop3A_729 : vector<16xf32>
        %parallel_loop3A_772 = arith.addf %parallel_loop3A_741, %parallel_loop3A_753 : vector<16xf32>
        %parallel_loop3A_773 = arith.addf %parallel_loop3A_772, %parallel_loop3A_765 : vector<16xf32>
        %parallel_loop3A_774 = arith.addf %parallel_loop3A_709, %parallel_loop3A_721 : vector<16xf32>
        %parallel_loop3A_775 = arith.addf %parallel_loop3A_774, %parallel_loop3A_733 : vector<16xf32>
        %parallel_loop3A_776 = arith.addf %parallel_loop3A_745, %parallel_loop3A_757 : vector<16xf32>
        %parallel_loop3A_777 = arith.addf %parallel_loop3A_776, %parallel_loop3A_769 : vector<16xf32>
        %parallel_loop3A_778 = arith.constant 0.000000e+00 : f32
        %parallel_loop3A_779 = vector.broadcast %parallel_loop3A_778 : f32 to vector<16xf32>
        %parallel_loop3A_780 = arith.subf %parallel_loop3A_779, %parallel_loop3A_771 : vector<16xf32>
        %parallel_loop3A_781 = math.exp %parallel_loop3A_780 : vector<16xf32>
        %parallel_loop3A_782 = math.absf %parallel_loop3A_773 : vector<16xf32>
        %parallel_loop3A_783 = arith.constant 0.000000e+00 : f32
        %parallel_loop3A_784 = vector.broadcast %parallel_loop3A_783 : f32 to vector<16xf32>
        %parallel_loop3A_785 = arith.subf %parallel_loop3A_784, %parallel_loop3A_782 : vector<16xf32>
        %parallel_loop3A_786 = math.exp %parallel_loop3A_785 : vector<16xf32>
        %parallel_loop3A_787 = arith.constant 2.000000e+00 : f32
        %parallel_loop3A_788 = vector.broadcast %parallel_loop3A_787 : f32 to vector<16xf32>
        %parallel_loop3A_789 = arith.addf %parallel_loop3A_786, %parallel_loop3A_788 : vector<16xf32>
        %parallel_loop3A_790 = arith.divf %parallel_loop3A_786, %parallel_loop3A_789 : vector<16xf32>
        %parallel_loop3A_791 = arith.mulf %parallel_loop3A_790, %parallel_loop3A_790 : vector<16xf32>
        %parallel_loop3A_792 = arith.constant 0.142857149 : f32
        %parallel_loop3A_793 = vector.broadcast %parallel_loop3A_792 : f32 to vector<16xf32>
        %parallel_loop3A_794 = arith.mulf %parallel_loop3A_791, %parallel_loop3A_793 : vector<16xf32>
        %parallel_loop3A_795 = arith.constant 2.000000e-01 : f32
        %parallel_loop3A_796 = vector.broadcast %parallel_loop3A_795 : f32 to vector<16xf32>
        %parallel_loop3A_797 = arith.addf %parallel_loop3A_796, %parallel_loop3A_794 : vector<16xf32>
        %parallel_loop3A_798 = arith.mulf %parallel_loop3A_791, %parallel_loop3A_797 : vector<16xf32>
        %parallel_loop3A_799 = arith.constant 0.333333343 : f32
        %parallel_loop3A_800 = vector.broadcast %parallel_loop3A_799 : f32 to vector<16xf32>
        %parallel_loop3A_801 = arith.addf %parallel_loop3A_800, %parallel_loop3A_798 : vector<16xf32>
        %parallel_loop3A_802 = arith.mulf %parallel_loop3A_791, %parallel_loop3A_801 : vector<16xf32>
        %parallel_loop3A_803 = arith.constant 1.000000e+00 : f32
        %parallel_loop3A_804 = vector.broadcast %parallel_loop3A_803 : f32 to vector<16xf32>
        %parallel_loop3A_805 = arith.addf %parallel_loop3A_804, %parallel_loop3A_802 : vector<16xf32>
        %parallel_loop3A_806 = arith.constant 0.000000e+00 : f32
        %parallel_loop3A_807 = vector.broadcast %parallel_loop3A_806 : f32 to vector<16xf32>
        %parallel_loop3A_808 = arith.maximumf %parallel_loop3A_773, %parallel_loop3A_807 : vector<16xf32>
        %parallel_loop3A_809 = arith.mulf %parallel_loop3A_808, %parallel_loop3A_789 : vector<16xf32>
        %parallel_loop3A_810 = arith.constant 2.000000e+00 : f32
        %parallel_loop3A_811 = vector.broadcast %parallel_loop3A_810 : f32 to vector<16xf32>
        %parallel_loop3A_812 = arith.mulf %parallel_loop3A_811, %parallel_loop3A_786 : vector<16xf32>
        %parallel_loop3A_813 = arith.mulf %parallel_loop3A_812, %parallel_loop3A_805 : vector<16xf32>
        %parallel_loop3A_814 = arith.addf %parallel_loop3A_809, %parallel_loop3A_813 : vector<16xf32>
        %parallel_loop3A_815 = arith.constant 1.000000e+00 : f32
        %parallel_loop3A_816 = vector.broadcast %parallel_loop3A_815 : f32 to vector<16xf32>
        %parallel_loop3A_817 = arith.addf %parallel_loop3A_816, %parallel_loop3A_781 : vector<16xf32>
        %parallel_loop3A_818 = arith.mulf %parallel_loop3A_789, %parallel_loop3A_817 : vector<16xf32>
        %parallel_loop3A_819 = arith.divf %parallel_loop3A_814, %parallel_loop3A_818 : vector<16xf32>
        %parallel_loop3A_820 = arith.index_cast %parallel_loop3A_175 : i32 to index
        %parallel_loop3A_821 = arith.constant 96 : index
        %parallel_loop3A_822 = tpu.vector_load %arg14[%parallel_loop3A_820, %parallel_loop3A_821] {strides = array<i32>} : memref<40x128xf32, #tpu.memory_space<vmem>>, vector<1x16xf32>,
        %parallel_loop3A_823 = vector.shape_cast %parallel_loop3A_822 : vector<1x16xf32> to vector<16xf32>
        %parallel_loop3A_824 = vector.shape_cast %parallel_loop3A_819 : vector<16xf32> to vector<1x16xf32>
        tpu.vector_store %arg14[%parallel_loop3A_820, %parallel_loop3A_821], %parallel_loop3A_824 {strides = array<i32>} : memref<40x128xf32, #tpu.memory_space<vmem>>, vector<1x16xf32>,
        %parallel_loop3A_825 = arith.constant 0.000000e+00 : f32
        %parallel_loop3A_826 = vector.broadcast %parallel_loop3A_825 : f32 to vector<16xf32>
        %parallel_loop3A_827 = arith.subf %parallel_loop3A_826, %parallel_loop3A_775 : vector<16xf32>
        %parallel_loop3A_828 = math.exp %parallel_loop3A_827 : vector<16xf32>
        %parallel_loop3A_829 = math.absf %parallel_loop3A_777 : vector<16xf32>
        %parallel_loop3A_830 = arith.constant 0.000000e+00 : f32
        %parallel_loop3A_831 = vector.broadcast %parallel_loop3A_830 : f32 to vector<16xf32>
        %parallel_loop3A_832 = arith.subf %parallel_loop3A_831, %parallel_loop3A_829 : vector<16xf32>
        %parallel_loop3A_833 = math.exp %parallel_loop3A_832 : vector<16xf32>
        %parallel_loop3A_834 = arith.constant 2.000000e+00 : f32
        %parallel_loop3A_835 = vector.broadcast %parallel_loop3A_834 : f32 to vector<16xf32>
        %parallel_loop3A_836 = arith.addf %parallel_loop3A_833, %parallel_loop3A_835 : vector<16xf32>
        %parallel_loop3A_837 = arith.divf %parallel_loop3A_833, %parallel_loop3A_836 : vector<16xf32>
        %parallel_loop3A_838 = arith.mulf %parallel_loop3A_837, %parallel_loop3A_837 : vector<16xf32>
        %parallel_loop3A_839 = arith.constant 0.142857149 : f32
        %parallel_loop3A_840 = vector.broadcast %parallel_loop3A_839 : f32 to vector<16xf32>
        %parallel_loop3A_841 = arith.mulf %parallel_loop3A_838, %parallel_loop3A_840 : vector<16xf32>
        %parallel_loop3A_842 = arith.constant 2.000000e-01 : f32
        %parallel_loop3A_843 = vector.broadcast %parallel_loop3A_842 : f32 to vector<16xf32>
        %parallel_loop3A_844 = arith.addf %parallel_loop3A_843, %parallel_loop3A_841 : vector<16xf32>
        %parallel_loop3A_845 = arith.mulf %parallel_loop3A_838, %parallel_loop3A_844 : vector<16xf32>
        %parallel_loop3A_846 = arith.constant 0.333333343 : f32
        %parallel_loop3A_847 = vector.broadcast %parallel_loop3A_846 : f32 to vector<16xf32>
        %parallel_loop3A_848 = arith.addf %parallel_loop3A_847, %parallel_loop3A_845 : vector<16xf32>
        %parallel_loop3A_849 = arith.mulf %parallel_loop3A_838, %parallel_loop3A_848 : vector<16xf32>
        %parallel_loop3A_850 = arith.constant 1.000000e+00 : f32
        %parallel_loop3A_851 = vector.broadcast %parallel_loop3A_850 : f32 to vector<16xf32>
        %parallel_loop3A_852 = arith.addf %parallel_loop3A_851, %parallel_loop3A_849 : vector<16xf32>
        %parallel_loop3A_853 = arith.constant 0.000000e+00 : f32
        %parallel_loop3A_854 = vector.broadcast %parallel_loop3A_853 : f32 to vector<16xf32>
        %parallel_loop3A_855 = arith.maximumf %parallel_loop3A_777, %parallel_loop3A_854 : vector<16xf32>
        %parallel_loop3A_856 = arith.mulf %parallel_loop3A_855, %parallel_loop3A_836 : vector<16xf32>
        %parallel_loop3A_857 = arith.constant 2.000000e+00 : f32
        %parallel_loop3A_858 = vector.broadcast %parallel_loop3A_857 : f32 to vector<16xf32>
        %parallel_loop3A_859 = arith.mulf %parallel_loop3A_858, %parallel_loop3A_833 : vector<16xf32>
        %parallel_loop3A_860 = arith.mulf %parallel_loop3A_859, %parallel_loop3A_852 : vector<16xf32>
        %parallel_loop3A_861 = arith.addf %parallel_loop3A_856, %parallel_loop3A_860 : vector<16xf32>
        %parallel_loop3A_862 = arith.constant 1.000000e+00 : f32
        %parallel_loop3A_863 = vector.broadcast %parallel_loop3A_862 : f32 to vector<16xf32>
        %parallel_loop3A_864 = arith.addf %parallel_loop3A_863, %parallel_loop3A_828 : vector<16xf32>
        %parallel_loop3A_865 = arith.mulf %parallel_loop3A_836, %parallel_loop3A_864 : vector<16xf32>
        %parallel_loop3A_866 = arith.divf %parallel_loop3A_861, %parallel_loop3A_865 : vector<16xf32>
        %parallel_loop3A_867 = arith.index_cast %parallel_loop3A_175 : i32 to index
        %parallel_loop3A_868 = arith.constant 112 : index
        %parallel_loop3A_869 = tpu.vector_load %arg14[%parallel_loop3A_867, %parallel_loop3A_868] {strides = array<i32>} : memref<40x128xf32, #tpu.memory_space<vmem>>, vector<1x16xf32>,
        %parallel_loop3A_870 = vector.shape_cast %parallel_loop3A_869 : vector<1x16xf32> to vector<16xf32>
        %parallel_loop3A_871 = vector.shape_cast %parallel_loop3A_866 : vector<16xf32> to vector<1x16xf32>
        tpu.vector_store %arg14[%parallel_loop3A_867, %parallel_loop3A_868], %parallel_loop3A_871 {strides = array<i32>} : memref<40x128xf32, #tpu.memory_space<vmem>>, vector<1x16xf32>,
      } {sc.loop_unroll_factor = 2 : i64, sc.parallel_access}
      %get3A = arith.constant 0 : index
      %get3A_88 = tpu.vector_load %arg8[%get3A] {strides = array<i32>} : memref<40xi32, #tpu.memory_space<vmem>>, vector<16xi32>,
      %get3A_89 = vector.shape_cast %get3A_88 : vector<16xi32> to vector<16xi32>
      %swap3A = arith.constant 0 : index
      %swap3A_90 = tpu.vector_load %arg10[%swap3A] {strides = array<i32>} : memref<40xi32, #tpu.memory_space<vmem>>, vector<16xi32>,
      %swap3A_91 = vector.shape_cast %swap3A_90 : vector<16xi32> to vector<16xi32>
      %swap3A_92 = vector.shape_cast %get3A_89 : vector<16xi32> to vector<16xi32>
      tpu.vector_store %arg10[%swap3A], %swap3A_92 {strides = array<i32>} : memref<40xi32, #tpu.memory_space<vmem>>, vector<16xi32>,
      %get3A_93 = arith.constant 16 : index
      %get3A_94 = tpu.vector_load %arg8[%get3A_93] {strides = array<i32>} : memref<40xi32, #tpu.memory_space<vmem>>, vector<16xi32>,
      %get3A_95 = vector.shape_cast %get3A_94 : vector<16xi32> to vector<16xi32>
      %swap3A_96 = arith.constant 16 : index
      %swap3A_97 = tpu.vector_load %arg10[%swap3A_96] {strides = array<i32>} : memref<40xi32, #tpu.memory_space<vmem>>, vector<16xi32>,
      %swap3A_98 = vector.shape_cast %swap3A_97 : vector<16xi32> to vector<16xi32>
      %swap3A_99 = vector.shape_cast %get3A_95 : vector<16xi32> to vector<16xi32>
      tpu.vector_store %arg10[%swap3A_96], %swap3A_99 {strides = array<i32>} : memref<40xi32, #tpu.memory_space<vmem>>, vector<16xi32>,
      %get3A_100 = arith.constant 24 : index
      %get3A_101 = tpu.vector_load %arg8[%get3A_100] {strides = array<i32>} : memref<40xi32, #tpu.memory_space<vmem>>, vector<16xi32>,
      %get3A_102 = vector.shape_cast %get3A_101 : vector<16xi32> to vector<16xi32>
      %swap3A_103 = arith.constant 24 : index
      %swap3A_104 = tpu.vector_load %arg10[%swap3A_103] {strides = array<i32>} : memref<40xi32, #tpu.memory_space<vmem>>, vector<16xi32>,
      %swap3A_105 = vector.shape_cast %swap3A_104 : vector<16xi32> to vector<16xi32>
      %swap3A_106 = vector.shape_cast %get3A_102 : vector<16xi32> to vector<16xi32>
      tpu.vector_store %arg10[%swap3A_103], %swap3A_106 {strides = array<i32>} : memref<40xi32, #tpu.memory_space<vmem>>, vector<16xi32>,
      %dma_start3A_107 = arith.constant 0 : i32
      %dma_start3A_108 = arith.constant 0 : i32
      %dma_start3A_109 = tpu.memref_slice %arg23[%dma_start3A_107, %dma_start3A_108] : memref<10240x128xf32, #tpu.memory_space<vmem_shared>> -> memref<10240x128xf32, #tpu.memory_space<vmem_shared>>
      tpu.enqueue_indirect_dma source(%arg14 : memref<40x128xf32, #tpu.memory_space<vmem>>) target(%dma_start3A_109 : memref<10240x128xf32, #tpu.memory_space<vmem_shared>>) offsets(%arg10 : memref<40xi32, #tpu.memory_space<vmem>>) semaphore(%arg27 : memref<!tpu.dma_semaphore, #tpu.memory_space<semaphore_mem>>) {add = true}
      %mul3A_110 = arith.constant 2 : i32
      %mul3A_111 = arith.muli %mul3A_110, %scan3A_51 : i32
      %add3A_112 = arith.constant 1 : i32
      %add3A_113 = arith.addi %mul3A_111, %add3A_112 : i32
      %dma_wait3A_114 = arith.constant 0 : i32
      %dma_wait3A_115 = arith.constant 0 : i32
      %dma_wait3A_116 = tpu.memref_slice %arg4[%dma_wait3A_114, %dma_wait3A_115] : memref<10000x128xi32, #tpu.memory_space<hbm>> -> memref<10000x128xi32, #tpu.memory_space<hbm>>
      tpu.wait_indirect_dma semaphore(%arg28 : memref<!tpu.dma_semaphore, #tpu.memory_space<semaphore_mem>>) src(%dma_wait3A_116 : memref<10000x128xi32, #tpu.memory_space<hbm>>) dst(%arg18 : memref<40x128xi32, #tpu.memory_space<vmem>>)
      %dma_wait3A_117 = arith.constant 0 : i32
      %dma_wait3A_118 = arith.constant 0 : i32
      %dma_wait3A_119 = tpu.memref_slice %arg5[%dma_wait3A_117, %dma_wait3A_118] : memref<10000x128xi32, #tpu.memory_space<hbm>> -> memref<10000x128xi32, #tpu.memory_space<hbm>>
      tpu.wait_indirect_dma semaphore(%arg29 : memref<!tpu.dma_semaphore, #tpu.memory_space<semaphore_mem>>) src(%dma_wait3A_119 : memref<10000x128xi32, #tpu.memory_space<hbm>>) dst(%arg19 : memref<40x128xi32, #tpu.memory_space<vmem>>)
      %dma_wait3A_120 = arith.constant 0 : i32
      %dma_wait3A_121 = arith.constant 0 : i32
      %dma_wait3A_122 = tpu.memref_slice %arg6[%dma_wait3A_120, %dma_wait3A_121] : memref<320000x128xi32, #tpu.memory_space<hbm>> -> memref<40x128xi32, #tpu.memory_space<hbm>>
      %dma_wait3A_123 = arith.constant 0 : i32
      %dma_wait3A_124 = arith.constant 0 : i32
      %dma_wait3A_125 = tpu.memref_slice %arg6[%dma_wait3A_123, %dma_wait3A_124] : memref<320000x128xi32, #tpu.memory_space<hbm>> -> memref<40x128xi32, #tpu.memory_space<hbm>>
      tpu.wait_dma2 semaphore(%arg30 : memref<!tpu.dma_semaphore, #tpu.memory_space<semaphore_mem>>) src(%dma_wait3A_125 : memref<40x128xi32, #tpu.memory_space<hbm>>) dst(%arg20 : memref<40x128xi32, #tpu.memory_space<vmem>>)
      %gt3A_126 = arith.constant 0 : i32
      %gt3A_127 = arith.cmpi sgt, %add3A_113, %gt3A_126 : i32
      %convert_element_type3A_128 = arith.extui %gt3A_127 : i1 to i32
      %cond3A_129 = arith.constant 0 : i32
      %cond3A_130 = arith.cmpi ne, %convert_element_type3A_128, %cond3A_129 : i32
      scf.if %cond3A_130 {
        %dma_wait3A_175 = arith.constant 0 : i32
        %dma_wait3A_176 = arith.constant 0 : i32
        %dma_wait3A_177 = tpu.memref_slice %arg23[%dma_wait3A_175, %dma_wait3A_176] : memref<10240x128xf32, #tpu.memory_space<vmem_shared>> -> memref<10240x128xf32, #tpu.memory_space<vmem_shared>>
        tpu.wait_indirect_dma semaphore(%arg27 : memref<!tpu.dma_semaphore, #tpu.memory_space<semaphore_mem>>) src(%arg14 : memref<40x128xf32, #tpu.memory_space<vmem>>) dst(%dma_wait3A_177 : memref<10240x128xf32, #tpu.memory_space<vmem_shared>>)
      } else {
      }
      %add3A_131 = arith.constant 1 : i32
      %add3A_132 = arith.addi %add3A_113, %add3A_131 : i32
      %min3A_133 = arith.constant 249 : i32
      %min3A_134 = arith.minsi %add3A_132, %min3A_133 : i32
      %mul3A_135 = arith.constant 40 : i32
      %mul3A_136 = arith.muli %min3A_134, %mul3A_135 : i32
      %add3A_137 = arith.addi %add3A, %mul3A_136 : i32
      "tpu.region"() ({
        %run_scoped3A = tpu.sem_alloc : memref<!tpu.dma_semaphore, #tpu.memory_space<semaphore_mem>>
        %dma_start3A_175 = tpu.memref_slice %arg2[%add3A_137] : memref<320000xi32, #tpu.memory_space<hbm>> -> memref<40xi32, #tpu.memory_space<hbm>>
        %dma_start3A_176 = tpu.memref_slice %arg2[%add3A_137] : memref<320000xi32, #tpu.memory_space<hbm>> -> memref<40xi32, #tpu.memory_space<hbm>>
        tpu.enqueue_dma source(%dma_start3A_176 : memref<40xi32, #tpu.memory_space<hbm>>) target(%arg8 : memref<40xi32, #tpu.memory_space<vmem>>) target_semaphore(%run_scoped3A : memref<!tpu.dma_semaphore, #tpu.memory_space<semaphore_mem>>)
        %dma_wait3A_177 = tpu.memref_slice %arg2[%add3A_137] : memref<320000xi32, #tpu.memory_space<hbm>> -> memref<40xi32, #tpu.memory_space<hbm>>
        %dma_wait3A_178 = tpu.memref_slice %arg2[%add3A_137] : memref<320000xi32, #tpu.memory_space<hbm>> -> memref<40xi32, #tpu.memory_space<hbm>>
        tpu.wait_dma2 semaphore(%run_scoped3A : memref<!tpu.dma_semaphore, #tpu.memory_space<semaphore_mem>>) src(%dma_wait3A_178 : memref<40xi32, #tpu.memory_space<hbm>>) dst(%arg8 : memref<40xi32, #tpu.memory_space<vmem>>)
        tpu.yield
      }) : () -> ()
      "tpu.region"() ({
        %run_scoped3A = tpu.sem_alloc : memref<!tpu.dma_semaphore, #tpu.memory_space<semaphore_mem>>
        %dma_start3A_175 = tpu.memref_slice %arg3[%add3A_137] : memref<320000xi32, #tpu.memory_space<hbm>> -> memref<40xi32, #tpu.memory_space<hbm>>
        %dma_start3A_176 = tpu.memref_slice %arg3[%add3A_137] : memref<320000xi32, #tpu.memory_space<hbm>> -> memref<40xi32, #tpu.memory_space<hbm>>
        tpu.enqueue_dma source(%dma_start3A_176 : memref<40xi32, #tpu.memory_space<hbm>>) target(%arg9 : memref<40xi32, #tpu.memory_space<vmem>>) target_semaphore(%run_scoped3A : memref<!tpu.dma_semaphore, #tpu.memory_space<semaphore_mem>>)
        %dma_wait3A_177 = tpu.memref_slice %arg3[%add3A_137] : memref<320000xi32, #tpu.memory_space<hbm>> -> memref<40xi32, #tpu.memory_space<hbm>>
        %dma_wait3A_178 = tpu.memref_slice %arg3[%add3A_137] : memref<320000xi32, #tpu.memory_space<hbm>> -> memref<40xi32, #tpu.memory_space<hbm>>
        tpu.wait_dma2 semaphore(%run_scoped3A : memref<!tpu.dma_semaphore, #tpu.memory_space<semaphore_mem>>) src(%dma_wait3A_178 : memref<40xi32, #tpu.memory_space<hbm>>) dst(%arg9 : memref<40xi32, #tpu.memory_space<vmem>>)
        tpu.yield
      }) : () -> ()
      %dma_start3A_138 = arith.constant 0 : i32
      %dma_start3A_139 = arith.constant 0 : i32
      %dma_start3A_140 = tpu.memref_slice %arg4[%dma_start3A_138, %dma_start3A_139] : memref<10000x128xi32, #tpu.memory_space<hbm>> -> memref<10000x128xi32, #tpu.memory_space<hbm>>
      tpu.enqueue_indirect_dma source(%dma_start3A_140 : memref<10000x128xi32, #tpu.memory_space<hbm>>) target(%arg11 : memref<40x128xi32, #tpu.memory_space<vmem>>) offsets(%arg8 : memref<40xi32, #tpu.memory_space<vmem>>) semaphore(%arg24 : memref<!tpu.dma_semaphore, #tpu.memory_space<semaphore_mem>>)
      %dma_start3A_141 = arith.constant 0 : i32
      %dma_start3A_142 = arith.constant 0 : i32
      %dma_start3A_143 = tpu.memref_slice %arg5[%dma_start3A_141, %dma_start3A_142] : memref<10000x128xi32, #tpu.memory_space<hbm>> -> memref<10000x128xi32, #tpu.memory_space<hbm>>
      tpu.enqueue_indirect_dma source(%dma_start3A_143 : memref<10000x128xi32, #tpu.memory_space<hbm>>) target(%arg12 : memref<40x128xi32, #tpu.memory_space<vmem>>) offsets(%arg9 : memref<40xi32, #tpu.memory_space<vmem>>) semaphore(%arg25 : memref<!tpu.dma_semaphore, #tpu.memory_space<semaphore_mem>>)
      %dma_start3A_144 = arith.constant 0 : i32
      %dma_start3A_145 = tpu.memref_slice %arg6[%add3A_137, %dma_start3A_144] : memref<320000x128xi32, #tpu.memory_space<hbm>> -> memref<40x128xi32, #tpu.memory_space<hbm>>
      %dma_start3A_146 = arith.constant 0 : i32
      %dma_start3A_147 = tpu.memref_slice %arg6[%add3A_137, %dma_start3A_146] : memref<320000x128xi32, #tpu.memory_space<hbm>> -> memref<40x128xi32, #tpu.memory_space<hbm>>
      tpu.enqueue_dma source(%dma_start3A_147 : memref<40x128xi32, #tpu.memory_space<hbm>>) target(%arg13 : memref<40x128xi32, #tpu.memory_space<vmem>>) target_semaphore(%arg26 : memref<!tpu.dma_semaphore, #tpu.memory_space<semaphore_mem>>)
      %parallel_loop3A_148 = arith.constant 0 : i32
      %parallel_loop3A_149 = arith.constant 40 : i32
      %parallel_loop3A_150 = arith.constant 1 : i32
      scf.for %parallel_loop3A_175 = %parallel_loop3A_148 to %parallel_loop3A_149 step %parallel_loop3A_150  : i32 {
        %parallel_loop3A_176 = arith.index_cast %parallel_loop3A_175 : i32 to index
        %parallel_loop3A_177 = arith.constant 0 : index
        %parallel_loop3A_178 = tpu.vector_load %arg18[%parallel_loop3A_176, %parallel_loop3A_177] {strides = array<i32>} : memref<40x128xi32, #tpu.memory_space<vmem>>, vector<1x16xi32>,
        %parallel_loop3A_179 = vector.shape_cast %parallel_loop3A_178 : vector<1x16xi32> to vector<16xi32>
        %parallel_loop3A_180 = arith.constant 16 : i32
        %parallel_loop3A_181 = vector.broadcast %parallel_loop3A_180 : i32 to vector<16xi32>
        %parallel_loop3A_182 = arith.shli %parallel_loop3A_179, %parallel_loop3A_181 : vector<16xi32>
        %parallel_loop3A_183 = tpu.bitcast %parallel_loop3A_182 : vector<16xi32> -> vector<16xf32>
        %parallel_loop3A_184 = arith.constant -65536 : i32
        %parallel_loop3A_185 = vector.broadcast %parallel_loop3A_184 : i32 to vector<16xi32>
        %parallel_loop3A_186 = arith.andi %parallel_loop3A_179, %parallel_loop3A_185 : vector<16xi32>
        %parallel_loop3A_187 = tpu.bitcast %parallel_loop3A_186 : vector<16xi32> -> vector<16xf32>
        %parallel_loop3A_188 = arith.index_cast %parallel_loop3A_175 : i32 to index
        %parallel_loop3A_189 = arith.constant 0 : index
        %parallel_loop3A_190 = tpu.vector_load %arg19[%parallel_loop3A_188, %parallel_loop3A_189] {strides = array<i32>} : memref<40x128xi32, #tpu.memory_space<vmem>>, vector<1x16xi32>,
        %parallel_loop3A_191 = vector.shape_cast %parallel_loop3A_190 : vector<1x16xi32> to vector<16xi32>
        %parallel_loop3A_192 = arith.constant 16 : i32
        %parallel_loop3A_193 = vector.broadcast %parallel_loop3A_192 : i32 to vector<16xi32>
        %parallel_loop3A_194 = arith.shli %parallel_loop3A_191, %parallel_loop3A_193 : vector<16xi32>
        %parallel_loop3A_195 = tpu.bitcast %parallel_loop3A_194 : vector<16xi32> -> vector<16xf32>
        %parallel_loop3A_196 = arith.constant -65536 : i32
        %parallel_loop3A_197 = vector.broadcast %parallel_loop3A_196 : i32 to vector<16xi32>
        %parallel_loop3A_198 = arith.andi %parallel_loop3A_191, %parallel_loop3A_197 : vector<16xi32>
        %parallel_loop3A_199 = tpu.bitcast %parallel_loop3A_198 : vector<16xi32> -> vector<16xf32>
        %parallel_loop3A_200 = arith.index_cast %parallel_loop3A_175 : i32 to index
        %parallel_loop3A_201 = arith.constant 0 : index
        %parallel_loop3A_202 = tpu.vector_load %arg20[%parallel_loop3A_200, %parallel_loop3A_201] {strides = array<i32>} : memref<40x128xi32, #tpu.memory_space<vmem>>, vector<1x16xi32>,
        %parallel_loop3A_203 = vector.shape_cast %parallel_loop3A_202 : vector<1x16xi32> to vector<16xi32>
        %parallel_loop3A_204 = arith.constant 16 : i32
        %parallel_loop3A_205 = vector.broadcast %parallel_loop3A_204 : i32 to vector<16xi32>
        %parallel_loop3A_206 = arith.shli %parallel_loop3A_203, %parallel_loop3A_205 : vector<16xi32>
        %parallel_loop3A_207 = tpu.bitcast %parallel_loop3A_206 : vector<16xi32> -> vector<16xf32>
        %parallel_loop3A_208 = arith.constant -65536 : i32
        %parallel_loop3A_209 = vector.broadcast %parallel_loop3A_208 : i32 to vector<16xi32>
        %parallel_loop3A_210 = arith.andi %parallel_loop3A_203, %parallel_loop3A_209 : vector<16xi32>
        %parallel_loop3A_211 = tpu.bitcast %parallel_loop3A_210 : vector<16xi32> -> vector<16xf32>
        %parallel_loop3A_212 = arith.index_cast %parallel_loop3A_175 : i32 to index
        %parallel_loop3A_213 = arith.constant 64 : index
        %parallel_loop3A_214 = tpu.vector_load %arg18[%parallel_loop3A_212, %parallel_loop3A_213] {strides = array<i32>} : memref<40x128xi32, #tpu.memory_space<vmem>>, vector<1x16xi32>,
        %parallel_loop3A_215 = vector.shape_cast %parallel_loop3A_214 : vector<1x16xi32> to vector<16xi32>
        %parallel_loop3A_216 = arith.constant 16 : i32
        %parallel_loop3A_217 = vector.broadcast %parallel_loop3A_216 : i32 to vector<16xi32>
        %parallel_loop3A_218 = arith.shli %parallel_loop3A_215, %parallel_loop3A_217 : vector<16xi32>
        %parallel_loop3A_219 = tpu.bitcast %parallel_loop3A_218 : vector<16xi32> -> vector<16xf32>
        %parallel_loop3A_220 = arith.constant -65536 : i32
        %parallel_loop3A_221 = vector.broadcast %parallel_loop3A_220 : i32 to vector<16xi32>
        %parallel_loop3A_222 = arith.andi %parallel_loop3A_215, %parallel_loop3A_221 : vector<16xi32>
        %parallel_loop3A_223 = tpu.bitcast %parallel_loop3A_222 : vector<16xi32> -> vector<16xf32>
        %parallel_loop3A_224 = arith.index_cast %parallel_loop3A_175 : i32 to index
        %parallel_loop3A_225 = arith.constant 64 : index
        %parallel_loop3A_226 = tpu.vector_load %arg19[%parallel_loop3A_224, %parallel_loop3A_225] {strides = array<i32>} : memref<40x128xi32, #tpu.memory_space<vmem>>, vector<1x16xi32>,
        %parallel_loop3A_227 = vector.shape_cast %parallel_loop3A_226 : vector<1x16xi32> to vector<16xi32>
        %parallel_loop3A_228 = arith.constant 16 : i32
        %parallel_loop3A_229 = vector.broadcast %parallel_loop3A_228 : i32 to vector<16xi32>
        %parallel_loop3A_230 = arith.shli %parallel_loop3A_227, %parallel_loop3A_229 : vector<16xi32>
        %parallel_loop3A_231 = tpu.bitcast %parallel_loop3A_230 : vector<16xi32> -> vector<16xf32>
        %parallel_loop3A_232 = arith.constant -65536 : i32
        %parallel_loop3A_233 = vector.broadcast %parallel_loop3A_232 : i32 to vector<16xi32>
        %parallel_loop3A_234 = arith.andi %parallel_loop3A_227, %parallel_loop3A_233 : vector<16xi32>
        %parallel_loop3A_235 = tpu.bitcast %parallel_loop3A_234 : vector<16xi32> -> vector<16xf32>
        %parallel_loop3A_236 = arith.index_cast %parallel_loop3A_175 : i32 to index
        %parallel_loop3A_237 = arith.constant 64 : index
        %parallel_loop3A_238 = tpu.vector_load %arg20[%parallel_loop3A_236, %parallel_loop3A_237] {strides = array<i32>} : memref<40x128xi32, #tpu.memory_space<vmem>>, vector<1x16xi32>,
        %parallel_loop3A_239 = vector.shape_cast %parallel_loop3A_238 : vector<1x16xi32> to vector<16xi32>
        %parallel_loop3A_240 = arith.constant 16 : i32
        %parallel_loop3A_241 = vector.broadcast %parallel_loop3A_240 : i32 to vector<16xi32>
        %parallel_loop3A_242 = arith.shli %parallel_loop3A_239, %parallel_loop3A_241 : vector<16xi32>
        %parallel_loop3A_243 = tpu.bitcast %parallel_loop3A_242 : vector<16xi32> -> vector<16xf32>
        %parallel_loop3A_244 = arith.constant -65536 : i32
        %parallel_loop3A_245 = vector.broadcast %parallel_loop3A_244 : i32 to vector<16xi32>
        %parallel_loop3A_246 = arith.andi %parallel_loop3A_239, %parallel_loop3A_245 : vector<16xi32>
        %parallel_loop3A_247 = tpu.bitcast %parallel_loop3A_246 : vector<16xi32> -> vector<16xf32>
        %parallel_loop3A_248 = arith.addf %parallel_loop3A_183, %parallel_loop3A_195 : vector<16xf32>
        %parallel_loop3A_249 = arith.addf %parallel_loop3A_248, %parallel_loop3A_207 : vector<16xf32>
        %parallel_loop3A_250 = arith.addf %parallel_loop3A_219, %parallel_loop3A_231 : vector<16xf32>
        %parallel_loop3A_251 = arith.addf %parallel_loop3A_250, %parallel_loop3A_243 : vector<16xf32>
        %parallel_loop3A_252 = arith.addf %parallel_loop3A_187, %parallel_loop3A_199 : vector<16xf32>
        %parallel_loop3A_253 = arith.addf %parallel_loop3A_252, %parallel_loop3A_211 : vector<16xf32>
        %parallel_loop3A_254 = arith.addf %parallel_loop3A_223, %parallel_loop3A_235 : vector<16xf32>
        %parallel_loop3A_255 = arith.addf %parallel_loop3A_254, %parallel_loop3A_247 : vector<16xf32>
        %parallel_loop3A_256 = arith.constant 0.000000e+00 : f32
        %parallel_loop3A_257 = vector.broadcast %parallel_loop3A_256 : f32 to vector<16xf32>
        %parallel_loop3A_258 = arith.subf %parallel_loop3A_257, %parallel_loop3A_249 : vector<16xf32>
        %parallel_loop3A_259 = math.exp %parallel_loop3A_258 : vector<16xf32>
        %parallel_loop3A_260 = math.absf %parallel_loop3A_251 : vector<16xf32>
        %parallel_loop3A_261 = arith.constant 0.000000e+00 : f32
        %parallel_loop3A_262 = vector.broadcast %parallel_loop3A_261 : f32 to vector<16xf32>
        %parallel_loop3A_263 = arith.subf %parallel_loop3A_262, %parallel_loop3A_260 : vector<16xf32>
        %parallel_loop3A_264 = math.exp %parallel_loop3A_263 : vector<16xf32>
        %parallel_loop3A_265 = arith.constant 2.000000e+00 : f32
        %parallel_loop3A_266 = vector.broadcast %parallel_loop3A_265 : f32 to vector<16xf32>
        %parallel_loop3A_267 = arith.addf %parallel_loop3A_264, %parallel_loop3A_266 : vector<16xf32>
        %parallel_loop3A_268 = arith.divf %parallel_loop3A_264, %parallel_loop3A_267 : vector<16xf32>
        %parallel_loop3A_269 = arith.mulf %parallel_loop3A_268, %parallel_loop3A_268 : vector<16xf32>
        %parallel_loop3A_270 = arith.constant 0.142857149 : f32
        %parallel_loop3A_271 = vector.broadcast %parallel_loop3A_270 : f32 to vector<16xf32>
        %parallel_loop3A_272 = arith.mulf %parallel_loop3A_269, %parallel_loop3A_271 : vector<16xf32>
        %parallel_loop3A_273 = arith.constant 2.000000e-01 : f32
        %parallel_loop3A_274 = vector.broadcast %parallel_loop3A_273 : f32 to vector<16xf32>
        %parallel_loop3A_275 = arith.addf %parallel_loop3A_274, %parallel_loop3A_272 : vector<16xf32>
        %parallel_loop3A_276 = arith.mulf %parallel_loop3A_269, %parallel_loop3A_275 : vector<16xf32>
        %parallel_loop3A_277 = arith.constant 0.333333343 : f32
        %parallel_loop3A_278 = vector.broadcast %parallel_loop3A_277 : f32 to vector<16xf32>
        %parallel_loop3A_279 = arith.addf %parallel_loop3A_278, %parallel_loop3A_276 : vector<16xf32>
        %parallel_loop3A_280 = arith.mulf %parallel_loop3A_269, %parallel_loop3A_279 : vector<16xf32>
        %parallel_loop3A_281 = arith.constant 1.000000e+00 : f32
        %parallel_loop3A_282 = vector.broadcast %parallel_loop3A_281 : f32 to vector<16xf32>
        %parallel_loop3A_283 = arith.addf %parallel_loop3A_282, %parallel_loop3A_280 : vector<16xf32>
        %parallel_loop3A_284 = arith.constant 0.000000e+00 : f32
        %parallel_loop3A_285 = vector.broadcast %parallel_loop3A_284 : f32 to vector<16xf32>
        %parallel_loop3A_286 = arith.maximumf %parallel_loop3A_251, %parallel_loop3A_285 : vector<16xf32>
        %parallel_loop3A_287 = arith.mulf %parallel_loop3A_286, %parallel_loop3A_267 : vector<16xf32>
        %parallel_loop3A_288 = arith.constant 2.000000e+00 : f32
        %parallel_loop3A_289 = vector.broadcast %parallel_loop3A_288 : f32 to vector<16xf32>
        %parallel_loop3A_290 = arith.mulf %parallel_loop3A_289, %parallel_loop3A_264 : vector<16xf32>
        %parallel_loop3A_291 = arith.mulf %parallel_loop3A_290, %parallel_loop3A_283 : vector<16xf32>
        %parallel_loop3A_292 = arith.addf %parallel_loop3A_287, %parallel_loop3A_291 : vector<16xf32>
        %parallel_loop3A_293 = arith.constant 1.000000e+00 : f32
        %parallel_loop3A_294 = vector.broadcast %parallel_loop3A_293 : f32 to vector<16xf32>
        %parallel_loop3A_295 = arith.addf %parallel_loop3A_294, %parallel_loop3A_259 : vector<16xf32>
        %parallel_loop3A_296 = arith.mulf %parallel_loop3A_267, %parallel_loop3A_295 : vector<16xf32>
        %parallel_loop3A_297 = arith.divf %parallel_loop3A_292, %parallel_loop3A_296 : vector<16xf32>
        %parallel_loop3A_298 = arith.index_cast %parallel_loop3A_175 : i32 to index
        %parallel_loop3A_299 = arith.constant 0 : index
        %parallel_loop3A_300 = tpu.vector_load %arg21[%parallel_loop3A_298, %parallel_loop3A_299] {strides = array<i32>} : memref<40x128xf32, #tpu.memory_space<vmem>>, vector<1x16xf32>,
        %parallel_loop3A_301 = vector.shape_cast %parallel_loop3A_300 : vector<1x16xf32> to vector<16xf32>
        %parallel_loop3A_302 = vector.shape_cast %parallel_loop3A_297 : vector<16xf32> to vector<1x16xf32>
        tpu.vector_store %arg21[%parallel_loop3A_298, %parallel_loop3A_299], %parallel_loop3A_302 {strides = array<i32>} : memref<40x128xf32, #tpu.memory_space<vmem>>, vector<1x16xf32>,
        %parallel_loop3A_303 = arith.constant 0.000000e+00 : f32
        %parallel_loop3A_304 = vector.broadcast %parallel_loop3A_303 : f32 to vector<16xf32>
        %parallel_loop3A_305 = arith.subf %parallel_loop3A_304, %parallel_loop3A_253 : vector<16xf32>
        %parallel_loop3A_306 = math.exp %parallel_loop3A_305 : vector<16xf32>
        %parallel_loop3A_307 = math.absf %parallel_loop3A_255 : vector<16xf32>
        %parallel_loop3A_308 = arith.constant 0.000000e+00 : f32
        %parallel_loop3A_309 = vector.broadcast %parallel_loop3A_308 : f32 to vector<16xf32>
        %parallel_loop3A_310 = arith.subf %parallel_loop3A_309, %parallel_loop3A_307 : vector<16xf32>
        %parallel_loop3A_311 = math.exp %parallel_loop3A_310 : vector<16xf32>
        %parallel_loop3A_312 = arith.constant 2.000000e+00 : f32
        %parallel_loop3A_313 = vector.broadcast %parallel_loop3A_312 : f32 to vector<16xf32>
        %parallel_loop3A_314 = arith.addf %parallel_loop3A_311, %parallel_loop3A_313 : vector<16xf32>
        %parallel_loop3A_315 = arith.divf %parallel_loop3A_311, %parallel_loop3A_314 : vector<16xf32>
        %parallel_loop3A_316 = arith.mulf %parallel_loop3A_315, %parallel_loop3A_315 : vector<16xf32>
        %parallel_loop3A_317 = arith.constant 0.142857149 : f32
        %parallel_loop3A_318 = vector.broadcast %parallel_loop3A_317 : f32 to vector<16xf32>
        %parallel_loop3A_319 = arith.mulf %parallel_loop3A_316, %parallel_loop3A_318 : vector<16xf32>
        %parallel_loop3A_320 = arith.constant 2.000000e-01 : f32
        %parallel_loop3A_321 = vector.broadcast %parallel_loop3A_320 : f32 to vector<16xf32>
        %parallel_loop3A_322 = arith.addf %parallel_loop3A_321, %parallel_loop3A_319 : vector<16xf32>
        %parallel_loop3A_323 = arith.mulf %parallel_loop3A_316, %parallel_loop3A_322 : vector<16xf32>
        %parallel_loop3A_324 = arith.constant 0.333333343 : f32
        %parallel_loop3A_325 = vector.broadcast %parallel_loop3A_324 : f32 to vector<16xf32>
        %parallel_loop3A_326 = arith.addf %parallel_loop3A_325, %parallel_loop3A_323 : vector<16xf32>
        %parallel_loop3A_327 = arith.mulf %parallel_loop3A_316, %parallel_loop3A_326 : vector<16xf32>
        %parallel_loop3A_328 = arith.constant 1.000000e+00 : f32
        %parallel_loop3A_329 = vector.broadcast %parallel_loop3A_328 : f32 to vector<16xf32>
        %parallel_loop3A_330 = arith.addf %parallel_loop3A_329, %parallel_loop3A_327 : vector<16xf32>
        %parallel_loop3A_331 = arith.constant 0.000000e+00 : f32
        %parallel_loop3A_332 = vector.broadcast %parallel_loop3A_331 : f32 to vector<16xf32>
        %parallel_loop3A_333 = arith.maximumf %parallel_loop3A_255, %parallel_loop3A_332 : vector<16xf32>
        %parallel_loop3A_334 = arith.mulf %parallel_loop3A_333, %parallel_loop3A_314 : vector<16xf32>
        %parallel_loop3A_335 = arith.constant 2.000000e+00 : f32
        %parallel_loop3A_336 = vector.broadcast %parallel_loop3A_335 : f32 to vector<16xf32>
        %parallel_loop3A_337 = arith.mulf %parallel_loop3A_336, %parallel_loop3A_311 : vector<16xf32>
        %parallel_loop3A_338 = arith.mulf %parallel_loop3A_337, %parallel_loop3A_330 : vector<16xf32>
        %parallel_loop3A_339 = arith.addf %parallel_loop3A_334, %parallel_loop3A_338 : vector<16xf32>
        %parallel_loop3A_340 = arith.constant 1.000000e+00 : f32
        %parallel_loop3A_341 = vector.broadcast %parallel_loop3A_340 : f32 to vector<16xf32>
        %parallel_loop3A_342 = arith.addf %parallel_loop3A_341, %parallel_loop3A_306 : vector<16xf32>
        %parallel_loop3A_343 = arith.mulf %parallel_loop3A_314, %parallel_loop3A_342 : vector<16xf32>
        %parallel_loop3A_344 = arith.divf %parallel_loop3A_339, %parallel_loop3A_343 : vector<16xf32>
        %parallel_loop3A_345 = arith.index_cast %parallel_loop3A_175 : i32 to index
        %parallel_loop3A_346 = arith.constant 16 : index
        %parallel_loop3A_347 = tpu.vector_load %arg21[%parallel_loop3A_345, %parallel_loop3A_346] {strides = array<i32>} : memref<40x128xf32, #tpu.memory_space<vmem>>, vector<1x16xf32>,
        %parallel_loop3A_348 = vector.shape_cast %parallel_loop3A_347 : vector<1x16xf32> to vector<16xf32>
        %parallel_loop3A_349 = vector.shape_cast %parallel_loop3A_344 : vector<16xf32> to vector<1x16xf32>
        tpu.vector_store %arg21[%parallel_loop3A_345, %parallel_loop3A_346], %parallel_loop3A_349 {strides = array<i32>} : memref<40x128xf32, #tpu.memory_space<vmem>>, vector<1x16xf32>,
        %parallel_loop3A_350 = arith.index_cast %parallel_loop3A_175 : i32 to index
        %parallel_loop3A_351 = arith.constant 16 : index
        %parallel_loop3A_352 = tpu.vector_load %arg18[%parallel_loop3A_350, %parallel_loop3A_351] {strides = array<i32>} : memref<40x128xi32, #tpu.memory_space<vmem>>, vector<1x16xi32>,
        %parallel_loop3A_353 = vector.shape_cast %parallel_loop3A_352 : vector<1x16xi32> to vector<16xi32>
        %parallel_loop3A_354 = arith.constant 16 : i32
        %parallel_loop3A_355 = vector.broadcast %parallel_loop3A_354 : i32 to vector<16xi32>
        %parallel_loop3A_356 = arith.shli %parallel_loop3A_353, %parallel_loop3A_355 : vector<16xi32>
        %parallel_loop3A_357 = tpu.bitcast %parallel_loop3A_356 : vector<16xi32> -> vector<16xf32>
        %parallel_loop3A_358 = arith.constant -65536 : i32
        %parallel_loop3A_359 = vector.broadcast %parallel_loop3A_358 : i32 to vector<16xi32>
        %parallel_loop3A_360 = arith.andi %parallel_loop3A_353, %parallel_loop3A_359 : vector<16xi32>
        %parallel_loop3A_361 = tpu.bitcast %parallel_loop3A_360 : vector<16xi32> -> vector<16xf32>
        %parallel_loop3A_362 = arith.index_cast %parallel_loop3A_175 : i32 to index
        %parallel_loop3A_363 = arith.constant 16 : index
        %parallel_loop3A_364 = tpu.vector_load %arg19[%parallel_loop3A_362, %parallel_loop3A_363] {strides = array<i32>} : memref<40x128xi32, #tpu.memory_space<vmem>>, vector<1x16xi32>,
        %parallel_loop3A_365 = vector.shape_cast %parallel_loop3A_364 : vector<1x16xi32> to vector<16xi32>
        %parallel_loop3A_366 = arith.constant 16 : i32
        %parallel_loop3A_367 = vector.broadcast %parallel_loop3A_366 : i32 to vector<16xi32>
        %parallel_loop3A_368 = arith.shli %parallel_loop3A_365, %parallel_loop3A_367 : vector<16xi32>
        %parallel_loop3A_369 = tpu.bitcast %parallel_loop3A_368 : vector<16xi32> -> vector<16xf32>
        %parallel_loop3A_370 = arith.constant -65536 : i32
        %parallel_loop3A_371 = vector.broadcast %parallel_loop3A_370 : i32 to vector<16xi32>
        %parallel_loop3A_372 = arith.andi %parallel_loop3A_365, %parallel_loop3A_371 : vector<16xi32>
        %parallel_loop3A_373 = tpu.bitcast %parallel_loop3A_372 : vector<16xi32> -> vector<16xf32>
        %parallel_loop3A_374 = arith.index_cast %parallel_loop3A_175 : i32 to index
        %parallel_loop3A_375 = arith.constant 16 : index
        %parallel_loop3A_376 = tpu.vector_load %arg20[%parallel_loop3A_374, %parallel_loop3A_375] {strides = array<i32>} : memref<40x128xi32, #tpu.memory_space<vmem>>, vector<1x16xi32>,
        %parallel_loop3A_377 = vector.shape_cast %parallel_loop3A_376 : vector<1x16xi32> to vector<16xi32>
        %parallel_loop3A_378 = arith.constant 16 : i32
        %parallel_loop3A_379 = vector.broadcast %parallel_loop3A_378 : i32 to vector<16xi32>
        %parallel_loop3A_380 = arith.shli %parallel_loop3A_377, %parallel_loop3A_379 : vector<16xi32>
        %parallel_loop3A_381 = tpu.bitcast %parallel_loop3A_380 : vector<16xi32> -> vector<16xf32>
        %parallel_loop3A_382 = arith.constant -65536 : i32
        %parallel_loop3A_383 = vector.broadcast %parallel_loop3A_382 : i32 to vector<16xi32>
        %parallel_loop3A_384 = arith.andi %parallel_loop3A_377, %parallel_loop3A_383 : vector<16xi32>
        %parallel_loop3A_385 = tpu.bitcast %parallel_loop3A_384 : vector<16xi32> -> vector<16xf32>
        %parallel_loop3A_386 = arith.index_cast %parallel_loop3A_175 : i32 to index
        %parallel_loop3A_387 = arith.constant 80 : index
        %parallel_loop3A_388 = tpu.vector_load %arg18[%parallel_loop3A_386, %parallel_loop3A_387] {strides = array<i32>} : memref<40x128xi32, #tpu.memory_space<vmem>>, vector<1x16xi32>,
        %parallel_loop3A_389 = vector.shape_cast %parallel_loop3A_388 : vector<1x16xi32> to vector<16xi32>
        %parallel_loop3A_390 = arith.constant 16 : i32
        %parallel_loop3A_391 = vector.broadcast %parallel_loop3A_390 : i32 to vector<16xi32>
        %parallel_loop3A_392 = arith.shli %parallel_loop3A_389, %parallel_loop3A_391 : vector<16xi32>
        %parallel_loop3A_393 = tpu.bitcast %parallel_loop3A_392 : vector<16xi32> -> vector<16xf32>
        %parallel_loop3A_394 = arith.constant -65536 : i32
        %parallel_loop3A_395 = vector.broadcast %parallel_loop3A_394 : i32 to vector<16xi32>
        %parallel_loop3A_396 = arith.andi %parallel_loop3A_389, %parallel_loop3A_395 : vector<16xi32>
        %parallel_loop3A_397 = tpu.bitcast %parallel_loop3A_396 : vector<16xi32> -> vector<16xf32>
        %parallel_loop3A_398 = arith.index_cast %parallel_loop3A_175 : i32 to index
        %parallel_loop3A_399 = arith.constant 80 : index
        %parallel_loop3A_400 = tpu.vector_load %arg19[%parallel_loop3A_398, %parallel_loop3A_399] {strides = array<i32>} : memref<40x128xi32, #tpu.memory_space<vmem>>, vector<1x16xi32>,
        %parallel_loop3A_401 = vector.shape_cast %parallel_loop3A_400 : vector<1x16xi32> to vector<16xi32>
        %parallel_loop3A_402 = arith.constant 16 : i32
        %parallel_loop3A_403 = vector.broadcast %parallel_loop3A_402 : i32 to vector<16xi32>
        %parallel_loop3A_404 = arith.shli %parallel_loop3A_401, %parallel_loop3A_403 : vector<16xi32>
        %parallel_loop3A_405 = tpu.bitcast %parallel_loop3A_404 : vector<16xi32> -> vector<16xf32>
        %parallel_loop3A_406 = arith.constant -65536 : i32
        %parallel_loop3A_407 = vector.broadcast %parallel_loop3A_406 : i32 to vector<16xi32>
        %parallel_loop3A_408 = arith.andi %parallel_loop3A_401, %parallel_loop3A_407 : vector<16xi32>
        %parallel_loop3A_409 = tpu.bitcast %parallel_loop3A_408 : vector<16xi32> -> vector<16xf32>
        %parallel_loop3A_410 = arith.index_cast %parallel_loop3A_175 : i32 to index
        %parallel_loop3A_411 = arith.constant 80 : index
        %parallel_loop3A_412 = tpu.vector_load %arg20[%parallel_loop3A_410, %parallel_loop3A_411] {strides = array<i32>} : memref<40x128xi32, #tpu.memory_space<vmem>>, vector<1x16xi32>,
        %parallel_loop3A_413 = vector.shape_cast %parallel_loop3A_412 : vector<1x16xi32> to vector<16xi32>
        %parallel_loop3A_414 = arith.constant 16 : i32
        %parallel_loop3A_415 = vector.broadcast %parallel_loop3A_414 : i32 to vector<16xi32>
        %parallel_loop3A_416 = arith.shli %parallel_loop3A_413, %parallel_loop3A_415 : vector<16xi32>
        %parallel_loop3A_417 = tpu.bitcast %parallel_loop3A_416 : vector<16xi32> -> vector<16xf32>
        %parallel_loop3A_418 = arith.constant -65536 : i32
        %parallel_loop3A_419 = vector.broadcast %parallel_loop3A_418 : i32 to vector<16xi32>
        %parallel_loop3A_420 = arith.andi %parallel_loop3A_413, %parallel_loop3A_419 : vector<16xi32>
        %parallel_loop3A_421 = tpu.bitcast %parallel_loop3A_420 : vector<16xi32> -> vector<16xf32>
        %parallel_loop3A_422 = arith.addf %parallel_loop3A_357, %parallel_loop3A_369 : vector<16xf32>
        %parallel_loop3A_423 = arith.addf %parallel_loop3A_422, %parallel_loop3A_381 : vector<16xf32>
        %parallel_loop3A_424 = arith.addf %parallel_loop3A_393, %parallel_loop3A_405 : vector<16xf32>
        %parallel_loop3A_425 = arith.addf %parallel_loop3A_424, %parallel_loop3A_417 : vector<16xf32>
        %parallel_loop3A_426 = arith.addf %parallel_loop3A_361, %parallel_loop3A_373 : vector<16xf32>
        %parallel_loop3A_427 = arith.addf %parallel_loop3A_426, %parallel_loop3A_385 : vector<16xf32>
        %parallel_loop3A_428 = arith.addf %parallel_loop3A_397, %parallel_loop3A_409 : vector<16xf32>
        %parallel_loop3A_429 = arith.addf %parallel_loop3A_428, %parallel_loop3A_421 : vector<16xf32>
        %parallel_loop3A_430 = arith.constant 0.000000e+00 : f32
        %parallel_loop3A_431 = vector.broadcast %parallel_loop3A_430 : f32 to vector<16xf32>
        %parallel_loop3A_432 = arith.subf %parallel_loop3A_431, %parallel_loop3A_423 : vector<16xf32>
        %parallel_loop3A_433 = math.exp %parallel_loop3A_432 : vector<16xf32>
        %parallel_loop3A_434 = math.absf %parallel_loop3A_425 : vector<16xf32>
        %parallel_loop3A_435 = arith.constant 0.000000e+00 : f32
        %parallel_loop3A_436 = vector.broadcast %parallel_loop3A_435 : f32 to vector<16xf32>
        %parallel_loop3A_437 = arith.subf %parallel_loop3A_436, %parallel_loop3A_434 : vector<16xf32>
        %parallel_loop3A_438 = math.exp %parallel_loop3A_437 : vector<16xf32>
        %parallel_loop3A_439 = arith.constant 2.000000e+00 : f32
        %parallel_loop3A_440 = vector.broadcast %parallel_loop3A_439 : f32 to vector<16xf32>
        %parallel_loop3A_441 = arith.addf %parallel_loop3A_438, %parallel_loop3A_440 : vector<16xf32>
        %parallel_loop3A_442 = arith.divf %parallel_loop3A_438, %parallel_loop3A_441 : vector<16xf32>
        %parallel_loop3A_443 = arith.mulf %parallel_loop3A_442, %parallel_loop3A_442 : vector<16xf32>
        %parallel_loop3A_444 = arith.constant 0.142857149 : f32
        %parallel_loop3A_445 = vector.broadcast %parallel_loop3A_444 : f32 to vector<16xf32>
        %parallel_loop3A_446 = arith.mulf %parallel_loop3A_443, %parallel_loop3A_445 : vector<16xf32>
        %parallel_loop3A_447 = arith.constant 2.000000e-01 : f32
        %parallel_loop3A_448 = vector.broadcast %parallel_loop3A_447 : f32 to vector<16xf32>
        %parallel_loop3A_449 = arith.addf %parallel_loop3A_448, %parallel_loop3A_446 : vector<16xf32>
        %parallel_loop3A_450 = arith.mulf %parallel_loop3A_443, %parallel_loop3A_449 : vector<16xf32>
        %parallel_loop3A_451 = arith.constant 0.333333343 : f32
        %parallel_loop3A_452 = vector.broadcast %parallel_loop3A_451 : f32 to vector<16xf32>
        %parallel_loop3A_453 = arith.addf %parallel_loop3A_452, %parallel_loop3A_450 : vector<16xf32>
        %parallel_loop3A_454 = arith.mulf %parallel_loop3A_443, %parallel_loop3A_453 : vector<16xf32>
        %parallel_loop3A_455 = arith.constant 1.000000e+00 : f32
        %parallel_loop3A_456 = vector.broadcast %parallel_loop3A_455 : f32 to vector<16xf32>
        %parallel_loop3A_457 = arith.addf %parallel_loop3A_456, %parallel_loop3A_454 : vector<16xf32>
        %parallel_loop3A_458 = arith.constant 0.000000e+00 : f32
        %parallel_loop3A_459 = vector.broadcast %parallel_loop3A_458 : f32 to vector<16xf32>
        %parallel_loop3A_460 = arith.maximumf %parallel_loop3A_425, %parallel_loop3A_459 : vector<16xf32>
        %parallel_loop3A_461 = arith.mulf %parallel_loop3A_460, %parallel_loop3A_441 : vector<16xf32>
        %parallel_loop3A_462 = arith.constant 2.000000e+00 : f32
        %parallel_loop3A_463 = vector.broadcast %parallel_loop3A_462 : f32 to vector<16xf32>
        %parallel_loop3A_464 = arith.mulf %parallel_loop3A_463, %parallel_loop3A_438 : vector<16xf32>
        %parallel_loop3A_465 = arith.mulf %parallel_loop3A_464, %parallel_loop3A_457 : vector<16xf32>
        %parallel_loop3A_466 = arith.addf %parallel_loop3A_461, %parallel_loop3A_465 : vector<16xf32>
        %parallel_loop3A_467 = arith.constant 1.000000e+00 : f32
        %parallel_loop3A_468 = vector.broadcast %parallel_loop3A_467 : f32 to vector<16xf32>
        %parallel_loop3A_469 = arith.addf %parallel_loop3A_468, %parallel_loop3A_433 : vector<16xf32>
        %parallel_loop3A_470 = arith.mulf %parallel_loop3A_441, %parallel_loop3A_469 : vector<16xf32>
        %parallel_loop3A_471 = arith.divf %parallel_loop3A_466, %parallel_loop3A_470 : vector<16xf32>
        %parallel_loop3A_472 = arith.index_cast %parallel_loop3A_175 : i32 to index
        %parallel_loop3A_473 = arith.constant 32 : index
        %parallel_loop3A_474 = tpu.vector_load %arg21[%parallel_loop3A_472, %parallel_loop3A_473] {strides = array<i32>} : memref<40x128xf32, #tpu.memory_space<vmem>>, vector<1x16xf32>,
        %parallel_loop3A_475 = vector.shape_cast %parallel_loop3A_474 : vector<1x16xf32> to vector<16xf32>
        %parallel_loop3A_476 = vector.shape_cast %parallel_loop3A_471 : vector<16xf32> to vector<1x16xf32>
        tpu.vector_store %arg21[%parallel_loop3A_472, %parallel_loop3A_473], %parallel_loop3A_476 {strides = array<i32>} : memref<40x128xf32, #tpu.memory_space<vmem>>, vector<1x16xf32>,
        %parallel_loop3A_477 = arith.constant 0.000000e+00 : f32
        %parallel_loop3A_478 = vector.broadcast %parallel_loop3A_477 : f32 to vector<16xf32>
        %parallel_loop3A_479 = arith.subf %parallel_loop3A_478, %parallel_loop3A_427 : vector<16xf32>
        %parallel_loop3A_480 = math.exp %parallel_loop3A_479 : vector<16xf32>
        %parallel_loop3A_481 = math.absf %parallel_loop3A_429 : vector<16xf32>
        %parallel_loop3A_482 = arith.constant 0.000000e+00 : f32
        %parallel_loop3A_483 = vector.broadcast %parallel_loop3A_482 : f32 to vector<16xf32>
        %parallel_loop3A_484 = arith.subf %parallel_loop3A_483, %parallel_loop3A_481 : vector<16xf32>
        %parallel_loop3A_485 = math.exp %parallel_loop3A_484 : vector<16xf32>
        %parallel_loop3A_486 = arith.constant 2.000000e+00 : f32
        %parallel_loop3A_487 = vector.broadcast %parallel_loop3A_486 : f32 to vector<16xf32>
        %parallel_loop3A_488 = arith.addf %parallel_loop3A_485, %parallel_loop3A_487 : vector<16xf32>
        %parallel_loop3A_489 = arith.divf %parallel_loop3A_485, %parallel_loop3A_488 : vector<16xf32>
        %parallel_loop3A_490 = arith.mulf %parallel_loop3A_489, %parallel_loop3A_489 : vector<16xf32>
        %parallel_loop3A_491 = arith.constant 0.142857149 : f32
        %parallel_loop3A_492 = vector.broadcast %parallel_loop3A_491 : f32 to vector<16xf32>
        %parallel_loop3A_493 = arith.mulf %parallel_loop3A_490, %parallel_loop3A_492 : vector<16xf32>
        %parallel_loop3A_494 = arith.constant 2.000000e-01 : f32
        %parallel_loop3A_495 = vector.broadcast %parallel_loop3A_494 : f32 to vector<16xf32>
        %parallel_loop3A_496 = arith.addf %parallel_loop3A_495, %parallel_loop3A_493 : vector<16xf32>
        %parallel_loop3A_497 = arith.mulf %parallel_loop3A_490, %parallel_loop3A_496 : vector<16xf32>
        %parallel_loop3A_498 = arith.constant 0.333333343 : f32
        %parallel_loop3A_499 = vector.broadcast %parallel_loop3A_498 : f32 to vector<16xf32>
        %parallel_loop3A_500 = arith.addf %parallel_loop3A_499, %parallel_loop3A_497 : vector<16xf32>
        %parallel_loop3A_501 = arith.mulf %parallel_loop3A_490, %parallel_loop3A_500 : vector<16xf32>
        %parallel_loop3A_502 = arith.constant 1.000000e+00 : f32
        %parallel_loop3A_503 = vector.broadcast %parallel_loop3A_502 : f32 to vector<16xf32>
        %parallel_loop3A_504 = arith.addf %parallel_loop3A_503, %parallel_loop3A_501 : vector<16xf32>
        %parallel_loop3A_505 = arith.constant 0.000000e+00 : f32
        %parallel_loop3A_506 = vector.broadcast %parallel_loop3A_505 : f32 to vector<16xf32>
        %parallel_loop3A_507 = arith.maximumf %parallel_loop3A_429, %parallel_loop3A_506 : vector<16xf32>
        %parallel_loop3A_508 = arith.mulf %parallel_loop3A_507, %parallel_loop3A_488 : vector<16xf32>
        %parallel_loop3A_509 = arith.constant 2.000000e+00 : f32
        %parallel_loop3A_510 = vector.broadcast %parallel_loop3A_509 : f32 to vector<16xf32>
        %parallel_loop3A_511 = arith.mulf %parallel_loop3A_510, %parallel_loop3A_485 : vector<16xf32>
        %parallel_loop3A_512 = arith.mulf %parallel_loop3A_511, %parallel_loop3A_504 : vector<16xf32>
        %parallel_loop3A_513 = arith.addf %parallel_loop3A_508, %parallel_loop3A_512 : vector<16xf32>
        %parallel_loop3A_514 = arith.constant 1.000000e+00 : f32
        %parallel_loop3A_515 = vector.broadcast %parallel_loop3A_514 : f32 to vector<16xf32>
        %parallel_loop3A_516 = arith.addf %parallel_loop3A_515, %parallel_loop3A_480 : vector<16xf32>
        %parallel_loop3A_517 = arith.mulf %parallel_loop3A_488, %parallel_loop3A_516 : vector<16xf32>
        %parallel_loop3A_518 = arith.divf %parallel_loop3A_513, %parallel_loop3A_517 : vector<16xf32>
        %parallel_loop3A_519 = arith.index_cast %parallel_loop3A_175 : i32 to index
        %parallel_loop3A_520 = arith.constant 48 : index
        %parallel_loop3A_521 = tpu.vector_load %arg21[%parallel_loop3A_519, %parallel_loop3A_520] {strides = array<i32>} : memref<40x128xf32, #tpu.memory_space<vmem>>, vector<1x16xf32>,
        %parallel_loop3A_522 = vector.shape_cast %parallel_loop3A_521 : vector<1x16xf32> to vector<16xf32>
        %parallel_loop3A_523 = vector.shape_cast %parallel_loop3A_518 : vector<16xf32> to vector<1x16xf32>
        tpu.vector_store %arg21[%parallel_loop3A_519, %parallel_loop3A_520], %parallel_loop3A_523 {strides = array<i32>} : memref<40x128xf32, #tpu.memory_space<vmem>>, vector<1x16xf32>,
        %parallel_loop3A_524 = arith.index_cast %parallel_loop3A_175 : i32 to index
        %parallel_loop3A_525 = arith.constant 32 : index
        %parallel_loop3A_526 = tpu.vector_load %arg18[%parallel_loop3A_524, %parallel_loop3A_525] {strides = array<i32>} : memref<40x128xi32, #tpu.memory_space<vmem>>, vector<1x16xi32>,
        %parallel_loop3A_527 = vector.shape_cast %parallel_loop3A_526 : vector<1x16xi32> to vector<16xi32>
        %parallel_loop3A_528 = arith.constant 16 : i32
        %parallel_loop3A_529 = vector.broadcast %parallel_loop3A_528 : i32 to vector<16xi32>
        %parallel_loop3A_530 = arith.shli %parallel_loop3A_527, %parallel_loop3A_529 : vector<16xi32>
        %parallel_loop3A_531 = tpu.bitcast %parallel_loop3A_530 : vector<16xi32> -> vector<16xf32>
        %parallel_loop3A_532 = arith.constant -65536 : i32
        %parallel_loop3A_533 = vector.broadcast %parallel_loop3A_532 : i32 to vector<16xi32>
        %parallel_loop3A_534 = arith.andi %parallel_loop3A_527, %parallel_loop3A_533 : vector<16xi32>
        %parallel_loop3A_535 = tpu.bitcast %parallel_loop3A_534 : vector<16xi32> -> vector<16xf32>
        %parallel_loop3A_536 = arith.index_cast %parallel_loop3A_175 : i32 to index
        %parallel_loop3A_537 = arith.constant 32 : index
        %parallel_loop3A_538 = tpu.vector_load %arg19[%parallel_loop3A_536, %parallel_loop3A_537] {strides = array<i32>} : memref<40x128xi32, #tpu.memory_space<vmem>>, vector<1x16xi32>,
        %parallel_loop3A_539 = vector.shape_cast %parallel_loop3A_538 : vector<1x16xi32> to vector<16xi32>
        %parallel_loop3A_540 = arith.constant 16 : i32
        %parallel_loop3A_541 = vector.broadcast %parallel_loop3A_540 : i32 to vector<16xi32>
        %parallel_loop3A_542 = arith.shli %parallel_loop3A_539, %parallel_loop3A_541 : vector<16xi32>
        %parallel_loop3A_543 = tpu.bitcast %parallel_loop3A_542 : vector<16xi32> -> vector<16xf32>
        %parallel_loop3A_544 = arith.constant -65536 : i32
        %parallel_loop3A_545 = vector.broadcast %parallel_loop3A_544 : i32 to vector<16xi32>
        %parallel_loop3A_546 = arith.andi %parallel_loop3A_539, %parallel_loop3A_545 : vector<16xi32>
        %parallel_loop3A_547 = tpu.bitcast %parallel_loop3A_546 : vector<16xi32> -> vector<16xf32>
        %parallel_loop3A_548 = arith.index_cast %parallel_loop3A_175 : i32 to index
        %parallel_loop3A_549 = arith.constant 32 : index
        %parallel_loop3A_550 = tpu.vector_load %arg20[%parallel_loop3A_548, %parallel_loop3A_549] {strides = array<i32>} : memref<40x128xi32, #tpu.memory_space<vmem>>, vector<1x16xi32>,
        %parallel_loop3A_551 = vector.shape_cast %parallel_loop3A_550 : vector<1x16xi32> to vector<16xi32>
        %parallel_loop3A_552 = arith.constant 16 : i32
        %parallel_loop3A_553 = vector.broadcast %parallel_loop3A_552 : i32 to vector<16xi32>
        %parallel_loop3A_554 = arith.shli %parallel_loop3A_551, %parallel_loop3A_553 : vector<16xi32>
        %parallel_loop3A_555 = tpu.bitcast %parallel_loop3A_554 : vector<16xi32> -> vector<16xf32>
        %parallel_loop3A_556 = arith.constant -65536 : i32
        %parallel_loop3A_557 = vector.broadcast %parallel_loop3A_556 : i32 to vector<16xi32>
        %parallel_loop3A_558 = arith.andi %parallel_loop3A_551, %parallel_loop3A_557 : vector<16xi32>
        %parallel_loop3A_559 = tpu.bitcast %parallel_loop3A_558 : vector<16xi32> -> vector<16xf32>
        %parallel_loop3A_560 = arith.index_cast %parallel_loop3A_175 : i32 to index
        %parallel_loop3A_561 = arith.constant 96 : index
        %parallel_loop3A_562 = tpu.vector_load %arg18[%parallel_loop3A_560, %parallel_loop3A_561] {strides = array<i32>} : memref<40x128xi32, #tpu.memory_space<vmem>>, vector<1x16xi32>,
        %parallel_loop3A_563 = vector.shape_cast %parallel_loop3A_562 : vector<1x16xi32> to vector<16xi32>
        %parallel_loop3A_564 = arith.constant 16 : i32
        %parallel_loop3A_565 = vector.broadcast %parallel_loop3A_564 : i32 to vector<16xi32>
        %parallel_loop3A_566 = arith.shli %parallel_loop3A_563, %parallel_loop3A_565 : vector<16xi32>
        %parallel_loop3A_567 = tpu.bitcast %parallel_loop3A_566 : vector<16xi32> -> vector<16xf32>
        %parallel_loop3A_568 = arith.constant -65536 : i32
        %parallel_loop3A_569 = vector.broadcast %parallel_loop3A_568 : i32 to vector<16xi32>
        %parallel_loop3A_570 = arith.andi %parallel_loop3A_563, %parallel_loop3A_569 : vector<16xi32>
        %parallel_loop3A_571 = tpu.bitcast %parallel_loop3A_570 : vector<16xi32> -> vector<16xf32>
        %parallel_loop3A_572 = arith.index_cast %parallel_loop3A_175 : i32 to index
        %parallel_loop3A_573 = arith.constant 96 : index
        %parallel_loop3A_574 = tpu.vector_load %arg19[%parallel_loop3A_572, %parallel_loop3A_573] {strides = array<i32>} : memref<40x128xi32, #tpu.memory_space<vmem>>, vector<1x16xi32>,
        %parallel_loop3A_575 = vector.shape_cast %parallel_loop3A_574 : vector<1x16xi32> to vector<16xi32>
        %parallel_loop3A_576 = arith.constant 16 : i32
        %parallel_loop3A_577 = vector.broadcast %parallel_loop3A_576 : i32 to vector<16xi32>
        %parallel_loop3A_578 = arith.shli %parallel_loop3A_575, %parallel_loop3A_577 : vector<16xi32>
        %parallel_loop3A_579 = tpu.bitcast %parallel_loop3A_578 : vector<16xi32> -> vector<16xf32>
        %parallel_loop3A_580 = arith.constant -65536 : i32
        %parallel_loop3A_581 = vector.broadcast %parallel_loop3A_580 : i32 to vector<16xi32>
        %parallel_loop3A_582 = arith.andi %parallel_loop3A_575, %parallel_loop3A_581 : vector<16xi32>
        %parallel_loop3A_583 = tpu.bitcast %parallel_loop3A_582 : vector<16xi32> -> vector<16xf32>
        %parallel_loop3A_584 = arith.index_cast %parallel_loop3A_175 : i32 to index
        %parallel_loop3A_585 = arith.constant 96 : index
        %parallel_loop3A_586 = tpu.vector_load %arg20[%parallel_loop3A_584, %parallel_loop3A_585] {strides = array<i32>} : memref<40x128xi32, #tpu.memory_space<vmem>>, vector<1x16xi32>,
        %parallel_loop3A_587 = vector.shape_cast %parallel_loop3A_586 : vector<1x16xi32> to vector<16xi32>
        %parallel_loop3A_588 = arith.constant 16 : i32
        %parallel_loop3A_589 = vector.broadcast %parallel_loop3A_588 : i32 to vector<16xi32>
        %parallel_loop3A_590 = arith.shli %parallel_loop3A_587, %parallel_loop3A_589 : vector<16xi32>
        %parallel_loop3A_591 = tpu.bitcast %parallel_loop3A_590 : vector<16xi32> -> vector<16xf32>
        %parallel_loop3A_592 = arith.constant -65536 : i32
        %parallel_loop3A_593 = vector.broadcast %parallel_loop3A_592 : i32 to vector<16xi32>
        %parallel_loop3A_594 = arith.andi %parallel_loop3A_587, %parallel_loop3A_593 : vector<16xi32>
        %parallel_loop3A_595 = tpu.bitcast %parallel_loop3A_594 : vector<16xi32> -> vector<16xf32>
        %parallel_loop3A_596 = arith.addf %parallel_loop3A_531, %parallel_loop3A_543 : vector<16xf32>
        %parallel_loop3A_597 = arith.addf %parallel_loop3A_596, %parallel_loop3A_555 : vector<16xf32>
        %parallel_loop3A_598 = arith.addf %parallel_loop3A_567, %parallel_loop3A_579 : vector<16xf32>
        %parallel_loop3A_599 = arith.addf %parallel_loop3A_598, %parallel_loop3A_591 : vector<16xf32>
        %parallel_loop3A_600 = arith.addf %parallel_loop3A_535, %parallel_loop3A_547 : vector<16xf32>
        %parallel_loop3A_601 = arith.addf %parallel_loop3A_600, %parallel_loop3A_559 : vector<16xf32>
        %parallel_loop3A_602 = arith.addf %parallel_loop3A_571, %parallel_loop3A_583 : vector<16xf32>
        %parallel_loop3A_603 = arith.addf %parallel_loop3A_602, %parallel_loop3A_595 : vector<16xf32>
        %parallel_loop3A_604 = arith.constant 0.000000e+00 : f32
        %parallel_loop3A_605 = vector.broadcast %parallel_loop3A_604 : f32 to vector<16xf32>
        %parallel_loop3A_606 = arith.subf %parallel_loop3A_605, %parallel_loop3A_597 : vector<16xf32>
        %parallel_loop3A_607 = math.exp %parallel_loop3A_606 : vector<16xf32>
        %parallel_loop3A_608 = math.absf %parallel_loop3A_599 : vector<16xf32>
        %parallel_loop3A_609 = arith.constant 0.000000e+00 : f32
        %parallel_loop3A_610 = vector.broadcast %parallel_loop3A_609 : f32 to vector<16xf32>
        %parallel_loop3A_611 = arith.subf %parallel_loop3A_610, %parallel_loop3A_608 : vector<16xf32>
        %parallel_loop3A_612 = math.exp %parallel_loop3A_611 : vector<16xf32>
        %parallel_loop3A_613 = arith.constant 2.000000e+00 : f32
        %parallel_loop3A_614 = vector.broadcast %parallel_loop3A_613 : f32 to vector<16xf32>
        %parallel_loop3A_615 = arith.addf %parallel_loop3A_612, %parallel_loop3A_614 : vector<16xf32>
        %parallel_loop3A_616 = arith.divf %parallel_loop3A_612, %parallel_loop3A_615 : vector<16xf32>
        %parallel_loop3A_617 = arith.mulf %parallel_loop3A_616, %parallel_loop3A_616 : vector<16xf32>
        %parallel_loop3A_618 = arith.constant 0.142857149 : f32
        %parallel_loop3A_619 = vector.broadcast %parallel_loop3A_618 : f32 to vector<16xf32>
        %parallel_loop3A_620 = arith.mulf %parallel_loop3A_617, %parallel_loop3A_619 : vector<16xf32>
        %parallel_loop3A_621 = arith.constant 2.000000e-01 : f32
        %parallel_loop3A_622 = vector.broadcast %parallel_loop3A_621 : f32 to vector<16xf32>
        %parallel_loop3A_623 = arith.addf %parallel_loop3A_622, %parallel_loop3A_620 : vector<16xf32>
        %parallel_loop3A_624 = arith.mulf %parallel_loop3A_617, %parallel_loop3A_623 : vector<16xf32>
        %parallel_loop3A_625 = arith.constant 0.333333343 : f32
        %parallel_loop3A_626 = vector.broadcast %parallel_loop3A_625 : f32 to vector<16xf32>
        %parallel_loop3A_627 = arith.addf %parallel_loop3A_626, %parallel_loop3A_624 : vector<16xf32>
        %parallel_loop3A_628 = arith.mulf %parallel_loop3A_617, %parallel_loop3A_627 : vector<16xf32>
        %parallel_loop3A_629 = arith.constant 1.000000e+00 : f32
        %parallel_loop3A_630 = vector.broadcast %parallel_loop3A_629 : f32 to vector<16xf32>
        %parallel_loop3A_631 = arith.addf %parallel_loop3A_630, %parallel_loop3A_628 : vector<16xf32>
        %parallel_loop3A_632 = arith.constant 0.000000e+00 : f32
        %parallel_loop3A_633 = vector.broadcast %parallel_loop3A_632 : f32 to vector<16xf32>
        %parallel_loop3A_634 = arith.maximumf %parallel_loop3A_599, %parallel_loop3A_633 : vector<16xf32>
        %parallel_loop3A_635 = arith.mulf %parallel_loop3A_634, %parallel_loop3A_615 : vector<16xf32>
        %parallel_loop3A_636 = arith.constant 2.000000e+00 : f32
        %parallel_loop3A_637 = vector.broadcast %parallel_loop3A_636 : f32 to vector<16xf32>
        %parallel_loop3A_638 = arith.mulf %parallel_loop3A_637, %parallel_loop3A_612 : vector<16xf32>
        %parallel_loop3A_639 = arith.mulf %parallel_loop3A_638, %parallel_loop3A_631 : vector<16xf32>
        %parallel_loop3A_640 = arith.addf %parallel_loop3A_635, %parallel_loop3A_639 : vector<16xf32>
        %parallel_loop3A_641 = arith.constant 1.000000e+00 : f32
        %parallel_loop3A_642 = vector.broadcast %parallel_loop3A_641 : f32 to vector<16xf32>
        %parallel_loop3A_643 = arith.addf %parallel_loop3A_642, %parallel_loop3A_607 : vector<16xf32>
        %parallel_loop3A_644 = arith.mulf %parallel_loop3A_615, %parallel_loop3A_643 : vector<16xf32>
        %parallel_loop3A_645 = arith.divf %parallel_loop3A_640, %parallel_loop3A_644 : vector<16xf32>
        %parallel_loop3A_646 = arith.index_cast %parallel_loop3A_175 : i32 to index
        %parallel_loop3A_647 = arith.constant 64 : index
        %parallel_loop3A_648 = tpu.vector_load %arg21[%parallel_loop3A_646, %parallel_loop3A_647] {strides = array<i32>} : memref<40x128xf32, #tpu.memory_space<vmem>>, vector<1x16xf32>,
        %parallel_loop3A_649 = vector.shape_cast %parallel_loop3A_648 : vector<1x16xf32> to vector<16xf32>
        %parallel_loop3A_650 = vector.shape_cast %parallel_loop3A_645 : vector<16xf32> to vector<1x16xf32>
        tpu.vector_store %arg21[%parallel_loop3A_646, %parallel_loop3A_647], %parallel_loop3A_650 {strides = array<i32>} : memref<40x128xf32, #tpu.memory_space<vmem>>, vector<1x16xf32>,
        %parallel_loop3A_651 = arith.constant 0.000000e+00 : f32
        %parallel_loop3A_652 = vector.broadcast %parallel_loop3A_651 : f32 to vector<16xf32>
        %parallel_loop3A_653 = arith.subf %parallel_loop3A_652, %parallel_loop3A_601 : vector<16xf32>
        %parallel_loop3A_654 = math.exp %parallel_loop3A_653 : vector<16xf32>
        %parallel_loop3A_655 = math.absf %parallel_loop3A_603 : vector<16xf32>
        %parallel_loop3A_656 = arith.constant 0.000000e+00 : f32
        %parallel_loop3A_657 = vector.broadcast %parallel_loop3A_656 : f32 to vector<16xf32>
        %parallel_loop3A_658 = arith.subf %parallel_loop3A_657, %parallel_loop3A_655 : vector<16xf32>
        %parallel_loop3A_659 = math.exp %parallel_loop3A_658 : vector<16xf32>
        %parallel_loop3A_660 = arith.constant 2.000000e+00 : f32
        %parallel_loop3A_661 = vector.broadcast %parallel_loop3A_660 : f32 to vector<16xf32>
        %parallel_loop3A_662 = arith.addf %parallel_loop3A_659, %parallel_loop3A_661 : vector<16xf32>
        %parallel_loop3A_663 = arith.divf %parallel_loop3A_659, %parallel_loop3A_662 : vector<16xf32>
        %parallel_loop3A_664 = arith.mulf %parallel_loop3A_663, %parallel_loop3A_663 : vector<16xf32>
        %parallel_loop3A_665 = arith.constant 0.142857149 : f32
        %parallel_loop3A_666 = vector.broadcast %parallel_loop3A_665 : f32 to vector<16xf32>
        %parallel_loop3A_667 = arith.mulf %parallel_loop3A_664, %parallel_loop3A_666 : vector<16xf32>
        %parallel_loop3A_668 = arith.constant 2.000000e-01 : f32
        %parallel_loop3A_669 = vector.broadcast %parallel_loop3A_668 : f32 to vector<16xf32>
        %parallel_loop3A_670 = arith.addf %parallel_loop3A_669, %parallel_loop3A_667 : vector<16xf32>
        %parallel_loop3A_671 = arith.mulf %parallel_loop3A_664, %parallel_loop3A_670 : vector<16xf32>
        %parallel_loop3A_672 = arith.constant 0.333333343 : f32
        %parallel_loop3A_673 = vector.broadcast %parallel_loop3A_672 : f32 to vector<16xf32>
        %parallel_loop3A_674 = arith.addf %parallel_loop3A_673, %parallel_loop3A_671 : vector<16xf32>
        %parallel_loop3A_675 = arith.mulf %parallel_loop3A_664, %parallel_loop3A_674 : vector<16xf32>
        %parallel_loop3A_676 = arith.constant 1.000000e+00 : f32
        %parallel_loop3A_677 = vector.broadcast %parallel_loop3A_676 : f32 to vector<16xf32>
        %parallel_loop3A_678 = arith.addf %parallel_loop3A_677, %parallel_loop3A_675 : vector<16xf32>
        %parallel_loop3A_679 = arith.constant 0.000000e+00 : f32
        %parallel_loop3A_680 = vector.broadcast %parallel_loop3A_679 : f32 to vector<16xf32>
        %parallel_loop3A_681 = arith.maximumf %parallel_loop3A_603, %parallel_loop3A_680 : vector<16xf32>
        %parallel_loop3A_682 = arith.mulf %parallel_loop3A_681, %parallel_loop3A_662 : vector<16xf32>
        %parallel_loop3A_683 = arith.constant 2.000000e+00 : f32
        %parallel_loop3A_684 = vector.broadcast %parallel_loop3A_683 : f32 to vector<16xf32>
        %parallel_loop3A_685 = arith.mulf %parallel_loop3A_684, %parallel_loop3A_659 : vector<16xf32>
        %parallel_loop3A_686 = arith.mulf %parallel_loop3A_685, %parallel_loop3A_678 : vector<16xf32>
        %parallel_loop3A_687 = arith.addf %parallel_loop3A_682, %parallel_loop3A_686 : vector<16xf32>
        %parallel_loop3A_688 = arith.constant 1.000000e+00 : f32
        %parallel_loop3A_689 = vector.broadcast %parallel_loop3A_688 : f32 to vector<16xf32>
        %parallel_loop3A_690 = arith.addf %parallel_loop3A_689, %parallel_loop3A_654 : vector<16xf32>
        %parallel_loop3A_691 = arith.mulf %parallel_loop3A_662, %parallel_loop3A_690 : vector<16xf32>
        %parallel_loop3A_692 = arith.divf %parallel_loop3A_687, %parallel_loop3A_691 : vector<16xf32>
        %parallel_loop3A_693 = arith.index_cast %parallel_loop3A_175 : i32 to index
        %parallel_loop3A_694 = arith.constant 80 : index
        %parallel_loop3A_695 = tpu.vector_load %arg21[%parallel_loop3A_693, %parallel_loop3A_694] {strides = array<i32>} : memref<40x128xf32, #tpu.memory_space<vmem>>, vector<1x16xf32>,
        %parallel_loop3A_696 = vector.shape_cast %parallel_loop3A_695 : vector<1x16xf32> to vector<16xf32>
        %parallel_loop3A_697 = vector.shape_cast %parallel_loop3A_692 : vector<16xf32> to vector<1x16xf32>
        tpu.vector_store %arg21[%parallel_loop3A_693, %parallel_loop3A_694], %parallel_loop3A_697 {strides = array<i32>} : memref<40x128xf32, #tpu.memory_space<vmem>>, vector<1x16xf32>,
        %parallel_loop3A_698 = arith.index_cast %parallel_loop3A_175 : i32 to index
        %parallel_loop3A_699 = arith.constant 48 : index
        %parallel_loop3A_700 = tpu.vector_load %arg18[%parallel_loop3A_698, %parallel_loop3A_699] {strides = array<i32>} : memref<40x128xi32, #tpu.memory_space<vmem>>, vector<1x16xi32>,
        %parallel_loop3A_701 = vector.shape_cast %parallel_loop3A_700 : vector<1x16xi32> to vector<16xi32>
        %parallel_loop3A_702 = arith.constant 16 : i32
        %parallel_loop3A_703 = vector.broadcast %parallel_loop3A_702 : i32 to vector<16xi32>
        %parallel_loop3A_704 = arith.shli %parallel_loop3A_701, %parallel_loop3A_703 : vector<16xi32>
        %parallel_loop3A_705 = tpu.bitcast %parallel_loop3A_704 : vector<16xi32> -> vector<16xf32>
        %parallel_loop3A_706 = arith.constant -65536 : i32
        %parallel_loop3A_707 = vector.broadcast %parallel_loop3A_706 : i32 to vector<16xi32>
        %parallel_loop3A_708 = arith.andi %parallel_loop3A_701, %parallel_loop3A_707 : vector<16xi32>
        %parallel_loop3A_709 = tpu.bitcast %parallel_loop3A_708 : vector<16xi32> -> vector<16xf32>
        %parallel_loop3A_710 = arith.index_cast %parallel_loop3A_175 : i32 to index
        %parallel_loop3A_711 = arith.constant 48 : index
        %parallel_loop3A_712 = tpu.vector_load %arg19[%parallel_loop3A_710, %parallel_loop3A_711] {strides = array<i32>} : memref<40x128xi32, #tpu.memory_space<vmem>>, vector<1x16xi32>,
        %parallel_loop3A_713 = vector.shape_cast %parallel_loop3A_712 : vector<1x16xi32> to vector<16xi32>
        %parallel_loop3A_714 = arith.constant 16 : i32
        %parallel_loop3A_715 = vector.broadcast %parallel_loop3A_714 : i32 to vector<16xi32>
        %parallel_loop3A_716 = arith.shli %parallel_loop3A_713, %parallel_loop3A_715 : vector<16xi32>
        %parallel_loop3A_717 = tpu.bitcast %parallel_loop3A_716 : vector<16xi32> -> vector<16xf32>
        %parallel_loop3A_718 = arith.constant -65536 : i32
        %parallel_loop3A_719 = vector.broadcast %parallel_loop3A_718 : i32 to vector<16xi32>
        %parallel_loop3A_720 = arith.andi %parallel_loop3A_713, %parallel_loop3A_719 : vector<16xi32>
        %parallel_loop3A_721 = tpu.bitcast %parallel_loop3A_720 : vector<16xi32> -> vector<16xf32>
        %parallel_loop3A_722 = arith.index_cast %parallel_loop3A_175 : i32 to index
        %parallel_loop3A_723 = arith.constant 48 : index
        %parallel_loop3A_724 = tpu.vector_load %arg20[%parallel_loop3A_722, %parallel_loop3A_723] {strides = array<i32>} : memref<40x128xi32, #tpu.memory_space<vmem>>, vector<1x16xi32>,
        %parallel_loop3A_725 = vector.shape_cast %parallel_loop3A_724 : vector<1x16xi32> to vector<16xi32>
        %parallel_loop3A_726 = arith.constant 16 : i32
        %parallel_loop3A_727 = vector.broadcast %parallel_loop3A_726 : i32 to vector<16xi32>
        %parallel_loop3A_728 = arith.shli %parallel_loop3A_725, %parallel_loop3A_727 : vector<16xi32>
        %parallel_loop3A_729 = tpu.bitcast %parallel_loop3A_728 : vector<16xi32> -> vector<16xf32>
        %parallel_loop3A_730 = arith.constant -65536 : i32
        %parallel_loop3A_731 = vector.broadcast %parallel_loop3A_730 : i32 to vector<16xi32>
        %parallel_loop3A_732 = arith.andi %parallel_loop3A_725, %parallel_loop3A_731 : vector<16xi32>
        %parallel_loop3A_733 = tpu.bitcast %parallel_loop3A_732 : vector<16xi32> -> vector<16xf32>
        %parallel_loop3A_734 = arith.index_cast %parallel_loop3A_175 : i32 to index
        %parallel_loop3A_735 = arith.constant 112 : index
        %parallel_loop3A_736 = tpu.vector_load %arg18[%parallel_loop3A_734, %parallel_loop3A_735] {strides = array<i32>} : memref<40x128xi32, #tpu.memory_space<vmem>>, vector<1x16xi32>,
        %parallel_loop3A_737 = vector.shape_cast %parallel_loop3A_736 : vector<1x16xi32> to vector<16xi32>
        %parallel_loop3A_738 = arith.constant 16 : i32
        %parallel_loop3A_739 = vector.broadcast %parallel_loop3A_738 : i32 to vector<16xi32>
        %parallel_loop3A_740 = arith.shli %parallel_loop3A_737, %parallel_loop3A_739 : vector<16xi32>
        %parallel_loop3A_741 = tpu.bitcast %parallel_loop3A_740 : vector<16xi32> -> vector<16xf32>
        %parallel_loop3A_742 = arith.constant -65536 : i32
        %parallel_loop3A_743 = vector.broadcast %parallel_loop3A_742 : i32 to vector<16xi32>
        %parallel_loop3A_744 = arith.andi %parallel_loop3A_737, %parallel_loop3A_743 : vector<16xi32>
        %parallel_loop3A_745 = tpu.bitcast %parallel_loop3A_744 : vector<16xi32> -> vector<16xf32>
        %parallel_loop3A_746 = arith.index_cast %parallel_loop3A_175 : i32 to index
        %parallel_loop3A_747 = arith.constant 112 : index
        %parallel_loop3A_748 = tpu.vector_load %arg19[%parallel_loop3A_746, %parallel_loop3A_747] {strides = array<i32>} : memref<40x128xi32, #tpu.memory_space<vmem>>, vector<1x16xi32>,
        %parallel_loop3A_749 = vector.shape_cast %parallel_loop3A_748 : vector<1x16xi32> to vector<16xi32>
        %parallel_loop3A_750 = arith.constant 16 : i32
        %parallel_loop3A_751 = vector.broadcast %parallel_loop3A_750 : i32 to vector<16xi32>
        %parallel_loop3A_752 = arith.shli %parallel_loop3A_749, %parallel_loop3A_751 : vector<16xi32>
        %parallel_loop3A_753 = tpu.bitcast %parallel_loop3A_752 : vector<16xi32> -> vector<16xf32>
        %parallel_loop3A_754 = arith.constant -65536 : i32
        %parallel_loop3A_755 = vector.broadcast %parallel_loop3A_754 : i32 to vector<16xi32>
        %parallel_loop3A_756 = arith.andi %parallel_loop3A_749, %parallel_loop3A_755 : vector<16xi32>
        %parallel_loop3A_757 = tpu.bitcast %parallel_loop3A_756 : vector<16xi32> -> vector<16xf32>
        %parallel_loop3A_758 = arith.index_cast %parallel_loop3A_175 : i32 to index
        %parallel_loop3A_759 = arith.constant 112 : index
        %parallel_loop3A_760 = tpu.vector_load %arg20[%parallel_loop3A_758, %parallel_loop3A_759] {strides = array<i32>} : memref<40x128xi32, #tpu.memory_space<vmem>>, vector<1x16xi32>,
        %parallel_loop3A_761 = vector.shape_cast %parallel_loop3A_760 : vector<1x16xi32> to vector<16xi32>
        %parallel_loop3A_762 = arith.constant 16 : i32
        %parallel_loop3A_763 = vector.broadcast %parallel_loop3A_762 : i32 to vector<16xi32>
        %parallel_loop3A_764 = arith.shli %parallel_loop3A_761, %parallel_loop3A_763 : vector<16xi32>
        %parallel_loop3A_765 = tpu.bitcast %parallel_loop3A_764 : vector<16xi32> -> vector<16xf32>
        %parallel_loop3A_766 = arith.constant -65536 : i32
        %parallel_loop3A_767 = vector.broadcast %parallel_loop3A_766 : i32 to vector<16xi32>
        %parallel_loop3A_768 = arith.andi %parallel_loop3A_761, %parallel_loop3A_767 : vector<16xi32>
        %parallel_loop3A_769 = tpu.bitcast %parallel_loop3A_768 : vector<16xi32> -> vector<16xf32>
        %parallel_loop3A_770 = arith.addf %parallel_loop3A_705, %parallel_loop3A_717 : vector<16xf32>
        %parallel_loop3A_771 = arith.addf %parallel_loop3A_770, %parallel_loop3A_729 : vector<16xf32>
        %parallel_loop3A_772 = arith.addf %parallel_loop3A_741, %parallel_loop3A_753 : vector<16xf32>
        %parallel_loop3A_773 = arith.addf %parallel_loop3A_772, %parallel_loop3A_765 : vector<16xf32>
        %parallel_loop3A_774 = arith.addf %parallel_loop3A_709, %parallel_loop3A_721 : vector<16xf32>
        %parallel_loop3A_775 = arith.addf %parallel_loop3A_774, %parallel_loop3A_733 : vector<16xf32>
        %parallel_loop3A_776 = arith.addf %parallel_loop3A_745, %parallel_loop3A_757 : vector<16xf32>
        %parallel_loop3A_777 = arith.addf %parallel_loop3A_776, %parallel_loop3A_769 : vector<16xf32>
        %parallel_loop3A_778 = arith.constant 0.000000e+00 : f32
        %parallel_loop3A_779 = vector.broadcast %parallel_loop3A_778 : f32 to vector<16xf32>
        %parallel_loop3A_780 = arith.subf %parallel_loop3A_779, %parallel_loop3A_771 : vector<16xf32>
        %parallel_loop3A_781 = math.exp %parallel_loop3A_780 : vector<16xf32>
        %parallel_loop3A_782 = math.absf %parallel_loop3A_773 : vector<16xf32>
        %parallel_loop3A_783 = arith.constant 0.000000e+00 : f32
        %parallel_loop3A_784 = vector.broadcast %parallel_loop3A_783 : f32 to vector<16xf32>
        %parallel_loop3A_785 = arith.subf %parallel_loop3A_784, %parallel_loop3A_782 : vector<16xf32>
        %parallel_loop3A_786 = math.exp %parallel_loop3A_785 : vector<16xf32>
        %parallel_loop3A_787 = arith.constant 2.000000e+00 : f32
        %parallel_loop3A_788 = vector.broadcast %parallel_loop3A_787 : f32 to vector<16xf32>
        %parallel_loop3A_789 = arith.addf %parallel_loop3A_786, %parallel_loop3A_788 : vector<16xf32>
        %parallel_loop3A_790 = arith.divf %parallel_loop3A_786, %parallel_loop3A_789 : vector<16xf32>
        %parallel_loop3A_791 = arith.mulf %parallel_loop3A_790, %parallel_loop3A_790 : vector<16xf32>
        %parallel_loop3A_792 = arith.constant 0.142857149 : f32
        %parallel_loop3A_793 = vector.broadcast %parallel_loop3A_792 : f32 to vector<16xf32>
        %parallel_loop3A_794 = arith.mulf %parallel_loop3A_791, %parallel_loop3A_793 : vector<16xf32>
        %parallel_loop3A_795 = arith.constant 2.000000e-01 : f32
        %parallel_loop3A_796 = vector.broadcast %parallel_loop3A_795 : f32 to vector<16xf32>
        %parallel_loop3A_797 = arith.addf %parallel_loop3A_796, %parallel_loop3A_794 : vector<16xf32>
        %parallel_loop3A_798 = arith.mulf %parallel_loop3A_791, %parallel_loop3A_797 : vector<16xf32>
        %parallel_loop3A_799 = arith.constant 0.333333343 : f32
        %parallel_loop3A_800 = vector.broadcast %parallel_loop3A_799 : f32 to vector<16xf32>
        %parallel_loop3A_801 = arith.addf %parallel_loop3A_800, %parallel_loop3A_798 : vector<16xf32>
        %parallel_loop3A_802 = arith.mulf %parallel_loop3A_791, %parallel_loop3A_801 : vector<16xf32>
        %parallel_loop3A_803 = arith.constant 1.000000e+00 : f32
        %parallel_loop3A_804 = vector.broadcast %parallel_loop3A_803 : f32 to vector<16xf32>
        %parallel_loop3A_805 = arith.addf %parallel_loop3A_804, %parallel_loop3A_802 : vector<16xf32>
        %parallel_loop3A_806 = arith.constant 0.000000e+00 : f32
        %parallel_loop3A_807 = vector.broadcast %parallel_loop3A_806 : f32 to vector<16xf32>
        %parallel_loop3A_808 = arith.maximumf %parallel_loop3A_773, %parallel_loop3A_807 : vector<16xf32>
        %parallel_loop3A_809 = arith.mulf %parallel_loop3A_808, %parallel_loop3A_789 : vector<16xf32>
        %parallel_loop3A_810 = arith.constant 2.000000e+00 : f32
        %parallel_loop3A_811 = vector.broadcast %parallel_loop3A_810 : f32 to vector<16xf32>
        %parallel_loop3A_812 = arith.mulf %parallel_loop3A_811, %parallel_loop3A_786 : vector<16xf32>
        %parallel_loop3A_813 = arith.mulf %parallel_loop3A_812, %parallel_loop3A_805 : vector<16xf32>
        %parallel_loop3A_814 = arith.addf %parallel_loop3A_809, %parallel_loop3A_813 : vector<16xf32>
        %parallel_loop3A_815 = arith.constant 1.000000e+00 : f32
        %parallel_loop3A_816 = vector.broadcast %parallel_loop3A_815 : f32 to vector<16xf32>
        %parallel_loop3A_817 = arith.addf %parallel_loop3A_816, %parallel_loop3A_781 : vector<16xf32>
        %parallel_loop3A_818 = arith.mulf %parallel_loop3A_789, %parallel_loop3A_817 : vector<16xf32>
        %parallel_loop3A_819 = arith.divf %parallel_loop3A_814, %parallel_loop3A_818 : vector<16xf32>
        %parallel_loop3A_820 = arith.index_cast %parallel_loop3A_175 : i32 to index
        %parallel_loop3A_821 = arith.constant 96 : index
        %parallel_loop3A_822 = tpu.vector_load %arg21[%parallel_loop3A_820, %parallel_loop3A_821] {strides = array<i32>} : memref<40x128xf32, #tpu.memory_space<vmem>>, vector<1x16xf32>,
        %parallel_loop3A_823 = vector.shape_cast %parallel_loop3A_822 : vector<1x16xf32> to vector<16xf32>
        %parallel_loop3A_824 = vector.shape_cast %parallel_loop3A_819 : vector<16xf32> to vector<1x16xf32>
        tpu.vector_store %arg21[%parallel_loop3A_820, %parallel_loop3A_821], %parallel_loop3A_824 {strides = array<i32>} : memref<40x128xf32, #tpu.memory_space<vmem>>, vector<1x16xf32>,
        %parallel_loop3A_825 = arith.constant 0.000000e+00 : f32
        %parallel_loop3A_826 = vector.broadcast %parallel_loop3A_825 : f32 to vector<16xf32>
        %parallel_loop3A_827 = arith.subf %parallel_loop3A_826, %parallel_loop3A_775 : vector<16xf32>
        %parallel_loop3A_828 = math.exp %parallel_loop3A_827 : vector<16xf32>
        %parallel_loop3A_829 = math.absf %parallel_loop3A_777 : vector<16xf32>
        %parallel_loop3A_830 = arith.constant 0.000000e+00 : f32
        %parallel_loop3A_831 = vector.broadcast %parallel_loop3A_830 : f32 to vector<16xf32>
        %parallel_loop3A_832 = arith.subf %parallel_loop3A_831, %parallel_loop3A_829 : vector<16xf32>
        %parallel_loop3A_833 = math.exp %parallel_loop3A_832 : vector<16xf32>
        %parallel_loop3A_834 = arith.constant 2.000000e+00 : f32
        %parallel_loop3A_835 = vector.broadcast %parallel_loop3A_834 : f32 to vector<16xf32>
        %parallel_loop3A_836 = arith.addf %parallel_loop3A_833, %parallel_loop3A_835 : vector<16xf32>
        %parallel_loop3A_837 = arith.divf %parallel_loop3A_833, %parallel_loop3A_836 : vector<16xf32>
        %parallel_loop3A_838 = arith.mulf %parallel_loop3A_837, %parallel_loop3A_837 : vector<16xf32>
        %parallel_loop3A_839 = arith.constant 0.142857149 : f32
        %parallel_loop3A_840 = vector.broadcast %parallel_loop3A_839 : f32 to vector<16xf32>
        %parallel_loop3A_841 = arith.mulf %parallel_loop3A_838, %parallel_loop3A_840 : vector<16xf32>
        %parallel_loop3A_842 = arith.constant 2.000000e-01 : f32
        %parallel_loop3A_843 = vector.broadcast %parallel_loop3A_842 : f32 to vector<16xf32>
        %parallel_loop3A_844 = arith.addf %parallel_loop3A_843, %parallel_loop3A_841 : vector<16xf32>
        %parallel_loop3A_845 = arith.mulf %parallel_loop3A_838, %parallel_loop3A_844 : vector<16xf32>
        %parallel_loop3A_846 = arith.constant 0.333333343 : f32
        %parallel_loop3A_847 = vector.broadcast %parallel_loop3A_846 : f32 to vector<16xf32>
        %parallel_loop3A_848 = arith.addf %parallel_loop3A_847, %parallel_loop3A_845 : vector<16xf32>
        %parallel_loop3A_849 = arith.mulf %parallel_loop3A_838, %parallel_loop3A_848 : vector<16xf32>
        %parallel_loop3A_850 = arith.constant 1.000000e+00 : f32
        %parallel_loop3A_851 = vector.broadcast %parallel_loop3A_850 : f32 to vector<16xf32>
        %parallel_loop3A_852 = arith.addf %parallel_loop3A_851, %parallel_loop3A_849 : vector<16xf32>
        %parallel_loop3A_853 = arith.constant 0.000000e+00 : f32
        %parallel_loop3A_854 = vector.broadcast %parallel_loop3A_853 : f32 to vector<16xf32>
        %parallel_loop3A_855 = arith.maximumf %parallel_loop3A_777, %parallel_loop3A_854 : vector<16xf32>
        %parallel_loop3A_856 = arith.mulf %parallel_loop3A_855, %parallel_loop3A_836 : vector<16xf32>
        %parallel_loop3A_857 = arith.constant 2.000000e+00 : f32
        %parallel_loop3A_858 = vector.broadcast %parallel_loop3A_857 : f32 to vector<16xf32>
        %parallel_loop3A_859 = arith.mulf %parallel_loop3A_858, %parallel_loop3A_833 : vector<16xf32>
        %parallel_loop3A_860 = arith.mulf %parallel_loop3A_859, %parallel_loop3A_852 : vector<16xf32>
        %parallel_loop3A_861 = arith.addf %parallel_loop3A_856, %parallel_loop3A_860 : vector<16xf32>
        %parallel_loop3A_862 = arith.constant 1.000000e+00 : f32
        %parallel_loop3A_863 = vector.broadcast %parallel_loop3A_862 : f32 to vector<16xf32>
        %parallel_loop3A_864 = arith.addf %parallel_loop3A_863, %parallel_loop3A_828 : vector<16xf32>
        %parallel_loop3A_865 = arith.mulf %parallel_loop3A_836, %parallel_loop3A_864 : vector<16xf32>
        %parallel_loop3A_866 = arith.divf %parallel_loop3A_861, %parallel_loop3A_865 : vector<16xf32>
        %parallel_loop3A_867 = arith.index_cast %parallel_loop3A_175 : i32 to index
        %parallel_loop3A_868 = arith.constant 112 : index
        %parallel_loop3A_869 = tpu.vector_load %arg21[%parallel_loop3A_867, %parallel_loop3A_868] {strides = array<i32>} : memref<40x128xf32, #tpu.memory_space<vmem>>, vector<1x16xf32>,
        %parallel_loop3A_870 = vector.shape_cast %parallel_loop3A_869 : vector<1x16xf32> to vector<16xf32>
        %parallel_loop3A_871 = vector.shape_cast %parallel_loop3A_866 : vector<16xf32> to vector<1x16xf32>
        tpu.vector_store %arg21[%parallel_loop3A_867, %parallel_loop3A_868], %parallel_loop3A_871 {strides = array<i32>} : memref<40x128xf32, #tpu.memory_space<vmem>>, vector<1x16xf32>,
      } {sc.loop_unroll_factor = 2 : i64, sc.parallel_access}
      %get3A_151 = arith.constant 0 : index
      %get3A_152 = tpu.vector_load %arg15[%get3A_151] {strides = array<i32>} : memref<40xi32, #tpu.memory_space<vmem>>, vector<16xi32>,
      %get3A_153 = vector.shape_cast %get3A_152 : vector<16xi32> to vector<16xi32>
      %swap3A_154 = arith.constant 0 : index
      %swap3A_155 = tpu.vector_load %arg17[%swap3A_154] {strides = array<i32>} : memref<40xi32, #tpu.memory_space<vmem>>, vector<16xi32>,
      %swap3A_156 = vector.shape_cast %swap3A_155 : vector<16xi32> to vector<16xi32>
      %swap3A_157 = vector.shape_cast %get3A_153 : vector<16xi32> to vector<16xi32>
      tpu.vector_store %arg17[%swap3A_154], %swap3A_157 {strides = array<i32>} : memref<40xi32, #tpu.memory_space<vmem>>, vector<16xi32>,
      %get3A_158 = arith.constant 16 : index
      %get3A_159 = tpu.vector_load %arg15[%get3A_158] {strides = array<i32>} : memref<40xi32, #tpu.memory_space<vmem>>, vector<16xi32>,
      %get3A_160 = vector.shape_cast %get3A_159 : vector<16xi32> to vector<16xi32>
      %swap3A_161 = arith.constant 16 : index
      %swap3A_162 = tpu.vector_load %arg17[%swap3A_161] {strides = array<i32>} : memref<40xi32, #tpu.memory_space<vmem>>, vector<16xi32>,
      %swap3A_163 = vector.shape_cast %swap3A_162 : vector<16xi32> to vector<16xi32>
      %swap3A_164 = vector.shape_cast %get3A_160 : vector<16xi32> to vector<16xi32>
      tpu.vector_store %arg17[%swap3A_161], %swap3A_164 {strides = array<i32>} : memref<40xi32, #tpu.memory_space<vmem>>, vector<16xi32>,
      %get3A_165 = arith.constant 24 : index
      %get3A_166 = tpu.vector_load %arg15[%get3A_165] {strides = array<i32>} : memref<40xi32, #tpu.memory_space<vmem>>, vector<16xi32>,
      %get3A_167 = vector.shape_cast %get3A_166 : vector<16xi32> to vector<16xi32>
      %swap3A_168 = arith.constant 24 : index
      %swap3A_169 = tpu.vector_load %arg17[%swap3A_168] {strides = array<i32>} : memref<40xi32, #tpu.memory_space<vmem>>, vector<16xi32>,
      %swap3A_170 = vector.shape_cast %swap3A_169 : vector<16xi32> to vector<16xi32>
      %swap3A_171 = vector.shape_cast %get3A_167 : vector<16xi32> to vector<16xi32>
      tpu.vector_store %arg17[%swap3A_168], %swap3A_171 {strides = array<i32>} : memref<40xi32, #tpu.memory_space<vmem>>, vector<16xi32>,
      %dma_start3A_172 = arith.constant 0 : i32
      %dma_start3A_173 = arith.constant 0 : i32
      %dma_start3A_174 = tpu.memref_slice %arg23[%dma_start3A_172, %dma_start3A_173] : memref<10240x128xf32, #tpu.memory_space<vmem_shared>> -> memref<10240x128xf32, #tpu.memory_space<vmem_shared>>
      tpu.enqueue_indirect_dma source(%arg21 : memref<40x128xf32, #tpu.memory_space<vmem>>) target(%dma_start3A_174 : memref<10240x128xf32, #tpu.memory_space<vmem_shared>>) offsets(%arg17 : memref<40xi32, #tpu.memory_space<vmem>>) semaphore(%arg31 : memref<!tpu.dma_semaphore, #tpu.memory_space<semaphore_mem>>) {add = true}
    }
    %scan3A_29 = arith.constant 125 : i32
    %dma_wait3A = arith.constant 0 : i32
    %dma_wait3A_30 = arith.constant 0 : i32
    %dma_wait3A_31 = tpu.memref_slice %arg23[%dma_wait3A, %dma_wait3A_30] : memref<10240x128xf32, #tpu.memory_space<vmem_shared>> -> memref<10240x128xf32, #tpu.memory_space<vmem_shared>>
    tpu.wait_indirect_dma semaphore(%arg31 : memref<!tpu.dma_semaphore, #tpu.memory_space<semaphore_mem>>) src(%arg21 : memref<40x128xf32, #tpu.memory_space<vmem>>) dst(%dma_wait3A_31 : memref<10240x128xf32, #tpu.memory_space<vmem_shared>>)
    %dma_wait3A_32 = arith.constant 0 : i32
    %dma_wait3A_33 = arith.constant 0 : i32
    %dma_wait3A_34 = tpu.memref_slice %arg4[%dma_wait3A_32, %dma_wait3A_33] : memref<10000x128xi32, #tpu.memory_space<hbm>> -> memref<10000x128xi32, #tpu.memory_space<hbm>>
    tpu.wait_indirect_dma semaphore(%arg24 : memref<!tpu.dma_semaphore, #tpu.memory_space<semaphore_mem>>) src(%dma_wait3A_34 : memref<10000x128xi32, #tpu.memory_space<hbm>>) dst(%arg11 : memref<40x128xi32, #tpu.memory_space<vmem>>)
    %dma_wait3A_35 = arith.constant 0 : i32
    %dma_wait3A_36 = arith.constant 0 : i32
    %dma_wait3A_37 = tpu.memref_slice %arg5[%dma_wait3A_35, %dma_wait3A_36] : memref<10000x128xi32, #tpu.memory_space<hbm>> -> memref<10000x128xi32, #tpu.memory_space<hbm>>
    tpu.wait_indirect_dma semaphore(%arg25 : memref<!tpu.dma_semaphore, #tpu.memory_space<semaphore_mem>>) src(%dma_wait3A_37 : memref<10000x128xi32, #tpu.memory_space<hbm>>) dst(%arg12 : memref<40x128xi32, #tpu.memory_space<vmem>>)
    %dma_wait3A_38 = arith.constant 0 : i32
    %dma_wait3A_39 = arith.constant 0 : i32
    %dma_wait3A_40 = tpu.memref_slice %arg6[%dma_wait3A_38, %dma_wait3A_39] : memref<320000x128xi32, #tpu.memory_space<hbm>> -> memref<40x128xi32, #tpu.memory_space<hbm>>
    %dma_wait3A_41 = arith.constant 0 : i32
    %dma_wait3A_42 = arith.constant 0 : i32
    %dma_wait3A_43 = tpu.memref_slice %arg6[%dma_wait3A_41, %dma_wait3A_42] : memref<320000x128xi32, #tpu.memory_space<hbm>> -> memref<40x128xi32, #tpu.memory_space<hbm>>
    tpu.wait_dma2 semaphore(%arg26 : memref<!tpu.dma_semaphore, #tpu.memory_space<semaphore_mem>>) src(%dma_wait3A_43 : memref<40x128xi32, #tpu.memory_space<hbm>>) dst(%arg13 : memref<40x128xi32, #tpu.memory_space<vmem>>)
    %barrier3A_44 = arith.constant 0 : index
    tpu.barrier barrier_id(%barrier3A_44)
    %scan3A_45 = arith.constant 0 : i32
    %scan3A_46 = arith.constant 0 : i32
    %scan3A_47 = arith.constant 20 : i32
    %scan3A_48 = arith.addi %scan3A_46, %scan3A_47 : i32
    %scan3A_49 = arith.constant 1 : i32
    scf.for %scan3A_51 = %scan3A_46 to %scan3A_48 step %scan3A_49  : i32 {
      %mul3A_52 = arith.constant 640 : i32
      %mul3A_53 = arith.muli %arg1, %mul3A_52 : i32
      %mul3A_54 = arith.constant 32 : i32
      %mul3A_55 = arith.muli %scan3A_51, %mul3A_54 : i32
      %add3A_56 = arith.addi %mul3A_53, %mul3A_55 : i32
      "tpu.region"() ({
        %run_scoped3A = tpu.sem_alloc : memref<!tpu.dma_semaphore, #tpu.memory_space<semaphore_mem>>
        %dma_start3A_57 = arith.constant 0 : i32
        %dma_start3A_58 = tpu.memref_slice %arg23[%add3A_56, %dma_start3A_57] : memref<10240x128xf32, #tpu.memory_space<vmem_shared>> -> memref<32x128xf32, #tpu.memory_space<vmem_shared>>
        %dma_start3A_59 = arith.constant 0 : i32
        %dma_start3A_60 = tpu.memref_slice %arg23[%add3A_56, %dma_start3A_59] : memref<10240x128xf32, #tpu.memory_space<vmem_shared>> -> memref<32x128xf32, #tpu.memory_space<vmem_shared>>
        tpu.enqueue_dma source(%dma_start3A_60 : memref<32x128xf32, #tpu.memory_space<vmem_shared>>) target(%arg22 : memref<32x128xf32, #tpu.memory_space<vmem>>) target_semaphore(%run_scoped3A : memref<!tpu.dma_semaphore, #tpu.memory_space<semaphore_mem>>)
        %dma_wait3A_61 = arith.constant 0 : i32
        %dma_wait3A_62 = tpu.memref_slice %arg23[%add3A_56, %dma_wait3A_61] : memref<10240x128xf32, #tpu.memory_space<vmem_shared>> -> memref<32x128xf32, #tpu.memory_space<vmem_shared>>
        %dma_wait3A_63 = arith.constant 0 : i32
        %dma_wait3A_64 = tpu.memref_slice %arg23[%add3A_56, %dma_wait3A_63] : memref<10240x128xf32, #tpu.memory_space<vmem_shared>> -> memref<32x128xf32, #tpu.memory_space<vmem_shared>>
        tpu.wait_dma2 semaphore(%run_scoped3A : memref<!tpu.dma_semaphore, #tpu.memory_space<semaphore_mem>>) src(%dma_wait3A_64 : memref<32x128xf32, #tpu.memory_space<vmem_shared>>) dst(%arg22 : memref<32x128xf32, #tpu.memory_space<vmem>>)
        tpu.yield
      }) : () -> ()
      "tpu.region"() ({
        %run_scoped3A = tpu.sem_alloc : memref<!tpu.dma_semaphore, #tpu.memory_space<semaphore_mem>>
        %dma_start3A_57 = arith.constant 0 : i32
        %dma_start3A_58 = tpu.memref_slice %arg7[%arg0, %add3A_56, %dma_start3A_57] : memref<2x10240x128xf32, #tpu.memory_space<hbm>> -> memref<1x32x128xf32, #tpu.memory_space<hbm>>
        %dma_start3A_59 = tpu.memref_squeeze %dma_start3A_58 : memref<1x32x128xf32, #tpu.memory_space<hbm>> -> memref<32x128xf32, #tpu.memory_space<hbm>>
        %dma_start3A_60 = arith.constant 0 : i32
        %dma_start3A_61 = tpu.memref_slice %arg7[%arg0, %add3A_56, %dma_start3A_60] : memref<2x10240x128xf32, #tpu.memory_space<hbm>> -> memref<1x32x128xf32, #tpu.memory_space<hbm>>
        %dma_start3A_62 = tpu.memref_squeeze %dma_start3A_61 : memref<1x32x128xf32, #tpu.memory_space<hbm>> -> memref<32x128xf32, #tpu.memory_space<hbm>>
        tpu.enqueue_dma source(%arg22 : memref<32x128xf32, #tpu.memory_space<vmem>>) target(%dma_start3A_62 : memref<32x128xf32, #tpu.memory_space<hbm>>) target_semaphore(%run_scoped3A : memref<!tpu.dma_semaphore, #tpu.memory_space<semaphore_mem>>)
        %dma_wait3A_63 = arith.constant 0 : i32
        %dma_wait3A_64 = tpu.memref_slice %arg7[%arg0, %add3A_56, %dma_wait3A_63] : memref<2x10240x128xf32, #tpu.memory_space<hbm>> -> memref<1x32x128xf32, #tpu.memory_space<hbm>>
        %dma_wait3A_65 = tpu.memref_squeeze %dma_wait3A_64 : memref<1x32x128xf32, #tpu.memory_space<hbm>> -> memref<32x128xf32, #tpu.memory_space<hbm>>
        %dma_wait3A_66 = arith.constant 0 : i32
        %dma_wait3A_67 = tpu.memref_slice %arg7[%arg0, %add3A_56, %dma_wait3A_66] : memref<2x10240x128xf32, #tpu.memory_space<hbm>> -> memref<1x32x128xf32, #tpu.memory_space<hbm>>
        %dma_wait3A_68 = tpu.memref_squeeze %dma_wait3A_67 : memref<1x32x128xf32, #tpu.memory_space<hbm>> -> memref<32x128xf32, #tpu.memory_space<hbm>>
        tpu.wait_dma2 semaphore(%run_scoped3A : memref<!tpu.dma_semaphore, #tpu.memory_space<semaphore_mem>>) src(%arg22 : memref<32x128xf32, #tpu.memory_space<vmem>>) dst(%dma_wait3A_68 : memref<32x128xf32, #tpu.memory_space<hbm>>)
        tpu.yield
      }) : () -> ()
    }
    %scan3A_50 = arith.constant 20 : i32
    return
  }
}

module attributes {stable_mosaic.version = 14 : i64} {
  func.func @_edgeproj_body(%arg0: i32, %arg1: memref<3200x16xf32, #tpu.memory_space<vmem>>, %arg2: memref<16x128xf32, #tpu.memory_space<vmem>>, %arg3: memref<16x128xf32, #tpu.memory_space<vmem>>, %arg4: memref<3200x128xi32, #tpu.memory_space<vmem>>) attributes {dimension_semantics = [#tpu.dimension_semantics<arbitrary>], iteration_bounds = array<i64: 100>, scalar_prefetch = 0 : i64, scratch_operands = 0 : i64, tpu.core_type = #tpu.core_type<tc>, window_params = [{transform_indices = @transform_0, window_bounds = array<i64: 3200, 16>}, {pipeline_mode = #tpu.pipeline_mode<synchronous>, transform_indices = @transform_1, window_bounds = array<i64: 16, 128>}, {pipeline_mode = #tpu.pipeline_mode<synchronous>, transform_indices = @transform_2, window_bounds = array<i64: 16, 128>}, {transform_indices = @transform_3, window_bounds = array<i64: 3200, 128>}]} {
    %get3A = arith.constant 0 : index
    %get3A_0 = arith.constant 0 : index
    %get3A_1 = vector.load %arg1[%get3A, %get3A_0] : memref<3200x16xf32, #tpu.memory_space<vmem>>, vector<3200x16xf32>
    %get3A_2 = arith.constant 0 : index
    %get3A_3 = arith.constant 0 : index
    %get3A_4 = vector.load %arg2[%get3A_2, %get3A_3] : memref<16x128xf32, #tpu.memory_space<vmem>>, vector<16x128xf32>
    %dot_general3A = arith.constant dense<0.000000e+00> : vector<3200x128xf32>
    %dot_general3A_5 = tpu.matmul %get3A_1, %get3A_4, %dot_general3A {dimension_numbers = #tpu.dot_dimension_numbers<[1], [0], [0], [1], [0, 0, 1, 1], [], []>, transpose_lhs_hint = false} : vector<3200x16xf32>, vector<16x128xf32>, vector<3200x128xf32> -> vector<3200x128xf32>
    %get3A_6 = arith.constant 0 : index
    %get3A_7 = arith.constant 0 : index
    %get3A_8 = vector.load %arg3[%get3A_6, %get3A_7] : memref<16x128xf32, #tpu.memory_space<vmem>>, vector<16x128xf32>
    %dot_general3A_9 = arith.constant dense<0.000000e+00> : vector<3200x128xf32>
    %dot_general3A_10 = tpu.matmul %get3A_1, %get3A_8, %dot_general3A_9 {dimension_numbers = #tpu.dot_dimension_numbers<[1], [0], [0], [1], [0, 0, 1, 1], [], []>, transpose_lhs_hint = false} : vector<3200x16xf32>, vector<16x128xf32>, vector<3200x128xf32> -> vector<3200x128xf32>
    %convert_element_type3A = arith.truncf %dot_general3A_5 : vector<3200x128xf32> to vector<3200x128xbf16>
    %bitcast_convert_type3A = tpu.bitcast %convert_element_type3A : vector<3200x128xbf16> -> vector<3200x128xi16>
    %convert_element_type3A_11 = arith.truncf %dot_general3A_10 : vector<3200x128xf32> to vector<3200x128xbf16>
    %bitcast_convert_type3A_12 = tpu.bitcast %convert_element_type3A_11 : vector<3200x128xbf16> -> vector<3200x128xi16>
    %convert_element_type3A_13 = arith.extui %bitcast_convert_type3A : vector<3200x128xi16> to vector<3200x128xi32>
    %convert_element_type3A_14 = arith.extui %bitcast_convert_type3A_12 : vector<3200x128xi16> to vector<3200x128xi32>
    %shift_left3A = arith.constant 16 : i32
    %shift_left3A_15 = vector.broadcast %shift_left3A : i32 to vector<3200x128xi32>
    %shift_left3A_16 = arith.shli %convert_element_type3A_14, %shift_left3A_15 : vector<3200x128xi32>
    %or3A = arith.ori %convert_element_type3A_13, %shift_left3A_16 : vector<3200x128xi32>
    %swap3A = arith.constant 0 : index
    %swap3A_17 = arith.constant 0 : index
    %swap3A_18 = vector.load %arg4[%swap3A, %swap3A_17] : memref<3200x128xi32, #tpu.memory_space<vmem>>, vector<3200x128xi32>
    tpu.vector_store %arg4[%swap3A, %swap3A_17], %or3A {strides = array<i32>} : memref<3200x128xi32, #tpu.memory_space<vmem>>, vector<3200x128xi32>,
    return
  }
  func.func @transform_0(%arg0: i32) -> (i32, i32) {
    %c0_i32 = arith.constant 0 : i32
    %c0_i32_0 = arith.constant 0 : i32
    return %arg0, %c0_i32 : i32, i32
  }
  func.func @transform_1(%arg0: i32) -> (i32, i32) {
    %c0_i32 = arith.constant 0 : i32
    %c0_i32_0 = arith.constant 0 : i32
    %c0_i32_1 = arith.constant 0 : i32
    return %c0_i32, %c0_i32_0 : i32, i32
  }
  func.func @transform_2(%arg0: i32) -> (i32, i32) {
    %c0_i32 = arith.constant 0 : i32
    %c0_i32_0 = arith.constant 0 : i32
    %c0_i32_1 = arith.constant 0 : i32
    return %c0_i32, %c0_i32_0 : i32, i32
  }
  func.func @transform_3(%arg0: i32) -> (i32, i32) {
    %c0_i32 = arith.constant 0 : i32
    %c0_i32_0 = arith.constant 0 : i32
    return %arg0, %c0_i32 : i32, i32
  }
}

module attributes {stable_mosaic.version = 14 : i64} {
  func.func @_nodeproj_body(%arg0: i32, %arg1: memref<2000x128xf32, #tpu.memory_space<vmem>>, %arg2: memref<128x128xf32, #tpu.memory_space<vmem>>, %arg3: memref<128x128xf32, #tpu.memory_space<vmem>>, %arg4: memref<128x128xf32, #tpu.memory_space<vmem>>, %arg5: memref<128x128xf32, #tpu.memory_space<vmem>>, %arg6: memref<1x128xf32, #tpu.memory_space<vmem>>, %arg7: memref<1x128xf32, #tpu.memory_space<vmem>>, %arg8: memref<2000x128xi32, #tpu.memory_space<vmem>>, %arg9: memref<2000x128xi32, #tpu.memory_space<vmem>>) attributes {dimension_semantics = [#tpu.dimension_semantics<arbitrary>], iteration_bounds = array<i64: 5>, scalar_prefetch = 0 : i64, scratch_operands = 0 : i64, tpu.core_type = #tpu.core_type<tc>, window_params = [{transform_indices = @transform_0, window_bounds = array<i64: 2000, 128>}, {pipeline_mode = #tpu.pipeline_mode<synchronous>, transform_indices = @transform_1, window_bounds = array<i64: 128, 128>}, {pipeline_mode = #tpu.pipeline_mode<synchronous>, transform_indices = @transform_2, window_bounds = array<i64: 128, 128>}, {pipeline_mode = #tpu.pipeline_mode<synchronous>, transform_indices = @transform_3, window_bounds = array<i64: 128, 128>}, {pipeline_mode = #tpu.pipeline_mode<synchronous>, transform_indices = @transform_4, window_bounds = array<i64: 128, 128>}, {pipeline_mode = #tpu.pipeline_mode<synchronous>, transform_indices = @transform_5, window_bounds = array<i64: 1, 128>}, {pipeline_mode = #tpu.pipeline_mode<synchronous>, transform_indices = @transform_6, window_bounds = array<i64: 1, 128>}, {transform_indices = @transform_7, window_bounds = array<i64: 2000, 128>}, {transform_indices = @transform_8, window_bounds = array<i64: 2000, 128>}]} {
    %get3A = arith.constant 0 : index
    %get3A_0 = arith.constant 0 : index
    %get3A_1 = vector.load %arg1[%get3A, %get3A_0] : memref<2000x128xf32, #tpu.memory_space<vmem>>, vector<2000x128xf32>
    %get3A_2 = arith.constant 0 : index
    %get3A_3 = arith.constant 0 : index
    %get3A_4 = vector.load %arg2[%get3A_2, %get3A_3] : memref<128x128xf32, #tpu.memory_space<vmem>>, vector<128x128xf32>
    %dot_general3A = arith.constant dense<0.000000e+00> : vector<2000x128xf32>
    %dot_general3A_5 = tpu.matmul %get3A_1, %get3A_4, %dot_general3A {dimension_numbers = #tpu.dot_dimension_numbers<[1], [0], [0], [1], [0, 0, 1, 1], [], []>, transpose_lhs_hint = false} : vector<2000x128xf32>, vector<128x128xf32>, vector<2000x128xf32> -> vector<2000x128xf32>
    %get3A_6 = arith.constant 0 : index
    %get3A_7 = arith.constant 0 : index
    %get3A_8 = vector.load %arg3[%get3A_6, %get3A_7] : memref<128x128xf32, #tpu.memory_space<vmem>>, vector<128x128xf32>
    %dot_general3A_9 = arith.constant dense<0.000000e+00> : vector<2000x128xf32>
    %dot_general3A_10 = tpu.matmul %get3A_1, %get3A_8, %dot_general3A_9 {dimension_numbers = #tpu.dot_dimension_numbers<[1], [0], [0], [1], [0, 0, 1, 1], [], []>, transpose_lhs_hint = false} : vector<2000x128xf32>, vector<128x128xf32>, vector<2000x128xf32> -> vector<2000x128xf32>
    %get3A_11 = arith.constant 0 : index
    %get3A_12 = arith.constant 0 : index
    %get3A_13 = vector.load %arg6[%get3A_11, %get3A_12] : memref<1x128xf32, #tpu.memory_space<vmem>>, vector<1x128xf32>
    %add3A = vector.broadcast %get3A_13 : vector<1x128xf32> to vector<2000x128xf32>
    %add3A_14 = arith.addf %dot_general3A_5, %add3A : vector<2000x128xf32>
    %get3A_15 = arith.constant 0 : index
    %get3A_16 = arith.constant 0 : index
    %get3A_17 = vector.load %arg7[%get3A_15, %get3A_16] : memref<1x128xf32, #tpu.memory_space<vmem>>, vector<1x128xf32>
    %add3A_18 = vector.broadcast %get3A_17 : vector<1x128xf32> to vector<2000x128xf32>
    %add3A_19 = arith.addf %dot_general3A_10, %add3A_18 : vector<2000x128xf32>
    %convert_element_type3A = arith.truncf %add3A_14 : vector<2000x128xf32> to vector<2000x128xbf16>
    %bitcast_convert_type3A = tpu.bitcast %convert_element_type3A : vector<2000x128xbf16> -> vector<2000x128xi16>
    %convert_element_type3A_20 = arith.truncf %add3A_19 : vector<2000x128xf32> to vector<2000x128xbf16>
    %bitcast_convert_type3A_21 = tpu.bitcast %convert_element_type3A_20 : vector<2000x128xbf16> -> vector<2000x128xi16>
    %convert_element_type3A_22 = arith.extui %bitcast_convert_type3A : vector<2000x128xi16> to vector<2000x128xi32>
    %convert_element_type3A_23 = arith.extui %bitcast_convert_type3A_21 : vector<2000x128xi16> to vector<2000x128xi32>
    %shift_left3A = arith.constant 16 : i32
    %shift_left3A_24 = vector.broadcast %shift_left3A : i32 to vector<2000x128xi32>
    %shift_left3A_25 = arith.shli %convert_element_type3A_23, %shift_left3A_24 : vector<2000x128xi32>
    %or3A = arith.ori %convert_element_type3A_22, %shift_left3A_25 : vector<2000x128xi32>
    %swap3A = arith.constant 0 : index
    %swap3A_26 = arith.constant 0 : index
    %swap3A_27 = vector.load %arg8[%swap3A, %swap3A_26] : memref<2000x128xi32, #tpu.memory_space<vmem>>, vector<2000x128xi32>
    tpu.vector_store %arg8[%swap3A, %swap3A_26], %or3A {strides = array<i32>} : memref<2000x128xi32, #tpu.memory_space<vmem>>, vector<2000x128xi32>,
    %get3A_28 = arith.constant 0 : index
    %get3A_29 = arith.constant 0 : index
    %get3A_30 = vector.load %arg4[%get3A_28, %get3A_29] : memref<128x128xf32, #tpu.memory_space<vmem>>, vector<128x128xf32>
    %dot_general3A_31 = arith.constant dense<0.000000e+00> : vector<2000x128xf32>
    %dot_general3A_32 = tpu.matmul %get3A_1, %get3A_30, %dot_general3A_31 {dimension_numbers = #tpu.dot_dimension_numbers<[1], [0], [0], [1], [0, 0, 1, 1], [], []>, transpose_lhs_hint = false} : vector<2000x128xf32>, vector<128x128xf32>, vector<2000x128xf32> -> vector<2000x128xf32>
    %get3A_33 = arith.constant 0 : index
    %get3A_34 = arith.constant 0 : index
    %get3A_35 = vector.load %arg5[%get3A_33, %get3A_34] : memref<128x128xf32, #tpu.memory_space<vmem>>, vector<128x128xf32>
    %dot_general3A_36 = arith.constant dense<0.000000e+00> : vector<2000x128xf32>
    %dot_general3A_37 = tpu.matmul %get3A_1, %get3A_35, %dot_general3A_36 {dimension_numbers = #tpu.dot_dimension_numbers<[1], [0], [0], [1], [0, 0, 1, 1], [], []>, transpose_lhs_hint = false} : vector<2000x128xf32>, vector<128x128xf32>, vector<2000x128xf32> -> vector<2000x128xf32>
    %convert_element_type3A_38 = arith.truncf %dot_general3A_32 : vector<2000x128xf32> to vector<2000x128xbf16>
    %bitcast_convert_type3A_39 = tpu.bitcast %convert_element_type3A_38 : vector<2000x128xbf16> -> vector<2000x128xi16>
    %convert_element_type3A_40 = arith.truncf %dot_general3A_37 : vector<2000x128xf32> to vector<2000x128xbf16>
    %bitcast_convert_type3A_41 = tpu.bitcast %convert_element_type3A_40 : vector<2000x128xbf16> -> vector<2000x128xi16>
    %convert_element_type3A_42 = arith.extui %bitcast_convert_type3A_39 : vector<2000x128xi16> to vector<2000x128xi32>
    %convert_element_type3A_43 = arith.extui %bitcast_convert_type3A_41 : vector<2000x128xi16> to vector<2000x128xi32>
    %shift_left3A_44 = arith.constant 16 : i32
    %shift_left3A_45 = vector.broadcast %shift_left3A_44 : i32 to vector<2000x128xi32>
    %shift_left3A_46 = arith.shli %convert_element_type3A_43, %shift_left3A_45 : vector<2000x128xi32>
    %or3A_47 = arith.ori %convert_element_type3A_42, %shift_left3A_46 : vector<2000x128xi32>
    %swap3A_48 = arith.constant 0 : index
    %swap3A_49 = arith.constant 0 : index
    %swap3A_50 = vector.load %arg9[%swap3A_48, %swap3A_49] : memref<2000x128xi32, #tpu.memory_space<vmem>>, vector<2000x128xi32>
    tpu.vector_store %arg9[%swap3A_48, %swap3A_49], %or3A_47 {strides = array<i32>} : memref<2000x128xi32, #tpu.memory_space<vmem>>, vector<2000x128xi32>,
    return
  }
  func.func @transform_0(%arg0: i32) -> (i32, i32) {
    %c0_i32 = arith.constant 0 : i32
    %c0_i32_0 = arith.constant 0 : i32
    return %arg0, %c0_i32 : i32, i32
  }
  func.func @transform_1(%arg0: i32) -> (i32, i32) {
    %c0_i32 = arith.constant 0 : i32
    %c0_i32_0 = arith.constant 0 : i32
    %c0_i32_1 = arith.constant 0 : i32
    return %c0_i32, %c0_i32_0 : i32, i32
  }
  func.func @transform_2(%arg0: i32) -> (i32, i32) {
    %c0_i32 = arith.constant 0 : i32
    %c0_i32_0 = arith.constant 0 : i32
    %c0_i32_1 = arith.constant 0 : i32
    return %c0_i32, %c0_i32_0 : i32, i32
  }
  func.func @transform_3(%arg0: i32) -> (i32, i32) {
    %c0_i32 = arith.constant 0 : i32
    %c0_i32_0 = arith.constant 0 : i32
    %c0_i32_1 = arith.constant 0 : i32
    return %c0_i32, %c0_i32_0 : i32, i32
  }
  func.func @transform_4(%arg0: i32) -> (i32, i32) {
    %c0_i32 = arith.constant 0 : i32
    %c0_i32_0 = arith.constant 0 : i32
    %c0_i32_1 = arith.constant 0 : i32
    return %c0_i32, %c0_i32_0 : i32, i32
  }
  func.func @transform_5(%arg0: i32) -> (i32, i32) {
    %c0_i32 = arith.constant 0 : i32
    %c0_i32_0 = arith.constant 0 : i32
    %c0_i32_1 = arith.constant 0 : i32
    return %c0_i32, %c0_i32_0 : i32, i32
  }
  func.func @transform_6(%arg0: i32) -> (i32, i32) {
    %c0_i32 = arith.constant 0 : i32
    %c0_i32_0 = arith.constant 0 : i32
    %c0_i32_1 = arith.constant 0 : i32
    return %c0_i32, %c0_i32_0 : i32, i32
  }
  func.func @transform_7(%arg0: i32) -> (i32, i32) {
    %c0_i32 = arith.constant 0 : i32
    %c0_i32_0 = arith.constant 0 : i32
    return %arg0, %c0_i32 : i32, i32
  }
  func.func @transform_8(%arg0: i32) -> (i32, i32) {
    %c0_i32 = arith.constant 0 : i32
    %c0_i32_0 = arith.constant 0 : i32
    return %arg0, %c0_i32 : i32, i32
  }
}

module attributes {stable_mosaic.version = 14 : i64} {
  func.func @_final_body(%arg0: memref<10000x128xf32, #tpu.memory_space<vmem>>, %arg1: memref<2x10240x128xf32, #tpu.memory_space<vmem>>, %arg2: memref<2x10240x128xf32, #tpu.memory_space<vmem>>, %arg3: memref<1x128xf32, #tpu.memory_space<vmem>>, %arg4: memref<1x128xf32, #tpu.memory_space<vmem>>, %arg5: memref<10000x128xf32, #tpu.memory_space<vmem>>) attributes {dimension_semantics = [], scalar_prefetch = 0 : i64, scratch_operands = 0 : i64, tpu.core_type = #tpu.core_type<tc>} {
    %get3A = arith.constant 0 : index
    %get3A_0 = arith.constant 0 : index
    %get3A_1 = arith.constant 0 : index
    %get3A_2 = vector.load %arg1[%get3A, %get3A_0, %get3A_1] : memref<2x10240x128xf32, #tpu.memory_space<vmem>>, vector<1x10240x128xf32>
    %get3A_3 = vector.shape_cast %get3A_2 : vector<1x10240x128xf32> to vector<10240x128xf32>
    %get3A_4 = arith.constant 1 : index
    %get3A_5 = arith.constant 0 : index
    %get3A_6 = arith.constant 0 : index
    %get3A_7 = vector.load %arg1[%get3A_4, %get3A_5, %get3A_6] : memref<2x10240x128xf32, #tpu.memory_space<vmem>>, vector<1x10240x128xf32>
    %get3A_8 = vector.shape_cast %get3A_7 : vector<1x10240x128xf32> to vector<10240x128xf32>
    %add3A = arith.addf %get3A_3, %get3A_8 : vector<10240x128xf32>
    %slice3A = vector.extract_strided_slice %add3A {offsets = [0, 0], sizes = [10000, 128], strides = [1, 1]} : vector<10240x128xf32> to vector<10000x128xf32>
    %get3A_9 = arith.constant 0 : index
    %get3A_10 = arith.constant 0 : index
    %get3A_11 = arith.constant 0 : index
    %get3A_12 = vector.load %arg2[%get3A_9, %get3A_10, %get3A_11] : memref<2x10240x128xf32, #tpu.memory_space<vmem>>, vector<1x10240x128xf32>
    %get3A_13 = vector.shape_cast %get3A_12 : vector<1x10240x128xf32> to vector<10240x128xf32>
    %get3A_14 = arith.constant 1 : index
    %get3A_15 = arith.constant 0 : index
    %get3A_16 = arith.constant 0 : index
    %get3A_17 = vector.load %arg2[%get3A_14, %get3A_15, %get3A_16] : memref<2x10240x128xf32, #tpu.memory_space<vmem>>, vector<1x10240x128xf32>
    %get3A_18 = vector.shape_cast %get3A_17 : vector<1x10240x128xf32> to vector<10240x128xf32>
    %add3A_19 = arith.addf %get3A_13, %get3A_18 : vector<10240x128xf32>
    %slice3A_20 = vector.extract_strided_slice %add3A_19 {offsets = [0, 0], sizes = [10000, 128], strides = [1, 1]} : vector<10240x128xf32> to vector<10000x128xf32>
    %slice3A_21 = vector.extract_strided_slice %slice3A_20 {offsets = [0, 0], sizes = [10000, 1], strides = [1, 1]} : vector<10000x128xf32> to vector<10000x1xf32>
    %get3A_22 = arith.constant 0 : index
    %get3A_23 = arith.constant 0 : index
    %get3A_24 = vector.load %arg0[%get3A_22, %get3A_23] : memref<10000x128xf32, #tpu.memory_space<vmem>>, vector<10000x128xf32>
    %max3A = arith.constant 1.000000e+00 : f32
    %max3A_25 = vector.broadcast %max3A : f32 to vector<10000x1xf32>
    %max3A_26 = arith.maximumf %slice3A_21, %max3A_25 : vector<10000x1xf32>
    %div3A = vector.broadcast %max3A_26 : vector<10000x1xf32> to vector<10000x128xf32>
    %div3A_27 = arith.divf %slice3A, %div3A : vector<10000x128xf32>
    %add3A_28 = arith.addf %get3A_24, %div3A_27 : vector<10000x128xf32>
    %reduce_sum3A = arith.constant dense<0.000000e+00> : vector<128xf32>
    %reduce_sum3A_29 = vector.multi_reduction <add>, %add3A_28, %reduce_sum3A [0] : vector<10000x128xf32> to vector<128xf32>
    %broadcast_in_dim3A = vector.shape_cast %reduce_sum3A_29 : vector<128xf32> to vector<1x128xf32>
    %div3A_30 = arith.constant 1.000000e+04 : f32
    %div3A_31 = vector.broadcast %div3A_30 : f32 to vector<1x128xf32>
    %div3A_32 = arith.divf %broadcast_in_dim3A, %div3A_31 : vector<1x128xf32>
    %sub3A = vector.broadcast %div3A_32 : vector<1x128xf32> to vector<10000x128xf32>
    %sub3A_33 = arith.subf %add3A_28, %sub3A : vector<10000x128xf32>
    %mul3A = arith.mulf %sub3A_33, %sub3A_33 : vector<10000x128xf32>
    %reduce_sum3A_34 = arith.constant dense<0.000000e+00> : vector<128xf32>
    %reduce_sum3A_35 = vector.multi_reduction <add>, %mul3A, %reduce_sum3A_34 [0] : vector<10000x128xf32> to vector<128xf32>
    %broadcast_in_dim3A_36 = vector.shape_cast %reduce_sum3A_35 : vector<128xf32> to vector<1x128xf32>
    %div3A_37 = arith.constant 1.000000e+04 : f32
    %div3A_38 = vector.broadcast %div3A_37 : f32 to vector<1x128xf32>
    %div3A_39 = arith.divf %broadcast_in_dim3A_36, %div3A_38 : vector<1x128xf32>
    %add3A_40 = arith.constant 9.99999974E-6 : f32
    %add3A_41 = vector.broadcast %add3A_40 : f32 to vector<1x128xf32>
    %add3A_42 = arith.addf %div3A_39, %add3A_41 : vector<1x128xf32>
    %rsqrt3A = math.rsqrt %add3A_42 : vector<1x128xf32>
    %mul3A_43 = vector.broadcast %rsqrt3A : vector<1x128xf32> to vector<10000x128xf32>
    %mul3A_44 = arith.mulf %sub3A_33, %mul3A_43 : vector<10000x128xf32>
    %get3A_45 = arith.constant 0 : index
    %get3A_46 = arith.constant 0 : index
    %get3A_47 = vector.load %arg3[%get3A_45, %get3A_46] : memref<1x128xf32, #tpu.memory_space<vmem>>, vector<1x128xf32>
    %mul3A_48 = vector.broadcast %get3A_47 : vector<1x128xf32> to vector<10000x128xf32>
    %mul3A_49 = arith.mulf %mul3A_44, %mul3A_48 : vector<10000x128xf32>
    %get3A_50 = arith.constant 0 : index
    %get3A_51 = arith.constant 0 : index
    %get3A_52 = vector.load %arg4[%get3A_50, %get3A_51] : memref<1x128xf32, #tpu.memory_space<vmem>>, vector<1x128xf32>
    %add3A_53 = vector.broadcast %get3A_52 : vector<1x128xf32> to vector<10000x128xf32>
    %add3A_54 = arith.addf %mul3A_49, %add3A_53 : vector<10000x128xf32>
    %swap3A = arith.constant 0 : index
    %swap3A_55 = arith.constant 0 : index
    %swap3A_56 = vector.load %arg5[%swap3A, %swap3A_55] : memref<10000x128xf32, #tpu.memory_space<vmem>>, vector<10000x128xf32>
    tpu.vector_store %arg5[%swap3A, %swap3A_55], %add3A_54 {strides = array<i32>} : memref<10000x128xf32, #tpu.memory_space<vmem>>, vector<10000x128xf32>,
    return
  }
}

</mosaic_0001>

<sc_bundles>
// kernel: kernel.10.cloned.1.call-start
scs
__scs_entry_jumppad:
0x0: {  	(pc) =	sbr.rel $0x88, $3  }
0x1: {  	(tag) =	ssettag $0x0;
	lr =	simm.s32 $0x1  }
0x2: {  	[smem:$0x3F98] =	sst lr;
	_ =	strace $0xD0000000  }
0x3: {  	_ = 	snop  }
0x4: {  	_ = 	snop  }
0x5: {  	_ = 	snop  }
0x6: {  	_ = 	snop  }
0x7: {  	_ = 	snop  }
__scs_overlays_trampoline_lowered:
0x8: {  	[smem:$0x3FA7] =	sst s0  }
0x9: {  	[smem:$0x3FA8] =	sst s1  }
0xa: {  	[smem:$0x3FA9] =	sst s2  }
0xb: {  	[smem:$0x3FAA] =	sst s3  }
0xc: {  	[smem:$0x3FAB] =	sst s4  }
0xd: {  	[smem:$0x3FAC] =	sst s5  }
0xe: {  	[smem:$0x3FAD] =	sst s6  }
0xf: {  	[smem:$0x3FAE] =	sst s7  }
0x10: {  	[smem:$0x3FAF] =	sst s8  }
0x11: {  	[smem:$0x3FB0] =	sst s9;
	s0 =	simm.s32 @!p0 $0x0  }
0x12: {  	s1 =	sld [smem:$0x3F96];
	s0 =	simm.s32 @p0 $0x1  }
0x13: {  	[smem:$0x3FB1] =	sst s0;
	s0 =	simm.s32 @!p1 $0x0  }
0x14: {  	s2 =	sld [smem:$0x3F95];
	s0 =	simm.s32 @p1 $0x1  }
0x15: {  	[smem:$0x3FB2] =	sst s0;
	s0 =	simm.s32 @!p2 $0x0  }
0x16: {  	s3 =	sld [smem:$0x3FDB];
	s0 =	simm.s32 @p2 $0x1  }
0x17: {  	s4 =	simm.s32 $0x1BF5;
	[smem:$0x3FB4] =	sst s0  }
0x18: {  	s0 =	sld [smem:$0x3F97];
	_ =	swait.ge [sflag:s4], $0x0  }
0x19: {  	s7 =	sld [smem:$0x3F98]  }
0x1a: {  	s8 =	sadd.s32 $0xFFFFE003, lr  }
0x1b: {  	s9 =	sadd.s32 $0xFFFFFEF7, lr;
	s5 =	simm.s32 $0xFFFFFFFF;
	p2 =	slt.u32 s8, $0xFFFFF086  }
0x1c: {  	p1 =	slt.u32 s9, $0xF7A;
	s5 =	simm.s32 @!p2 $0x0  }
0x1d: {  	s5 =	simm.s32 @p1 $0x1;
	p0 =	seq.s32 s7, s2  }
0x1e: {  	s7 =	smul.u32 @!p0 $0xF7A, s2;
	p2 =	seq.s32 @!p0 s5, $0x0  }
0x1f: {  	s9 =	smul.u32 $0xF7A, s1;
	s8 =	simm.s32 @!p0 $0x1BF5;
	p2 =	por !p2, p0  }
0x20: {  	[sflag:s8] =	ssyncset.s32 @!p0 $0xFFFFF086;
	s6 =	sadd.s32 @!p0 s3, s7;
	s7 =	simm.s32 @!p0 $0x108  }
0x21: {  	s3 =	sadd.s32 s3, s9;
	s6 =	sadd.s32 @!p0 $0x88, s6;
	s7 =	simm.s32 @p2 $0x1082  }
0x22: {  	[simem:s7], [sflag:s8] =	dma.local @!p0 [hbm:s6], $0xF7A  }
0x23: {  	s9 =	sor.u32 $0xD0000000, s2;
	s6 =	simm.s32 $0x108;
	_ =	swait.ge @!p0 [sflag:s8], $0x0  }
0x24: {  	s3 =	sadd.s32 $0x88, s3;
	s6 =	simm.s32 @!p1 $0x1082;
	[sflag:s4] =	ssyncset.s32 $0xFFFFF086  }
0x25: {  	[simem:s6], [sflag:s4] =	dma.local [hbm:s3], $0xF7A  }
0x26: {  	[smem:$0x3F98] =	sst s1;
	(tag) =	ssettag s2;
	_ =	strace s9  }
0x27: {  	s1 =	sld [smem:$0x3FA8]  }
0x28: {  	s2 =	sld [smem:$0x3FA9]  }
0x29: {  	s4 =	sld [smem:$0x3FAB]  }
0x2a: {  	p0 =	seq.s32 s5, $0x0;
	s5 =	sld [smem:$0x3FAC]  }
0x2b: {  	s6 =	sld [smem:$0x3FAD]  }
0x2c: {  	s7 =	sld [smem:$0x3FAE]  }
0x2d: {  	s3 =	simm.s32 $0x108;
	s8 =	sld [smem:$0x3FAF]  }
0x2e: {  	s3 =	simm.s32 @!p0 $0x1082;
	s9 =	sld [smem:$0x3FB0]  }
0x2f: {  	lr =	sadd.s32 s0, s3;
	s0 =	sld [smem:$0x3FA7]  }
0x30: {  	s3 =	sld [smem:$0x3FAA]  }
0x31: {  	[smem:$0x3FB3] =	sst s10  }
0x32: {  	s10 =	sld [smem:$0x3FB1];
	_ =	sdelay $0x3  }
0x33: {  	p0 =	seq.s32 s10, $0x1;
	s10 =	sld [smem:$0x3FB3];
	_ =	sdelay $0x3  }
0x34: {  	[smem:$0x3FB3] =	sst s10  }
0x35: {  	s10 =	sld [smem:$0x3FB2];
	_ =	sdelay $0x3  }
0x36: {  	p1 =	seq.s32 s10, $0x1;
	s10 =	sld [smem:$0x3FB3];
	_ =	sdelay $0x3  }
0x37: {  	[smem:$0x3FB3] =	sst s10  }
0x38: {  	s10 =	sld [smem:$0x3FB4]  }
0x39: {  	_ = 	snop;
	(pc) =	sbr.ind lr, $3  }
0x3a: {  	_ = 	snop  }
0x3b: {  	_ = 	snop  }
0x3c: {  	p2 =	seq.s32 s10, $0x1;
	s10 =	sld [smem:$0x3FB3]  }
0x3d: {  	_ =	shalt  }
0x3e: {  	_ =	shalt  }
0x3f: {  	_ =	shalt  }
0x40: {  	_ =	shalt  }
0x41: {  	_ =	shalt  }
0x42: {  	_ =	shalt  }
0x43: {  	_ =	shalt  }
0x44: {  	_ =	shalt  }
0x45: {  	_ =	shalt  }
0x46: {  	_ =	shalt  }
0x47: {  	_ =	shalt  }
0x48: {  	_ =	shalt  }
0x49: {  	_ =	shalt  }
0x4a: {  	_ =	shalt  }
0x4b: {  	_ =	shalt  }
0x4c: {  	_ =	shalt  }
0x4d: {  	_ =	shalt  }
0x4e: {  	_ =	shalt  }
0x4f: {  	_ =	shalt  }
0x50: {  	_ =	shalt  }
0x51: {  	_ =	shalt  }
0x52: {  	_ =	shalt  }
0x53: {  	_ =	shalt  }
0x54: {  	_ =	shalt  }
0x55: {  	_ =	shalt  }
0x56: {  	_ =	shalt  }
0x57: {  	_ =	shalt  }
0x58: {  	_ =	shalt  }
0x59: {  	_ =	shalt  }
0x5a: {  	_ =	shalt  }
0x5b: {  	_ =	shalt  }
0x5c: {  	_ =	shalt  }
0x5d: {  	_ =	shalt  }
0x5e: {  	_ =	shalt  }
0x5f: {  	_ =	shalt  }
0x60: {  	_ =	shalt  }
0x61: {  	_ =	shalt  }
0x62: {  	_ =	shalt  }
0x63: {  	_ =	shalt  }
0x64: {  	_ =	shalt  }
0x65: {  	_ =	shalt  }
0x66: {  	_ =	shalt  }
0x67: {  	_ =	shalt  }
0x68: {  	_ =	shalt  }
0x69: {  	_ =	shalt  }
0x6a: {  	_ =	shalt  }
0x6b: {  	_ =	shalt  }
0x6c: {  	_ =	shalt  }
0x6d: {  	_ =	shalt  }
0x6e: {  	_ =	shalt  }
0x6f: {  	_ =	shalt  }
0x70: {  	_ =	shalt  }
0x71: {  	_ =	shalt  }
0x72: {  	_ =	shalt  }
0x73: {  	_ =	shalt  }
0x74: {  	_ =	shalt  }
0x75: {  	_ =	shalt  }
0x76: {  	_ =	shalt  }
0x77: {  	_ =	shalt  }
0x78: {  	_ =	shalt  }
0x79: {  	_ =	shalt  }
0x7a: {  	_ =	shalt  }
0x7b: {  	_ =	shalt  }
0x7c: {  	_ =	shalt  }
0x7d: {  	_ =	shalt  }
0x7e: {  	_ =	shalt  }
0x7f: {  	_ =	shalt  }
0x80: {  	_ =	shalt  }
0x81: {  	_ =	shalt  }
0x82: {  	_ =	shalt  }
0x83: {  	_ =	shalt  }
0x84: {  	_ =	shalt  }
0x85: {  	_ =	shalt  }
0x86: {  	_ =	shalt  }
0x87: {  	_ =	shalt  }
.Lfunc_end0:
.L_simem_size_0:
called_computation.1_lowered:
.L_overlay_start_0:
0x88: {  	s2 =	sld [smem:$0x3FD9]  }
0x89: {  	s3 =	sld [smem:$0x3FFE];
	_ =	sdelay $0x1  }
0x8a: {  	s1 =	srdreg.scid  }
0x8b: {  	s0 =	sand.u32 $0x1, s1  }
0x8c: {  	s17 =	sshll.u32 s0, $0xA;
	s2 =	sadd.s32 s3, s2  }
0x8d: {  	s2 =	sadd.s32 s2, s17  }
0x8e: {  	[smem:$0x3FBF] =	sst s2  }
0x8f: {  	_ = 	snop  }
0x90: {  	s2 =	sld [smem:$0x3FD0];
	(tm) =	ssettm $0x1  }
0x91: {  	s18 =	sld [smem:$0x3FFB];
	_ =	sdelay $0x3  }
0x92: {  	_ =	strace s18  }
0x93: {  	s3 =	sld [smem:$0x3FFC];
	_ =	sdelay $0x3  }
0x94: {  	_ =	strace s3  }
0x95: {  	s3 =	sld [smem:$0x3FFD];
	_ =	sdelay $0x3  }
0x96: {  	_ =	strace s3  }
0x97: {  	_ =	strace $0x8FFFFFFF  }
0x98: {  	s19 =	sld [smem:$0x3FDB];
	_ =	sdelay $0x1  }
0x99: {  	s4 =	simm.s32 $_scs_section_size  }
0x9a: {  	s5 =	simm.s32 $_size__tile_overlayer_lowered;
	s6 =	simm.s32 $_tile_overlayer_lowered  }
0x9b: {  	s22 =	simm.s32 $0x1BFF;
	s21 =	sshll.u32 s6, $0x1;
	s3 =	sadd.s32 s4, s19  }
0x9c: {  	s7 =	simm.s32 $0x0;
	s20 =	sshll.u32 s5, $0x1;
	s5 =	sadd.s32 s21, s3  }
0x9d: {  	[timem:s7], [sflag:s22] =	dma.local [hbm:s5], s20  }
0x9e: {  	_ =	swait.ge [sflag:s22], s20  }
0x9f: {  	s4 =	ssub.s32 $0x0, s20;
	[sflag:s22] =	ssyncset.done $0x0  }
0xa0: {  	[sflag:s22] =	ssyncadd.s32 s4;
	_ =	sdelay $0x1  }
0xa1: {  	s23 =	simm.s32 $0x1B8B  }
0xa2: {  	_ =	swait.ge [sflag:s23], $0x1  }
0xa3: {  	[sflag:s23] =	ssyncset.done $0x0  }
0xa4: {  	s25 =	simm.s32 $0x1B8E;
	s24 =	sld [smem:$0x3FFE];
	[sflag:s23] =	ssyncadd.s32 $0xFFFFFFFF  }
0xa5: {  	s26 =	simm.s32 $execute0_lowered;
	[smem:$0x3FD2] =	sst s25  }
0xa6: {  	s5 =	sshll.u32 s26, $0x1;
	_ =	strace $0x80000046;
	[dreg:$0x1] =	wrdreg $0xFFFFFFFF  }
0xa7: {  	s28 =	simm.s32 $_size_execute0_lowered;
	s3 =	sadd.s32 s3, s5;
	[dreg:$0x0] =	wrdreg $0x0  }
0xa8: {  	s5 =	sshll.u32 s28, $0x1;
	[dreg:$0x2] =	wrdreg s3  }
0xa9: {  	[dreg:$0x3] =	wrdreg s5  }
0xaa: {  	[dreg:$0x4] =	wrdreg $0xC0  }
0xab: {  	_ =	task [dreg:s7], $0x5FFFF  }
0xac: {  	[dreg:$0x1] =	wrdreg $0xFFFFFFFF  }
0xad: {  	[dreg:$0x0] =	wrdreg $0x60  }
0xae: {  	[dreg:$0x2] =	wrdreg s24  }
0xaf: {  	[dreg:$0x3] =	wrdreg s2  }
0xb0: {  	[dreg:$0x4] =	wrdreg $0xB3000  }
0xb1: {  	[dreg:$0x5] =	wrdreg $0xA  }
0xb2: {  	_ =	task.clear_ibuf [dreg:s7], $0x6FFFF;
	_ =	strace $0x90000046  }
0xb3: {  	s29 =	simm.s32 $0xA;
	_ =	strace $0x80000048  }
0xb4: {  	_ =	swait.ge [sflag:s29], $0x1  }
0xb5: {  	[sflag:s29] =	ssyncadd.s32 $0xFFFFFFFF  }
0xb6: {  	_ =	strace $0x90000048  }
0xb7: {  	_ =	sfence  }
0xb8: {  	s30 =	sld [smem:$0x0];
	_ =	sdelay $0x2  }
0xb9: {  	s31 =	sshll.u32 s1, $0xD;
	s1 =	sshrl.u32 s1, $0x2  }
0xba: {  	s3 =	sand.u32 $0x4000, s31;
	s1 =	sadd.s32 s1, s30  }
0xbb: {  	s0 =	sor.u32 s3, s0;
	s1 =	sshll.u32 s1, $0x11  }
0xbc: {  	s0 =	sor.u32 s1, s0  }
0xbd: {  	s0 =	sadd.s32 $0x8F2B, s0  }
0xbe: {  	[sflag:s0] =	ssyncadd.remote.s32 $0x1  }
0xbf: {  	_ =	sfence.sel $0xFFFF  }
0xc0: {  	[dreg:$0x0] =	wrdreg $0xFFFFFFFF;
	(pc) =	sbr.abs _section_cstart, $3  }
0xc1: {  	[dreg:$0x1] =	wrdreg $0xFFFFFFFF  }
0xc2: {  	_ =	task.clear_ibuf [dreg:s7], $0x2FFFF;
	_ =	strace $0x9FFFFFFF  }
0xc3: {  	(tm) =	ssettm $0x7FFFFFFF  }
tec
execute0_lowered:
.L_overlay_start_1:
0x0: {  	(tag) =	ssettag $0x1  }
0x1: {  	s0 =	rddreg [dreg:$0x0]  }
0x2: {  	s1 =	rddreg [dreg:$0x1];
	s11 =	stileid.u32  }
0x3: {  	s28 =	rddreg [dreg:$0x2];
	s8 =	smul.u32 $0x14000, s11  }
0x4: {  	s2 =	srdreg.scid;
	s9 =	smul.u32 $0x50000, s11  }
0x5: {  	s3 =	simm.s32 $0x0;
	s2 =	sand.u32 $0x1, s2;
	s11 =	smul.u32 $0x2710, s11  }
0x6: {  	[smem:$0x7FF] =	sst s3;
	s10 =	smul.u32 $0x27100, s2  }
0x7: {  	_ =	strace $0x80000047;
	s4 =	smul.u32 $0x140000, s2;
	s23 =	sshrl.u32 s9, $0x2  }
0x8: {  	s2 =	ssub.s32 $0x2, s2;
	s24 =	sadd.s32 s11, s10;
	s13 =	sadd.s32 s23, s28  }
0x9: {  	s22 =	sshrl.u32 s2, $0x1;
	s30 =	sadd.s32 $0x28, s24;
	[dreg:$0x4] =	wrdreg s13  }
0xa: {  	s2 =	ssub.s32 s2, s22;
	s31 =	sadd.s32 $0x50, s24;
	[dreg:$0x8] =	wrdreg s30  }
0xb: {  	s2 =	smax.u32 s2, $0x1;
	[dreg:$0x9] =	wrdreg s31  }
0xc: {  	s9 =	sadd.s32 $0x1000, s13;
	[dreg:$0xa] =	wrdreg s2  }
0xd: {  	s11 =	sadd.s32 $0x3000, s13;
	[dreg:$0xb] =	wrdreg s9  }
0xe: {  	s5 =	sadd.s32 $0x4EDA00, s0;
	s12 =	sadd.s32 $0x4000, s13;
	[dreg:$0xd] =	wrdreg s11  }
0xf: {  	s6 =	sadd.s32 $0x4E3C00, s0;
	s14 =	sadd.s32 $0x5000, s13;
	[dreg:$0xe] =	wrdreg s12  }
0x10: {  	s7 =	sadd.s32 $0x1C00, s0;
	s15 =	sadd.s32 $0x6000, s13;
	[dreg:$0xf] =	wrdreg s14  }
0x11: {  	s4 =	sadd.s32 s8, s4;
	s16 =	sadd.s32 $0x7000, s13;
	[dreg:$0x10] =	wrdreg s15  }
0x12: {  	s8 =	sadd.s32 $0x4F7800, s0;
	s17 =	sadd.s32 $0x8000, s13;
	[dreg:$0x11] =	wrdreg s16  }
0x13: {  	s4 =	sshrl.u32 s4, $0x3;
	s18 =	sadd.s32 $0x9000, s13;
	[dreg:$0x12] =	wrdreg s17  }
0x14: {  	s25 =	sshrl.u32 s24, $0x3;
	s19 =	sadd.s32 $0xA000, s13;
	[dreg:$0x13] =	wrdreg s18  }
0x15: {  	s10 =	sshll.u32 s24, $0x4;
	s20 =	sadd.s32 $0xB000, s13;
	[dreg:$0x14] =	wrdreg s19  }
0x16: {  	s21 =	sadd.s32 $0xC000, s13;
	s22 =	sadd.s32 $0xD000, s13;
	[dreg:$0x15] =	wrdreg s20  }
0x17: {  	s23 =	sadd.s32 $0xE000, s13;
	s24 =	sadd.s32 $0xF000, s13;
	[dreg:$0x16] =	wrdreg s21  }
0x18: {  	s0 =	sadd.s32 s4, s0;
	s26 =	sadd.s32 s5, s25;
	[dreg:$0x17] =	wrdreg s22  }
0x19: {  	s4 =	sadd.s32 s6, s25;
	s29 =	sadd.s32 s8, s10;
	[dreg:$0x18] =	wrdreg s23  }
0x1a: {  	s10 =	sadd.s32 $0x2000, s13;
	[dreg:$0x19] =	wrdreg s24;
	s30 =	sadd.s32 $0x12000, s13  }
0x1b: {  	s31 =	sadd.s32 $0x13000, s13;
	s15 =	simm.s32 $0xA300;
	[dreg:$0x5] =	wrdreg s26  }
0x1c: {  	s16 =	simm.s32 $0x9;
	s17 =	simm.s32 $0x80;
	[dreg:$0x6] =	wrdreg s4  }
0x1d: {  	s18 =	simm.s32 $0x28;
	s22 =	simm.s32 $0x1;
	[dreg:$0x7] =	wrdreg s29  }
0x1e: {  	s23 =	simm.s32 $0x2;
	s24 =	simm.s32 $0x3;
	[dreg:$0xc] =	wrdreg s10  }
0x1f: {  	s11 =	simm.s32 $0x6;
	s12 =	simm.s32 $0x7;
	[dreg:$0x1c] =	wrdreg s30  }
0x20: {  	s9 =	simm.s32 $0x4;
	s26 =	sadd.s32 $0x10000, s13;
	[dreg:$0x1d] =	wrdreg s31  }
0x21: {  	s2 =	simm.s32 $0x0;
	s29 =	sadd.s32 $0x11000, s13;
	[dreg:$0x1a] =	wrdreg s26  }
0x22: {  	v0 =	vimm.f32 $0.0e+00;
	s25 =	sadd.s32 $0x28E00, s0;
	s10 =	simm.s32 $0x5;
	[dreg:$0x1b] =	wrdreg s29  }
.LBB2_1:
0x23: {  	[dreg:$0x1e] =	wrdreg s2;
	s0 =	simm.s32 $0x0;
	s2 =	simm.s32 $0x200  }
.LBB2_2:
0x24: {  	p0 =	sne.s32 s2, $0x3E00;
	[tilespmem:s0+$0xA370] =	vst v0  }
0x25: {  	[tilespmem:s0+$0xA300] =	vst v0  }
0x26: {  	[tilespmem:s0+$0xA310] =	vst v0  }
.Ltmp0:
0x27: {  	[tilespmem:s0+$0xA320] =	vst v0;
	(pc) =	sbr.rel @p0 .LBB2_2-.Ltmp0, $4  }
0x28: {  	[tilespmem:s0+$0xA330] =	vst v0  }
0x29: {  	[tilespmem:s0+$0xA340] =	vst v0  }
0x2a: {  	[tilespmem:s0+$0xA350] =	vst v0  }
0x2b: {  	[tilespmem:s0+$0xA360] =	vst v0;
	s0 =	sshra.s32 s2, $0x2;
	s2 =	sadd.s32 $0x200, s2  }
0x2c: {  	[tilespmem:s0+$0xA370] =	vst v0  }
0x2d: {  	[tilespmem:s0+$0xA300] =	vst v0  }
0x2e: {  	[tilespmem:s0+$0xA310] =	vst v0  }
0x2f: {  	[tilespmem:s0+$0xA320] =	vst v0  }
0x30: {  	[tilespmem:s0+$0xA330] =	vst v0  }
0x31: {  	[tilespmem:s0+$0xA340] =	vst v0  }
0x32: {  	[tilespmem:s0+$0xA350] =	vst v0  }
0x33: {  	[tilespmem:s0+$0xA360] =	vst v0  }
0x34: {  	[spmem:s13] =	stream.linear.scatter [tilespmem:s15], [sflag:$0x9], $0x1000, $0x38;
	[tilespmem:$0x1F300] =	vst v63  }
0x35: {  	_ =	swait.ge [sflag:s16], $0x1000  }
0x36: {  	[sflag:s16] =	ssyncset.done $0x0  }
0x37: {  	s21 =	rddreg [dreg:$0xb];
	[sflag:s16] =	ssyncadd.s32 $0xFFFFF000  }
0x38: {  	[spmem:s21] =	stream.linear.scatter [tilespmem:s15], [sflag:$0x9], $0x1000, $0x38;
	[tilespmem:$0x1F300] =	vst v63  }
0x39: {  	_ =	swait.ge [sflag:s16], $0x1000  }
0x3a: {  	[sflag:s16] =	ssyncset.done $0x0  }
0x3b: {  	s26 =	rddreg [dreg:$0xc];
	[sflag:s16] =	ssyncadd.s32 $0xFFFFF000  }
0x3c: {  	[spmem:s26] =	stream.linear.scatter [tilespmem:s15], [sflag:$0x9], $0x1000, $0x38;
	[tilespmem:$0x1F300] =	vst v63  }
0x3d: {  	_ =	swait.ge [sflag:s16], $0x1000  }
0x3e: {  	[sflag:s16] =	ssyncset.done $0x0  }
0x3f: {  	s29 =	rddreg [dreg:$0xd];
	[sflag:s16] =	ssyncadd.s32 $0xFFFFF000  }
0x40: {  	[spmem:s29] =	stream.linear.scatter [tilespmem:s15], [sflag:$0x9], $0x1000, $0x38;
	[tilespmem:$0x1F300] =	vst v63  }
0x41: {  	_ =	swait.ge [sflag:s16], $0x1000  }
0x42: {  	[sflag:s16] =	ssyncset.done $0x0  }
0x43: {  	s30 =	rddreg [dreg:$0xe];
	[sflag:s16] =	ssyncadd.s32 $0xFFFFF000  }
0x44: {  	[spmem:s30] =	stream.linear.scatter [tilespmem:s15], [sflag:$0x9], $0x1000, $0x38;
	[tilespmem:$0x1F300] =	vst v63  }
0x45: {  	_ =	swait.ge [sflag:s16], $0x1000  }
0x46: {  	[sflag:s16] =	ssyncset.done $0x0  }
0x47: {  	s2 =	rddreg [dreg:$0xf];
	[sflag:s16] =	ssyncadd.s32 $0xFFFFF000  }
0x48: {  	[spmem:s2] =	stream.linear.scatter [tilespmem:s15], [sflag:$0x9], $0x1000, $0x38;
	[tilespmem:$0x1F300] =	vst v63  }
0x49: {  	_ =	swait.ge [sflag:s16], $0x1000  }
0x4a: {  	[sflag:s16] =	ssyncset.done $0x0  }
0x4b: {  	s4 =	rddreg [dreg:$0x10];
	[sflag:s16] =	ssyncadd.s32 $0xFFFFF000  }
0x4c: {  	[spmem:s4] =	stream.linear.scatter [tilespmem:s15], [sflag:$0x9], $0x1000, $0x38;
	[tilespmem:$0x1F300] =	vst v63  }
0x4d: {  	_ =	swait.ge [sflag:s16], $0x1000  }
0x4e: {  	[sflag:s16] =	ssyncset.done $0x0  }
0x4f: {  	s13 =	rddreg [dreg:$0x11];
	[sflag:s16] =	ssyncadd.s32 $0xFFFFF000  }
0x50: {  	[spmem:s13] =	stream.linear.scatter [tilespmem:s15], [sflag:$0x9], $0x1000, $0x38;
	[tilespmem:$0x1F300] =	vst v63  }
0x51: {  	_ =	swait.ge [sflag:s16], $0x1000  }
0x52: {  	[sflag:s16] =	ssyncset.done $0x0  }
0x53: {  	s14 =	rddreg [dreg:$0x12];
	[sflag:s16] =	ssyncadd.s32 $0xFFFFF000  }
0x54: {  	[spmem:s14] =	stream.linear.scatter [tilespmem:s15], [sflag:$0x9], $0x1000, $0x38;
	[tilespmem:$0x1F300] =	vst v63  }
0x55: {  	_ =	swait.ge [sflag:s16], $0x1000  }
0x56: {  	[sflag:s16] =	ssyncset.done $0x0  }
0x57: {  	s19 =	rddreg [dreg:$0x13];
	[sflag:s16] =	ssyncadd.s32 $0xFFFFF000  }
0x58: {  	[spmem:s19] =	stream.linear.scatter [tilespmem:s15], [sflag:$0x9], $0x1000, $0x38;
	[tilespmem:$0x1F300] =	vst v63  }
0x59: {  	_ =	swait.ge [sflag:s16], $0x1000  }
0x5a: {  	[sflag:s16] =	ssyncset.done $0x0  }
0x5b: {  	s20 =	rddreg [dreg:$0x14];
	[sflag:s16] =	ssyncadd.s32 $0xFFFFF000  }
0x5c: {  	[spmem:s20] =	stream.linear.scatter [tilespmem:s15], [sflag:$0x9], $0x1000, $0x38;
	[tilespmem:$0x1F300] =	vst v63  }
0x5d: {  	_ =	swait.ge [sflag:s16], $0x1000  }
0x5e: {  	[sflag:s16] =	ssyncset.done $0x0  }
0x5f: {  	s21 =	rddreg [dreg:$0x15];
	[sflag:s16] =	ssyncadd.s32 $0xFFFFF000  }
0x60: {  	[spmem:s21] =	stream.linear.scatter [tilespmem:s15], [sflag:$0x9], $0x1000, $0x38;
	[tilespmem:$0x1F300] =	vst v63  }
0x61: {  	_ =	swait.ge [sflag:s16], $0x1000  }
0x62: {  	[sflag:s16] =	ssyncset.done $0x0  }
0x63: {  	s26 =	rddreg [dreg:$0x16];
	[sflag:s16] =	ssyncadd.s32 $0xFFFFF000  }
0x64: {  	[spmem:s26] =	stream.linear.scatter [tilespmem:s15], [sflag:$0x9], $0x1000, $0x38;
	[tilespmem:$0x1F300] =	vst v63  }
0x65: {  	_ =	swait.ge [sflag:s16], $0x1000  }
0x66: {  	[sflag:s16] =	ssyncset.done $0x0  }
0x67: {  	s29 =	rddreg [dreg:$0x17];
	[sflag:s16] =	ssyncadd.s32 $0xFFFFF000  }
0x68: {  	[spmem:s29] =	stream.linear.scatter [tilespmem:s15], [sflag:$0x9], $0x1000, $0x38;
	[tilespmem:$0x1F300] =	vst v63  }
0x69: {  	_ =	swait.ge [sflag:s16], $0x1000  }
0x6a: {  	[sflag:s16] =	ssyncset.done $0x0  }
0x6b: {  	s30 =	rddreg [dreg:$0x18];
	[sflag:s16] =	ssyncadd.s32 $0xFFFFF000  }
0x6c: {  	[spmem:s30] =	stream.linear.scatter [tilespmem:s15], [sflag:$0x9], $0x1000, $0x38;
	[tilespmem:$0x1F300] =	vst v63  }
0x6d: {  	_ =	swait.ge [sflag:s16], $0x1000  }
0x6e: {  	[sflag:s16] =	ssyncset.done $0x0  }
0x6f: {  	s2 =	rddreg [dreg:$0x19];
	[sflag:s16] =	ssyncadd.s32 $0xFFFFF000  }
0x70: {  	[spmem:s2] =	stream.linear.scatter [tilespmem:s15], [sflag:$0x9], $0x1000, $0x38;
	[tilespmem:$0x1F300] =	vst v63  }
0x71: {  	_ =	swait.ge [sflag:s16], $0x1000  }
0x72: {  	[sflag:s16] =	ssyncset.done $0x0  }
0x73: {  	s4 =	rddreg [dreg:$0x1a];
	[sflag:s16] =	ssyncadd.s32 $0xFFFFF000  }
0x74: {  	[spmem:s4] =	stream.linear.scatter [tilespmem:s15], [sflag:$0x9], $0x1000, $0x38;
	[tilespmem:$0x1F300] =	vst v63  }
0x75: {  	_ =	swait.ge [sflag:s16], $0x1000  }
0x76: {  	[sflag:s16] =	ssyncset.done $0x0  }
0x77: {  	s13 =	rddreg [dreg:$0x1b];
	[sflag:s16] =	ssyncadd.s32 $0xFFFFF000  }
0x78: {  	[spmem:s13] =	stream.linear.scatter [tilespmem:s15], [sflag:$0x9], $0x1000, $0x38;
	[tilespmem:$0x1F300] =	vst v63  }
0x79: {  	_ =	swait.ge [sflag:s16], $0x1000  }
0x7a: {  	[sflag:s16] =	ssyncset.done $0x0  }
0x7b: {  	s14 =	rddreg [dreg:$0x1c];
	[sflag:s16] =	ssyncadd.s32 $0xFFFFF000  }
0x7c: {  	[spmem:s14] =	stream.linear.scatter [tilespmem:s15], [sflag:$0x9], $0x1000, $0x38;
	[tilespmem:$0x1F300] =	vst v63  }
0x7d: {  	_ =	swait.ge [sflag:s16], $0x1000  }
0x7e: {  	[sflag:s16] =	ssyncset.done $0x0  }
0x7f: {  	s19 =	rddreg [dreg:$0x1d];
	[sflag:s16] =	ssyncadd.s32 $0xFFFFF000  }
0x80: {  	[spmem:s19] =	stream.linear.scatter [tilespmem:s15], [sflag:$0x9], $0x1000, $0x38;
	[tilespmem:$0x1F300] =	vst v63  }
0x81: {  	_ =	swait.ge [sflag:s16], $0x1000  }
0x82: {  	[sflag:s16] =	ssyncset.done $0x0  }
0x83: {  	[sflag:s16] =	ssyncadd.s32 $0xFFFFF000  }
0x84: {  	[bflag:$0x0] =	sbarrier.arrive $0xFFFF  }
0x85: {  	s31 =	simm.s32 $0x0;
	s20 =	rddreg [dreg:$0x5]  }
0x86: {  	[tilespmem:s31], [sflag:$0x9] =	stream.linear.gather [hbm4b:s20+s31], $0x28, $0x38;
	[tilespmem:$0x1F300] =	vst v63  }
0x87: {  	_ =	swait.ge [sflag:s16], $0x28  }
0x88: {  	[sflag:s16] =	ssyncset.done $0x0  }
0x89: {  	s21 =	rddreg [dreg:$0x6];
	[sflag:s16] =	ssyncadd.s32 $0xFFFFFFD8  }
0x8a: {  	[tilespmem:s17], [sflag:$0x9] =	stream.linear.gather [hbm4b:s21+s31], $0x28, $0x38;
	[tilespmem:$0x1F300] =	vst v63  }
0x8b: {  	_ =	swait.ge [sflag:s16], $0x28  }
0x8c: {  	[sflag:s16] =	ssyncset.done $0x0  }
0x8d: {  	s26 =	simm.s32 $0x180;
	[sflag:s16] =	ssyncadd.s32 $0xFFFFFFD8  }
0x8e: {  	[tilespmem:s26], [sflag:$0x1] =	stream.indirect.gather [hbm4b:s1+s18], $0x80, s31, s18, $0xb8;
	[tilespmem:$0x1F300] =	vst v63  }
0x8f: {  	s29 =	simm.s32 $0x1580  }
0x90: {  	[tilespmem:s29], [sflag:$0x2] =	stream.indirect.gather [hbm4b:s7+s18], $0x80, s17, s18, $0xb8;
	[tilespmem:$0x1F300] =	vst v63  }
0x91: {  	s2 =	simm.s32 $0x2980;
	s30 =	rddreg [dreg:$0x7]  }
0x92: {  	[tilespmem:s2], [sflag:$0x3] =	stream.linear.gather [hbm4b:s30+s31], $0x1400, $0x38;
	[tilespmem:$0x1F300] =	vst v63  }
.LBB2_4:
0x93: {  	_ =	swait.ge [sflag:s22], $0x1400  }
0x94: {  	[sflag:s22] =	ssyncset.done $0x0  }
0x95: {  	[sflag:s22] =	ssyncadd.s32 $0xFFFFEC00  }
0x96: {  	_ =	swait.ge [sflag:s23], $0x1400  }
0x97: {  	[sflag:s23] =	ssyncset.done $0x0  }
0x98: {  	[sflag:s23] =	ssyncadd.s32 $0xFFFFEC00  }
0x99: {  	_ =	swait.ge [sflag:s24], $0x1400  }
0x9a: {  	p0 =	seq.s32 s31, $0x0;
	[sflag:s24] =	ssyncset.done $0x0  }
0x9b: {  	s2 =	simm.s32 @!p0 $0x8;
	[sflag:s24] =	ssyncadd.s32 $0xFFFFEC00  }
0x9c: {  	s0 =	smul.u32 $0x50, s31;
	_ =	swait.ge @!p0 [sflag:s2], $0x1400  }
0x9d: {  	s4 =	rddreg [dreg:$0x8]  }
0x9e: {  	s0 =	sadd.s32 s0, s4  }
0x9f: {  	[sflag:s2] =	ssyncset.done @!p0 $0x0;
	s4 =	sshrl.u32 s0, $0x3  }
0xa0: {  	s13 =	simm.s32 $0x5180;
	[sflag:s2] =	ssyncadd.s32 @!p0 $0xFFFFEC00;
	s20 =	sadd.s32 s5, s4  }
0xa1: {  	[tilespmem:s13], [sflag:$0x9] =	stream.linear.gather [hbm4b:s20+s3], $0x28, $0x38;
	[tilespmem:$0x1F300] =	vst v63  }
0xa2: {  	_ =	swait.ge [sflag:s16], $0x28  }
0xa3: {  	[sflag:s16] =	ssyncset.done $0x0  }
0xa4: {  	s26 =	simm.s32 $0x5200;
	s21 =	sadd.s32 s6, s4;
	[sflag:s16] =	ssyncadd.s32 $0xFFFFFFD8  }
0xa5: {  	[tilespmem:s26], [sflag:$0x9] =	stream.linear.gather [hbm4b:s21+s3], $0x28, $0x38;
	[tilespmem:$0x1F300] =	vst v63  }
0xa6: {  	_ =	swait.ge [sflag:s16], $0x28  }
0xa7: {  	[sflag:s16] =	ssyncset.done $0x0  }
0xa8: {  	s14 =	simm.s32 $0x5300;
	[sflag:s16] =	ssyncadd.s32 $0xFFFFFFD8  }
0xa9: {  	[tilespmem:s14], [sflag:$0x5] =	stream.indirect.gather [hbm4b:s1+s18], $0x80, s13, s18, $0xb8;
	[tilespmem:$0x1F300] =	vst v63  }
0xaa: {  	s19 =	simm.s32 $0x6700;
	s0 =	sshll.u32 s0, $0x4  }
0xab: {  	[tilespmem:s19], [sflag:$0x6] =	stream.indirect.gather [hbm4b:s7+s18], $0x80, s26, s18, $0xb8;
	[tilespmem:$0x1F300] =	vst v63  }
0xac: {  	s0 =	sadd.s32 s8, s0;
	s20 =	simm.s32 $0x7B00;
	s14 =	simm.s32 $0x200  }
0xad: {  	[tilespmem:s20], [sflag:$0x7] =	stream.linear.gather [hbm4b:s0+s3], $0x1400, $0x38;
	[tilespmem:$0x1F300] =	vst v63  }
0xae: {  	s21 =	simm.s32 $0x1600;
	v1 =	vld [tilespmem:s14+$0x40]  }
0xaf: {  	v2 =	vld [tilespmem:s21+$0x40]  }
0xb0: {  	s26 =	simm.s32 $0x2A00  }
0xb1: {  	v3 =	vld [tilespmem:s26+$0x40];
	_ =	sdelay $0x2  }
0xb2: {  	v4 =	vshll.u32 v1, $0x10;
	v5 =	vshll.u32 v2, $0x10  }
0xb3: {  	v1 =	vand.u32 $0xFFFF0000, v1;
	v2 =	vand.u32 $0xFFFF0000, v2;
	v4 =	vadd.f32 v5, v4  }
0xb4: {  	v6 =	vshll.u32 v3, $0x10;
	v5 =	vld [tilespmem:s14+$0xFFFFFFC0];
	v1 =	vadd.f32 v2, v1  }
0xb5: {  	v3 =	vand.u32 $0xFFFF0000, v3;
	v2 =	vld [tilespmem:s21+$0xFFFFFFC0];
	v4 =	vadd.f32 v6, v4  }
0xb6: {  	v1 =	vadd.f32 v3, v1  }
0xb7: {  	v3 =	vld [tilespmem:s26+$0xFFFFFFC0];
	v6 =	vand.u32 $0x7FFFFFFF, v4  }
0xb8: {  	v7 =	vand.u32 $0x7FFFFFFF, v1;
	v6 =	vsub.f32 $0.0e+00, v6  }
0xb9: {  	v7 =	vsub.f32 $0.0e+00, v7  }
0xba: {  	v8 =	vshll.u32 v5, $0x10;
	v9 =	vshll.u32 v2, $0x10;
	v6 =	vmul.f32 $1.442695020e+00, v6  }
0xbb: {  	v5 =	vand.u32 $0xFFFF0000, v5;
	v8 =	vadd.f32 v9, v8;
	v7 =	vmul.f32 $1.442695020e+00, v7  }
0xbc: {  	v2 =	vand.u32 $0xFFFF0000, v2;
	v9 =	vshll.u32 v3, $0x10;
	(erf) = vpow2.f32 v6  }
0xbd: {  	v2 =	vadd.f32 v2, v5;
	v5 =	vadd.f32 v9, v8;
	(erf) = vpow2.f32 v7  }
0xbe: {  	v3 =	vand.u32 $0xFFFF0000, v3  }
0xbf: {  	v2 =	vadd.f32 v3, v2;
	v6 =	vld [tilespmem:s14+$0x0];
	v3 =	vand.u32 $0x7FFFFFFF, v5  }
0xc0: {  	v7 =	vld [tilespmem:s21+$0x0];
	v3 =	vsub.f32 $0.0e+00, v3  }
0xc1: {  	v9 =	vld [tilespmem:s26+$0x0];
	v8 =	vand.u32 $0x7FFFFFFF, v2  }
0xc2: {  	v8 =	vsub.f32 $0.0e+00, v8;
	v3 =	vmul.f32 $1.442695020e+00, v3;
	_ =	sdelay $0x1  }
0xc3: {  	v12 =	vld [tilespmem:s21+$0xFFFFFF80];
	v8 =	vmul.f32 $1.442695020e+00, v8;
	(erf) = vpow2.f32 v3;
	v3 =	vshll.u32 v6, $0x10  }
0xc4: {  	v15 =	vld [tilespmem:s14+$0xFFFFFF80];
	v10 =	vshll.u32 v7, $0x10;
	v6 =	vand.u32 $0xFFFF0000, v6;
	v7 =	vand.u32 $0xFFFF0000, v7;
	v11 =	vpop (erf)  }
0xc5: {  	v3 =	vadd.f32 v10, v3;
	v10 =	vshll.u32 v9, $0x10;
	v13 =	vadd.f32 $2.000000000e+00, v11;
	v14 =	vpop (erf)  }
0xc6: {  	v6 =	vadd.f32 v7, v6;
	(erf) = vpow2.f32 v8;
	v7 =	vadd.f32 $2.000000000e+00, v14  }
0xc7: {  	v3 =	vadd.f32 v10, v3;
	v8 =	vand.u32 $0xFFFF0000, v9;
	v9 =	vld [tilespmem:s26+$0xFFFFFF80];
	(erf) = vrcp.f32 v13  }
0xc8: {  	v6 =	vadd.f32 v8, v6;
	(erf) = vrcp.f32 v7  }
0xc9: {  	v10 =	vshll.u32 v12, $0x10;
	v3 =	vsub.f32 $0.0e+00, v3;
	v8 =	vshll.u32 v15, $0x10  }
0xca: {  	v8 =	vadd.f32 v10, v8;
	v6 =	vsub.f32 $0.0e+00, v6  }
0xcb: {  	v3 =	vmul.f32 $1.442695020e+00, v3  }
0xcc: {  	v6 =	vmul.f32 $1.442695020e+00, v6;
	v10 =	vshll.u32 v9, $0x10  }
0xcd: {  	(erf) = vpow2.f32 v3;
	v3 =	vadd.f32 v10, v8;
	v10 =	vand.u32 $0xFFFF0000, v12  }
0xce: {  	v8 =	vpop (erf)  }
0xcf: {  	(erf) = vpow2.f32 v6;
	v6 =	vand.u32 $0xFFFF0000, v15;
	v12 =	vpop (erf)  }
0xd0: {  	v6 =	vadd.f32 v10, v6;
	v3 =	vsub.f32 $0.0e+00, v3;
	v10 =	vpop (erf)  }
0xd1: {  	v9 =	vand.u32 $0xFFFF0000, v9;
	v15 =	vadd.f32 $2.000000000e+00, v8;
	v10 =	vmul.f32 v10, v11;
	v16 =	vpop (erf)  }
0xd2: {  	v6 =	vadd.f32 v9, v6;
	v3 =	vmul.f32 $1.442695020e+00, v3;
	v9 =	vmul.f32 v16, v14  }
0xd3: {  	(erf) = vrcp.f32 v15;
	v10 =	vmul.f32 v10, v10  }
0xd4: {  	(erf) = vpow2.f32 v3;
	v3 =	vmul.f32 v9, v9  }
0xd5: {  	v6 =	vsub.f32 $0.0e+00, v6;
	v9 =	vmul.f32 $1.428571490e-01, v10  }
0xd6: {  	v16 =	vadd.f32 $2.000000000e+00, v12;
	v18 =	vmul.f32 $1.428571490e-01, v3  }
0xd7: {  	v6 =	vmul.f32 $1.442695020e+00, v6;
	v17 =	vpop (erf);
	v9 =	vadd.f32 $2.000000030e-01, v9  }
0xd8: {  	(erf) = vrcp.f32 v16;
	v17 =	vadd.f32 $1.000000000e+00, v17;
	v18 =	vadd.f32 $2.000000030e-01, v18  }
0xd9: {  	v19 =	vpop (erf);
	(erf) = vpow2.f32 v6;
	v9 =	vmul.f32 v9, v10  }
0xda: {  	v6 =	vadd.f32 $1.000000000e+00, v19;
	v17 =	vmul.f32 v13, v17;
	v18 =	vmul.f32 v18, v3  }
0xdb: {  	v9 =	vadd.f32 $3.333333430e-01, v9  }
0xdc: {  	v6 =	vmul.f32 v7, v6;
	v18 =	vadd.f32 $3.333333430e-01, v18  }
0xdd: {  	(erf) = vrcp.f32 v17;
	v9 =	vmul.f32 v9, v10  }
0xde: {  	v17 =	vpop (erf);
	(erf) = vrcp.f32 v6;
	v3 =	vmul.f32 v18, v3  }
0xdf: {  	v11 =	vadd.f32 v11, v11;
	v9 =	vadd.f32 $1.000000000e+00, v9  }
0xe0: {  	v4 =	vmax.f32 v4, $0.0e+00;
	v14 =	vadd.f32 v14, v14;
	v3 =	vadd.f32 $1.000000000e+00, v3  }
0xe1: {  	v4 =	vmul.f32 v13, v4;
	v9 =	vmul.f32 v9, v11  }
0xe2: {  	v6 =	vpop (erf);
	v3 =	vmul.f32 v3, v14  }
0xe3: {  	v1 =	vmax.f32 v1, $0.0e+00;
	v17 =	vmul.f32 v17, v8;
	v10 =	vpop (erf);
	v4 =	vadd.f32 v9, v4  }
0xe4: {  	v1 =	vmul.f32 v7, v1;
	v10 =	vmul.f32 v10, v12  }
0xe5: {  	v7 =	vpop (erf);
	v11 =	vmul.f32 v17, v17  }
0xe6: {  	v9 =	vmul.f32 v10, v10;
	v1 =	vadd.f32 v3, v1;
	v3 =	vpop (erf)  }
0xe7: {  	v10 =	vmul.f32 $1.428571490e-01, v11;
	v3 =	vmul.f32 v4, v3;
	v4 =	vpop (erf)  }
0xe8: {  	s0 =	simm.s32 $0x3E00;
	v13 =	vmul.f32 $1.428571490e-01, v9;
	v1 =	vmul.f32 v1, v4  }
0xe9: {  	v4 =	vadd.f32 $2.000000030e-01, v10;
	[tilespmem:s0+$0x0] =	vst v3  }
0xea: {  	v3 =	vadd.f32 $1.000000000e+00, v6;
	v6 =	vadd.f32 $2.000000030e-01, v13;
	[tilespmem:s0+$0x10] =	vst v1  }
0xeb: {  	v1 =	vadd.f32 $1.000000000e+00, v7;
	v4 =	vmul.f32 v4, v11;
	v7 =	vld [tilespmem:s14+$0x50]  }
0xec: {  	v3 =	vmul.f32 v15, v3;
	v6 =	vmul.f32 v6, v9;
	v10 =	vld [tilespmem:s21+$0x50]  }
0xed: {  	v5 =	vmax.f32 v5, $0.0e+00;
	v1 =	vmul.f32 v16, v1;
	v4 =	vadd.f32 $3.333333430e-01, v4  }
0xee: {  	v5 =	vmul.f32 v15, v5;
	(erf) = vrcp.f32 v3;
	v3 =	vadd.f32 $3.333333430e-01, v6;
	v6 =	vld [tilespmem:s26+$0x50]  }
0xef: {  	v2 =	vmax.f32 v2, $0.0e+00;
	(erf) = vrcp.f32 v1;
	v1 =	vmul.f32 v4, v11  }
0xf0: {  	v8 =	vadd.f32 v8, v8;
	v4 =	vadd.f32 v12, v12;
	v3 =	vmul.f32 v3, v9  }
0xf1: {  	v1 =	vadd.f32 $1.000000000e+00, v1;
	v9 =	vshll.u32 v7, $0x10;
	v11 =	vshll.u32 v10, $0x10  }
0xf2: {  	v7 =	vand.u32 $0xFFFF0000, v7;
	v10 =	vand.u32 $0xFFFF0000, v10;
	v9 =	vadd.f32 v11, v9  }
0xf3: {  	v3 =	vadd.f32 $1.000000000e+00, v3;
	v7 =	vadd.f32 v10, v7;
	v11 =	vshll.u32 v6, $0x10  }
0xf4: {  	v1 =	vmul.f32 v1, v8;
	v6 =	vand.u32 $0xFFFF0000, v6;
	v8 =	vadd.f32 v11, v9  }
0xf5: {  	v2 =	vmul.f32 v16, v2;
	v3 =	vmul.f32 v3, v4;
	v4 =	vadd.f32 v6, v7  }
0xf6: {  	v1 =	vadd.f32 v1, v5;
	v5 =	vand.u32 $0x7FFFFFFF, v8  }
0xf7: {  	v2 =	vadd.f32 v3, v2;
	v6 =	vpop (erf);
	v3 =	vsub.f32 $0.0e+00, v5;
	v5 =	vand.u32 $0x7FFFFFFF, v4  }
0xf8: {  	v1 =	vmul.f32 v1, v6;
	v5 =	vsub.f32 $0.0e+00, v5  }
0xf9: {  	v3 =	vmul.f32 $1.442695020e+00, v3  }
0xfa: {  	v7 =	vpop (erf);
	[tilespmem:s0+$0xFFFFFF80] =	vst v1;
	v1 =	vmul.f32 $1.442695020e+00, v5  }
0xfb: {  	v6 =	vld [tilespmem:s26+$0x10];
	v2 =	vmul.f32 v2, v7;
	(erf) = vpow2.f32 v3  }
0xfc: {  	v5 =	vld [tilespmem:s21+$0x10];
	(erf) = vpow2.f32 v1  }
0xfd: {  	[tilespmem:s0+$0xFFFFFF90] =	vst v2;
	v3 =	vld [tilespmem:s14+$0x10]  }
0xfe: {  	v2 =	vld [tilespmem:s14+$0xFFFFFFD0]  }
0xff: {  	v1 =	vld [tilespmem:s21+$0xFFFFFFD0];
	_ =	sdelay $0x1  }
0x100: {  	v16 =	vshll.u32 v6, $0x10  }
0x101: {  	v10 =	vld [tilespmem:s26+$0xFFFFFFD0];
	v6 =	vand.u32 $0xFFFF0000, v6;
	v12 =	vshll.u32 v5, $0x10;
	v5 =	vand.u32 $0xFFFF0000, v5  }
0x102: {  	v11 =	vshll.u32 v3, $0x10;
	v3 =	vand.u32 $0xFFFF0000, v3;
	v7 =	vshll.u32 v2, $0x10  }
0x103: {  	v9 =	vshll.u32 v1, $0x10;
	v11 =	vadd.f32 v12, v11;
	v3 =	vadd.f32 v5, v3;
	v13 =	vpop (erf)  }
0x104: {  	v15 =	vld [tilespmem:s14+$0xFFFFFF90];
	v2 =	vand.u32 $0xFFFF0000, v2;
	v7 =	vadd.f32 v9, v7;
	v12 =	vadd.f32 $2.000000000e+00, v13;
	v14 =	vpop (erf)  }
0x105: {  	v1 =	vand.u32 $0xFFFF0000, v1;
	v11 =	vadd.f32 v16, v11;
	v5 =	vadd.f32 $2.000000000e+00, v14  }
0x106: {  	v9 =	vshll.u32 v10, $0x10;
	v3 =	vadd.f32 v6, v3;
	(erf) = vrcp.f32 v12  }
0x107: {  	v1 =	vadd.f32 v1, v2;
	v6 =	vld [tilespmem:s21+$0xFFFFFF90];
	v2 =	vsub.f32 $0.0e+00, v11;
	(erf) = vrcp.f32 v5  }
0x108: {  	v10 =	vand.u32 $0xFFFF0000, v10;
	v7 =	vadd.f32 v9, v7;
	v3 =	vsub.f32 $0.0e+00, v3;
	v11 =	vld [tilespmem:s26+$0xFFFFFF90]  }
0x109: {  	v9 =	vshll.u32 v15, $0x10;
	v1 =	vadd.f32 v10, v1;
	v2 =	vmul.f32 $1.442695020e+00, v2  }
0x10a: {  	v10 =	vand.u32 $0xFFFF0000, v15;
	v15 =	vand.u32 $0x7FFFFFFF, v7;
	v3 =	vmul.f32 $1.442695020e+00, v3  }
0x10b: {  	v16 =	vand.u32 $0x7FFFFFFF, v1;
	v15 =	vsub.f32 $0.0e+00, v15;
	(erf) = vpow2.f32 v2  }
0x10c: {  	v16 =	vsub.f32 $0.0e+00, v16;
	v2 =	vshll.u32 v6, $0x10;
	(erf) = vpow2.f32 v3  }
0x10d: {  	v3 =	vand.u32 $0xFFFF0000, v6;
	v6 =	vmul.f32 $1.442695020e+00, v15;
	v15 =	vshll.u32 v11, $0x10  }
0x10e: {  	v2 =	vadd.f32 v2, v9  }
0x10f: {  	v9 =	vmul.f32 $1.442695020e+00, v16;
	v3 =	vadd.f32 v3, v10;
	v10 =	vpop (erf)  }
0x110: {  	v11 =	vand.u32 $0xFFFF0000, v11;
	v2 =	vadd.f32 v15, v2;
	v10 =	vmul.f32 v10, v13;
	v15 =	vpop (erf)  }
0x111: {  	v3 =	vadd.f32 v11, v3;
	(erf) = vpow2.f32 v6;
	v6 =	vmul.f32 v15, v14  }
0x112: {  	v2 =	vsub.f32 $0.0e+00, v2;
	(erf) = vpow2.f32 v9;
	v9 =	vmul.f32 v10, v10  }
0x113: {  	v3 =	vsub.f32 $0.0e+00, v3;
	v6 =	vmul.f32 v6, v6  }
0x114: {  	v2 =	vmul.f32 $1.442695020e+00, v2;
	v10 =	vmul.f32 $1.428571490e-01, v9  }
0x115: {  	v3 =	vmul.f32 $1.442695020e+00, v3;
	v15 =	vpop (erf);
	v11 =	vmul.f32 $1.428571490e-01, v6  }
0x116: {  	(erf) = vpow2.f32 v2;
	v2 =	vadd.f32 $2.000000030e-01, v10;
	v10 =	vadd.f32 $1.000000000e+00, v15;
	v15 =	vpop (erf)  }
0x117: {  	(erf) = vpow2.f32 v3;
	v3 =	vadd.f32 $2.000000030e-01, v11;
	v11 =	vadd.f32 $1.000000000e+00, v15  }
0x118: {  	v2 =	vmul.f32 v2, v9;
	v10 =	vmul.f32 v12, v10  }
0x119: {  	v3 =	vmul.f32 v3, v6;
	v11 =	vmul.f32 v5, v11  }
0x11a: {  	v2 =	vadd.f32 $3.333333430e-01, v2;
	(erf) = vrcp.f32 v10  }
0x11b: {  	v3 =	vadd.f32 $3.333333430e-01, v3;
	(erf) = vrcp.f32 v11  }
0x11c: {  	v8 =	vmax.f32 v8, $0.0e+00;
	v4 =	vmax.f32 v4, $0.0e+00;
	v15 =	vpop (erf);
	v2 =	vmul.f32 v2, v9  }
0x11d: {  	v16 =	vpop (erf);
	v10 =	vadd.f32 $2.000000000e+00, v15;
	v3 =	vmul.f32 v3, v6;
	v6 =	vadd.f32 v13, v13  }
0x11e: {  	v8 =	vmul.f32 v12, v8;
	v11 =	vadd.f32 $2.000000000e+00, v16;
	v2 =	vadd.f32 $1.000000000e+00, v2  }
0x11f: {  	v4 =	vmul.f32 v5, v4;
	v9 =	vadd.f32 v14, v14;
	v3 =	vadd.f32 $1.000000000e+00, v3  }
0x120: {  	(erf) = vrcp.f32 v10;
	v2 =	vmul.f32 v2, v6  }
0x121: {  	(erf) = vrcp.f32 v11;
	v6 =	vpop (erf);
	v3 =	vmul.f32 v3, v9  }
0x122: {  	v5 =	vpop (erf);
	v2 =	vadd.f32 v2, v8  }
0x123: {  	v3 =	vadd.f32 v3, v4;
	v4 =	vpop (erf)  }
0x124: {  	v2 =	vmul.f32 v2, v4;
	v4 =	vpop (erf)  }
0x125: {  	v3 =	vmul.f32 v3, v4  }
0x126: {  	[tilespmem:s0+$0x20] =	vst v2  }
0x127: {  	[tilespmem:s0+$0x30] =	vst v3  }
0x128: {  	v2 =	vld [tilespmem:s14+$0x60]  }
0x129: {  	v4 =	vld [tilespmem:s21+$0x60];
	v3 =	vpop (erf)  }
0x12a: {  	v3 =	vmul.f32 v3, v15;
	v8 =	vpop (erf)  }
0x12b: {  	v6 =	vadd.f32 $1.000000000e+00, v6;
	v9 =	vld [tilespmem:s26+$0x60];
	v8 =	vmul.f32 v8, v16  }
0x12c: {  	v3 =	vmul.f32 v3, v3  }
0x12d: {  	v5 =	vadd.f32 $1.000000000e+00, v5;
	v6 =	vmul.f32 v10, v6;
	v8 =	vmul.f32 v8, v8  }
0x12e: {  	v13 =	vshll.u32 v2, $0x10;
	v14 =	vshll.u32 v4, $0x10;
	v12 =	vmul.f32 $1.428571490e-01, v3  }
0x12f: {  	v2 =	vand.u32 $0xFFFF0000, v2;
	v4 =	vand.u32 $0xFFFF0000, v4;
	v13 =	vadd.f32 v14, v13  }
0x130: {  	v17 =	vshll.u32 v9, $0x10;
	v2 =	vadd.f32 v4, v2;
	v4 =	vadd.f32 $2.000000030e-01, v12  }
0x131: {  	v9 =	vand.u32 $0xFFFF0000, v9;
	v14 =	vmul.f32 $1.428571490e-01, v8;
	v12 =	vadd.f32 v17, v13  }
0x132: {  	v5 =	vmul.f32 v11, v5;
	v2 =	vadd.f32 v9, v2;
	v4 =	vmul.f32 v4, v3  }
0x133: {  	(erf) = vrcp.f32 v6;
	v13 =	vadd.f32 $2.000000030e-01, v14;
	v9 =	vand.u32 $0x7FFFFFFF, v12  }
0x134: {  	v14 =	vand.u32 $0x7FFFFFFF, v2;
	v9 =	vsub.f32 $0.0e+00, v9;
	v4 =	vadd.f32 $3.333333430e-01, v4  }
0x135: {  	(erf) = vrcp.f32 v5;
	v13 =	vmul.f32 v13, v8;
	v6 =	vsub.f32 $0.0e+00, v14  }
0x136: {  	v9 =	vmul.f32 $1.442695020e+00, v9;
	v3 =	vmul.f32 v4, v3  }
0x137: {  	v5 =	vadd.f32 $3.333333430e-01, v13;
	v4 =	vmul.f32 $1.442695020e+00, v6;
	v6 =	vmax.f32 v7, $0.0e+00  }
0x138: {  	v7 =	vadd.f32 v15, v15;
	(erf) = vpow2.f32 v9;
	v3 =	vadd.f32 $1.000000000e+00, v3  }
0x139: {  	v5 =	vmul.f32 v5, v8;
	(erf) = vpow2.f32 v4  }
0x13a: {  	v8 =	vadd.f32 v16, v16;
	v3 =	vmul.f32 v3, v7;
	v7 =	vld [tilespmem:s21+$0x20]  }
0x13b: {  	v4 =	vadd.f32 $1.000000000e+00, v5;
	v5 =	vmul.f32 v10, v6  }
0x13c: {  	v1 =	vmax.f32 v1, $0.0e+00;
	v6 =	vld [tilespmem:s14+$0x20]  }
0x13d: {  	v1 =	vmul.f32 v11, v1;
	v4 =	vmul.f32 v4, v8;
	v3 =	vadd.f32 v3, v5  }
0x13e: {  	v8 =	vpop (erf)  }
0x13f: {  	v1 =	vadd.f32 v4, v1;
	v4 =	vld [tilespmem:s26+$0x20];
	v3 =	vmul.f32 v3, v8;
	v8 =	vshll.u32 v7, $0x10  }
0x140: {  	v5 =	vpop (erf)  }
0x141: {  	v1 =	vmul.f32 v1, v5;
	v5 =	vshll.u32 v6, $0x10;
	v6 =	vand.u32 $0xFFFF0000, v6;
	v9 =	vpop (erf)  }
0x142: {  	[tilespmem:s0+$0xFFFFFFA0] =	vst v3;
	v3 =	vand.u32 $0xFFFF0000, v7;
	v5 =	vadd.f32 v8, v5;
	v7 =	vadd.f32 $2.000000000e+00, v9;
	v8 =	vpop (erf)  }
0x143: {  	[tilespmem:s0+$0xFFFFFFB0] =	vst v1;
	v3 =	vadd.f32 v3, v6;
	v6 =	vadd.f32 $2.000000000e+00, v8  }
0x144: {  	v1 =	vshll.u32 v4, $0x10;
	v10 =	vld [tilespmem:s14+$0xFFFFFFE0];
	(erf) = vrcp.f32 v7  }
0x145: {  	v4 =	vand.u32 $0xFFFF0000, v4;
	v1 =	vadd.f32 v1, v5;
	v5 =	vld [tilespmem:s21+$0xFFFFFFE0];
	(erf) = vrcp.f32 v6  }
0x146: {  	v3 =	vadd.f32 v4, v3  }
0x147: {  	v4 =	vld [tilespmem:s26+$0xFFFFFFE0];
	v1 =	vsub.f32 $0.0e+00, v1  }
0x148: {  	v11 =	vld [tilespmem:s14+$0xFFFFFFA0];
	v3 =	vsub.f32 $0.0e+00, v3  }
0x149: {  	v1 =	vmul.f32 $1.442695020e+00, v1;
	v13 =	vshll.u32 v10, $0x10  }
0x14a: {  	v14 =	vld [tilespmem:s21+$0xFFFFFFA0];
	v3 =	vmul.f32 $1.442695020e+00, v3;
	v10 =	vand.u32 $0xFFFF0000, v10;
	v15 =	vshll.u32 v5, $0x10  }
0x14b: {  	(erf) = vpow2.f32 v1;
	v1 =	vand.u32 $0xFFFF0000, v5;
	v5 =	vadd.f32 v15, v13  }
0x14c: {  	(erf) = vpow2.f32 v3;
	v3 =	vshll.u32 v4, $0x10;
	v1 =	vadd.f32 v1, v10  }
0x14d: {  	v4 =	vand.u32 $0xFFFF0000, v4;
	v3 =	vadd.f32 v3, v5;
	v5 =	vshll.u32 v11, $0x10;
	v10 =	vpop (erf)  }
0x14e: {  	v1 =	vadd.f32 v4, v1;
	v4 =	vand.u32 $0xFFFF0000, v11;
	v10 =	vmul.f32 v10, v9;
	v11 =	vpop (erf)  }
0x14f: {  	v15 =	vshll.u32 v14, $0x10;
	v13 =	vand.u32 $0x7FFFFFFF, v3;
	v11 =	vmul.f32 v11, v8  }
0x150: {  	v13 =	vsub.f32 $0.0e+00, v13;
	v16 =	vand.u32 $0x7FFFFFFF, v1;
	v10 =	vmul.f32 v10, v10  }
0x151: {  	v14 =	vand.u32 $0xFFFF0000, v14;
	v16 =	vsub.f32 $0.0e+00, v16;
	v11 =	vmul.f32 v11, v11  }
0x152: {  	v5 =	vadd.f32 v15, v5;
	v13 =	vmul.f32 $1.442695020e+00, v13;
	v15 =	vmul.f32 $1.428571490e-01, v10  }
0x153: {  	v4 =	vadd.f32 v14, v4;
	v14 =	vmul.f32 $1.442695020e+00, v16;
	v16 =	vmul.f32 $1.428571490e-01, v11  }
0x154: {  	v17 =	vld [tilespmem:s26+$0xFFFFFFA0];
	v18 =	vpop (erf);
	(erf) = vpow2.f32 v13;
	v13 =	vadd.f32 $2.000000030e-01, v15  }
0x155: {  	v15 =	vadd.f32 $1.000000000e+00, v18;
	v18 =	vpop (erf);
	(erf) = vpow2.f32 v14;
	v14 =	vadd.f32 $2.000000030e-01, v16  }
0x156: {  	v16 =	vadd.f32 $1.000000000e+00, v18;
	v13 =	vmul.f32 v13, v10  }
0x157: {  	v15 =	vmul.f32 v7, v15;
	v14 =	vmul.f32 v14, v11  }
0x158: {  	v16 =	vmul.f32 v6, v16;
	v13 =	vadd.f32 $3.333333430e-01, v13  }
0x159: {  	v18 =	vshll.u32 v17, $0x10;
	(erf) = vrcp.f32 v15;
	v14 =	vadd.f32 $3.333333430e-01, v14  }
0x15a: {  	v5 =	vadd.f32 v18, v5;
	(erf) = vrcp.f32 v16;
	v10 =	vmul.f32 v13, v10  }
0x15b: {  	v9 =	vadd.f32 v9, v9;
	v11 =	vmul.f32 v14, v11  }
0x15c: {  	v17 =	vand.u32 $0xFFFF0000, v17;
	v5 =	vsub.f32 $0.0e+00, v5;
	v10 =	vadd.f32 $1.000000000e+00, v10  }
0x15d: {  	v12 =	vmax.f32 v12, $0.0e+00;
	v4 =	vadd.f32 v17, v4;
	v11 =	vadd.f32 $1.000000000e+00, v11  }
0x15e: {  	v2 =	vmax.f32 v2, $0.0e+00;
	v8 =	vadd.f32 v8, v8;
	v5 =	vmul.f32 $1.442695020e+00, v5  }
0x15f: {  	v7 =	vmul.f32 v7, v12;
	v4 =	vsub.f32 $0.0e+00, v4;
	v9 =	vmul.f32 v10, v9  }
0x160: {  	v2 =	vmul.f32 v6, v2;
	v10 =	vpop (erf);
	v6 =	vmul.f32 v11, v8  }
0x161: {  	v4 =	vmul.f32 $1.442695020e+00, v4;
	v7 =	vadd.f32 v9, v7;
	v11 =	vpop (erf)  }
0x162: {  	(erf) = vpow2.f32 v5;
	v8 =	vadd.f32 $2.000000000e+00, v10;
	v2 =	vadd.f32 v6, v2;
	v5 =	vpop (erf)  }
0x163: {  	(erf) = vpow2.f32 v4;
	v4 =	vmul.f32 v7, v5;
	v5 =	vpop (erf)  }
0x164: {  	(erf) = vrcp.f32 v8;
	v2 =	vmul.f32 v2, v5  }
0x165: {  	[tilespmem:s0+$0x40] =	vst v4  }
0x166: {  	[tilespmem:s0+$0x50] =	vst v2  }
0x167: {  	v6 =	vld [tilespmem:s14+$0x70]  }
0x168: {  	v12 =	vld [tilespmem:s21+$0x70]  }
0x169: {  	s29 =	simm.s32 $0x1700  }
0x16a: {  	v21 =	vld [tilespmem:s29+$0xFFFFFFC0];
	v2 =	vadd.f32 $2.000000000e+00, v11  }
0x16b: {  	v18 =	vld [tilespmem:s26+$0x70];
	v4 =	vpop (erf)  }
0x16c: {  	s4 =	simm.s32 $0x300;
	(erf) = vrcp.f32 v2;
	v5 =	vpop (erf)  }
0x16d: {  	v14 =	vld [tilespmem:s4+$0x40];
	v4 =	vadd.f32 $1.000000000e+00, v4;
	v7 =	vpop (erf);
	v9 =	vand.u32 $0xFFFF0000, v6;
	v13 =	vand.u32 $0xFFFF0000, v12  }
0x16e: {  	v5 =	vadd.f32 $1.000000000e+00, v5;
	v7 =	vmul.f32 v7, v10;
	v9 =	vadd.f32 v13, v9;
	v13 =	vld [tilespmem:s29+$0x40]  }
0x16f: {  	s30 =	simm.s32 $0x2B00;
	v23 =	vshll.u32 v21, $0x10;
	v3 =	vmax.f32 v3, $0.0e+00;
	v15 =	vmul.f32 v8, v4  }
0x170: {  	v16 =	vmul.f32 v2, v5;
	v4 =	vand.u32 $0xFFFF0000, v18;
	v19 =	vmul.f32 v7, v7;
	v7 =	vld [tilespmem:s30+$0x40]  }
0x171: {  	v3 =	vmul.f32 v8, v3;
	(erf) = vrcp.f32 v15;
	v5 =	vadd.f32 v4, v9  }
0x172: {  	(erf) = vrcp.f32 v16;
	v4 =	vadd.f32 v10, v10;
	v10 =	vshll.u32 v14, $0x10  }
0x173: {  	v14 =	vand.u32 $0xFFFF0000, v14;
	v9 =	vand.u32 $0x7FFFFFFF, v5;
	v15 =	vshll.u32 v13, $0x10  }
0x174: {  	v27 =	vld [tilespmem:s29+$0x0];
	v9 =	vsub.f32 $0.0e+00, v9;
	v13 =	vand.u32 $0xFFFF0000, v13;
	v10 =	vadd.f32 v15, v10  }
0x175: {  	v30 =	vld [tilespmem:s30+$0x0];
	v8 =	vmul.f32 $1.428571490e-01, v19;
	v16 =	vshll.u32 v7, $0x10;
	v13 =	vadd.f32 v13, v14  }
0x176: {  	v20 =	vld [tilespmem:s4+$0xFFFFFFC0];
	v7 =	vand.u32 $0xFFFF0000, v7;
	v9 =	vmul.f32 $1.442695020e+00, v9;
	v17 =	vadd.f32 v16, v10  }
0x177: {  	v21 =	vand.u32 $0xFFFF0000, v21;
	v22 =	vadd.f32 $2.000000030e-01, v8;
	v15 =	vpop (erf);
	v16 =	vadd.f32 v7, v13  }
0x178: {  	v10 =	vld [tilespmem:s30+$0xFFFFFFC0];
	v14 =	vmul.f32 v15, v11;
	(erf) = vpow2.f32 v9;
	v8 =	vand.u32 $0x7FFFFFFF, v17  }
0x179: {  	v51 =	vshll.u32 v27, $0x10;
	v27 =	vand.u32 $0xFFFF0000, v27;
	v13 =	vld [tilespmem:s21+$0x30];
	v8 =	vsub.f32 $0.0e+00, v8  }
0x17a: {  	v33 =	vshll.u32 v30, $0x10;
	v15 =	vld [tilespmem:s14+$0x30];
	v7 =	vmul.f32 v14, v14;
	v14 =	vand.u32 $0x7FFFFFFF, v16  }
0x17b: {  	v31 =	vld [tilespmem:s29+$0xFFFFFF80];
	v9 =	vshll.u32 v20, $0x10;
	v24 =	vsub.f32 $0.0e+00, v14;
	v8 =	vmul.f32 $1.442695020e+00, v8  }
0x17c: {  	v30 =	vand.u32 $0xFFFF0000, v30;
	v20 =	vand.u32 $0xFFFF0000, v20;
	v9 =	vadd.f32 v23, v9;
	v14 =	vld [tilespmem:s26+$0x30]  }
0x17d: {  	v20 =	vadd.f32 v21, v20;
	v21 =	vshll.u32 v10, $0x10;
	v23 =	vmul.f32 $1.442695020e+00, v24  }
0x17e: {  	v10 =	vand.u32 $0xFFFF0000, v10;
	v21 =	vadd.f32 v21, v9;
	(erf) = vpow2.f32 v8  }
0x17f: {  	v25 =	vand.u32 $0xFFFF0000, v13;
	v24 =	vand.u32 $0xFFFF0000, v15;
	v8 =	vpop (erf);
	(erf) = vpow2.f32 v23  }
0x180: {  	v26 =	vld [tilespmem:s4+$0x0];
	v53 =	vshll.u32 v31, $0x10;
	v24 =	vadd.f32 v25, v24;
	v23 =	vand.u32 $0x7FFFFFFF, v21;
	v9 =	vpop (erf)  }
0x181: {  	v20 =	vadd.f32 v10, v20;
	v28 =	vand.u32 $0xFFFF0000, v14;
	v23 =	vsub.f32 $0.0e+00, v23;
	v10 =	vpop (erf)  }
0x182: {  	v25 =	vshll.u32 v12, $0x10;
	v24 =	vadd.f32 v28, v24;
	v12 =	vadd.f32 $2.000000000e+00, v10  }
0x183: {  	v6 =	vshll.u32 v6, $0x10;
	v18 =	vshll.u32 v18, $0x10;
	v23 =	vmul.f32 $1.442695020e+00, v23  }
0x184: {  	v29 =	vand.u32 $0x7FFFFFFF, v20;
	v24 =	vsub.f32 $0.0e+00, v24;
	(erf) = vrcp.f32 v12  }
0x185: {  	v29 =	vsub.f32 $0.0e+00, v29;
	(erf) = vpow2.f32 v23;
	v23 =	vshll.u32 v26, $0x10  }
0x186: {  	v32 =	vld [tilespmem:s4+$0xFFFFFF80];
	v24 =	vmul.f32 $1.442695020e+00, v24;
	v26 =	vand.u32 $0xFFFF0000, v26;
	v23 =	vadd.f32 v51, v23  }
0x187: {  	v6 =	vadd.f32 v25, v6;
	v25 =	vmul.f32 $1.442695020e+00, v29;
	v52 =	vpop (erf);
	v26 =	vadd.f32 v27, v26  }
0x188: {  	(erf) = vpow2.f32 v24;
	v27 =	vld [tilespmem:s30+$0xFFFFFF80];
	v24 =	vadd.f32 $2.000000000e+00, v52;
	v34 =	vpop (erf);
	v23 =	vadd.f32 v33, v23  }
0x189: {  	(erf) = vpow2.f32 v25;
	v26 =	vadd.f32 v30, v26;
	v25 =	vadd.f32 $2.000000000e+00, v34  }
0x18a: {  	v6 =	vadd.f32 v18, v6;
	(erf) = vrcp.f32 v24;
	v18 =	vsub.f32 $0.0e+00, v23  }
0x18b: {  	v23 =	vshll.u32 v32, $0x10;
	v26 =	vsub.f32 $0.0e+00, v26;
	(erf) = vrcp.f32 v25  }
0x18c: {  	v23 =	vadd.f32 v53, v23  }
0x18d: {  	v54 =	vshll.u32 v27, $0x10;
	v26 =	vmul.f32 $1.442695020e+00, v26  }
0x18e: {  	v22 =	vmul.f32 v22, v19;
	v18 =	vmul.f32 $1.442695020e+00, v18;
	v23 =	vadd.f32 v54, v23  }
0x18f: {  	v55 =	vpop (erf)  }
0x190: {  	v22 =	vadd.f32 $3.333333430e-01, v22;
	v56 =	vpop (erf);
	(erf) = vpow2.f32 v18  }
0x191: {  	v1 =	vmax.f32 v1, $0.0e+00;
	(erf) = vpow2.f32 v26;
	v26 =	vpop (erf)  }
0x192: {  	v17 =	vmax.f32 v17, $0.0e+00;
	v19 =	vmul.f32 v22, v19;
	v22 =	vsub.f32 $0.0e+00, v23;
	v23 =	vpop (erf)  }
0x193: {  	v16 =	vmax.f32 v16, $0.0e+00;
	v32 =	vand.u32 $0xFFFF0000, v32;
	v18 =	vand.u32 $0xFFFF0000, v31;
	v59 =	vpop (erf)  }
0x194: {  	v50 =	vmul.f32 $1.428571490e-01, v7;
	v13 =	vshll.u32 v13, $0x10;
	v18 =	vadd.f32 v18, v32;
	v60 =	vpop (erf)  }
0x195: {  	v27 =	vand.u32 $0xFFFF0000, v27;
	v58 =	vadd.f32 $2.000000000e+00, v56;
	v33 =	vmul.f32 v60, v34  }
0x196: {  	v18 =	vadd.f32 v27, v18;
	v22 =	vmul.f32 $1.442695020e+00, v22;
	v27 =	vmul.f32 v59, v52  }
0x197: {  	v15 =	vshll.u32 v15, $0x10;
	(erf) = vrcp.f32 v58;
	v33 =	vmul.f32 v33, v33  }
0x198: {  	v26 =	vadd.f32 $1.000000000e+00, v26;
	(erf) = vpow2.f32 v22;
	v22 =	vmul.f32 v27, v27  }
0x199: {  	v35 =	vadd.f32 $2.000000000e+00, v23;
	v27 =	vsub.f32 $0.0e+00, v18;
	v38 =	vmul.f32 $1.428571490e-01, v33  }
0x19a: {  	v18 =	vadd.f32 v11, v11;
	v11 =	vmul.f32 v12, v26;
	v26 =	vmul.f32 $1.428571490e-01, v22  }
0x19b: {  	(erf) = vrcp.f32 v35;
	v27 =	vmul.f32 $1.442695020e+00, v27;
	v37 =	vpop (erf);
	v62 =	vadd.f32 $2.000000030e-01, v38  }
0x19c: {  	(erf) = vrcp.f32 v11;
	v11 =	vadd.f32 $1.000000000e+00, v37;
	v61 =	vpop (erf);
	v26 =	vadd.f32 $2.000000030e-01, v26  }
0x19d: {  	(erf) = vpow2.f32 v27;
	v27 =	vadd.f32 $1.000000000e+00, v61;
	v37 =	vmul.f32 v62, v33  }
0x19e: {  	v13 =	vadd.f32 v13, v15;
	v11 =	vmul.f32 v24, v11;
	v26 =	vmul.f32 v26, v22  }
0x19f: {  	v20 =	vmax.f32 v20, $0.0e+00;
	v27 =	vmul.f32 v25, v27;
	v37 =	vadd.f32 $3.333333430e-01, v37  }
0x1a0: {  	v28 =	vadd.f32 $2.000000030e-01, v50;
	v63 =	vpop (erf);
	(erf) = vrcp.f32 v11;
	v26 =	vadd.f32 $3.333333430e-01, v26  }
0x1a1: {  	v21 =	vmax.f32 v21, $0.0e+00;
	v39 =	vpop (erf);
	(erf) = vrcp.f32 v27;
	v33 =	vmul.f32 v37, v33  }
0x1a2: {  	v28 =	vmul.f32 v28, v7;
	v29 =	vadd.f32 v52, v52;
	v22 =	vmul.f32 v26, v22  }
0x1a3: {  	v17 =	vmul.f32 v24, v17;
	v34 =	vadd.f32 v34, v34;
	v33 =	vadd.f32 $1.000000000e+00, v33  }
0x1a4: {  	v16 =	vmul.f32 v25, v16;
	v57 =	vmul.f32 v55, v10;
	v22 =	vadd.f32 $1.000000000e+00, v22  }
0x1a5: {  	v14 =	vshll.u32 v14, $0x10;
	v30 =	vmul.f32 v63, v56;
	v25 =	vmul.f32 v33, v34  }
0x1a6: {  	v13 =	vadd.f32 v14, v13;
	v31 =	vmul.f32 v57, v57;
	v40 =	vpop (erf);
	v22 =	vmul.f32 v22, v29  }
0x1a7: {  	v36 =	vand.u32 $0x7FFFFFFF, v6;
	v30 =	vmul.f32 v30, v30;
	v26 =	vmul.f32 v40, v23;
	v24 =	vpop (erf)  }
0x1a8: {  	v13 =	vsub.f32 $0.0e+00, v13;
	v11 =	vmul.f32 $1.428571490e-01, v31;
	v42 =	vpop (erf);
	v17 =	vadd.f32 v22, v17  }
0x1a9: {  	v26 =	vmul.f32 v26, v26;
	v22 =	vmul.f32 $1.428571490e-01, v30;
	v16 =	vadd.f32 v25, v16;
	v25 =	vpop (erf)  }
0x1aa: {  	v11 =	vadd.f32 $2.000000030e-01, v11;
	v43 =	vadd.f32 $1.000000000e+00, v39;
	v17 =	vmul.f32 v17, v25;
	v25 =	vpop (erf)  }
0x1ab: {  	s19 =	simm.s32 $0x3F00;
	v44 =	vmul.f32 $1.428571490e-01, v26;
	v22 =	vadd.f32 $2.000000030e-01, v22;
	v16 =	vmul.f32 v16, v25  }
0x1ac: {  	v11 =	vmul.f32 v11, v31;
	v29 =	vadd.f32 $1.000000000e+00, v42;
	v25 =	vmul.f32 v58, v43;
	[tilespmem:s19+$0x0] =	vst v17  }
0x1ad: {  	v36 =	vsub.f32 $0.0e+00, v36;
	v45 =	vadd.f32 $2.000000030e-01, v44;
	v17 =	vmul.f32 v22, v30;
	[tilespmem:s19+$0x10] =	vst v16  }
0x1ae: {  	v11 =	vadd.f32 $3.333333430e-01, v11;
	v15 =	vmul.f32 v35, v29;
	(erf) = vrcp.f32 v25;
	v22 =	vld [tilespmem:s4+$0x50]  }
0x1af: {  	v16 =	vmul.f32 v45, v26;
	v25 =	vmul.f32 $1.442695020e+00, v36;
	v14 =	vadd.f32 $3.333333430e-01, v17;
	v17 =	vld [tilespmem:s29+$0x50]  }
0x1b0: {  	v28 =	vadd.f32 $3.333333430e-01, v28;
	v13 =	vmul.f32 $1.442695020e+00, v13;
	(erf) = vrcp.f32 v15  }
0x1b1: {  	v15 =	vadd.f32 $3.333333430e-01, v16;
	v16 =	vld [tilespmem:s30+$0x50];
	(erf) = vpow2.f32 v25;
	v25 =	vmul.f32 v11, v31  }
0x1b2: {  	v27 =	vadd.f32 v56, v56;
	v14 =	vmul.f32 v14, v30;
	(erf) = vpow2.f32 v13  }
0x1b3: {  	v23 =	vadd.f32 v23, v23;
	v11 =	vmul.f32 v15, v26;
	v15 =	vmul.f32 v58, v21  }
0x1b4: {  	v14 =	vadd.f32 $1.000000000e+00, v14;
	v21 =	vshll.u32 v22, $0x10;
	v26 =	vshll.u32 v17, $0x10  }
0x1b5: {  	v22 =	vand.u32 $0xFFFF0000, v22;
	v17 =	vand.u32 $0xFFFF0000, v17;
	v21 =	vadd.f32 v26, v21  }
0x1b6: {  	v11 =	vadd.f32 $1.000000000e+00, v11;
	v13 =	vshll.u32 v16, $0x10;
	v17 =	vadd.f32 v17, v22  }
0x1b7: {  	v22 =	vmul.f32 v14, v27;
	v16 =	vand.u32 $0xFFFF0000, v16;
	v14 =	vadd.f32 v13, v21  }
0x1b8: {  	v20 =	vmul.f32 v35, v20;
	v11 =	vmul.f32 v11, v23;
	v13 =	vadd.f32 v16, v17  }
0x1b9: {  	v16 =	vmul.f32 v28, v7;
	v15 =	vadd.f32 v22, v15;
	v7 =	vand.u32 $0x7FFFFFFF, v14  }
0x1ba: {  	v19 =	vadd.f32 $1.000000000e+00, v19;
	v20 =	vadd.f32 v11, v20;
	v21 =	vpop (erf);
	v11 =	vand.u32 $0x7FFFFFFF, v13  }
0x1bb: {  	v1 =	vmul.f32 v2, v1;
	v17 =	vpop (erf);
	v15 =	vmul.f32 v15, v21;
	v21 =	vsub.f32 $0.0e+00, v11  }
0x1bc: {  	v5 =	vmax.f32 v5, $0.0e+00;
	v4 =	vmul.f32 v19, v4;
	v22 =	vsub.f32 $0.0e+00, v7;
	v7 =	vpop (erf)  }
0x1bd: {  	v17 =	vmul.f32 v20, v17;
	[tilespmem:s19+$0xFFFFFF80] =	vst v15;
	v15 =	vmul.f32 $1.442695020e+00, v21;
	v11 =	vadd.f32 $2.000000000e+00, v7  }
0x1be: {  	v10 =	vadd.f32 v10, v10;
	v20 =	vmul.f32 $1.442695020e+00, v22;
	v22 =	vadd.f32 $1.000000000e+00, v25  }
0x1bf: {  	v5 =	vmul.f32 v12, v5;
	v12 =	vadd.f32 $1.000000000e+00, v16;
	[tilespmem:s19+$0xFFFFFF90] =	vst v17;
	(erf) = vrcp.f32 v11  }
0x1c0: {  	v16 =	vld [tilespmem:s4+$0xFFFFFFD0];
	v10 =	vmul.f32 v22, v10;
	(erf) = vpow2.f32 v20  }
0x1c1: {  	v3 =	vadd.f32 v4, v3;
	v2 =	vmul.f32 v12, v18;
	v17 =	vld [tilespmem:s29+$0xFFFFFFD0];
	(erf) = vpow2.f32 v15;
	v15 =	vpop (erf)  }
0x1c2: {  	v4 =	vld [tilespmem:s29+$0x10];
	v5 =	vadd.f32 v10, v5;
	v12 =	vadd.f32 $1.000000000e+00, v15  }
0x1c3: {  	v1 =	vadd.f32 v2, v1;
	v15 =	vld [tilespmem:s4+$0x10]  }
0x1c4: {  	v10 =	vmul.f32 v5, v24;
	v5 =	vld [tilespmem:s30+$0x10];
	v2 =	vmul.f32 v11, v12  }
0x1c5: {  	v3 =	vmul.f32 v3, v8;
	v8 =	vmul.f32 v1, v9;
	v1 =	vshll.u32 v16, $0x10  }
0x1c6: {  	v9 =	vand.u32 $0xFFFF0000, v16;
	v16 =	vand.u32 $0xFFFF0000, v17;
	v12 =	vshll.u32 v17, $0x10;
	v17 =	vld [tilespmem:s30+$0xFFFFFFD0]  }
0x1c7: {  	v19 =	vshll.u32 v4, $0x10;
	v4 =	vand.u32 $0xFFFF0000, v4;
	v9 =	vadd.f32 v16, v9  }
0x1c8: {  	v1 =	vadd.f32 v12, v1;
	(erf) = vrcp.f32 v2;
	v18 =	vshll.u32 v15, $0x10;
	v2 =	vpop (erf)  }
0x1c9: {  	v15 =	vand.u32 $0xFFFF0000, v15;
	v23 =	vshll.u32 v5, $0x10;
	v18 =	vadd.f32 v19, v18;
	v20 =	vpop (erf)  }
0x1ca: {  	v22 =	vld [tilespmem:s4+$0xFFFFFF90];
	v5 =	vand.u32 $0xFFFF0000, v5;
	v4 =	vadd.f32 v4, v15;
	v19 =	vadd.f32 $2.000000000e+00, v20;
	v21 =	vpop (erf)  }
0x1cb: {  	v12 =	vshll.u32 v17, $0x10;
	v18 =	vadd.f32 v23, v18;
	v15 =	vadd.f32 $2.000000000e+00, v21  }
0x1cc: {  	v17 =	vand.u32 $0xFFFF0000, v17;
	v4 =	vadd.f32 v5, v4;
	(erf) = vrcp.f32 v19  }
0x1cd: {  	v5 =	vld [tilespmem:s29+$0xFFFFFF90];
	v12 =	vadd.f32 v12, v1;
	v16 =	vsub.f32 $0.0e+00, v18;
	(erf) = vrcp.f32 v15  }
0x1ce: {  	v9 =	vadd.f32 v17, v9;
	v1 =	vsub.f32 $0.0e+00, v4;
	v18 =	vld [tilespmem:s30+$0xFFFFFF90]  }
0x1cf: {  	v17 =	vand.u32 $0xFFFF0000, v22;
	v16 =	vmul.f32 $1.442695020e+00, v16  }
0x1d0: {  	v4 =	vshll.u32 v22, $0x10;
	v23 =	vand.u32 $0x7FFFFFFF, v9;
	v1 =	vmul.f32 $1.442695020e+00, v1  }
0x1d1: {  	v22 =	vand.u32 $0x7FFFFFFF, v12;
	v23 =	vsub.f32 $0.0e+00, v23;
	(erf) = vpow2.f32 v16  }
0x1d2: {  	v22 =	vsub.f32 $0.0e+00, v22;
	v16 =	vshll.u32 v5, $0x10;
	(erf) = vpow2.f32 v1  }
0x1d3: {  	v4 =	vadd.f32 v16, v4;
	v16 =	vmul.f32 $1.442695020e+00, v23;
	v23 =	vshll.u32 v18, $0x10  }
0x1d4: {  	v5 =	vand.u32 $0xFFFF0000, v5;
	v1 =	vpop (erf)  }
0x1d5: {  	v22 =	vmul.f32 $1.442695020e+00, v22;
	v5 =	vadd.f32 v5, v17;
	v17 =	vpop (erf)  }
0x1d6: {  	v18 =	vand.u32 $0xFFFF0000, v18;
	v4 =	vadd.f32 v23, v4;
	v17 =	vmul.f32 v17, v20;
	v23 =	vpop (erf)  }
0x1d7: {  	v5 =	vadd.f32 v18, v5;
	(erf) = vpow2.f32 v22;
	v18 =	vmul.f32 v23, v21  }
0x1d8: {  	[tilespmem:s0+$0xFFFFFFD0] =	vst v8;
	v4 =	vsub.f32 $0.0e+00, v4;
	(erf) = vpow2.f32 v16;
	v8 =	vmul.f32 v17, v17  }
0x1d9: {  	[tilespmem:s0+$0xFFFFFFC0] =	vst v3;
	v3 =	vmax.f32 v6, $0.0e+00;
	v5 =	vsub.f32 $0.0e+00, v5;
	v16 =	vmul.f32 v18, v18  }
0x1da: {  	v14 =	vmax.f32 v14, $0.0e+00;
	v4 =	vmul.f32 $1.442695020e+00, v4;
	v17 =	vmul.f32 $1.428571490e-01, v8  }
0x1db: {  	v13 =	vmax.f32 v13, $0.0e+00;
	v5 =	vmul.f32 $1.442695020e+00, v5;
	v23 =	vpop (erf);
	v22 =	vmul.f32 $1.428571490e-01, v16  }
0x1dc: {  	(erf) = vpow2.f32 v4;
	v4 =	vadd.f32 $2.000000030e-01, v17;
	v17 =	vadd.f32 $1.000000000e+00, v23;
	v23 =	vpop (erf)  }
0x1dd: {  	(erf) = vpow2.f32 v5;
	v5 =	vadd.f32 $2.000000030e-01, v22;
	v22 =	vadd.f32 $1.000000000e+00, v23  }
0x1de: {  	v12 =	vmax.f32 v12, $0.0e+00;
	v4 =	vmul.f32 v4, v8;
	v17 =	vmul.f32 v19, v17  }
0x1df: {  	v9 =	vmax.f32 v9, $0.0e+00;
	v5 =	vmul.f32 v5, v16;
	v22 =	vmul.f32 v15, v22  }
0x1e0: {  	v6 =	vld [tilespmem:s14+$0xFFFFFFF0];
	v14 =	vmul.f32 v19, v14;
	v25 =	vpop (erf);
	v4 =	vadd.f32 $3.333333430e-01, v4;
	(erf) = vrcp.f32 v17  }
0x1e1: {  	v18 =	vld [tilespmem:s21+$0xFFFFFFF0];
	v26 =	vpop (erf);
	v17 =	vadd.f32 $2.000000000e+00, v25;
	v5 =	vadd.f32 $3.333333430e-01, v5;
	(erf) = vrcp.f32 v22  }
0x1e2: {  	v13 =	vmul.f32 v15, v13;
	v27 =	vadd.f32 $2.000000000e+00, v26;
	v4 =	vmul.f32 v4, v8  }
0x1e3: {  	v20 =	vadd.f32 v20, v20;
	v22 =	vld [tilespmem:s26+$0xFFFFFFF0];
	(erf) = vrcp.f32 v17;
	v5 =	vmul.f32 v5, v16  }
0x1e4: {  	v21 =	vadd.f32 v21, v21;
	(erf) = vrcp.f32 v27;
	v4 =	vadd.f32 $1.000000000e+00, v4  }
0x1e5: {  	v23 =	vshll.u32 v6, $0x10;
	v6 =	vand.u32 $0xFFFF0000, v6;
	v5 =	vadd.f32 $1.000000000e+00, v5  }
0x1e6: {  	v24 =	vshll.u32 v18, $0x10;
	v18 =	vand.u32 $0xFFFF0000, v18;
	v16 =	vld [tilespmem:s14+$0xFFFFFFB0];
	v4 =	vmul.f32 v4, v20  }
0x1e7: {  	v6 =	vadd.f32 v18, v6;
	v8 =	vadd.f32 v24, v23;
	v20 =	vpop (erf);
	v5 =	vmul.f32 v5, v21  }
0x1e8: {  	v23 =	vmul.f32 v17, v12;
	v19 =	vshll.u32 v22, $0x10;
	v15 =	vpop (erf);
	v4 =	vadd.f32 v4, v14  }
0x1e9: {  	v18 =	vand.u32 $0xFFFF0000, v22;
	v22 =	vadd.f32 v26, v26;
	v5 =	vadd.f32 v5, v13;
	v13 =	vpop (erf)  }
0x1ea: {  	v21 =	vadd.f32 v25, v25;
	v20 =	vadd.f32 $1.000000000e+00, v20;
	v4 =	vmul.f32 v4, v13;
	v13 =	vpop (erf)  }
0x1eb: {  	v14 =	vshll.u32 v16, $0x10;
	v12 =	vadd.f32 $1.000000000e+00, v15;
	v5 =	vmul.f32 v5, v13  }
0x1ec: {  	v15 =	vadd.f32 v19, v8;
	v13 =	vmul.f32 v17, v20;
	v17 =	vmul.f32 v27, v9;
	v9 =	vpop (erf);
	[tilespmem:s19+$0x20] =	vst v4  }
0x1ed: {  	v8 =	vadd.f32 v18, v6;
	v12 =	vmul.f32 v27, v12;
	v4 =	vld [tilespmem:s21+$0xFFFFFFB0];
	v6 =	vmul.f32 v9, v25;
	v9 =	vpop (erf);
	[tilespmem:s19+$0x30] =	vst v5  }
0x1ee: {  	(erf) = vrcp.f32 v13;
	v5 =	vand.u32 $0x7FFFFFFF, v15;
	v9 =	vmul.f32 v9, v26;
	v13 =	vld [tilespmem:s4+$0x60]  }
0x1ef: {  	v18 =	vand.u32 $0x7FFFFFFF, v8;
	v5 =	vsub.f32 $0.0e+00, v5;
	v6 =	vmul.f32 v6, v6;
	v19 =	vld [tilespmem:s29+$0x60]  }
0x1f0: {  	(erf) = vrcp.f32 v12;
	v12 =	vsub.f32 $0.0e+00, v18;
	v18 =	vmul.f32 v9, v9  }
0x1f1: {  	v16 =	vand.u32 $0xFFFF0000, v16;
	v20 =	vld [tilespmem:s30+$0x60];
	v5 =	vmul.f32 $1.442695020e+00, v5;
	v9 =	vmul.f32 $1.428571490e-01, v6  }
0x1f2: {  	v26 =	vmul.f32 $1.442695020e+00, v12;
	v24 =	vshll.u32 v4, $0x10;
	v25 =	vmul.f32 $1.428571490e-01, v18  }
0x1f3: {  	v4 =	vand.u32 $0xFFFF0000, v4;
	(erf) = vpow2.f32 v5;
	v5 =	vadd.f32 $2.000000030e-01, v9  }
0x1f4: {  	v9 =	vadd.f32 $2.000000030e-01, v25;
	v12 =	vshll.u32 v13, $0x10;
	v25 =	vshll.u32 v19, $0x10  }
0x1f5: {  	v13 =	vand.u32 $0xFFFF0000, v13;
	v19 =	vand.u32 $0xFFFF0000, v19;
	v12 =	vadd.f32 v25, v12  }
0x1f6: {  	v5 =	vmul.f32 v5, v6;
	v25 =	vshll.u32 v20, $0x10;
	v13 =	vadd.f32 v19, v13  }
0x1f7: {  	v19 =	vld [tilespmem:s26+$0xFFFFFFB0];
	v27 =	vmul.f32 v9, v18;
	v9 =	vand.u32 $0xFFFF0000, v20;
	v12 =	vadd.f32 v25, v12  }
0x1f8: {  	(erf) = vpow2.f32 v26;
	v5 =	vadd.f32 $3.333333430e-01, v5;
	v9 =	vadd.f32 v9, v13  }
0x1f9: {  	v13 =	vadd.f32 v24, v14;
	v14 =	vadd.f32 $3.333333430e-01, v27;
	v20 =	vand.u32 $0x7FFFFFFF, v12  }
0x1fa: {  	v5 =	vmul.f32 v5, v6;
	v6 =	vsub.f32 $0.0e+00, v20;
	v20 =	vand.u32 $0x7FFFFFFF, v9  }
0x1fb: {  	v4 =	vadd.f32 v4, v16;
	v14 =	vmul.f32 v14, v18;
	v16 =	vsub.f32 $0.0e+00, v20  }
0x1fc: {  	v18 =	vshll.u32 v19, $0x10;
	v5 =	vadd.f32 $1.000000000e+00, v5;
	v6 =	vmul.f32 $1.442695020e+00, v6  }
0x1fd: {  	v20 =	vmul.f32 v2, v7;
	v2 =	vadd.f32 $1.000000000e+00, v14;
	v14 =	vmul.f32 $1.442695020e+00, v16  }
0x1fe: {  	v16 =	vand.u32 $0xFFFF0000, v19;
	v5 =	vmul.f32 v5, v21;
	(erf) = vpow2.f32 v6  }
0x1ff: {  	v19 =	vpop (erf);
	v6 =	vadd.f32 v18, v13;
	v13 =	vmul.f32 v2, v22;
	v2 =	vmul.f32 v11, v3  }
0x200: {  	v18 =	vpop (erf);
	v3 =	vadd.f32 v16, v4;
	(erf) = vpow2.f32 v14;
	v5 =	vadd.f32 v5, v23  }
0x201: {  	v4 =	vmul.f32 v20, v20;
	v11 =	vpop (erf);
	v6 =	vsub.f32 $0.0e+00, v6;
	v17 =	vadd.f32 v13, v17  }
0x202: {  	v16 =	vpop (erf);
	v14 =	vadd.f32 $2.000000000e+00, v11;
	v20 =	vsub.f32 $0.0e+00, v3;
	v5 =	vmul.f32 v5, v19;
	v19 =	vld [tilespmem:s4+$0x20]  }
0x203: {  	v21 =	vmul.f32 $1.428571490e-01, v4;
	v13 =	vadd.f32 $2.000000000e+00, v16;
	v17 =	vmul.f32 v17, v18;
	v18 =	vld [tilespmem:s29+$0x20]  }
0x204: {  	v22 =	vld [tilespmem:s30+$0x20];
	v3 =	vadd.f32 v7, v7;
	v7 =	vmul.f32 $1.442695020e+00, v6;
	(erf) = vrcp.f32 v14;
	[tilespmem:s19+$0xFFFFFFA0] =	vst v5  }
0x205: {  	v20 =	vmul.f32 $1.442695020e+00, v20;
	(erf) = vrcp.f32 v13;
	[tilespmem:s19+$0xFFFFFFB0] =	vst v17  }
0x206: {  	v21 =	vadd.f32 $2.000000030e-01, v21;
	(erf) = vpow2.f32 v7;
	v7 =	vld [tilespmem:s4+$0xFFFFFFE0]  }
0x207: {  	(erf) = vpow2.f32 v20;
	v17 =	vld [tilespmem:s29+$0xFFFFFFE0];
	v20 =	vshll.u32 v19, $0x10;
	v19 =	vand.u32 $0xFFFF0000, v19;
	v23 =	vpop (erf)  }
0x208: {  	v24 =	vshll.u32 v18, $0x10;
	v18 =	vand.u32 $0xFFFF0000, v18;
	v25 =	vadd.f32 $2.000000000e+00, v23  }
0x209: {  	v27 =	vld [tilespmem:s30+$0xFFFFFFE0];
	v26 =	vpop (erf);
	v20 =	vadd.f32 v24, v20;
	v24 =	vshll.u32 v22, $0x10;
	v18 =	vadd.f32 v18, v19  }
0x20a: {  	v19 =	vand.u32 $0xFFFF0000, v22;
	v46 =	vadd.f32 $2.000000000e+00, v26;
	(erf) = vrcp.f32 v25  }
0x20b: {  	v20 =	vadd.f32 v24, v20;
	v22 =	vshll.u32 v7, $0x10;
	v18 =	vadd.f32 v19, v18  }
0x20c: {  	v7 =	vand.u32 $0xFFFF0000, v7;
	v19 =	vshll.u32 v17, $0x10;
	v17 =	vand.u32 $0xFFFF0000, v17  }
0x20d: {  	(erf) = vrcp.f32 v46;
	v19 =	vadd.f32 v19, v22;
	v20 =	vsub.f32 $0.0e+00, v20  }
0x20e: {  	v24 =	vshll.u32 v27, $0x10;
	v7 =	vadd.f32 v17, v7;
	v18 =	vsub.f32 $0.0e+00, v18  }
0x20f: {  	v27 =	vand.u32 $0xFFFF0000, v27;
	v22 =	vld [tilespmem:s4+$0xFFFFFFA0];
	v17 =	vpop (erf);
	v19 =	vadd.f32 v24, v19;
	v20 =	vmul.f32 $1.442695020e+00, v20  }
0x210: {  	v24 =	vmul.f32 v21, v4;
	v21 =	vld [tilespmem:s29+$0xFFFFFFA0];
	v27 =	vadd.f32 v27, v7;
	v47 =	vpop (erf);
	v18 =	vmul.f32 $1.442695020e+00, v18  }
0x211: {  	v7 =	vmax.f32 v15, $0.0e+00;
	v15 =	vpop (erf);
	(erf) = vpow2.f32 v20;
	v20 =	vand.u32 $0x7FFFFFFF, v19  }
0x212: {  	v48 =	vpop (erf);
	(erf) = vpow2.f32 v18;
	v18 =	vsub.f32 $0.0e+00, v20;
	v20 =	vand.u32 $0x7FFFFFFF, v27  }
0x213: {  	v49 =	vmax.f32 v8, $0.0e+00;
	v8 =	vld [tilespmem:s30+$0xFFFFFFA0];
	v20 =	vsub.f32 $0.0e+00, v20;
	v51 =	vpop (erf)  }
0x214: {  	v50 =	vshll.u32 v22, $0x10;
	v18 =	vmul.f32 $1.442695020e+00, v18;
	v33 =	vmul.f32 v51, v23  }
0x215: {  	v22 =	vand.u32 $0xFFFF0000, v22;
	v53 =	vshll.u32 v21, $0x10;
	v20 =	vmul.f32 $1.442695020e+00, v20  }
0x216: {  	v21 =	vand.u32 $0xFFFF0000, v21;
	v52 =	vpop (erf);
	(erf) = vpow2.f32 v18;
	v33 =	vmul.f32 v33, v33  }
0x217: {  	v34 =	vmul.f32 v52, v26;
	v18 =	vadd.f32 v53, v50;
	(erf) = vpow2.f32 v20  }
0x218: {  	v20 =	vadd.f32 v21, v22;
	v21 =	vshll.u32 v8, $0x10;
	v22 =	vmul.f32 $1.428571490e-01, v33  }
0x219: {  	v55 =	vand.u32 $0xFFFF0000, v8;
	v54 =	vmul.f32 v34, v34;
	v18 =	vadd.f32 v21, v18  }
0x21a: {  	v20 =	vadd.f32 v55, v20;
	v56 =	vpop (erf);
	v22 =	vadd.f32 $2.000000030e-01, v22  }
0x21b: {  	v21 =	vmul.f32 $1.428571490e-01, v54;
	v18 =	vsub.f32 $0.0e+00, v18;
	v57 =	vadd.f32 $1.000000000e+00, v56;
	v58 =	vpop (erf)  }
0x21c: {  	v20 =	vsub.f32 $0.0e+00, v20;
	v34 =	vadd.f32 $1.000000000e+00, v58;
	v22 =	vmul.f32 v22, v33  }
0x21d: {  	v21 =	vadd.f32 $2.000000030e-01, v21;
	v18 =	vmul.f32 $1.442695020e+00, v18;
	v31 =	vmul.f32 v25, v57  }
0x21e: {  	v20 =	vmul.f32 $1.442695020e+00, v20;
	v34 =	vmul.f32 v46, v34;
	v22 =	vadd.f32 $3.333333430e-01, v22  }
0x21f: {  	v21 =	vmul.f32 v21, v54;
	(erf) = vrcp.f32 v31  }
0x220: {  	v12 =	vmax.f32 v12, $0.0e+00;
	(erf) = vrcp.f32 v34;
	v22 =	vmul.f32 v22, v33  }
0x221: {  	v9 =	vmax.f32 v9, $0.0e+00;
	v21 =	vadd.f32 $3.333333430e-01, v21;
	(erf) = vpow2.f32 v18  }
0x222: {  	v59 =	vpop (erf);
	(erf) = vpow2.f32 v20;
	v20 =	vadd.f32 $1.000000000e+00, v22;
	v22 =	vadd.f32 v23, v23  }
0x223: {  	v12 =	vmul.f32 v25, v12;
	v60 =	vadd.f32 $2.000000000e+00, v59;
	v21 =	vmul.f32 v21, v54  }
0x224: {  	v9 =	vmul.f32 v46, v9;
	v19 =	vmax.f32 v19, $0.0e+00;
	v20 =	vmul.f32 v20, v22  }
0x225: {  	v61 =	vpop (erf);
	(erf) = vrcp.f32 v60;
	v23 =	vadd.f32 v26, v26;
	v21 =	vadd.f32 $1.000000000e+00, v21  }
0x226: {  	v17 =	vmul.f32 v17, v11;
	v18 =	vadd.f32 $2.000000000e+00, v61;
	v20 =	vadd.f32 v20, v12  }
0x227: {  	v5 =	vadd.f32 v16, v16;
	v16 =	vmul.f32 v47, v16;
	v21 =	vmul.f32 v21, v23  }
0x228: {  	(erf) = vrcp.f32 v18;
	v12 =	vmul.f32 v60, v19;
	v19 =	vpop (erf)  }
0x229: {  	v22 =	vmax.f32 v27, $0.0e+00;
	v9 =	vadd.f32 v21, v9;
	v19 =	vmul.f32 v20, v19  }
0x22a: {  	v6 =	vadd.f32 v11, v11;
	v8 =	vmul.f32 v14, v7;
	v11 =	vmul.f32 v18, v22;
	v20 =	vpop (erf)  }
0x22b: {  	v15 =	vadd.f32 $1.000000000e+00, v15;
	v22 =	vmul.f32 v16, v16;
	v9 =	vmul.f32 v9, v20;
	v20 =	vpop (erf)  }
0x22c: {  	v7 =	vmul.f32 v13, v49;
	v21 =	vmul.f32 v17, v17;
	v16 =	vadd.f32 $1.000000000e+00, v20  }
0x22d: {  	v14 =	vmul.f32 v14, v15;
	v17 =	vadd.f32 $1.000000000e+00, v48;
	v25 =	vmul.f32 $1.428571490e-01, v22;
	[tilespmem:s19+$0x40] =	vst v19;
	v19 =	vpop (erf)  }
0x22e: {  	v20 =	vmul.f32 $1.428571490e-01, v21;
	v15 =	vadd.f32 $1.000000000e+00, v19;
	[tilespmem:s19+$0x50] =	vst v9;
	v23 =	vpop (erf);
	v16 =	vmul.f32 v60, v16  }
0x22f: {  	v19 =	vmul.f32 v13, v17;
	v9 =	vadd.f32 $3.333333430e-01, v24;
	v13 =	vmul.f32 v23, v59;
	v24 =	vld [tilespmem:s4+$0x70]  }
0x230: {  	(erf) = vrcp.f32 v14;
	v17 =	vadd.f32 $2.000000030e-01, v20;
	v26 =	vld [tilespmem:s29+$0x70];
	v15 =	vmul.f32 v18, v15  }
0x231: {  	v14 =	vadd.f32 v59, v59;
	v20 =	vmul.f32 v13, v13;
	(erf) = vrcp.f32 v16  }
0x232: {  	v25 =	vadd.f32 $2.000000030e-01, v25;
	v18 =	vld [tilespmem:s30+$0x70];
	v17 =	vmul.f32 v17, v21;
	(erf) = vrcp.f32 v15;
	v16 =	vpop (erf)  }
0x233: {  	v13 =	vadd.f32 v61, v61;
	v15 =	vmul.f32 $1.428571490e-01, v20;
	v16 =	vmul.f32 v16, v61  }
0x234: {  	v23 =	vadd.f32 $3.333333430e-01, v17;
	v17 =	vmul.f32 v25, v22;
	v27 =	vshll.u32 v24, $0x10  }
0x235: {  	v24 =	vand.u32 $0xFFFF0000, v24;
	v62 =	vand.u32 $0xFFFF0000, v26;
	v16 =	vmul.f32 v16, v16  }
0x236: {  	s2 =	simm.s32 $0x2B00;
	s13 =	simm.s32 $0x1700;
	s20 =	sshll.u32 s31, $0x1;
	[tilespmem:s0+$0x70] =	vst v10;
	v63 =	vshll.u32 v26, $0x10;
	v25 =	vadd.f32 $2.000000030e-01, v15;
	v10 =	vadd.f32 v62, v24  }
0x237: {  	s14 =	simm.s32 $0x2;
	s21 =	simm.s32 $0x3F00;
	s26 =	simm.s32 $0x400;
	v15 =	vand.u32 $0xFFFF0000, v18;
	v24 =	vadd.f32 v63, v27;
	v26 =	vmul.f32 $1.428571490e-01, v16  }
.LBB2_5:
0x238: {  	v27 =	vld [tilespmem:s26+$0x40];
	v28 =	vmul.f32 v25, v20;
	v18 =	vshll.u32 v18, $0x10;
	v25 =	vadd.f32 v15, v10;
	s29 =	sadd.s32 $0x100, s29  }
0x239: {  	v10 =	vld [tilespmem:s29+$0x40];
	v26 =	vadd.f32 $2.000000030e-01, v26;
	v18 =	vadd.f32 v18, v24;
	v15 =	vpop (erf);
	(erf) = vrcp.f32 v19  }
0x23a: {  	s30 =	sadd.s32 $0x100, s30;
	v30 =	vadd.f32 $3.333333430e-01, v17;
	v29 =	vld [tilespmem:s26+$0xFFFFFFC0];
	v24 =	vadd.f32 $3.333333430e-01, v28;
	v28 =	vand.u32 $0x7FFFFFFF, v25;
	v19 =	vpop (erf)  }
0x23b: {  	v31 =	vld [tilespmem:s30+$0x40];
	v26 =	vmul.f32 v26, v16;
	v32 =	vand.u32 $0x7FFFFFFF, v18;
	v33 =	vsub.f32 $0.0e+00, v28;
	v17 =	vpop (erf)  }
0x23c: {  	v34 =	vld [tilespmem:s29+$0xFFFFFFC0];
	v28 =	vmul.f32 v24, v20;
	v20 =	vsub.f32 $0.0e+00, v32;
	v24 =	vmul.f32 v23, v21  }
0x23d: {  	v21 =	vmul.f32 v30, v22;
	v35 =	vld [tilespmem:s30+$0xFFFFFFC0];
	v23 =	vadd.f32 $3.333333430e-01, v26;
	v26 =	vmul.f32 $1.442695020e+00, v33  }
0x23e: {  	v22 =	vshll.u32 v27, $0x10;
	v27 =	vand.u32 $0xFFFF0000, v27;
	v30 =	vld [tilespmem:s29+$0xFFFFFF80];
	v32 =	vshll.u32 v10, $0x10  }
0x23f: {  	s14 =	sadd.s32 $0x2, s14;
	v10 =	vand.u32 $0xFFFF0000, v10;
	v33 =	vld [tilespmem:s26+$0xFFFFFF80];
	v22 =	vadd.f32 v32, v22;
	(erf) = vpow2.f32 v26  }
0x240: {  	p0 =	slt.u32 s14, $0x26;
	v32 =	vshll.u32 v29, $0x10;
	v38 =	vadd.f32 v10, v27;
	v36 =	vld [tilespmem:s30+$0xFFFFFF80];
	v26 =	vshll.u32 v31, $0x10  }
0x241: {  	v27 =	vand.u32 $0xFFFF0000, v29;
	v29 =	vand.u32 $0xFFFF0000, v31;
	v26 =	vadd.f32 v26, v22  }
0x242: {  	v37 =	vshll.u32 v34, $0x10;
	v34 =	vand.u32 $0xFFFF0000, v34;
	v22 =	vadd.f32 v29, v38;
	v31 =	vld [tilespmem:s4+$0x30];
	v10 =	vpop (erf)  }
0x243: {  	v29 =	vadd.f32 v37, v32;
	v34 =	vadd.f32 v34, v27;
	v27 =	vand.u32 $0x7FFFFFFF, v26;
	v32 =	vld [tilespmem:s13+$0x30]  }
0x244: {  	v37 =	vshll.u32 v35, $0x10;
	v38 =	vsub.f32 $0.0e+00, v27;
	v27 =	vand.u32 $0x7FFFFFFF, v22  }
0x245: {  	v35 =	vand.u32 $0xFFFF0000, v35;
	v29 =	vadd.f32 v37, v29;
	v37 =	vsub.f32 $0.0e+00, v27;
	v27 =	vld [tilespmem:s2+$0x30]  }
0x246: {  	v39 =	vshll.u32 v33, $0x10;
	v34 =	vadd.f32 v35, v34;
	v35 =	vmul.f32 $1.442695020e+00, v38  }
0x247: {  	v33 =	vand.u32 $0xFFFF0000, v33;
	v38 =	vand.u32 $0x7FFFFFFF, v29;
	v37 =	vmul.f32 $1.442695020e+00, v37  }
0x248: {  	(erf) = vpow2.f32 v35;
	v35 =	vand.u32 $0xFFFF0000, v31;
	v40 =	vand.u32 $0xFFFF0000, v32;
	v41 =	vpop (erf)  }
0x249: {  	v42 =	vld [tilespmem:s26+$0x0];
	(erf) = vpow2.f32 v37;
	v35 =	vadd.f32 v40, v35;
	v37 =	vadd.f32 $2.000000000e+00, v41  }
0x24a: {  	v38 =	vsub.f32 $0.0e+00, v38;
	v40 =	vand.u32 $0x7FFFFFFF, v34;
	v43 =	vld [tilespmem:s29+$0x0];
	v44 =	vand.u32 $0xFFFF0000, v27  }
0x24b: {  	v40 =	vsub.f32 $0.0e+00, v40;
	v35 =	vadd.f32 v44, v35;
	(erf) = vrcp.f32 v37  }
0x24c: {  	v38 =	vmul.f32 $1.442695020e+00, v38;
	v44 =	vshll.u32 v30, $0x10;
	v30 =	vand.u32 $0xFFFF0000, v30;
	v45 =	vld [tilespmem:s30+$0x0]  }
0x24d: {  	v39 =	vadd.f32 v44, v39;
	v40 =	vmul.f32 $1.442695020e+00, v40;
	v35 =	vsub.f32 $0.0e+00, v35  }
0x24e: {  	v44 =	vshll.u32 v36, $0x10;
	v30 =	vadd.f32 v30, v33;
	(erf) = vpow2.f32 v38  }
0x24f: {  	v33 =	vshll.u32 v42, $0x10;
	v38 =	vshll.u32 v43, $0x10;
	v35 =	vmul.f32 $1.442695020e+00, v35  }
0x250: {  	v42 =	vand.u32 $0xFFFF0000, v42;
	v46 =	vand.u32 $0xFFFF0000, v43;
	v33 =	vadd.f32 v38, v33  }
0x251: {  	v46 =	vadd.f32 v46, v42;
	v47 =	vshll.u32 v45, $0x10;
	v43 =	vpop (erf);
	(erf) = vpow2.f32 v35  }
0x252: {  	v33 =	vadd.f32 v47, v33;
	v35 =	vadd.f32 $2.000000000e+00, v43;
	(erf) = vpow2.f32 v40;
	v38 =	vpop (erf)  }
0x253: {  	v36 =	vand.u32 $0xFFFF0000, v36;
	v40 =	vand.u32 $0xFFFF0000, v45;
	v45 =	vadd.f32 $2.000000000e+00, v38  }
0x254: {  	v40 =	vadd.f32 v40, v46;
	v33 =	vsub.f32 $0.0e+00, v33;
	(erf) = vrcp.f32 v35;
	v42 =	vpop (erf)  }
0x255: {  	v39 =	vadd.f32 v44, v39;
	(erf) = vrcp.f32 v45;
	v42 =	vmul.f32 v42, v41  }
0x256: {  	v30 =	vadd.f32 v36, v30;
	v36 =	vsub.f32 $0.0e+00, v40;
	v33 =	vmul.f32 $1.442695020e+00, v33  }
0x257: {  	v39 =	vsub.f32 $0.0e+00, v39;
	v40 =	vmax.f32 v29, $0.0e+00;
	v44 =	vpop (erf);
	v42 =	vmul.f32 v42, v42  }
0x258: {  	v48 =	vmul.f32 $1.442695020e+00, v36;
	v46 =	vadd.f32 $2.000000000e+00, v44;
	(erf) = vpow2.f32 v33  }
0x259: {  	v30 =	vsub.f32 $0.0e+00, v30;
	v33 =	vmul.f32 $1.442695020e+00, v39;
	v39 =	vmul.f32 $1.428571490e-01, v42  }
0x25a: {  	v34 =	vmax.f32 v34, $0.0e+00;
	v29 =	vadd.f32 v44, v44;
	(erf) = vpow2.f32 v48;
	v36 =	vpop (erf)  }
0x25b: {  	(erf) = vrcp.f32 v46;
	v47 =	vpop (erf);
	v39 =	vadd.f32 $2.000000030e-01, v39;
	v36 =	vadd.f32 $1.000000000e+00, v36  }
0x25c: {  	v48 =	vmul.f32 $1.442695020e+00, v30;
	v49 =	vadd.f32 $2.000000000e+00, v47;
	(erf) = vpow2.f32 v33  }
0x25d: {  	v30 =	vadd.f32 v47, v47;
	v33 =	vpop (erf);
	v39 =	vmul.f32 v39, v42;
	v36 =	vmul.f32 v37, v36  }
0x25e: {  	v51 =	vadd.f32 $1.000000000e+00, v28;
	v33 =	vmul.f32 v33, v43;
	(erf) = vrcp.f32 v49;
	v50 =	vpop (erf)  }
0x25f: {  	v28 =	vmul.f32 v50, v38;
	v39 =	vadd.f32 $3.333333430e-01, v39;
	(erf) = vrcp.f32 v36  }
0x260: {  	v31 =	vshll.u32 v31, $0x10;
	v33 =	vmul.f32 v33, v33;
	(erf) = vpow2.f32 v48  }
0x261: {  	v32 =	vshll.u32 v32, $0x10;
	v36 =	vmul.f32 v28, v28;
	v48 =	vpop (erf);
	v39 =	vmul.f32 v39, v42  }
0x262: {  	v28 =	vmul.f32 v46, v40;
	v40 =	vmul.f32 $1.428571490e-01, v33;
	v42 =	vadd.f32 $1.000000000e+00, v48  }
0x263: {  	v41 =	vadd.f32 v41, v41;
	v48 =	vmul.f32 $1.428571490e-01, v36;
	v50 =	vpop (erf);
	v39 =	vadd.f32 $1.000000000e+00, v39  }
0x264: {  	v25 =	vmax.f32 v25, $0.0e+00;
	v40 =	vadd.f32 $2.000000030e-01, v40;
	v54 =	vadd.f32 $1.000000000e+00, v50;
	v52 =	vpop (erf)  }
0x265: {  	v25 =	vmul.f32 v37, v25;
	v48 =	vadd.f32 $2.000000030e-01, v48;
	v53 =	vpop (erf);
	v37 =	vmul.f32 v39, v41  }
0x266: {  	v39 =	vadd.f32 $1.000000000e+00, v53;
	v40 =	vmul.f32 v40, v33;
	v53 =	vmul.f32 v35, v42  }
0x267: {  	v42 =	vmul.f32 v48, v36;
	v48 =	vmul.f32 v45, v54;
	v50 =	vpop (erf);
	v25 =	vadd.f32 v37, v25  }
0x268: {  	v37 =	vmul.f32 v52, v44;
	v40 =	vadd.f32 $3.333333430e-01, v40;
	(erf) = vrcp.f32 v53;
	v41 =	vpop (erf)  }
0x269: {  	v42 =	vadd.f32 $3.333333430e-01, v42;
	v44 =	vpop (erf);
	(erf) = vrcp.f32 v48;
	v25 =	vmul.f32 v25, v41  }
0x26a: {  	v41 =	vmul.f32 v50, v47;
	v44 =	vadd.f32 $1.000000000e+00, v44;
	v33 =	vmul.f32 v40, v33  }
0x26b: {  	v31 =	vadd.f32 v32, v31;
	v37 =	vmul.f32 v37, v37;
	v36 =	vmul.f32 v42, v36;
	[tilespmem:s19+$0x70] =	vst v25  }
0x26c: {  	v25 =	vmul.f32 v41, v41;
	v32 =	vadd.f32 $1.000000000e+00, v33;
	v33 =	vadd.f32 v43, v43  }
0x26d: {  	v26 =	vmax.f32 v26, $0.0e+00;
	v38 =	vadd.f32 v38, v38;
	v36 =	vadd.f32 $1.000000000e+00, v36  }
0x26e: {  	v22 =	vmax.f32 v22, $0.0e+00;
	v26 =	vmul.f32 v35, v26;
	v32 =	vmul.f32 v32, v33  }
0x26f: {  	v27 =	vshll.u32 v27, $0x10;
	v22 =	vmul.f32 v45, v22;
	v40 =	vmul.f32 v36, v38  }
0x270: {  	v35 =	vmul.f32 $1.428571490e-01, v37;
	v36 =	vmul.f32 $1.428571490e-01, v25;
	v26 =	vadd.f32 v32, v26  }
0x271: {  	v38 =	vmul.f32 v49, v44;
	v32 =	vmul.f32 v46, v39;
	v22 =	vadd.f32 v40, v22;
	v33 =	vpop (erf)  }
0x272: {  	v35 =	vadd.f32 $2.000000030e-01, v35;
	v36 =	vadd.f32 $2.000000030e-01, v36;
	v26 =	vmul.f32 v26, v33;
	v33 =	vpop (erf)  }
0x273: {  	v27 =	vadd.f32 v27, v31;
	s19 =	sadd.s32 $0x100, s19;
	v22 =	vmul.f32 v22, v33;
	(erf) = vrcp.f32 v32  }
0x274: {  	v24 =	vadd.f32 $1.000000000e+00, v24;
	v31 =	vmul.f32 v35, v37;
	v32 =	vmul.f32 v36, v25;
	[tilespmem:s19+$0x0] =	vst v26  }
0x275: {  	v26 =	vmul.f32 v49, v34;
	[tilespmem:s19+$0x10] =	vst v22;
	(erf) = vrcp.f32 v38;
	v22 =	vsub.f32 $0.0e+00, v27  }
0x276: {  	v16 =	vmul.f32 v23, v16;
	v27 =	vadd.f32 $3.333333430e-01, v31;
	v31 =	vadd.f32 $3.333333430e-01, v32;
	v32 =	vld [tilespmem:s26+$0x50]  }
0x277: {  	v20 =	vmul.f32 $1.442695020e+00, v20;
	v21 =	vadd.f32 $1.000000000e+00, v21;
	v14 =	vmul.f32 v51, v14;
	v23 =	vld [tilespmem:s29+$0x50]  }
0x278: {  	v16 =	vadd.f32 $1.000000000e+00, v16;
	v27 =	vmul.f32 v27, v37;
	v25 =	vmul.f32 v31, v25  }
0x279: {  	v12 =	vadd.f32 v14, v12;
	v14 =	vmul.f32 $1.442695020e+00, v22;
	v31 =	vld [tilespmem:s30+$0x50];
	(erf) = vpow2.f32 v20  }
0x27a: {  	v16 =	vmul.f32 v16, v13;
	v27 =	vadd.f32 $1.000000000e+00, v27;
	v22 =	vadd.f32 $1.000000000e+00, v25  }
0x27b: {  	v18 =	vmax.f32 v18, $0.0e+00;
	v12 =	vmul.f32 v12, v19;
	(erf) = vpow2.f32 v14  }
0x27c: {  	v13 =	vmul.f32 v27, v29;
	v14 =	vshll.u32 v32, $0x10;
	v19 =	vshll.u32 v23, $0x10;
	v20 =	vpop (erf)  }
0x27d: {  	v25 =	vand.u32 $0xFFFF0000, v32;
	v27 =	vand.u32 $0xFFFF0000, v23;
	v14 =	vadd.f32 v19, v14;
	[tilespmem:s21+$0xFFFFFFC0] =	vst v12  }
0x27e: {  	v12 =	vmul.f32 v22, v30;
	v22 =	vadd.f32 v27, v25;
	v19 =	vshll.u32 v31, $0x10;
	v23 =	vpop (erf)  }
0x27f: {  	v25 =	vadd.f32 v13, v28;
	v13 =	vand.u32 $0xFFFF0000, v31;
	v14 =	vadd.f32 v19, v14  }
0x280: {  	v9 =	vmul.f32 v9, v4;
	v12 =	vadd.f32 v12, v26;
	v13 =	vadd.f32 v13, v22  }
0x281: {  	v11 =	vadd.f32 v16, v11;
	v19 =	vmul.f32 v25, v20;
	v22 =	vand.u32 $0x7FFFFFFF, v14  }
0x282: {  	v12 =	vmul.f32 v12, v23;
	v16 =	vsub.f32 $0.0e+00, v22;
	v22 =	vand.u32 $0x7FFFFFFF, v13;
	v4 =	vpop (erf)  }
0x283: {  	v11 =	vmul.f32 v11, v17;
	[tilespmem:s19+$0xFFFFFF80] =	vst v19;
	v19 =	vsub.f32 $0.0e+00, v22;
	v17 =	vadd.f32 $2.000000000e+00, v4  }
0x284: {  	v9 =	vadd.f32 $1.000000000e+00, v9;
	[tilespmem:s19+$0xFFFFFF90] =	vst v12;
	v12 =	vmul.f32 $1.442695020e+00, v16;
	v16 =	vadd.f32 v4, v4;
	v20 =	vpop (erf)  }
0x285: {  	v22 =	vld [tilespmem:s26+$0xFFFFFFD0];
	v19 =	vmul.f32 $1.442695020e+00, v19;
	[tilespmem:s21+$0xFFFFFFD0] =	vst v11;
	v11 =	vadd.f32 $1.000000000e+00, v20;
	(erf) = vrcp.f32 v17  }
0x286: {  	v6 =	vmul.f32 v24, v6;
	v20 =	vld [tilespmem:s29+$0xFFFFFFD0];
	(erf) = vpow2.f32 v12  }
0x287: {  	v12 =	vld [tilespmem:s30+$0xFFFFFFD0];
	(erf) = vpow2.f32 v19;
	v11 =	vmul.f32 v17, v11  }
0x288: {  	v5 =	vmul.f32 v21, v5;
	v6 =	vadd.f32 v6, v8;
	v8 =	vmul.f32 v9, v3;
	v3 =	vmovc v16;
	v19 =	vld [tilespmem:s26+$0xFFFFFF90]  }
0x289: {  	v16 =	vmul.f32 v17, v18;
	v9 =	vld [tilespmem:s26+$0x10];
	(erf) = vrcp.f32 v11  }
0x28a: {  	v7 =	vadd.f32 v5, v7;
	v17 =	vshll.u32 v22, $0x10;
	v18 =	vand.u32 $0xFFFF0000, v22;
	v21 =	vld [tilespmem:s29+$0x10]  }
0x28b: {  	v11 =	vadd.f32 v8, v2;
	v2 =	vmovc v16;
	v22 =	vld [tilespmem:s29+$0xFFFFFF90];
	v5 =	vshll.u32 v20, $0x10;
	v20 =	vand.u32 $0xFFFF0000, v20  }
0x28c: {  	v8 =	vshll.u32 v12, $0x10;
	v26 =	vadd.f32 v5, v17;
	v16 =	vadd.f32 v20, v18;
	v17 =	vld [tilespmem:s30+$0x10]  }
0x28d: {  	v12 =	vand.u32 $0xFFFF0000, v12;
	v18 =	vshll.u32 v19, $0x10;
	v19 =	vand.u32 $0xFFFF0000, v19;
	v20 =	vld [tilespmem:s30+$0xFFFFFF90]  }
0x28e: {  	v6 =	vmul.f32 v6, v15;
	v23 =	vadd.f32 v8, v26;
	v16 =	vadd.f32 v12, v16;
	v24 =	vld [tilespmem:s4+$0xFFFFFFF0];
	v5 =	vpop (erf)  }
0x28f: {  	v8 =	vshll.u32 v9, $0x10;
	v9 =	vand.u32 $0xFFFF0000, v9;
	v12 =	vshll.u32 v21, $0x10;
	v25 =	vpop (erf);
	v15 =	vld [tilespmem:s13+$0xFFFFFFF0]  }
0x290: {  	v21 =	vand.u32 $0xFFFF0000, v21;
	v31 =	vadd.f32 v12, v8;
	v26 =	vadd.f32 $2.000000000e+00, v25;
	v27 =	vpop (erf);
	v28 =	vld [tilespmem:s2+$0xFFFFFFF0];
	[tilespmem:s0+$0xFFFFFFE0] =	vst v6  }
0x291: {  	v21 =	vadd.f32 v21, v9;
	v6 =	vshll.u32 v17, $0x10;
	v29 =	vadd.f32 $2.000000000e+00, v27;
	v8 =	vld [tilespmem:s4+$0xFFFFFFB0];
	s4 =	smov.u32 s26  }
0x292: {  	v17 =	vand.u32 $0xFFFF0000, v17;
	v30 =	vadd.f32 v6, v31;
	(erf) = vrcp.f32 v26;
	v9 =	vld [tilespmem:s13+$0xFFFFFFB0];
	v12 =	vpop (erf);
	s13 =	smov.u32 s29  }
0x293: {  	v31 =	vand.u32 $0x7FFFFFFF, v23;
	v17 =	vadd.f32 v17, v21;
	(erf) = vrcp.f32 v29;
	v6 =	vld [tilespmem:s2+$0xFFFFFFB0];
	s2 =	smov.u32 s30  }
0x294: {  	v21 =	vsub.f32 $0.0e+00, v31;
	v31 =	vand.u32 $0x7FFFFFFF, v16;
	v30 =	vsub.f32 $0.0e+00, v30  }
0x295: {  	v32 =	vshll.u32 v22, $0x10;
	v31 =	vsub.f32 $0.0e+00, v31;
	v17 =	vsub.f32 $0.0e+00, v17  }
0x296: {  	v22 =	vand.u32 $0xFFFF0000, v22;
	v21 =	vmul.f32 $1.442695020e+00, v21;
	v30 =	vmul.f32 $1.442695020e+00, v30  }
0x297: {  	v18 =	vadd.f32 v32, v18;
	v31 =	vmul.f32 $1.442695020e+00, v31;
	v17 =	vmul.f32 $1.442695020e+00, v17  }
0x298: {  	v33 =	vadd.f32 v22, v19;
	v32 =	vshll.u32 v20, $0x10;
	(erf) = vpow2.f32 v30  }
0x299: {  	v20 =	vand.u32 $0xFFFF0000, v20;
	v18 =	vadd.f32 v32, v18;
	(erf) = vpow2.f32 v17  }
0x29a: {  	v22 =	vmax.f32 v23, $0.0e+00;
	v17 =	vadd.f32 v20, v33;
	(erf) = vpow2.f32 v21  }
0x29b: {  	v16 =	vmax.f32 v16, $0.0e+00;
	v18 =	vsub.f32 $0.0e+00, v18;
	(erf) = vpow2.f32 v31;
	v19 =	vpop (erf)  }
0x29c: {  	v21 =	vshll.u32 v24, $0x10;
	v17 =	vsub.f32 $0.0e+00, v17;
	v19 =	vmul.f32 v19, v25;
	v20 =	vpop (erf)  }
0x29d: {  	v23 =	vand.u32 $0xFFFF0000, v24;
	v18 =	vmul.f32 $1.442695020e+00, v18;
	v20 =	vmul.f32 v20, v27  }
0x29e: {  	v24 =	vshll.u32 v15, $0x10;
	v17 =	vmul.f32 $1.442695020e+00, v17;
	v19 =	vmul.f32 v19, v19  }
0x29f: {  	v15 =	vand.u32 $0xFFFF0000, v15;
	v30 =	vmul.f32 v20, v20;
	(erf) = vpow2.f32 v18  }
0x2a0: {  	v18 =	vmul.f32 $1.428571490e-01, v19;
	(erf) = vpow2.f32 v17;
	v17 =	vadd.f32 v24, v21  }
0x2a1: {  	v23 =	vadd.f32 v15, v23;
	v24 =	vshll.u32 v28, $0x10;
	v20 =	vmul.f32 $1.428571490e-01, v30;
	v21 =	vpop (erf)  }
0x2a2: {  	v28 =	vand.u32 $0xFFFF0000, v28;
	v15 =	vadd.f32 $2.000000030e-01, v18;
	v18 =	vadd.f32 $1.000000000e+00, v21;
	v21 =	vpop (erf)  }
0x2a3: {  	v32 =	vshll.u32 v8, $0x10;
	v20 =	vadd.f32 $2.000000030e-01, v20;
	v21 =	vadd.f32 $1.000000000e+00, v21;
	v31 =	vpop (erf)  }
0x2a4: {  	v33 =	vadd.f32 $2.000000000e+00, v31;
	v34 =	vmul.f32 v15, v19;
	v18 =	vmul.f32 v26, v18;
	v35 =	vpop (erf)  }
0x2a5: {  	v36 =	vadd.f32 $2.000000000e+00, v35;
	v37 =	vmul.f32 v20, v30;
	v21 =	vmul.f32 v29, v21  }
0x2a6: {  	v15 =	vadd.f32 v31, v31;
	v38 =	vadd.f32 $3.333333430e-01, v34;
	(erf) = vrcp.f32 v18  }
0x2a7: {  	v20 =	vadd.f32 v35, v35;
	v18 =	vadd.f32 $3.333333430e-01, v37;
	(erf) = vrcp.f32 v21  }
0x2a8: {  	v21 =	vmul.f32 v38, v19;
	v34 =	vpop (erf);
	(erf) = vrcp.f32 v33;
	v19 =	vadd.f32 v24, v17  }
0x2a9: {  	v17 =	vadd.f32 $1.000000000e+00, v34;
	v18 =	vmul.f32 v18, v30;
	v24 =	vpop (erf);
	(erf) = vrcp.f32 v36  }
0x2aa: {  	v25 =	vadd.f32 v25, v25;
	v22 =	vmul.f32 v33, v22;
	v21 =	vadd.f32 $1.000000000e+00, v21  }
0x2ab: {  	v14 =	vmax.f32 v14, $0.0e+00;
	v27 =	vadd.f32 v27, v27;
	v18 =	vadd.f32 $1.000000000e+00, v18  }
0x2ac: {  	v13 =	vmax.f32 v13, $0.0e+00;
	v14 =	vmul.f32 v26, v14;
	v21 =	vmul.f32 v21, v25  }
0x2ad: {  	v13 =	vmul.f32 v29, v13;
	v24 =	vadd.f32 $1.000000000e+00, v24;
	v26 =	vmul.f32 v18, v27  }
0x2ae: {  	v25 =	vmul.f32 v36, v16;
	v27 =	vmul.f32 v33, v17;
	v14 =	vadd.f32 v21, v14  }
0x2af: {  	v16 =	vmul.f32 v36, v24;
	v21 =	vadd.f32 v28, v23;
	v13 =	vadd.f32 v26, v13;
	v18 =	vpop (erf)  }
0x2b0: {  	v23 =	vmul.f32 v14, v18;
	(erf) = vrcp.f32 v27;
	v17 =	vpop (erf);
	v18 =	vand.u32 $0x7FFFFFFF, v19  }
0x2b1: {  	v13 =	vmul.f32 v13, v17;
	v17 =	vpop (erf);
	(erf) = vrcp.f32 v16;
	v16 =	vand.u32 $0x7FFFFFFF, v21  }
0x2b2: {  	v18 =	vsub.f32 $0.0e+00, v18;
	v17 =	vmul.f32 v17, v31;
	[tilespmem:s19+$0x20] =	vst v23;
	v14 =	vpop (erf);
	v16 =	vsub.f32 $0.0e+00, v16  }
0x2b3: {  	v8 =	vand.u32 $0xFFFF0000, v8;
	v14 =	vmul.f32 v14, v35;
	[tilespmem:s19+$0x30] =	vst v13;
	v13 =	vshll.u32 v9, $0x10  }
0x2b4: {  	v9 =	vand.u32 $0xFFFF0000, v9;
	v18 =	vmul.f32 $1.442695020e+00, v18;
	v17 =	vmul.f32 v17, v17;
	v23 =	vld [tilespmem:s26+$0x60]  }
0x2b5: {  	v13 =	vadd.f32 v13, v32;
	v16 =	vmul.f32 $1.442695020e+00, v16;
	v24 =	vmul.f32 v14, v14;
	v14 =	vld [tilespmem:s29+$0x60]  }
0x2b6: {  	v8 =	vadd.f32 v9, v8;
	v26 =	vmul.f32 $1.428571490e-01, v17;
	(erf) = vpow2.f32 v18  }
0x2b7: {  	v28 =	vshll.u32 v6, $0x10;
	v9 =	vmul.f32 $1.428571490e-01, v24;
	v18 =	vld [tilespmem:s30+$0x60];
	(erf) = vpow2.f32 v16  }
0x2b8: {  	v6 =	vand.u32 $0xFFFF0000, v6;
	v16 =	vadd.f32 $2.000000030e-01, v26;
	v26 =	vadd.f32 v28, v13  }
0x2b9: {  	v4 =	vmul.f32 v5, v4;
	v6 =	vadd.f32 v6, v8;
	v9 =	vadd.f32 $2.000000030e-01, v9;
	v27 =	vpop (erf)  }
0x2ba: {  	v8 =	vshll.u32 v23, $0x10;
	v5 =	vmul.f32 v16, v17;
	v13 =	vshll.u32 v14, $0x10;
	v28 =	vpop (erf)  }
0x2bb: {  	v16 =	vand.u32 $0xFFFF0000, v23;
	v14 =	vand.u32 $0xFFFF0000, v14;
	v8 =	vadd.f32 v13, v8  }
0x2bc: {  	v9 =	vmul.f32 v9, v24;
	v16 =	vadd.f32 v14, v16;
	v13 =	vshll.u32 v18, $0x10  }
0x2bd: {  	v5 =	vadd.f32 $3.333333430e-01, v5;
	v23 =	vand.u32 $0xFFFF0000, v18;
	v14 =	vadd.f32 v13, v8  }
0x2be: {  	v4 =	vmul.f32 v4, v4;
	v8 =	vadd.f32 $3.333333430e-01, v9;
	v13 =	vadd.f32 v23, v16  }
0x2bf: {  	v16 =	vsub.f32 $0.0e+00, v26;
	v5 =	vmul.f32 v5, v17;
	v9 =	vand.u32 $0x7FFFFFFF, v14;
	v18 =	vpop (erf)  }
0x2c0: {  	v8 =	vmul.f32 v8, v24;
	v23 =	vand.u32 $0x7FFFFFFF, v13;
	v9 =	vsub.f32 $0.0e+00, v9;
	v17 =	vpop (erf)  }
0x2c1: {  	v24 =	vmul.f32 $1.442695020e+00, v16;
	v5 =	vadd.f32 $1.000000000e+00, v5;
	v23 =	vsub.f32 $0.0e+00, v23  }
0x2c2: {  	v16 =	vadd.f32 $2.000000000e+00, v18;
	v8 =	vadd.f32 $1.000000000e+00, v8;
	v9 =	vmul.f32 $1.442695020e+00, v9  }
0x2c3: {  	v5 =	vmul.f32 v5, v15;
	v23 =	vmul.f32 $1.442695020e+00, v23;
	v15 =	vadd.f32 $2.000000000e+00, v17  }
0x2c4: {  	v6 =	vsub.f32 $0.0e+00, v6;
	v8 =	vmul.f32 v8, v20;
	(erf) = vpow2.f32 v9  }
0x2c5: {  	v5 =	vadd.f32 v5, v22;
	v9 =	vmul.f32 $1.428571490e-01, v4;
	(erf) = vpow2.f32 v23  }
0x2c6: {  	v20 =	vmul.f32 $1.442695020e+00, v6;
	v8 =	vadd.f32 v8, v25;
	(erf) = vrcp.f32 v16  }
0x2c7: {  	v5 =	vmul.f32 v5, v27;
	v9 =	vadd.f32 $2.000000030e-01, v9;
	v22 =	vld [tilespmem:s26+$0x20];
	(erf) = vrcp.f32 v15  }
0x2c8: {  	v6 =	vadd.f32 v18, v18;
	v8 =	vmul.f32 v8, v28;
	v23 =	vld [tilespmem:s29+$0x20];
	(erf) = vpow2.f32 v24  }
0x2c9: {  	v9 =	vmul.f32 v9, v4;
	[tilespmem:s19+$0xFFFFFFA0] =	vst v5;
	v5 =	vadd.f32 v17, v17;
	(erf) = vpow2.f32 v20  }
0x2ca: {  	v10 =	vmul.f32 v7, v10;
	[tilespmem:s19+$0xFFFFFFB0] =	vst v8;
	v20 =	vld [tilespmem:s30+$0x20];
	v8 =	vmax.f32 v19, $0.0e+00;
	v19 =	vmax.f32 v21, $0.0e+00  }
0x2cb: {  	v9 =	vadd.f32 $3.333333430e-01, v9;
	v21 =	vld [tilespmem:s26+$0xFFFFFFE0];
	v8 =	vmul.f32 v16, v8;
	v7 =	vmul.f32 v15, v19  }
0x2cc: {  	v19 =	vld [tilespmem:s29+$0xFFFFFFE0];
	[tilespmem:s0+$0xFFFFFFF0] =	vst v10;
	v10 =	vmul.f32 v11, v1;
	v1 =	vmov v12  }
0x2cd: {  	v12 =	vshll.u32 v22, $0x10;
	v22 =	vand.u32 $0xFFFF0000, v22;
	v11 =	vld [tilespmem:s30+$0xFFFFFFE0];
	v24 =	vshll.u32 v23, $0x10;
	v25 =	vpop (erf)  }
0x2ce: {  	v23 =	vand.u32 $0xFFFF0000, v23;
	v26 =	vld [tilespmem:s26+$0xFFFFFFA0];
	v12 =	vadd.f32 v24, v12;
	v24 =	vadd.f32 $2.000000000e+00, v25;
	v27 =	vpop (erf);
	[tilespmem:s0+$0x60] =	vst v10;
	s0 =	smov.u32 s21;
	s21 =	smov.u32 s19  }
0x2cf: {  	v32 =	vadd.f32 v23, v22;
	v10 =	vld [tilespmem:s29+$0xFFFFFFA0];
	v31 =	vshll.u32 v20, $0x10;
	v23 =	vadd.f32 $2.000000000e+00, v27;
	v29 =	vpop (erf)  }
0x2d0: {  	v20 =	vand.u32 $0xFFFF0000, v20;
	v30 =	vld [tilespmem:s30+$0xFFFFFFA0];
	v12 =	vadd.f32 v31, v12;
	(erf) = vrcp.f32 v24;
	v28 =	vpop (erf)  }
0x2d1: {  	v31 =	vshll.u32 v21, $0x10;
	v20 =	vadd.f32 v20, v32;
	(erf) = vrcp.f32 v23;
	v22 =	vpop (erf)  }
0x2d2: {  	v21 =	vand.u32 $0xFFFF0000, v21;
	v32 =	vshll.u32 v19, $0x10;
	v12 =	vsub.f32 $0.0e+00, v12;
	v33 =	vpop (erf)  }
0x2d3: {  	v19 =	vand.u32 $0xFFFF0000, v19;
	v31 =	vadd.f32 v32, v31;
	v20 =	vsub.f32 $0.0e+00, v20  }
0x2d4: {  	v32 =	vshll.u32 v11, $0x10;
	v19 =	vadd.f32 v19, v21;
	v12 =	vmul.f32 $1.442695020e+00, v12  }
0x2d5: {  	v11 =	vand.u32 $0xFFFF0000, v11;
	v21 =	vadd.f32 v32, v31;
	v20 =	vmul.f32 $1.442695020e+00, v20  }
0x2d6: {  	v31 =	vshll.u32 v26, $0x10;
	v11 =	vadd.f32 v11, v19;
	(erf) = vpow2.f32 v12  }
0x2d7: {  	v12 =	vand.u32 $0xFFFF0000, v26;
	v19 =	vand.u32 $0x7FFFFFFF, v21;
	(erf) = vpow2.f32 v20  }
0x2d8: {  	v26 =	vand.u32 $0x7FFFFFFF, v11;
	v20 =	vshll.u32 v10, $0x10;
	v19 =	vsub.f32 $0.0e+00, v19  }
0x2d9: {  	v10 =	vand.u32 $0xFFFF0000, v10;
	v26 =	vsub.f32 $0.0e+00, v26;
	v20 =	vadd.f32 v20, v31;
	v31 =	vpop (erf)  }
0x2da: {  	v10 =	vadd.f32 v10, v12;
	v12 =	vmul.f32 $1.442695020e+00, v19;
	v19 =	vmul.f32 v31, v25;
	v31 =	vpop (erf)  }
0x2db: {  	v32 =	vshll.u32 v30, $0x10;
	v26 =	vmul.f32 $1.442695020e+00, v26;
	v31 =	vmul.f32 v31, v27  }
0x2dc: {  	v30 =	vand.u32 $0xFFFF0000, v30;
	v19 =	vmul.f32 v19, v19;
	(erf) = vpow2.f32 v12  }
0x2dd: {  	v12 =	vadd.f32 v32, v20;
	v20 =	vmul.f32 v31, v31;
	(erf) = vpow2.f32 v26  }
0x2de: {  	v21 =	vmax.f32 v21, $0.0e+00;
	v10 =	vadd.f32 v30, v10;
	v26 =	vmul.f32 $1.428571490e-01, v19  }
0x2df: {  	v11 =	vmax.f32 v11, $0.0e+00;
	v12 =	vsub.f32 $0.0e+00, v12;
	v30 =	vmul.f32 $1.428571490e-01, v20;
	v31 =	vpop (erf)  }
0x2e0: {  	v18 =	vmul.f32 v29, v18;
	v26 =	vadd.f32 $2.000000030e-01, v26;
	v31 =	vadd.f32 $1.000000000e+00, v31;
	v32 =	vpop (erf)  }
0x2e1: {  	v12 =	vmul.f32 $1.442695020e+00, v12;
	v29 =	vadd.f32 $2.000000030e-01, v30;
	v30 =	vadd.f32 $1.000000000e+00, v32  }
0x2e2: {  	v10 =	vsub.f32 $0.0e+00, v10;
	v26 =	vmul.f32 v26, v19;
	v31 =	vmul.f32 v24, v31  }
0x2e3: {  	v32 =	vadd.f32 $1.000000000e+00, v22;
	v34 =	vmul.f32 v29, v20;
	v35 =	vmul.f32 v23, v30  }
0x2e4: {  	v10 =	vmul.f32 $1.442695020e+00, v10;
	v22 =	vadd.f32 $3.333333430e-01, v26;
	(erf) = vrcp.f32 v31  }
0x2e5: {  	v17 =	vmul.f32 v28, v17;
	v26 =	vadd.f32 $3.333333430e-01, v34;
	v29 =	vpop (erf);
	(erf) = vrcp.f32 v35  }
0x2e6: {  	v28 =	vadd.f32 $2.000000000e+00, v29;
	v19 =	vmul.f32 v22, v19;
	(erf) = vpow2.f32 v12;
	v30 =	vpop (erf)  }
0x2e7: {  	v31 =	vadd.f32 $2.000000000e+00, v30;
	v12 =	vmul.f32 v26, v20;
	(erf) = vpow2.f32 v10  }
0x2e8: {  	v10 =	vadd.f32 $1.000000000e+00, v19;
	v19 =	vadd.f32 v25, v25;
	(erf) = vrcp.f32 v28  }
0x2e9: {  	v14 =	vmax.f32 v14, $0.0e+00;
	v20 =	vadd.f32 v27, v27;
	v12 =	vadd.f32 $1.000000000e+00, v12  }
0x2ea: {  	v13 =	vmax.f32 v13, $0.0e+00;
	v22 =	vmul.f32 v24, v14;
	v10 =	vmul.f32 v10, v19  }
0x2eb: {  	v14 =	vadd.f32 v29, v29;
	v19 =	vmul.f32 v23, v13;
	v23 =	vmul.f32 v12, v20  }
0x2ec: {  	v13 =	vadd.f32 v30, v30;
	v10 =	vadd.f32 v10, v22;
	(erf) = vrcp.f32 v31  }
0x2ed: {  	v11 =	vmul.f32 v31, v11;
	v12 =	vmul.f32 v28, v21;
	v19 =	vadd.f32 v23, v19;
	v20 =	vpop (erf)  }
0x2ee: {  	v21 =	vmul.f32 v18, v18;
	v18 =	vadd.f32 $1.000000000e+00, v33;
	v24 =	vmul.f32 v10, v20;
	v20 =	vpop (erf)  }
0x2ef: {  	v22 =	vmul.f32 v17, v17;
	v19 =	vmul.f32 v19, v20;
	v20 =	vpop (erf)  }
0x2f0: {  	v16 =	vmul.f32 v16, v32;
	v17 =	vadd.f32 $1.000000000e+00, v20;
	[tilespmem:s19+$0x40] =	vst v24;
	v10 =	vpop (erf);
	v20 =	vmul.f32 $1.428571490e-01, v21  }
0x2f1: {  	v24 =	vmul.f32 $1.428571490e-01, v22;
	v10 =	vadd.f32 $1.000000000e+00, v10;
	[tilespmem:s19+$0x50] =	vst v19;
	v23 =	vpop (erf);
	v19 =	vmul.f32 v15, v18  }
0x2f2: {  	v27 =	vmul.f32 v23, v29;
	v17 =	vmul.f32 v28, v17;
	v25 =	vld [tilespmem:s26+$0x70];
	v23 =	vadd.f32 $2.000000030e-01, v20  }
0x2f3: {  	v24 =	vadd.f32 $2.000000030e-01, v24;
	v10 =	vmul.f32 v31, v10;
	v26 =	vld [tilespmem:s29+$0x70];
	(erf) = vrcp.f32 v16  }
0x2f4: {  	v20 =	vmul.f32 v27, v27;
	(erf) = vrcp.f32 v17  }
0x2f5: {  	v18 =	vld [tilespmem:s30+$0x70];
	v15 =	vpop (erf);
	(erf) = vrcp.f32 v10;
	v10 =	vmul.f32 v23, v21  }
.Ltmp1:
0x2f6: {  	v27 =	vmul.f32 $1.428571490e-01, v20;
	v15 =	vmul.f32 v15, v30;
	(pc) =	sbr.rel @p0 .LBB2_5-.Ltmp1, $4  }
0x2f7: {  	v17 =	vmul.f32 v24, v22;
	v28 =	vshll.u32 v25, $0x10;
	v23 =	vadd.f32 $3.333333430e-01, v10  }
0x2f8: {  	v10 =	vand.u32 $0xFFFF0000, v25;
	v16 =	vmul.f32 v15, v15;
	v15 =	vand.u32 $0xFFFF0000, v26  }
0x2f9: {  	v25 =	vadd.f32 $2.000000030e-01, v27;
	v24 =	vshll.u32 v26, $0x10;
	v10 =	vadd.f32 v15, v10  }
0x2fa: {  	s26 =	sadd.s32 $0x100, s26;
	v24 =	vadd.f32 v24, v28;
	v26 =	vmul.f32 $1.428571490e-01, v16;
	v15 =	vand.u32 $0xFFFF0000, v18  }
0x2fb: {  	v27 =	vadd.f32 v15, v10;
	_ =	sdelay $0x1  }
0x2fc: {  	v10 =	vand.u32 $0x7FFFFFFF, v27  }
0x2fd: {  	v10 =	vsub.f32 $0.0e+00, v10  }
0x2fe: {  	v28 =	vld [tilespmem:s4+$0x30]  }
0x2ff: {  	(erf) = vrcp.f32 v19;
	v19 =	vld [tilespmem:s13+$0x30];
	v10 =	vmul.f32 $1.442695020e+00, v10;
	_ =	sdelay $0x1  }
0x300: {  	(erf) = vpow2.f32 v10  }
0x301: {  	v29 =	vld [tilespmem:s2+$0x30];
	_ =	sdelay $0x1  }
0x302: {  	v30 =	vand.u32 $0xFFFF0000, v19;
	v10 =	vand.u32 $0xFFFF0000, v28  }
0x303: {  	v10 =	vadd.f32 v30, v10  }
0x304: {  	v15 =	vpop (erf)  }
0x305: {  	v58 =	vpop (erf);
	v31 =	vand.u32 $0xFFFF0000, v29  }
0x306: {  	v32 =	vpop (erf);
	v31 =	vadd.f32 v31, v10  }
0x307: {  	v10 =	vpop (erf)  }
0x308: {  	v31 =	vsub.f32 $0.0e+00, v31;
	v33 =	vpop (erf)  }
0x309: {  	v34 =	vadd.f32 $2.000000000e+00, v33  }
0x30a: {  	v31 =	vmul.f32 $1.442695020e+00, v31  }
0x30b: {  	v25 =	vmul.f32 v25, v20;
	(erf) = vrcp.f32 v34  }
0x30c: {  	v26 =	vadd.f32 $2.000000030e-01, v26;
	(erf) = vpow2.f32 v31  }
0x30d: {  	v25 =	vadd.f32 $3.333333430e-01, v25  }
0x30e: {  	v26 =	vmul.f32 v26, v16  }
0x30f: {  	v20 =	vmul.f32 v25, v20  }
0x310: {  	v26 =	vadd.f32 $3.333333430e-01, v26  }
0x311: {  	v20 =	vadd.f32 $1.000000000e+00, v20  }
0x312: {  	v16 =	vmul.f32 v26, v16  }
0x313: {  	v18 =	vshll.u32 v18, $0x10  }
0x314: {  	v19 =	vshll.u32 v19, $0x10;
	v26 =	vshll.u32 v28, $0x10;
	v16 =	vadd.f32 $1.000000000e+00, v16;
	v25 =	vpop (erf)  }
0x315: {  	v18 =	vadd.f32 v18, v24;
	v14 =	vmul.f32 v20, v14;
	v19 =	vadd.f32 v19, v26;
	v20 =	vpop (erf)  }
0x316: {  	v13 =	vmul.f32 v16, v13;
	v16 =	vadd.f32 $1.000000000e+00, v20;
	v20 =	vshll.u32 v29, $0x10  }
0x317: {  	v12 =	vadd.f32 v14, v12;
	v14 =	vand.u32 $0x7FFFFFFF, v18;
	v19 =	vadd.f32 v20, v19  }
0x318: {  	v11 =	vadd.f32 v13, v11;
	v13 =	vsub.f32 $0.0e+00, v14  }
0x319: {  	v12 =	vmul.f32 v12, v58;
	v14 =	vmul.f32 v34, v16;
	v16 =	vsub.f32 $0.0e+00, v19  }
0x31a: {  	v11 =	vmul.f32 v11, v32;
	v13 =	vmul.f32 $1.442695020e+00, v13  }
0x31b: {  	[tilespmem:s21+$0xFFFFFFC0] =	vst v12;
	(erf) = vrcp.f32 v14;
	v12 =	vmul.f32 $1.442695020e+00, v16  }
0x31c: {  	[tilespmem:s21+$0xFFFFFFD0] =	vst v11;
	(erf) = vpow2.f32 v13  }
0x31d: {  	(erf) = vpow2.f32 v12;
	v12 =	vld [tilespmem:s13+$0xFFFFFFF0]  }
0x31e: {  	v11 =	vld [tilespmem:s4+$0xFFFFFFF0]  }
0x31f: {  	v13 =	vld [tilespmem:s2+$0xFFFFFFF0];
	_ =	sdelay $0x2  }
0x320: {  	v16 =	vshll.u32 v12, $0x10  }
0x321: {  	v14 =	vshll.u32 v11, $0x10;
	v12 =	vand.u32 $0xFFFF0000, v12  }
0x322: {  	v11 =	vand.u32 $0xFFFF0000, v11;
	v19 =	vshll.u32 v13, $0x10;
	v14 =	vadd.f32 v16, v14  }
0x323: {  	v11 =	vadd.f32 v12, v11;
	v16 =	vpop (erf)  }
0x324: {  	v13 =	vand.u32 $0xFFFF0000, v13;
	v14 =	vadd.f32 v19, v14;
	v12 =	vpop (erf)  }
0x325: {  	v11 =	vadd.f32 v13, v11;
	v19 =	vpop (erf)  }
0x326: {  	v13 =	vadd.f32 $2.000000000e+00, v12;
	v20 =	vand.u32 $0x7FFFFFFF, v14;
	v19 =	vadd.f32 $1.000000000e+00, v19  }
0x327: {  	v24 =	vand.u32 $0x7FFFFFFF, v11;
	v20 =	vsub.f32 $0.0e+00, v20  }
0x328: {  	v25 =	vmul.f32 v25, v33;
	v24 =	vsub.f32 $0.0e+00, v24;
	v19 =	vmul.f32 v13, v19  }
0x329: {  	(erf) = vrcp.f32 v13;
	v20 =	vmul.f32 $1.442695020e+00, v20  }
0x32a: {  	(erf) = vrcp.f32 v19;
	v19 =	vmul.f32 $1.442695020e+00, v24  }
0x32b: {  	(erf) = vpow2.f32 v20  }
0x32c: {  	v24 =	vmul.f32 v25, v25;
	v25 =	vld [tilespmem:s13+$0xFFFFFFB0];
	(erf) = vpow2.f32 v19  }
0x32d: {  	v20 =	vld [tilespmem:s4+$0xFFFFFFB0]  }
0x32e: {  	v19 =	vmul.f32 $1.428571490e-01, v24  }
0x32f: {  	v26 =	vld [tilespmem:s2+$0xFFFFFFB0]  }
0x330: {  	v19 =	vadd.f32 $2.000000030e-01, v19;
	_ =	sdelay $0x1  }
0x331: {  	v62 =	vshll.u32 v25, $0x10;
	v19 =	vmul.f32 v19, v24;
	v59 =	vpop (erf);
	v61 =	vshll.u32 v20, $0x10  }
0x332: {  	v25 =	vand.u32 $0xFFFF0000, v25;
	v20 =	vand.u32 $0xFFFF0000, v20;
	v30 =	vadd.f32 v62, v61;
	v60 =	vpop (erf)  }
0x333: {  	v20 =	vadd.f32 v25, v20;
	v25 =	vshll.u32 v26, $0x10;
	v19 =	vadd.f32 $3.333333430e-01, v19;
	v63 =	vpop (erf)  }
0x334: {  	v26 =	vand.u32 $0xFFFF0000, v26;
	v25 =	vadd.f32 v25, v30;
	v40 =	vpop (erf);
	v35 =	vadd.f32 $2.000000000e+00, v63  }
0x335: {  	v20 =	vadd.f32 v26, v20;
	v36 =	vadd.f32 $2.000000000e+00, v40  }
0x336: {  	v19 =	vmul.f32 v19, v24;
	v24 =	vsub.f32 $0.0e+00, v25;
	(erf) = vrcp.f32 v35  }
0x337: {  	v26 =	vmax.f32 v27, $0.0e+00;
	v20 =	vsub.f32 $0.0e+00, v20;
	(erf) = vrcp.f32 v36  }
0x338: {  	v25 =	vadd.f32 v33, v33;
	v19 =	vadd.f32 $1.000000000e+00, v19;
	v24 =	vmul.f32 $1.442695020e+00, v24  }
0x339: {  	v26 =	vmul.f32 v34, v26;
	v20 =	vmul.f32 $1.442695020e+00, v20  }
0x33a: {  	v19 =	vmul.f32 v19, v25;
	(erf) = vpow2.f32 v24  }
0x33b: {  	v17 =	vadd.f32 $3.333333430e-01, v17  }
0x33c: {  	(erf) = vpow2.f32 v20;
	v19 =	vadd.f32 v19, v26  }
0x33d: {  	v17 =	vmul.f32 v17, v22;
	_ =	sdelay $0x1  }
0x33e: {  	v17 =	vadd.f32 $1.000000000e+00, v17;
	v20 =	vmul.f32 v23, v21;
	v21 =	vpop (erf)  }
0x33f: {  	v4 =	vmul.f32 v9, v4;
	v16 =	vmul.f32 v19, v16;
	v19 =	vpop (erf)  }
0x340: {  	v21 =	vmul.f32 v21, v63;
	v9 =	vmul.f32 v19, v40  }
0x341: {  	v5 =	vmul.f32 v17, v5;
	v20 =	vadd.f32 $1.000000000e+00, v20;
	v19 =	vmul.f32 v59, v12  }
0x342: {  	v4 =	vadd.f32 $1.000000000e+00, v4;
	v17 =	vpop (erf);
	v21 =	vmul.f32 v21, v21;
	v9 =	vmul.f32 v9, v9  }
0x343: {  	v6 =	vmul.f32 v20, v6;
	v17 =	vadd.f32 $1.000000000e+00, v17;
	v19 =	vmul.f32 v19, v19  }
0x344: {  	v24 =	vpop (erf);
	v20 =	vmul.f32 $1.428571490e-01, v21;
	v22 =	vmul.f32 $1.428571490e-01, v9  }
0x345: {  	v3 =	vmul.f32 v4, v3;
	v4 =	vadd.f32 $1.000000000e+00, v24;
	v17 =	vmul.f32 v35, v17  }
0x346: {  	v23 =	vmul.f32 $1.428571490e-01, v19;
	v20 =	vadd.f32 $2.000000030e-01, v20;
	v22 =	vadd.f32 $2.000000030e-01, v22  }
0x347: {  	v6 =	vadd.f32 v6, v8;
	v4 =	vmul.f32 v36, v4;
	(erf) = vrcp.f32 v17  }
0x348: {  	v23 =	vadd.f32 $2.000000030e-01, v23;
	v20 =	vmul.f32 v20, v21;
	v8 =	vmul.f32 v22, v9  }
0x349: {  	v2 =	vadd.f32 v3, v2;
	(erf) = vrcp.f32 v4  }
0x34a: {  	v22 =	vmul.f32 v23, v19;
	v17 =	vadd.f32 $3.333333430e-01, v20;
	v4 =	vadd.f32 $3.333333430e-01, v8  }
0x34b: {  	v5 =	vadd.f32 v5, v7;
	v1 =	vmul.f32 v2, v1;
	v14 =	vmax.f32 v14, $0.0e+00  }
0x34c: {  	v7 =	vadd.f32 $3.333333430e-01, v22;
	v8 =	vmul.f32 v17, v21;
	v4 =	vmul.f32 v4, v9  }
0x34d: {  	v6 =	vmul.f32 v6, v15;
	v15 =	vadd.f32 v63, v63;
	v9 =	vadd.f32 v40, v40  }
0x34e: {  	v7 =	vmul.f32 v7, v19;
	v8 =	vadd.f32 $1.000000000e+00, v8;
	v4 =	vadd.f32 $1.000000000e+00, v4  }
0x34f: {  	v11 =	vmax.f32 v11, $0.0e+00;
	v14 =	vmul.f32 v35, v14;
	v12 =	vadd.f32 v12, v12  }
0x350: {  	v7 =	vadd.f32 $1.000000000e+00, v7;
	v8 =	vmul.f32 v8, v15;
	v4 =	vmul.f32 v4, v9  }
0x351: {  	v18 =	vmax.f32 v18, $0.0e+00;
	v5 =	vmul.f32 v5, v10;
	v3 =	vmul.f32 v36, v11  }
0x352: {  	[tilespmem:s0+$0x60] =	vst v1;
	v13 =	vmul.f32 v13, v18;
	v7 =	vmul.f32 v7, v12;
	v8 =	vadd.f32 v8, v14  }
0x353: {  	[tilespmem:s0+$0xFFFFFFF0] =	vst v5;
	v2 =	vpop (erf);
	v3 =	vadd.f32 v4, v3  }
0x354: {  	[tilespmem:s19+$0x70] =	vst v16;
	v5 =	vadd.f32 v7, v13;
	v2 =	vmul.f32 v8, v2;
	v4 =	vpop (erf)  }
0x355: {  	[tilespmem:s0+$0xFFFFFFE0] =	vst v6;
	v1 =	vmul.f32 v3, v4  }
0x356: {  	[tilespmem:s21+$0xFFFFFFE0] =	vst v2;
	v2 =	vmul.f32 v5, v60  }
0x357: {  	[tilespmem:s21+$0xFFFFFFF0] =	vst v1  }
0x358: {  	[tilespmem:s21+$0x60] =	vst v2  }
0x359: {  	v1 =	vld [tilespmem:$0x0]  }
0x35a: {  	v2 =	vld [tilespmem:$0x10]  }
0x35b: {  	v3 =	vld [tilespmem:$0x18];
	_ =	sdelay $0x2  }
0x35c: {  	[tilespmem:$0x100] =	vst v1  }
0x35d: {  	[tilespmem:$0x110] =	vst v2  }
0x35e: {  	s26 =	simm.s32 $0x3D80;
	s21 =	simm.s32 $0x100;
	[tilespmem:$0x118] =	vst v3  }
0x35f: {  	[spmem:s28] =	stream.indirect.scatter.add.f32 [tilespmem:s26], [sflag:$0x4], $0x80, s21, s18, $0xb8;
	[tilespmem:$0x1F300] =	vst v63  }
0x360: {  	_ =	swait.ge [sflag:s10], $0x1400  }
0x361: {  	[sflag:s10] =	ssyncset.done $0x0  }
0x362: {  	[sflag:s10] =	ssyncadd.s32 $0xFFFFEC00  }
0x363: {  	_ =	swait.ge [sflag:s11], $0x1400  }
0x364: {  	[sflag:s11] =	ssyncset.done $0x0  }
0x365: {  	[sflag:s11] =	ssyncadd.s32 $0xFFFFEC00  }
0x366: {  	_ =	swait.ge [sflag:s12], $0x1400  }
0x367: {  	[sflag:s12] =	ssyncset.done $0x0  }
0x368: {  	s2 =	smin.u32 s20, $0xF7;
	[sflag:s12] =	ssyncadd.s32 $0xFFFFEC00  }
0x369: {  	s0 =	smul.u32 $0x28, s2;
	_ =	swait.ge [sflag:s9], $0x1400  }
0x36a: {  	s4 =	rddreg [dreg:$0x9]  }
0x36b: {  	s0 =	sadd.s32 s0, s4  }
0x36c: {  	[sflag:s9] =	ssyncset.done $0x0;
	s2 =	sshrl.u32 s0, $0x3  }
0x36d: {  	[sflag:s9] =	ssyncadd.s32 $0xFFFFEC00;
	s13 =	sadd.s32 s5, s2  }
0x36e: {  	[tilespmem:s3], [sflag:$0x9] =	stream.linear.gather [hbm4b:s13+s3], $0x28, $0x38;
	[tilespmem:$0x1F300] =	vst v63  }
0x36f: {  	_ =	swait.ge [sflag:s16], $0x28  }
0x370: {  	[sflag:s16] =	ssyncset.done $0x0  }
0x371: {  	s2 =	sadd.s32 s6, s2;
	[sflag:s16] =	ssyncadd.s32 $0xFFFFFFD8  }
0x372: {  	[tilespmem:s17], [sflag:$0x9] =	stream.linear.gather [hbm4b:s2+s3], $0x28, $0x38;
	[tilespmem:$0x1F300] =	vst v63  }
0x373: {  	_ =	swait.ge [sflag:s16], $0x28  }
0x374: {  	[sflag:s16] =	ssyncset.done $0x0  }
0x375: {  	s14 =	simm.s32 $0x180;
	[sflag:s16] =	ssyncadd.s32 $0xFFFFFFD8  }
0x376: {  	[tilespmem:s14], [sflag:$0x1] =	stream.indirect.gather [hbm4b:s1+s18], $0x80, s3, s18, $0xb8;
	[tilespmem:$0x1F300] =	vst v63  }
0x377: {  	s19 =	simm.s32 $0x1580;
	s0 =	sshll.u32 s0, $0x4  }
0x378: {  	[tilespmem:s19], [sflag:$0x2] =	stream.indirect.gather [hbm4b:s7+s18], $0x80, s17, s18, $0xb8;
	[tilespmem:$0x1F300] =	vst v63  }
0x379: {  	s20 =	simm.s32 $0x2980;
	s0 =	sadd.s32 s8, s0;
	s14 =	simm.s32 $0x5380  }
0x37a: {  	[tilespmem:s20], [sflag:$0x3] =	stream.linear.gather [hbm4b:s0+s3], $0x1400, $0x38;
	[tilespmem:$0x1F300] =	vst v63  }
0x37b: {  	s21 =	simm.s32 $0x6780;
	v1 =	vld [tilespmem:s14+$0x40]  }
0x37c: {  	v2 =	vld [tilespmem:s21+$0x40]  }
0x37d: {  	s26 =	simm.s32 $0x7B80  }
0x37e: {  	v3 =	vld [tilespmem:s26+$0x40];
	_ =	sdelay $0x2  }
0x37f: {  	v4 =	vshll.u32 v1, $0x10;
	v5 =	vshll.u32 v2, $0x10  }
0x380: {  	v1 =	vand.u32 $0xFFFF0000, v1;
	v2 =	vand.u32 $0xFFFF0000, v2;
	v4 =	vadd.f32 v5, v4  }
0x381: {  	v6 =	vshll.u32 v3, $0x10;
	v5 =	vld [tilespmem:s14+$0xFFFFFFC0];
	v1 =	vadd.f32 v2, v1  }
0x382: {  	v3 =	vand.u32 $0xFFFF0000, v3;
	v2 =	vld [tilespmem:s21+$0xFFFFFFC0];
	v4 =	vadd.f32 v6, v4  }
0x383: {  	v1 =	vadd.f32 v3, v1  }
0x384: {  	v3 =	vld [tilespmem:s26+$0xFFFFFFC0];
	v6 =	vand.u32 $0x7FFFFFFF, v4  }
0x385: {  	v7 =	vand.u32 $0x7FFFFFFF, v1;
	v6 =	vsub.f32 $0.0e+00, v6  }
0x386: {  	v7 =	vsub.f32 $0.0e+00, v7  }
0x387: {  	v8 =	vshll.u32 v5, $0x10;
	v9 =	vshll.u32 v2, $0x10;
	v6 =	vmul.f32 $1.442695020e+00, v6  }
0x388: {  	v5 =	vand.u32 $0xFFFF0000, v5;
	v8 =	vadd.f32 v9, v8;
	v7 =	vmul.f32 $1.442695020e+00, v7  }
0x389: {  	v2 =	vand.u32 $0xFFFF0000, v2;
	v9 =	vshll.u32 v3, $0x10;
	(erf) = vpow2.f32 v6  }
0x38a: {  	v2 =	vadd.f32 v2, v5;
	v5 =	vadd.f32 v9, v8;
	(erf) = vpow2.f32 v7  }
0x38b: {  	v3 =	vand.u32 $0xFFFF0000, v3  }
0x38c: {  	v2 =	vadd.f32 v3, v2;
	v6 =	vld [tilespmem:s14+$0x0];
	v3 =	vand.u32 $0x7FFFFFFF, v5  }
0x38d: {  	v7 =	vld [tilespmem:s21+$0x0];
	v3 =	vsub.f32 $0.0e+00, v3  }
0x38e: {  	v9 =	vld [tilespmem:s26+$0x0];
	v8 =	vand.u32 $0x7FFFFFFF, v2  }
0x38f: {  	v8 =	vsub.f32 $0.0e+00, v8;
	v3 =	vmul.f32 $1.442695020e+00, v3;
	_ =	sdelay $0x1  }
0x390: {  	v12 =	vld [tilespmem:s21+$0xFFFFFF80];
	v8 =	vmul.f32 $1.442695020e+00, v8;
	(erf) = vpow2.f32 v3;
	v3 =	vshll.u32 v6, $0x10  }
0x391: {  	v15 =	vld [tilespmem:s14+$0xFFFFFF80];
	v10 =	vshll.u32 v7, $0x10;
	v6 =	vand.u32 $0xFFFF0000, v6;
	v7 =	vand.u32 $0xFFFF0000, v7;
	v11 =	vpop (erf)  }
0x392: {  	v3 =	vadd.f32 v10, v3;
	v10 =	vshll.u32 v9, $0x10;
	v13 =	vadd.f32 $2.000000000e+00, v11;
	v14 =	vpop (erf)  }
0x393: {  	v6 =	vadd.f32 v7, v6;
	(erf) = vpow2.f32 v8;
	v7 =	vadd.f32 $2.000000000e+00, v14  }
0x394: {  	v8 =	vand.u32 $0xFFFF0000, v9;
	v9 =	vld [tilespmem:s26+$0xFFFFFF80];
	v3 =	vadd.f32 v10, v3;
	(erf) = vrcp.f32 v13  }
0x395: {  	v6 =	vadd.f32 v8, v6;
	(erf) = vrcp.f32 v7  }
0x396: {  	v8 =	vshll.u32 v15, $0x10;
	v10 =	vshll.u32 v12, $0x10;
	v3 =	vsub.f32 $0.0e+00, v3  }
0x397: {  	v8 =	vadd.f32 v10, v8;
	v6 =	vsub.f32 $0.0e+00, v6  }
0x398: {  	v3 =	vmul.f32 $1.442695020e+00, v3  }
0x399: {  	v10 =	vshll.u32 v9, $0x10;
	v6 =	vmul.f32 $1.442695020e+00, v6  }
0x39a: {  	(erf) = vpow2.f32 v3;
	v3 =	vadd.f32 v10, v8;
	v10 =	vand.u32 $0xFFFF0000, v12  }
0x39b: {  	v8 =	vpop (erf)  }
0x39c: {  	(erf) = vpow2.f32 v6;
	v6 =	vand.u32 $0xFFFF0000, v15;
	v12 =	vpop (erf)  }
0x39d: {  	v6 =	vadd.f32 v10, v6;
	v3 =	vsub.f32 $0.0e+00, v3;
	v10 =	vpop (erf)  }
0x39e: {  	v9 =	vand.u32 $0xFFFF0000, v9;
	v15 =	vadd.f32 $2.000000000e+00, v8;
	v10 =	vmul.f32 v10, v11;
	v16 =	vpop (erf)  }
0x39f: {  	v6 =	vadd.f32 v9, v6;
	v3 =	vmul.f32 $1.442695020e+00, v3;
	v9 =	vmul.f32 v16, v14  }
0x3a0: {  	(erf) = vrcp.f32 v15;
	v10 =	vmul.f32 v10, v10  }
0x3a1: {  	(erf) = vpow2.f32 v3;
	v3 =	vmul.f32 v9, v9  }
0x3a2: {  	v6 =	vsub.f32 $0.0e+00, v6;
	v9 =	vmul.f32 $1.428571490e-01, v10  }
0x3a3: {  	v16 =	vadd.f32 $2.000000000e+00, v12;
	v18 =	vmul.f32 $1.428571490e-01, v3  }
0x3a4: {  	v6 =	vmul.f32 $1.442695020e+00, v6;
	v17 =	vpop (erf);
	v9 =	vadd.f32 $2.000000030e-01, v9  }
0x3a5: {  	(erf) = vrcp.f32 v16;
	v17 =	vadd.f32 $1.000000000e+00, v17;
	v18 =	vadd.f32 $2.000000030e-01, v18  }
0x3a6: {  	v19 =	vpop (erf);
	(erf) = vpow2.f32 v6;
	v9 =	vmul.f32 v9, v10  }
0x3a7: {  	v6 =	vadd.f32 $1.000000000e+00, v19;
	v17 =	vmul.f32 v13, v17;
	v18 =	vmul.f32 v18, v3  }
0x3a8: {  	v9 =	vadd.f32 $3.333333430e-01, v9  }
0x3a9: {  	v6 =	vmul.f32 v7, v6;
	v18 =	vadd.f32 $3.333333430e-01, v18  }
0x3aa: {  	(erf) = vrcp.f32 v17;
	v9 =	vmul.f32 v9, v10  }
0x3ab: {  	v17 =	vpop (erf);
	(erf) = vrcp.f32 v6;
	v3 =	vmul.f32 v18, v3  }
0x3ac: {  	v11 =	vadd.f32 v11, v11;
	v9 =	vadd.f32 $1.000000000e+00, v9  }
0x3ad: {  	v4 =	vmax.f32 v4, $0.0e+00;
	v14 =	vadd.f32 v14, v14;
	v3 =	vadd.f32 $1.000000000e+00, v3  }
0x3ae: {  	v4 =	vmul.f32 v13, v4;
	v9 =	vmul.f32 v9, v11  }
0x3af: {  	v6 =	vpop (erf);
	v3 =	vmul.f32 v3, v14  }
0x3b0: {  	v1 =	vmax.f32 v1, $0.0e+00;
	v17 =	vmul.f32 v17, v8;
	v10 =	vpop (erf);
	v4 =	vadd.f32 v9, v4  }
0x3b1: {  	v1 =	vmul.f32 v7, v1;
	v10 =	vmul.f32 v10, v12  }
0x3b2: {  	v7 =	vpop (erf);
	v11 =	vmul.f32 v17, v17  }
0x3b3: {  	v9 =	vmul.f32 v10, v10;
	v1 =	vadd.f32 v3, v1;
	v3 =	vpop (erf)  }
0x3b4: {  	v10 =	vmul.f32 $1.428571490e-01, v11;
	v3 =	vmul.f32 v4, v3;
	v4 =	vpop (erf)  }
0x3b5: {  	s0 =	simm.s32 $0x8F80;
	v13 =	vmul.f32 $1.428571490e-01, v9;
	v1 =	vmul.f32 v1, v4  }
0x3b6: {  	v4 =	vadd.f32 $2.000000030e-01, v10;
	[tilespmem:s0+$0x0] =	vst v3  }
0x3b7: {  	v3 =	vadd.f32 $1.000000000e+00, v6;
	v6 =	vadd.f32 $2.000000030e-01, v13;
	[tilespmem:s0+$0x10] =	vst v1  }
0x3b8: {  	v1 =	vadd.f32 $1.000000000e+00, v7;
	v4 =	vmul.f32 v4, v11;
	v7 =	vld [tilespmem:s14+$0x50]  }
0x3b9: {  	v3 =	vmul.f32 v15, v3;
	v6 =	vmul.f32 v6, v9;
	v10 =	vld [tilespmem:s21+$0x50]  }
0x3ba: {  	v5 =	vmax.f32 v5, $0.0e+00;
	v1 =	vmul.f32 v16, v1;
	v4 =	vadd.f32 $3.333333430e-01, v4  }
0x3bb: {  	v5 =	vmul.f32 v15, v5;
	(erf) = vrcp.f32 v3;
	v3 =	vadd.f32 $3.333333430e-01, v6;
	v6 =	vld [tilespmem:s26+$0x50]  }
0x3bc: {  	v2 =	vmax.f32 v2, $0.0e+00;
	(erf) = vrcp.f32 v1;
	v1 =	vmul.f32 v4, v11  }
0x3bd: {  	v8 =	vadd.f32 v8, v8;
	v4 =	vadd.f32 v12, v12;
	v3 =	vmul.f32 v3, v9  }
0x3be: {  	v1 =	vadd.f32 $1.000000000e+00, v1;
	v9 =	vshll.u32 v7, $0x10;
	v11 =	vshll.u32 v10, $0x10  }
0x3bf: {  	v7 =	vand.u32 $0xFFFF0000, v7;
	v10 =	vand.u32 $0xFFFF0000, v10;
	v9 =	vadd.f32 v11, v9  }
0x3c0: {  	v3 =	vadd.f32 $1.000000000e+00, v3;
	v7 =	vadd.f32 v10, v7;
	v11 =	vshll.u32 v6, $0x10  }
0x3c1: {  	v1 =	vmul.f32 v1, v8;
	v6 =	vand.u32 $0xFFFF0000, v6;
	v8 =	vadd.f32 v11, v9  }
0x3c2: {  	v2 =	vmul.f32 v16, v2;
	v3 =	vmul.f32 v3, v4;
	v4 =	vadd.f32 v6, v7  }
0x3c3: {  	v1 =	vadd.f32 v1, v5;
	v5 =	vand.u32 $0x7FFFFFFF, v8  }
0x3c4: {  	v2 =	vadd.f32 v3, v2;
	v6 =	vpop (erf);
	v3 =	vsub.f32 $0.0e+00, v5;
	v5 =	vand.u32 $0x7FFFFFFF, v4  }
0x3c5: {  	v1 =	vmul.f32 v1, v6;
	v5 =	vsub.f32 $0.0e+00, v5  }
0x3c6: {  	v3 =	vmul.f32 $1.442695020e+00, v3  }
0x3c7: {  	v7 =	vpop (erf);
	[tilespmem:s0+$0xFFFFFF80] =	vst v1;
	v1 =	vmul.f32 $1.442695020e+00, v5  }
0x3c8: {  	v6 =	vld [tilespmem:s26+$0x10];
	v2 =	vmul.f32 v2, v7;
	(erf) = vpow2.f32 v3  }
0x3c9: {  	v5 =	vld [tilespmem:s21+$0x10];
	(erf) = vpow2.f32 v1  }
0x3ca: {  	[tilespmem:s0+$0xFFFFFF90] =	vst v2;
	v3 =	vld [tilespmem:s14+$0x10]  }
0x3cb: {  	v2 =	vld [tilespmem:s14+$0xFFFFFFD0]  }
0x3cc: {  	v1 =	vld [tilespmem:s21+$0xFFFFFFD0];
	_ =	sdelay $0x1  }
0x3cd: {  	v16 =	vshll.u32 v6, $0x10  }
0x3ce: {  	v10 =	vld [tilespmem:s26+$0xFFFFFFD0];
	v6 =	vand.u32 $0xFFFF0000, v6;
	v12 =	vshll.u32 v5, $0x10;
	v5 =	vand.u32 $0xFFFF0000, v5  }
0x3cf: {  	v11 =	vshll.u32 v3, $0x10;
	v3 =	vand.u32 $0xFFFF0000, v3;
	v7 =	vshll.u32 v2, $0x10  }
0x3d0: {  	v9 =	vshll.u32 v1, $0x10;
	v11 =	vadd.f32 v12, v11;
	v3 =	vadd.f32 v5, v3;
	v13 =	vpop (erf)  }
0x3d1: {  	v15 =	vld [tilespmem:s14+$0xFFFFFF90];
	v2 =	vand.u32 $0xFFFF0000, v2;
	v7 =	vadd.f32 v9, v7;
	v12 =	vadd.f32 $2.000000000e+00, v13;
	v14 =	vpop (erf)  }
0x3d2: {  	v1 =	vand.u32 $0xFFFF0000, v1;
	v11 =	vadd.f32 v16, v11;
	v5 =	vadd.f32 $2.000000000e+00, v14  }
0x3d3: {  	v9 =	vshll.u32 v10, $0x10;
	v3 =	vadd.f32 v6, v3;
	(erf) = vrcp.f32 v12  }
0x3d4: {  	v1 =	vadd.f32 v1, v2;
	v6 =	vld [tilespmem:s21+$0xFFFFFF90];
	v2 =	vsub.f32 $0.0e+00, v11;
	(erf) = vrcp.f32 v5  }
0x3d5: {  	v10 =	vand.u32 $0xFFFF0000, v10;
	v7 =	vadd.f32 v9, v7;
	v3 =	vsub.f32 $0.0e+00, v3;
	v11 =	vld [tilespmem:s26+$0xFFFFFF90]  }
0x3d6: {  	v9 =	vshll.u32 v15, $0x10;
	v1 =	vadd.f32 v10, v1;
	v2 =	vmul.f32 $1.442695020e+00, v2  }
0x3d7: {  	v10 =	vand.u32 $0xFFFF0000, v15;
	v15 =	vand.u32 $0x7FFFFFFF, v7;
	v3 =	vmul.f32 $1.442695020e+00, v3  }
0x3d8: {  	v16 =	vand.u32 $0x7FFFFFFF, v1;
	v15 =	vsub.f32 $0.0e+00, v15;
	(erf) = vpow2.f32 v2  }
0x3d9: {  	v16 =	vsub.f32 $0.0e+00, v16;
	v2 =	vshll.u32 v6, $0x10;
	(erf) = vpow2.f32 v3  }
0x3da: {  	v3 =	vand.u32 $0xFFFF0000, v6;
	v6 =	vmul.f32 $1.442695020e+00, v15;
	v15 =	vshll.u32 v11, $0x10  }
0x3db: {  	v2 =	vadd.f32 v2, v9  }
0x3dc: {  	v9 =	vmul.f32 $1.442695020e+00, v16;
	v3 =	vadd.f32 v3, v10;
	v10 =	vpop (erf)  }
0x3dd: {  	v11 =	vand.u32 $0xFFFF0000, v11;
	v2 =	vadd.f32 v15, v2;
	v10 =	vmul.f32 v10, v13;
	v15 =	vpop (erf)  }
0x3de: {  	v3 =	vadd.f32 v11, v3;
	(erf) = vpow2.f32 v6;
	v6 =	vmul.f32 v15, v14  }
0x3df: {  	v2 =	vsub.f32 $0.0e+00, v2;
	(erf) = vpow2.f32 v9;
	v9 =	vmul.f32 v10, v10  }
0x3e0: {  	v3 =	vsub.f32 $0.0e+00, v3;
	v6 =	vmul.f32 v6, v6  }
0x3e1: {  	v2 =	vmul.f32 $1.442695020e+00, v2;
	v10 =	vmul.f32 $1.428571490e-01, v9  }
0x3e2: {  	v3 =	vmul.f32 $1.442695020e+00, v3;
	v15 =	vpop (erf);
	v11 =	vmul.f32 $1.428571490e-01, v6  }
0x3e3: {  	(erf) = vpow2.f32 v2;
	v2 =	vadd.f32 $2.000000030e-01, v10;
	v10 =	vadd.f32 $1.000000000e+00, v15;
	v15 =	vpop (erf)  }
0x3e4: {  	(erf) = vpow2.f32 v3;
	v3 =	vadd.f32 $2.000000030e-01, v11;
	v11 =	vadd.f32 $1.000000000e+00, v15  }
0x3e5: {  	v2 =	vmul.f32 v2, v9;
	v10 =	vmul.f32 v12, v10  }
0x3e6: {  	v3 =	vmul.f32 v3, v6;
	v11 =	vmul.f32 v5, v11  }
0x3e7: {  	v2 =	vadd.f32 $3.333333430e-01, v2;
	(erf) = vrcp.f32 v10  }
0x3e8: {  	v3 =	vadd.f32 $3.333333430e-01, v3;
	(erf) = vrcp.f32 v11  }
0x3e9: {  	v8 =	vmax.f32 v8, $0.0e+00;
	v4 =	vmax.f32 v4, $0.0e+00;
	v15 =	vpop (erf);
	v2 =	vmul.f32 v2, v9  }
0x3ea: {  	v16 =	vpop (erf);
	v10 =	vadd.f32 $2.000000000e+00, v15;
	v3 =	vmul.f32 v3, v6;
	v6 =	vadd.f32 v13, v13  }
0x3eb: {  	v8 =	vmul.f32 v12, v8;
	v11 =	vadd.f32 $2.000000000e+00, v16;
	v2 =	vadd.f32 $1.000000000e+00, v2  }
0x3ec: {  	v4 =	vmul.f32 v5, v4;
	v9 =	vadd.f32 v14, v14;
	v3 =	vadd.f32 $1.000000000e+00, v3  }
0x3ed: {  	(erf) = vrcp.f32 v10;
	v2 =	vmul.f32 v2, v6  }
0x3ee: {  	(erf) = vrcp.f32 v11;
	v6 =	vpop (erf);
	v3 =	vmul.f32 v3, v9  }
0x3ef: {  	v5 =	vpop (erf);
	v2 =	vadd.f32 v2, v8  }
0x3f0: {  	v3 =	vadd.f32 v3, v4;
	v4 =	vpop (erf)  }
0x3f1: {  	v2 =	vmul.f32 v2, v4;
	v4 =	vpop (erf)  }
0x3f2: {  	v3 =	vmul.f32 v3, v4  }
0x3f3: {  	[tilespmem:s0+$0x20] =	vst v2  }
0x3f4: {  	[tilespmem:s0+$0x30] =	vst v3  }
0x3f5: {  	v2 =	vld [tilespmem:s14+$0x60]  }
0x3f6: {  	v4 =	vld [tilespmem:s21+$0x60];
	v3 =	vpop (erf)  }
0x3f7: {  	v3 =	vmul.f32 v3, v15;
	v8 =	vpop (erf)  }
0x3f8: {  	v6 =	vadd.f32 $1.000000000e+00, v6;
	v9 =	vld [tilespmem:s26+$0x60];
	v8 =	vmul.f32 v8, v16  }
0x3f9: {  	v3 =	vmul.f32 v3, v3  }
0x3fa: {  	v5 =	vadd.f32 $1.000000000e+00, v5;
	v6 =	vmul.f32 v10, v6;
	v8 =	vmul.f32 v8, v8  }
0x3fb: {  	v13 =	vshll.u32 v2, $0x10;
	v14 =	vshll.u32 v4, $0x10;
	v12 =	vmul.f32 $1.428571490e-01, v3  }
0x3fc: {  	v2 =	vand.u32 $0xFFFF0000, v2;
	v4 =	vand.u32 $0xFFFF0000, v4;
	v13 =	vadd.f32 v14, v13  }
0x3fd: {  	v17 =	vshll.u32 v9, $0x10;
	v2 =	vadd.f32 v4, v2;
	v4 =	vadd.f32 $2.000000030e-01, v12  }
0x3fe: {  	v9 =	vand.u32 $0xFFFF0000, v9;
	v14 =	vmul.f32 $1.428571490e-01, v8;
	v12 =	vadd.f32 v17, v13  }
0x3ff: {  	v5 =	vmul.f32 v11, v5;
	v2 =	vadd.f32 v9, v2;
	v4 =	vmul.f32 v4, v3  }
0x400: {  	(erf) = vrcp.f32 v6;
	v13 =	vadd.f32 $2.000000030e-01, v14;
	v9 =	vand.u32 $0x7FFFFFFF, v12  }
0x401: {  	v14 =	vand.u32 $0x7FFFFFFF, v2;
	v9 =	vsub.f32 $0.0e+00, v9;
	v4 =	vadd.f32 $3.333333430e-01, v4  }
0x402: {  	(erf) = vrcp.f32 v5;
	v13 =	vmul.f32 v13, v8;
	v6 =	vsub.f32 $0.0e+00, v14  }
0x403: {  	v9 =	vmul.f32 $1.442695020e+00, v9;
	v3 =	vmul.f32 v4, v3  }
0x404: {  	v5 =	vadd.f32 $3.333333430e-01, v13;
	v4 =	vmul.f32 $1.442695020e+00, v6;
	v6 =	vmax.f32 v7, $0.0e+00  }
0x405: {  	v7 =	vadd.f32 v15, v15;
	(erf) = vpow2.f32 v9;
	v3 =	vadd.f32 $1.000000000e+00, v3  }
0x406: {  	v5 =	vmul.f32 v5, v8;
	(erf) = vpow2.f32 v4  }
0x407: {  	v8 =	vadd.f32 v16, v16;
	v3 =	vmul.f32 v3, v7;
	v7 =	vld [tilespmem:s21+$0x20]  }
0x408: {  	v4 =	vadd.f32 $1.000000000e+00, v5;
	v5 =	vmul.f32 v10, v6  }
0x409: {  	v1 =	vmax.f32 v1, $0.0e+00;
	v6 =	vld [tilespmem:s14+$0x20]  }
0x40a: {  	v1 =	vmul.f32 v11, v1;
	v4 =	vmul.f32 v4, v8;
	v3 =	vadd.f32 v3, v5  }
0x40b: {  	v8 =	vpop (erf)  }
0x40c: {  	v1 =	vadd.f32 v4, v1;
	v4 =	vld [tilespmem:s26+$0x20];
	v3 =	vmul.f32 v3, v8;
	v8 =	vshll.u32 v7, $0x10  }
0x40d: {  	v5 =	vpop (erf)  }
0x40e: {  	v1 =	vmul.f32 v1, v5;
	v5 =	vshll.u32 v6, $0x10;
	v6 =	vand.u32 $0xFFFF0000, v6;
	v9 =	vpop (erf)  }
0x40f: {  	[tilespmem:s0+$0xFFFFFFA0] =	vst v3;
	v3 =	vand.u32 $0xFFFF0000, v7;
	v5 =	vadd.f32 v8, v5;
	v7 =	vadd.f32 $2.000000000e+00, v9;
	v8 =	vpop (erf)  }
0x410: {  	[tilespmem:s0+$0xFFFFFFB0] =	vst v1;
	v3 =	vadd.f32 v3, v6;
	v6 =	vadd.f32 $2.000000000e+00, v8  }
0x411: {  	v1 =	vshll.u32 v4, $0x10;
	v10 =	vld [tilespmem:s14+$0xFFFFFFE0];
	(erf) = vrcp.f32 v7  }
0x412: {  	v4 =	vand.u32 $0xFFFF0000, v4;
	v1 =	vadd.f32 v1, v5;
	v5 =	vld [tilespmem:s21+$0xFFFFFFE0];
	(erf) = vrcp.f32 v6  }
0x413: {  	v3 =	vadd.f32 v4, v3  }
0x414: {  	v4 =	vld [tilespmem:s26+$0xFFFFFFE0];
	v1 =	vsub.f32 $0.0e+00, v1  }
0x415: {  	v11 =	vld [tilespmem:s14+$0xFFFFFFA0];
	v3 =	vsub.f32 $0.0e+00, v3  }
0x416: {  	v1 =	vmul.f32 $1.442695020e+00, v1;
	v13 =	vshll.u32 v10, $0x10  }
0x417: {  	v14 =	vld [tilespmem:s21+$0xFFFFFFA0];
	v3 =	vmul.f32 $1.442695020e+00, v3;
	v10 =	vand.u32 $0xFFFF0000, v10;
	v15 =	vshll.u32 v5, $0x10  }
0x418: {  	(erf) = vpow2.f32 v1;
	v1 =	vand.u32 $0xFFFF0000, v5;
	v5 =	vadd.f32 v15, v13  }
0x419: {  	(erf) = vpow2.f32 v3;
	v3 =	vshll.u32 v4, $0x10;
	v1 =	vadd.f32 v1, v10  }
0x41a: {  	v4 =	vand.u32 $0xFFFF0000, v4;
	v3 =	vadd.f32 v3, v5;
	v5 =	vshll.u32 v11, $0x10;
	v10 =	vpop (erf)  }
0x41b: {  	v1 =	vadd.f32 v4, v1;
	v4 =	vand.u32 $0xFFFF0000, v11;
	v10 =	vmul.f32 v10, v9;
	v11 =	vpop (erf)  }
0x41c: {  	v15 =	vshll.u32 v14, $0x10;
	v13 =	vand.u32 $0x7FFFFFFF, v3;
	v11 =	vmul.f32 v11, v8  }
0x41d: {  	v13 =	vsub.f32 $0.0e+00, v13;
	v16 =	vand.u32 $0x7FFFFFFF, v1;
	v10 =	vmul.f32 v10, v10  }
0x41e: {  	v14 =	vand.u32 $0xFFFF0000, v14;
	v16 =	vsub.f32 $0.0e+00, v16;
	v11 =	vmul.f32 v11, v11  }
0x41f: {  	v5 =	vadd.f32 v15, v5;
	v13 =	vmul.f32 $1.442695020e+00, v13;
	v15 =	vmul.f32 $1.428571490e-01, v10  }
0x420: {  	v4 =	vadd.f32 v14, v4;
	v14 =	vmul.f32 $1.442695020e+00, v16;
	v16 =	vmul.f32 $1.428571490e-01, v11  }
0x421: {  	v17 =	vld [tilespmem:s26+$0xFFFFFFA0];
	v18 =	vpop (erf);
	(erf) = vpow2.f32 v13;
	v13 =	vadd.f32 $2.000000030e-01, v15  }
0x422: {  	v15 =	vadd.f32 $1.000000000e+00, v18;
	v18 =	vpop (erf);
	(erf) = vpow2.f32 v14;
	v14 =	vadd.f32 $2.000000030e-01, v16  }
0x423: {  	v16 =	vadd.f32 $1.000000000e+00, v18;
	v13 =	vmul.f32 v13, v10  }
0x424: {  	v15 =	vmul.f32 v7, v15;
	v14 =	vmul.f32 v14, v11  }
0x425: {  	v16 =	vmul.f32 v6, v16;
	v13 =	vadd.f32 $3.333333430e-01, v13  }
0x426: {  	v18 =	vshll.u32 v17, $0x10;
	(erf) = vrcp.f32 v15;
	v14 =	vadd.f32 $3.333333430e-01, v14  }
0x427: {  	v5 =	vadd.f32 v18, v5;
	(erf) = vrcp.f32 v16;
	v10 =	vmul.f32 v13, v10  }
0x428: {  	v9 =	vadd.f32 v9, v9;
	v11 =	vmul.f32 v14, v11  }
0x429: {  	v17 =	vand.u32 $0xFFFF0000, v17;
	v5 =	vsub.f32 $0.0e+00, v5;
	v10 =	vadd.f32 $1.000000000e+00, v10  }
0x42a: {  	v12 =	vmax.f32 v12, $0.0e+00;
	v4 =	vadd.f32 v17, v4;
	v11 =	vadd.f32 $1.000000000e+00, v11  }
0x42b: {  	v2 =	vmax.f32 v2, $0.0e+00;
	v8 =	vadd.f32 v8, v8;
	v5 =	vmul.f32 $1.442695020e+00, v5  }
0x42c: {  	v7 =	vmul.f32 v7, v12;
	v4 =	vsub.f32 $0.0e+00, v4;
	v9 =	vmul.f32 v10, v9  }
0x42d: {  	v2 =	vmul.f32 v6, v2;
	v10 =	vpop (erf);
	v6 =	vmul.f32 v11, v8  }
0x42e: {  	v4 =	vmul.f32 $1.442695020e+00, v4;
	v7 =	vadd.f32 v9, v7;
	v11 =	vpop (erf)  }
0x42f: {  	(erf) = vpow2.f32 v5;
	v8 =	vadd.f32 $2.000000000e+00, v10;
	v2 =	vadd.f32 v6, v2;
	v5 =	vpop (erf)  }
0x430: {  	(erf) = vpow2.f32 v4;
	v4 =	vmul.f32 v7, v5;
	v5 =	vpop (erf)  }
0x431: {  	(erf) = vrcp.f32 v8;
	v2 =	vmul.f32 v2, v5  }
0x432: {  	[tilespmem:s0+$0x40] =	vst v4  }
0x433: {  	[tilespmem:s0+$0x50] =	vst v2  }
0x434: {  	v6 =	vld [tilespmem:s14+$0x70]  }
0x435: {  	v12 =	vld [tilespmem:s21+$0x70]  }
0x436: {  	s29 =	simm.s32 $0x6880  }
0x437: {  	v21 =	vld [tilespmem:s29+$0xFFFFFFC0];
	v2 =	vadd.f32 $2.000000000e+00, v11  }
0x438: {  	v18 =	vld [tilespmem:s26+$0x70];
	v4 =	vpop (erf)  }
0x439: {  	s4 =	simm.s32 $0x5480;
	(erf) = vrcp.f32 v2;
	v5 =	vpop (erf)  }
0x43a: {  	v14 =	vld [tilespmem:s4+$0x40];
	v4 =	vadd.f32 $1.000000000e+00, v4;
	v7 =	vpop (erf);
	v9 =	vand.u32 $0xFFFF0000, v6;
	v13 =	vand.u32 $0xFFFF0000, v12  }
0x43b: {  	v5 =	vadd.f32 $1.000000000e+00, v5;
	v7 =	vmul.f32 v7, v10;
	v9 =	vadd.f32 v13, v9;
	v13 =	vld [tilespmem:s29+$0x40]  }
0x43c: {  	s30 =	simm.s32 $0x7C80;
	v23 =	vshll.u32 v21, $0x10;
	v3 =	vmax.f32 v3, $0.0e+00;
	v15 =	vmul.f32 v8, v4  }
0x43d: {  	v16 =	vmul.f32 v2, v5;
	v4 =	vand.u32 $0xFFFF0000, v18;
	v19 =	vmul.f32 v7, v7;
	v7 =	vld [tilespmem:s30+$0x40]  }
0x43e: {  	v3 =	vmul.f32 v8, v3;
	(erf) = vrcp.f32 v15;
	v5 =	vadd.f32 v4, v9  }
0x43f: {  	(erf) = vrcp.f32 v16;
	v4 =	vadd.f32 v10, v10;
	v10 =	vshll.u32 v14, $0x10  }
0x440: {  	v14 =	vand.u32 $0xFFFF0000, v14;
	v9 =	vand.u32 $0x7FFFFFFF, v5;
	v15 =	vshll.u32 v13, $0x10  }
0x441: {  	v27 =	vld [tilespmem:s29+$0x0];
	v9 =	vsub.f32 $0.0e+00, v9;
	v13 =	vand.u32 $0xFFFF0000, v13;
	v10 =	vadd.f32 v15, v10  }
0x442: {  	v44 =	vld [tilespmem:s30+$0x0];
	v8 =	vmul.f32 $1.428571490e-01, v19;
	v16 =	vshll.u32 v7, $0x10;
	v13 =	vadd.f32 v13, v14  }
0x443: {  	v20 =	vld [tilespmem:s4+$0xFFFFFFC0];
	v7 =	vand.u32 $0xFFFF0000, v7;
	v9 =	vmul.f32 $1.442695020e+00, v9;
	v17 =	vadd.f32 v16, v10  }
0x444: {  	v21 =	vand.u32 $0xFFFF0000, v21;
	v22 =	vadd.f32 $2.000000030e-01, v8;
	v15 =	vpop (erf);
	v16 =	vadd.f32 v7, v13  }
0x445: {  	v10 =	vld [tilespmem:s30+$0xFFFFFFC0];
	v14 =	vmul.f32 v15, v11;
	(erf) = vpow2.f32 v9;
	v8 =	vand.u32 $0x7FFFFFFF, v17  }
0x446: {  	v45 =	vshll.u32 v27, $0x10;
	v27 =	vand.u32 $0xFFFF0000, v27;
	v13 =	vld [tilespmem:s21+$0x30];
	v8 =	vsub.f32 $0.0e+00, v8  }
0x447: {  	v49 =	vshll.u32 v44, $0x10;
	v15 =	vld [tilespmem:s14+$0x30];
	v7 =	vmul.f32 v14, v14;
	v14 =	vand.u32 $0x7FFFFFFF, v16  }
0x448: {  	v46 =	vld [tilespmem:s29+$0xFFFFFF80];
	v9 =	vshll.u32 v20, $0x10;
	v24 =	vsub.f32 $0.0e+00, v14;
	v8 =	vmul.f32 $1.442695020e+00, v8  }
0x449: {  	v30 =	vand.u32 $0xFFFF0000, v44;
	v20 =	vand.u32 $0xFFFF0000, v20;
	v9 =	vadd.f32 v23, v9;
	v14 =	vld [tilespmem:s26+$0x30]  }
0x44a: {  	v20 =	vadd.f32 v21, v20;
	v21 =	vshll.u32 v10, $0x10;
	v23 =	vmul.f32 $1.442695020e+00, v24  }
0x44b: {  	v10 =	vand.u32 $0xFFFF0000, v10;
	v21 =	vadd.f32 v21, v9;
	(erf) = vpow2.f32 v8  }
0x44c: {  	v25 =	vand.u32 $0xFFFF0000, v13;
	v24 =	vand.u32 $0xFFFF0000, v15;
	v8 =	vpop (erf);
	(erf) = vpow2.f32 v23  }
0x44d: {  	v26 =	vld [tilespmem:s4+$0x0];
	v51 =	vshll.u32 v46, $0x10;
	v24 =	vadd.f32 v25, v24;
	v23 =	vand.u32 $0x7FFFFFFF, v21;
	v9 =	vpop (erf)  }
0x44e: {  	v20 =	vadd.f32 v10, v20;
	v41 =	vand.u32 $0xFFFF0000, v14;
	v23 =	vsub.f32 $0.0e+00, v23;
	v10 =	vpop (erf)  }
0x44f: {  	v25 =	vshll.u32 v12, $0x10;
	v24 =	vadd.f32 v41, v24;
	v12 =	vadd.f32 $2.000000000e+00, v10  }
0x450: {  	v6 =	vshll.u32 v6, $0x10;
	v18 =	vshll.u32 v18, $0x10;
	v23 =	vmul.f32 $1.442695020e+00, v23  }
0x451: {  	v42 =	vand.u32 $0x7FFFFFFF, v20;
	v24 =	vsub.f32 $0.0e+00, v24;
	(erf) = vrcp.f32 v12  }
0x452: {  	v29 =	vsub.f32 $0.0e+00, v42;
	(erf) = vpow2.f32 v23;
	v23 =	vshll.u32 v26, $0x10  }
0x453: {  	v48 =	vld [tilespmem:s4+$0xFFFFFF80];
	v24 =	vmul.f32 $1.442695020e+00, v24;
	v26 =	vand.u32 $0xFFFF0000, v26;
	v23 =	vadd.f32 v45, v23  }
0x454: {  	v6 =	vadd.f32 v25, v6;
	v25 =	vmul.f32 $1.442695020e+00, v29;
	v47 =	vpop (erf);
	v26 =	vadd.f32 v27, v26  }
0x455: {  	(erf) = vpow2.f32 v24;
	v27 =	vld [tilespmem:s30+$0xFFFFFF80];
	v24 =	vadd.f32 $2.000000000e+00, v47;
	v50 =	vpop (erf);
	v23 =	vadd.f32 v49, v23  }
0x456: {  	(erf) = vpow2.f32 v25;
	v26 =	vadd.f32 v30, v26;
	v25 =	vadd.f32 $2.000000000e+00, v50  }
0x457: {  	v6 =	vadd.f32 v18, v6;
	(erf) = vrcp.f32 v24;
	v18 =	vsub.f32 $0.0e+00, v23  }
0x458: {  	v23 =	vshll.u32 v48, $0x10;
	v26 =	vsub.f32 $0.0e+00, v26;
	(erf) = vrcp.f32 v25  }
0x459: {  	v23 =	vadd.f32 v51, v23  }
0x45a: {  	v52 =	vshll.u32 v27, $0x10;
	v26 =	vmul.f32 $1.442695020e+00, v26  }
0x45b: {  	v22 =	vmul.f32 v22, v19;
	v18 =	vmul.f32 $1.442695020e+00, v18;
	v23 =	vadd.f32 v52, v23  }
0x45c: {  	v53 =	vpop (erf)  }
0x45d: {  	v22 =	vadd.f32 $3.333333430e-01, v22;
	v54 =	vpop (erf);
	(erf) = vpow2.f32 v18  }
0x45e: {  	v32 =	vand.u32 $0xFFFF0000, v48;
	(erf) = vpow2.f32 v26;
	v26 =	vpop (erf)  }
0x45f: {  	v1 =	vmax.f32 v1, $0.0e+00;
	v19 =	vmul.f32 v22, v19;
	v22 =	vsub.f32 $0.0e+00, v23;
	v23 =	vpop (erf)  }
0x460: {  	v17 =	vmax.f32 v17, $0.0e+00;
	v16 =	vmax.f32 v16, $0.0e+00;
	v18 =	vand.u32 $0xFFFF0000, v46;
	v57 =	vpop (erf)  }
0x461: {  	v43 =	vmul.f32 $1.428571490e-01, v7;
	v13 =	vshll.u32 v13, $0x10;
	v18 =	vadd.f32 v18, v32;
	v58 =	vpop (erf)  }
0x462: {  	v27 =	vand.u32 $0xFFFF0000, v27;
	v56 =	vadd.f32 $2.000000000e+00, v54;
	v33 =	vmul.f32 v58, v50  }
0x463: {  	v18 =	vadd.f32 v27, v18;
	v22 =	vmul.f32 $1.442695020e+00, v22;
	v27 =	vmul.f32 v57, v47  }
0x464: {  	v15 =	vshll.u32 v15, $0x10;
	(erf) = vrcp.f32 v56;
	v33 =	vmul.f32 v33, v33  }
0x465: {  	v26 =	vadd.f32 $1.000000000e+00, v26;
	(erf) = vpow2.f32 v22;
	v22 =	vmul.f32 v27, v27  }
0x466: {  	v59 =	vadd.f32 $2.000000000e+00, v23;
	v27 =	vsub.f32 $0.0e+00, v18;
	v38 =	vmul.f32 $1.428571490e-01, v33  }
0x467: {  	v18 =	vadd.f32 v11, v11;
	v11 =	vmul.f32 v12, v26;
	v26 =	vmul.f32 $1.428571490e-01, v22  }
0x468: {  	(erf) = vrcp.f32 v59;
	v27 =	vmul.f32 $1.442695020e+00, v27;
	v37 =	vpop (erf);
	v62 =	vadd.f32 $2.000000030e-01, v38  }
0x469: {  	(erf) = vrcp.f32 v11;
	v11 =	vadd.f32 $1.000000000e+00, v37;
	v61 =	vpop (erf);
	v26 =	vadd.f32 $2.000000030e-01, v26  }
0x46a: {  	(erf) = vpow2.f32 v27;
	v27 =	vadd.f32 $1.000000000e+00, v61;
	v37 =	vmul.f32 v62, v33  }
0x46b: {  	v28 =	vadd.f32 $2.000000030e-01, v43;
	v11 =	vmul.f32 v24, v11;
	v26 =	vmul.f32 v26, v22  }
0x46c: {  	v13 =	vadd.f32 v13, v15;
	v27 =	vmul.f32 v25, v27;
	v37 =	vadd.f32 $3.333333430e-01, v37  }
0x46d: {  	v28 =	vmul.f32 v28, v7;
	v63 =	vpop (erf);
	(erf) = vrcp.f32 v11;
	v26 =	vadd.f32 $3.333333430e-01, v26  }
0x46e: {  	v20 =	vmax.f32 v20, $0.0e+00;
	v39 =	vpop (erf);
	(erf) = vrcp.f32 v27;
	v33 =	vmul.f32 v37, v33  }
0x46f: {  	v21 =	vmax.f32 v21, $0.0e+00;
	v29 =	vadd.f32 v47, v47;
	v22 =	vmul.f32 v26, v22  }
0x470: {  	v34 =	vadd.f32 v50, v50;
	v17 =	vmul.f32 v24, v17;
	v33 =	vadd.f32 $1.000000000e+00, v33  }
0x471: {  	v16 =	vmul.f32 v25, v16;
	v55 =	vmul.f32 v53, v10;
	v22 =	vadd.f32 $1.000000000e+00, v22  }
0x472: {  	v14 =	vshll.u32 v14, $0x10;
	v30 =	vmul.f32 v63, v54;
	v25 =	vmul.f32 v33, v34  }
0x473: {  	v13 =	vadd.f32 v14, v13;
	v31 =	vmul.f32 v55, v55;
	v40 =	vpop (erf);
	v22 =	vmul.f32 v22, v29  }
0x474: {  	v60 =	vand.u32 $0x7FFFFFFF, v6;
	v30 =	vmul.f32 v30, v30;
	v26 =	vmul.f32 v40, v23;
	v24 =	vpop (erf)  }
0x475: {  	v13 =	vsub.f32 $0.0e+00, v13;
	v11 =	vmul.f32 $1.428571490e-01, v31;
	v42 =	vpop (erf);
	v17 =	vadd.f32 v22, v17  }
0x476: {  	v26 =	vmul.f32 v26, v26;
	v22 =	vmul.f32 $1.428571490e-01, v30;
	v16 =	vadd.f32 v25, v16;
	v25 =	vpop (erf)  }
0x477: {  	v11 =	vadd.f32 $2.000000030e-01, v11;
	v43 =	vadd.f32 $1.000000000e+00, v39;
	v17 =	vmul.f32 v17, v25;
	v25 =	vpop (erf)  }
0x478: {  	s19 =	simm.s32 $0x9080;
	v44 =	vmul.f32 $1.428571490e-01, v26;
	v22 =	vadd.f32 $2.000000030e-01, v22;
	v16 =	vmul.f32 v16, v25  }
0x479: {  	v11 =	vmul.f32 v11, v31;
	v29 =	vadd.f32 $1.000000000e+00, v42;
	v25 =	vmul.f32 v56, v43;
	[tilespmem:s19+$0x0] =	vst v17  }
0x47a: {  	v36 =	vsub.f32 $0.0e+00, v60;
	v45 =	vadd.f32 $2.000000030e-01, v44;
	v17 =	vmul.f32 v22, v30;
	[tilespmem:s19+$0x10] =	vst v16  }
0x47b: {  	v11 =	vadd.f32 $3.333333430e-01, v11;
	v15 =	vmul.f32 v59, v29;
	(erf) = vrcp.f32 v25;
	v22 =	vld [tilespmem:s4+$0x50]  }
0x47c: {  	v16 =	vmul.f32 v45, v26;
	v25 =	vmul.f32 $1.442695020e+00, v36;
	v14 =	vadd.f32 $3.333333430e-01, v17;
	v17 =	vld [tilespmem:s29+$0x50]  }
0x47d: {  	v28 =	vadd.f32 $3.333333430e-01, v28;
	v13 =	vmul.f32 $1.442695020e+00, v13;
	(erf) = vrcp.f32 v15  }
0x47e: {  	v15 =	vadd.f32 $3.333333430e-01, v16;
	v16 =	vld [tilespmem:s30+$0x50];
	(erf) = vpow2.f32 v25;
	v25 =	vmul.f32 v11, v31  }
0x47f: {  	v27 =	vadd.f32 v54, v54;
	v14 =	vmul.f32 v14, v30;
	(erf) = vpow2.f32 v13  }
0x480: {  	v23 =	vadd.f32 v23, v23;
	v11 =	vmul.f32 v15, v26;
	v15 =	vmul.f32 v56, v21  }
0x481: {  	v14 =	vadd.f32 $1.000000000e+00, v14;
	v21 =	vshll.u32 v22, $0x10;
	v26 =	vshll.u32 v17, $0x10  }
0x482: {  	v22 =	vand.u32 $0xFFFF0000, v22;
	v17 =	vand.u32 $0xFFFF0000, v17;
	v21 =	vadd.f32 v26, v21  }
0x483: {  	v11 =	vadd.f32 $1.000000000e+00, v11;
	v13 =	vshll.u32 v16, $0x10;
	v17 =	vadd.f32 v17, v22  }
0x484: {  	v22 =	vmul.f32 v14, v27;
	v16 =	vand.u32 $0xFFFF0000, v16;
	v14 =	vadd.f32 v13, v21  }
0x485: {  	v20 =	vmul.f32 v59, v20;
	v11 =	vmul.f32 v11, v23;
	v13 =	vadd.f32 v16, v17  }
0x486: {  	v16 =	vmul.f32 v28, v7;
	v15 =	vadd.f32 v22, v15;
	v7 =	vand.u32 $0x7FFFFFFF, v14  }
0x487: {  	v19 =	vadd.f32 $1.000000000e+00, v19;
	v20 =	vadd.f32 v11, v20;
	v21 =	vpop (erf);
	v11 =	vand.u32 $0x7FFFFFFF, v13  }
0x488: {  	v1 =	vmul.f32 v2, v1;
	v17 =	vpop (erf);
	v15 =	vmul.f32 v15, v21;
	v21 =	vsub.f32 $0.0e+00, v11  }
0x489: {  	v5 =	vmax.f32 v5, $0.0e+00;
	v4 =	vmul.f32 v19, v4;
	v22 =	vsub.f32 $0.0e+00, v7;
	v7 =	vpop (erf)  }
0x48a: {  	v17 =	vmul.f32 v20, v17;
	[tilespmem:s19+$0xFFFFFF80] =	vst v15;
	v15 =	vmul.f32 $1.442695020e+00, v21;
	v11 =	vadd.f32 $2.000000000e+00, v7  }
0x48b: {  	v10 =	vadd.f32 v10, v10;
	v20 =	vmul.f32 $1.442695020e+00, v22;
	v22 =	vadd.f32 $1.000000000e+00, v25  }
0x48c: {  	v5 =	vmul.f32 v12, v5;
	v12 =	vadd.f32 $1.000000000e+00, v16;
	[tilespmem:s19+$0xFFFFFF90] =	vst v17;
	(erf) = vrcp.f32 v11  }
0x48d: {  	v16 =	vld [tilespmem:s4+$0xFFFFFFD0];
	v10 =	vmul.f32 v22, v10;
	(erf) = vpow2.f32 v20  }
0x48e: {  	v3 =	vadd.f32 v4, v3;
	v2 =	vmul.f32 v12, v18;
	v17 =	vld [tilespmem:s29+$0xFFFFFFD0];
	(erf) = vpow2.f32 v15;
	v15 =	vpop (erf)  }
0x48f: {  	v4 =	vld [tilespmem:s29+$0x10];
	v5 =	vadd.f32 v10, v5;
	v12 =	vadd.f32 $1.000000000e+00, v15  }
0x490: {  	v1 =	vadd.f32 v2, v1;
	v15 =	vld [tilespmem:s4+$0x10]  }
0x491: {  	v10 =	vmul.f32 v5, v24;
	v5 =	vld [tilespmem:s30+$0x10];
	v2 =	vmul.f32 v11, v12  }
0x492: {  	v3 =	vmul.f32 v3, v8;
	v8 =	vmul.f32 v1, v9;
	v1 =	vshll.u32 v16, $0x10  }
0x493: {  	v9 =	vand.u32 $0xFFFF0000, v16;
	v16 =	vand.u32 $0xFFFF0000, v17;
	v12 =	vshll.u32 v17, $0x10;
	v17 =	vld [tilespmem:s30+$0xFFFFFFD0]  }
0x494: {  	v19 =	vshll.u32 v4, $0x10;
	v4 =	vand.u32 $0xFFFF0000, v4;
	v9 =	vadd.f32 v16, v9  }
0x495: {  	v1 =	vadd.f32 v12, v1;
	(erf) = vrcp.f32 v2;
	v18 =	vshll.u32 v15, $0x10;
	v2 =	vpop (erf)  }
0x496: {  	v15 =	vand.u32 $0xFFFF0000, v15;
	v23 =	vshll.u32 v5, $0x10;
	v18 =	vadd.f32 v19, v18;
	v20 =	vpop (erf)  }
0x497: {  	v22 =	vld [tilespmem:s4+$0xFFFFFF90];
	v5 =	vand.u32 $0xFFFF0000, v5;
	v4 =	vadd.f32 v4, v15;
	v19 =	vadd.f32 $2.000000000e+00, v20;
	v21 =	vpop (erf)  }
0x498: {  	v12 =	vshll.u32 v17, $0x10;
	v18 =	vadd.f32 v23, v18;
	v15 =	vadd.f32 $2.000000000e+00, v21  }
0x499: {  	v17 =	vand.u32 $0xFFFF0000, v17;
	v4 =	vadd.f32 v5, v4;
	(erf) = vrcp.f32 v19  }
0x49a: {  	v5 =	vld [tilespmem:s29+$0xFFFFFF90];
	v12 =	vadd.f32 v12, v1;
	v16 =	vsub.f32 $0.0e+00, v18;
	(erf) = vrcp.f32 v15  }
0x49b: {  	v9 =	vadd.f32 v17, v9;
	v1 =	vsub.f32 $0.0e+00, v4;
	v18 =	vld [tilespmem:s30+$0xFFFFFF90]  }
0x49c: {  	v17 =	vand.u32 $0xFFFF0000, v22;
	v16 =	vmul.f32 $1.442695020e+00, v16  }
0x49d: {  	v4 =	vshll.u32 v22, $0x10;
	v23 =	vand.u32 $0x7FFFFFFF, v9;
	v1 =	vmul.f32 $1.442695020e+00, v1  }
0x49e: {  	v22 =	vand.u32 $0x7FFFFFFF, v12;
	v23 =	vsub.f32 $0.0e+00, v23;
	(erf) = vpow2.f32 v16  }
0x49f: {  	v22 =	vsub.f32 $0.0e+00, v22;
	v16 =	vshll.u32 v5, $0x10;
	(erf) = vpow2.f32 v1  }
0x4a0: {  	v4 =	vadd.f32 v16, v4;
	v16 =	vmul.f32 $1.442695020e+00, v23;
	v23 =	vshll.u32 v18, $0x10  }
0x4a1: {  	v5 =	vand.u32 $0xFFFF0000, v5;
	v1 =	vpop (erf)  }
0x4a2: {  	v22 =	vmul.f32 $1.442695020e+00, v22;
	v5 =	vadd.f32 v5, v17;
	v17 =	vpop (erf)  }
0x4a3: {  	v18 =	vand.u32 $0xFFFF0000, v18;
	v4 =	vadd.f32 v23, v4;
	v17 =	vmul.f32 v17, v20;
	v23 =	vpop (erf)  }
0x4a4: {  	v5 =	vadd.f32 v18, v5;
	(erf) = vpow2.f32 v22;
	v18 =	vmul.f32 v23, v21  }
0x4a5: {  	[tilespmem:s0+$0xFFFFFFD0] =	vst v8;
	v4 =	vsub.f32 $0.0e+00, v4;
	(erf) = vpow2.f32 v16;
	v8 =	vmul.f32 v17, v17  }
0x4a6: {  	[tilespmem:s0+$0xFFFFFFC0] =	vst v3;
	v3 =	vmax.f32 v6, $0.0e+00;
	v5 =	vsub.f32 $0.0e+00, v5;
	v16 =	vmul.f32 v18, v18  }
0x4a7: {  	v14 =	vmax.f32 v14, $0.0e+00;
	v4 =	vmul.f32 $1.442695020e+00, v4;
	v17 =	vmul.f32 $1.428571490e-01, v8  }
0x4a8: {  	v13 =	vmax.f32 v13, $0.0e+00;
	v5 =	vmul.f32 $1.442695020e+00, v5;
	v23 =	vpop (erf);
	v22 =	vmul.f32 $1.428571490e-01, v16  }
0x4a9: {  	(erf) = vpow2.f32 v4;
	v4 =	vadd.f32 $2.000000030e-01, v17;
	v17 =	vadd.f32 $1.000000000e+00, v23;
	v23 =	vpop (erf)  }
0x4aa: {  	(erf) = vpow2.f32 v5;
	v5 =	vadd.f32 $2.000000030e-01, v22;
	v22 =	vadd.f32 $1.000000000e+00, v23  }
0x4ab: {  	v12 =	vmax.f32 v12, $0.0e+00;
	v4 =	vmul.f32 v4, v8;
	v17 =	vmul.f32 v19, v17  }
0x4ac: {  	v9 =	vmax.f32 v9, $0.0e+00;
	v5 =	vmul.f32 v5, v16;
	v22 =	vmul.f32 v15, v22  }
0x4ad: {  	v6 =	vld [tilespmem:s14+$0xFFFFFFF0];
	v14 =	vmul.f32 v19, v14;
	v25 =	vpop (erf);
	v4 =	vadd.f32 $3.333333430e-01, v4;
	(erf) = vrcp.f32 v17  }
0x4ae: {  	v18 =	vld [tilespmem:s21+$0xFFFFFFF0];
	v26 =	vpop (erf);
	v17 =	vadd.f32 $2.000000000e+00, v25;
	v5 =	vadd.f32 $3.333333430e-01, v5;
	(erf) = vrcp.f32 v22  }
0x4af: {  	v13 =	vmul.f32 v15, v13;
	v27 =	vadd.f32 $2.000000000e+00, v26;
	v4 =	vmul.f32 v4, v8  }
0x4b0: {  	v20 =	vadd.f32 v20, v20;
	v22 =	vld [tilespmem:s26+$0xFFFFFFF0];
	(erf) = vrcp.f32 v17;
	v5 =	vmul.f32 v5, v16  }
0x4b1: {  	v21 =	vadd.f32 v21, v21;
	(erf) = vrcp.f32 v27;
	v4 =	vadd.f32 $1.000000000e+00, v4  }
0x4b2: {  	v23 =	vshll.u32 v6, $0x10;
	v6 =	vand.u32 $0xFFFF0000, v6;
	v5 =	vadd.f32 $1.000000000e+00, v5  }
0x4b3: {  	v24 =	vshll.u32 v18, $0x10;
	v18 =	vand.u32 $0xFFFF0000, v18;
	v16 =	vld [tilespmem:s14+$0xFFFFFFB0];
	v4 =	vmul.f32 v4, v20  }
0x4b4: {  	v6 =	vadd.f32 v18, v6;
	v8 =	vadd.f32 v24, v23;
	v20 =	vpop (erf);
	v5 =	vmul.f32 v5, v21  }
0x4b5: {  	v23 =	vmul.f32 v17, v12;
	v19 =	vshll.u32 v22, $0x10;
	v15 =	vpop (erf);
	v4 =	vadd.f32 v4, v14  }
0x4b6: {  	v18 =	vand.u32 $0xFFFF0000, v22;
	v22 =	vadd.f32 v26, v26;
	v5 =	vadd.f32 v5, v13;
	v13 =	vpop (erf)  }
0x4b7: {  	v21 =	vadd.f32 v25, v25;
	v20 =	vadd.f32 $1.000000000e+00, v20;
	v4 =	vmul.f32 v4, v13;
	v13 =	vpop (erf)  }
0x4b8: {  	v14 =	vshll.u32 v16, $0x10;
	v12 =	vadd.f32 $1.000000000e+00, v15;
	v5 =	vmul.f32 v5, v13  }
0x4b9: {  	v15 =	vadd.f32 v19, v8;
	v13 =	vmul.f32 v17, v20;
	v17 =	vmul.f32 v27, v9;
	v9 =	vpop (erf);
	[tilespmem:s19+$0x20] =	vst v4  }
0x4ba: {  	v8 =	vadd.f32 v18, v6;
	v12 =	vmul.f32 v27, v12;
	v4 =	vld [tilespmem:s21+$0xFFFFFFB0];
	v6 =	vmul.f32 v9, v25;
	v9 =	vpop (erf);
	[tilespmem:s19+$0x30] =	vst v5  }
0x4bb: {  	(erf) = vrcp.f32 v13;
	v5 =	vand.u32 $0x7FFFFFFF, v15;
	v9 =	vmul.f32 v9, v26;
	v13 =	vld [tilespmem:s4+$0x60]  }
0x4bc: {  	v18 =	vand.u32 $0x7FFFFFFF, v8;
	v5 =	vsub.f32 $0.0e+00, v5;
	v6 =	vmul.f32 v6, v6;
	v19 =	vld [tilespmem:s29+$0x60]  }
0x4bd: {  	(erf) = vrcp.f32 v12;
	v12 =	vsub.f32 $0.0e+00, v18;
	v18 =	vmul.f32 v9, v9  }
0x4be: {  	v16 =	vand.u32 $0xFFFF0000, v16;
	v20 =	vld [tilespmem:s30+$0x60];
	v5 =	vmul.f32 $1.442695020e+00, v5;
	v9 =	vmul.f32 $1.428571490e-01, v6  }
0x4bf: {  	v26 =	vmul.f32 $1.442695020e+00, v12;
	v24 =	vshll.u32 v4, $0x10;
	v25 =	vmul.f32 $1.428571490e-01, v18  }
0x4c0: {  	v4 =	vand.u32 $0xFFFF0000, v4;
	(erf) = vpow2.f32 v5;
	v5 =	vadd.f32 $2.000000030e-01, v9  }
0x4c1: {  	v9 =	vadd.f32 $2.000000030e-01, v25;
	v12 =	vshll.u32 v13, $0x10;
	v25 =	vshll.u32 v19, $0x10  }
0x4c2: {  	v13 =	vand.u32 $0xFFFF0000, v13;
	v19 =	vand.u32 $0xFFFF0000, v19;
	v12 =	vadd.f32 v25, v12  }
0x4c3: {  	v5 =	vmul.f32 v5, v6;
	v25 =	vshll.u32 v20, $0x10;
	v13 =	vadd.f32 v19, v13  }
0x4c4: {  	v19 =	vld [tilespmem:s26+$0xFFFFFFB0];
	v27 =	vmul.f32 v9, v18;
	v9 =	vand.u32 $0xFFFF0000, v20;
	v12 =	vadd.f32 v25, v12  }
0x4c5: {  	(erf) = vpow2.f32 v26;
	v5 =	vadd.f32 $3.333333430e-01, v5;
	v9 =	vadd.f32 v9, v13  }
0x4c6: {  	v13 =	vadd.f32 v24, v14;
	v14 =	vadd.f32 $3.333333430e-01, v27;
	v20 =	vand.u32 $0x7FFFFFFF, v12  }
0x4c7: {  	v5 =	vmul.f32 v5, v6;
	v6 =	vsub.f32 $0.0e+00, v20;
	v20 =	vand.u32 $0x7FFFFFFF, v9  }
0x4c8: {  	v4 =	vadd.f32 v4, v16;
	v14 =	vmul.f32 v14, v18;
	v16 =	vsub.f32 $0.0e+00, v20  }
0x4c9: {  	v18 =	vshll.u32 v19, $0x10;
	v5 =	vadd.f32 $1.000000000e+00, v5;
	v6 =	vmul.f32 $1.442695020e+00, v6  }
0x4ca: {  	v20 =	vmul.f32 v2, v7;
	v2 =	vadd.f32 $1.000000000e+00, v14;
	v14 =	vmul.f32 $1.442695020e+00, v16  }
0x4cb: {  	v16 =	vand.u32 $0xFFFF0000, v19;
	v5 =	vmul.f32 v5, v21;
	(erf) = vpow2.f32 v6  }
0x4cc: {  	v19 =	vpop (erf);
	v6 =	vadd.f32 v18, v13;
	v13 =	vmul.f32 v2, v22;
	v2 =	vmul.f32 v11, v3  }
0x4cd: {  	v18 =	vpop (erf);
	v3 =	vadd.f32 v16, v4;
	(erf) = vpow2.f32 v14;
	v5 =	vadd.f32 v5, v23  }
0x4ce: {  	v4 =	vmul.f32 v20, v20;
	v11 =	vpop (erf);
	v6 =	vsub.f32 $0.0e+00, v6;
	v17 =	vadd.f32 v13, v17  }
0x4cf: {  	v16 =	vpop (erf);
	v14 =	vadd.f32 $2.000000000e+00, v11;
	v20 =	vsub.f32 $0.0e+00, v3;
	v5 =	vmul.f32 v5, v19;
	v19 =	vld [tilespmem:s4+$0x20]  }
0x4d0: {  	v21 =	vmul.f32 $1.428571490e-01, v4;
	v13 =	vadd.f32 $2.000000000e+00, v16;
	v17 =	vmul.f32 v17, v18;
	v18 =	vld [tilespmem:s29+$0x20]  }
0x4d1: {  	v22 =	vld [tilespmem:s30+$0x20];
	v3 =	vadd.f32 v7, v7;
	v7 =	vmul.f32 $1.442695020e+00, v6;
	(erf) = vrcp.f32 v14;
	[tilespmem:s19+$0xFFFFFFA0] =	vst v5  }
0x4d2: {  	v20 =	vmul.f32 $1.442695020e+00, v20;
	(erf) = vrcp.f32 v13;
	[tilespmem:s19+$0xFFFFFFB0] =	vst v17  }
0x4d3: {  	v21 =	vadd.f32 $2.000000030e-01, v21;
	(erf) = vpow2.f32 v7;
	v7 =	vld [tilespmem:s4+$0xFFFFFFE0]  }
0x4d4: {  	(erf) = vpow2.f32 v20;
	v17 =	vld [tilespmem:s29+$0xFFFFFFE0];
	v20 =	vshll.u32 v19, $0x10;
	v19 =	vand.u32 $0xFFFF0000, v19;
	v23 =	vpop (erf)  }
0x4d5: {  	v24 =	vshll.u32 v18, $0x10;
	v18 =	vand.u32 $0xFFFF0000, v18;
	v25 =	vadd.f32 $2.000000000e+00, v23  }
0x4d6: {  	v27 =	vld [tilespmem:s30+$0xFFFFFFE0];
	v26 =	vpop (erf);
	v20 =	vadd.f32 v24, v20;
	v24 =	vshll.u32 v22, $0x10;
	v18 =	vadd.f32 v18, v19  }
0x4d7: {  	v19 =	vand.u32 $0xFFFF0000, v22;
	v46 =	vadd.f32 $2.000000000e+00, v26;
	(erf) = vrcp.f32 v25  }
0x4d8: {  	v20 =	vadd.f32 v24, v20;
	v22 =	vshll.u32 v7, $0x10;
	v18 =	vadd.f32 v19, v18  }
0x4d9: {  	v7 =	vand.u32 $0xFFFF0000, v7;
	v19 =	vshll.u32 v17, $0x10;
	v17 =	vand.u32 $0xFFFF0000, v17  }
0x4da: {  	(erf) = vrcp.f32 v46;
	v19 =	vadd.f32 v19, v22;
	v20 =	vsub.f32 $0.0e+00, v20  }
0x4db: {  	v24 =	vshll.u32 v27, $0x10;
	v7 =	vadd.f32 v17, v7;
	v18 =	vsub.f32 $0.0e+00, v18  }
0x4dc: {  	v27 =	vand.u32 $0xFFFF0000, v27;
	v22 =	vld [tilespmem:s4+$0xFFFFFFA0];
	v17 =	vpop (erf);
	v19 =	vadd.f32 v24, v19;
	v20 =	vmul.f32 $1.442695020e+00, v20  }
0x4dd: {  	v24 =	vmul.f32 v21, v4;
	v21 =	vld [tilespmem:s29+$0xFFFFFFA0];
	v27 =	vadd.f32 v27, v7;
	v47 =	vpop (erf);
	v18 =	vmul.f32 $1.442695020e+00, v18  }
0x4de: {  	v7 =	vmax.f32 v15, $0.0e+00;
	v15 =	vpop (erf);
	(erf) = vpow2.f32 v20;
	v20 =	vand.u32 $0x7FFFFFFF, v19  }
0x4df: {  	v48 =	vpop (erf);
	(erf) = vpow2.f32 v18;
	v18 =	vsub.f32 $0.0e+00, v20;
	v20 =	vand.u32 $0x7FFFFFFF, v27  }
0x4e0: {  	v49 =	vmax.f32 v8, $0.0e+00;
	v8 =	vld [tilespmem:s30+$0xFFFFFFA0];
	v20 =	vsub.f32 $0.0e+00, v20;
	v51 =	vpop (erf)  }
0x4e1: {  	v50 =	vshll.u32 v22, $0x10;
	v18 =	vmul.f32 $1.442695020e+00, v18;
	v33 =	vmul.f32 v51, v23  }
0x4e2: {  	v22 =	vand.u32 $0xFFFF0000, v22;
	v53 =	vshll.u32 v21, $0x10;
	v20 =	vmul.f32 $1.442695020e+00, v20  }
0x4e3: {  	v21 =	vand.u32 $0xFFFF0000, v21;
	v52 =	vpop (erf);
	(erf) = vpow2.f32 v18;
	v33 =	vmul.f32 v33, v33  }
0x4e4: {  	v34 =	vmul.f32 v52, v26;
	v18 =	vadd.f32 v53, v50;
	(erf) = vpow2.f32 v20  }
0x4e5: {  	v20 =	vadd.f32 v21, v22;
	v21 =	vshll.u32 v8, $0x10;
	v22 =	vmul.f32 $1.428571490e-01, v33  }
0x4e6: {  	v55 =	vand.u32 $0xFFFF0000, v8;
	v54 =	vmul.f32 v34, v34;
	v18 =	vadd.f32 v21, v18  }
0x4e7: {  	v20 =	vadd.f32 v55, v20;
	v56 =	vpop (erf);
	v22 =	vadd.f32 $2.000000030e-01, v22  }
0x4e8: {  	v21 =	vmul.f32 $1.428571490e-01, v54;
	v18 =	vsub.f32 $0.0e+00, v18;
	v57 =	vadd.f32 $1.000000000e+00, v56;
	v58 =	vpop (erf)  }
0x4e9: {  	v20 =	vsub.f32 $0.0e+00, v20;
	v34 =	vadd.f32 $1.000000000e+00, v58;
	v22 =	vmul.f32 v22, v33  }
0x4ea: {  	v21 =	vadd.f32 $2.000000030e-01, v21;
	v18 =	vmul.f32 $1.442695020e+00, v18;
	v31 =	vmul.f32 v25, v57  }
0x4eb: {  	v20 =	vmul.f32 $1.442695020e+00, v20;
	v34 =	vmul.f32 v46, v34;
	v22 =	vadd.f32 $3.333333430e-01, v22  }
0x4ec: {  	v21 =	vmul.f32 v21, v54;
	(erf) = vrcp.f32 v31  }
0x4ed: {  	v12 =	vmax.f32 v12, $0.0e+00;
	(erf) = vrcp.f32 v34;
	v22 =	vmul.f32 v22, v33  }
0x4ee: {  	v9 =	vmax.f32 v9, $0.0e+00;
	v21 =	vadd.f32 $3.333333430e-01, v21;
	(erf) = vpow2.f32 v18  }
0x4ef: {  	v59 =	vpop (erf);
	(erf) = vpow2.f32 v20;
	v20 =	vadd.f32 $1.000000000e+00, v22;
	v22 =	vadd.f32 v23, v23  }
0x4f0: {  	v12 =	vmul.f32 v25, v12;
	v60 =	vadd.f32 $2.000000000e+00, v59;
	v21 =	vmul.f32 v21, v54  }
0x4f1: {  	v9 =	vmul.f32 v46, v9;
	v19 =	vmax.f32 v19, $0.0e+00;
	v20 =	vmul.f32 v20, v22  }
0x4f2: {  	v61 =	vpop (erf);
	(erf) = vrcp.f32 v60;
	v23 =	vadd.f32 v26, v26;
	v21 =	vadd.f32 $1.000000000e+00, v21  }
0x4f3: {  	v17 =	vmul.f32 v17, v11;
	v18 =	vadd.f32 $2.000000000e+00, v61;
	v20 =	vadd.f32 v20, v12  }
0x4f4: {  	v5 =	vadd.f32 v16, v16;
	v16 =	vmul.f32 v47, v16;
	v21 =	vmul.f32 v21, v23  }
0x4f5: {  	(erf) = vrcp.f32 v18;
	v12 =	vmul.f32 v60, v19;
	v19 =	vpop (erf)  }
0x4f6: {  	v22 =	vmax.f32 v27, $0.0e+00;
	v9 =	vadd.f32 v21, v9;
	v19 =	vmul.f32 v20, v19  }
0x4f7: {  	v6 =	vadd.f32 v11, v11;
	v8 =	vmul.f32 v14, v7;
	v11 =	vmul.f32 v18, v22;
	v20 =	vpop (erf)  }
0x4f8: {  	v15 =	vadd.f32 $1.000000000e+00, v15;
	v22 =	vmul.f32 v16, v16;
	v9 =	vmul.f32 v9, v20;
	v20 =	vpop (erf)  }
0x4f9: {  	v7 =	vmul.f32 v13, v49;
	v21 =	vmul.f32 v17, v17;
	v16 =	vadd.f32 $1.000000000e+00, v20  }
0x4fa: {  	v14 =	vmul.f32 v14, v15;
	v17 =	vadd.f32 $1.000000000e+00, v48;
	v25 =	vmul.f32 $1.428571490e-01, v22;
	[tilespmem:s19+$0x40] =	vst v19;
	v19 =	vpop (erf)  }
0x4fb: {  	v20 =	vmul.f32 $1.428571490e-01, v21;
	v15 =	vadd.f32 $1.000000000e+00, v19;
	[tilespmem:s19+$0x50] =	vst v9;
	v23 =	vpop (erf);
	v16 =	vmul.f32 v60, v16  }
0x4fc: {  	v19 =	vmul.f32 v13, v17;
	v9 =	vadd.f32 $3.333333430e-01, v24;
	v13 =	vmul.f32 v23, v59;
	v24 =	vld [tilespmem:s4+$0x70]  }
0x4fd: {  	(erf) = vrcp.f32 v14;
	v17 =	vadd.f32 $2.000000030e-01, v20;
	v26 =	vld [tilespmem:s29+$0x70];
	v15 =	vmul.f32 v18, v15  }
0x4fe: {  	v14 =	vadd.f32 v59, v59;
	v20 =	vmul.f32 v13, v13;
	(erf) = vrcp.f32 v16  }
0x4ff: {  	v25 =	vadd.f32 $2.000000030e-01, v25;
	v18 =	vld [tilespmem:s30+$0x70];
	v17 =	vmul.f32 v17, v21;
	(erf) = vrcp.f32 v15;
	v16 =	vpop (erf)  }
0x500: {  	v13 =	vadd.f32 v61, v61;
	v15 =	vmul.f32 $1.428571490e-01, v20;
	v16 =	vmul.f32 v16, v61  }
0x501: {  	v23 =	vadd.f32 $3.333333430e-01, v17;
	v17 =	vmul.f32 v25, v22;
	v27 =	vshll.u32 v24, $0x10  }
0x502: {  	v24 =	vand.u32 $0xFFFF0000, v24;
	v62 =	vand.u32 $0xFFFF0000, v26;
	v16 =	vmul.f32 v16, v16  }
0x503: {  	s13 =	simm.s32 $0x6880;
	s2 =	simm.s32 $0x7C80;
	[tilespmem:s0+$0x70] =	vst v10;
	v63 =	vshll.u32 v26, $0x10;
	v25 =	vadd.f32 $2.000000030e-01, v15;
	v10 =	vadd.f32 v62, v24  }
0x504: {  	s20 =	simm.s32 $0x9080;
	s14 =	simm.s32 $0x2;
	s21 =	simm.s32 $0x5580;
	v15 =	vand.u32 $0xFFFF0000, v18;
	v24 =	vadd.f32 v63, v27;
	v26 =	vmul.f32 $1.428571490e-01, v16  }
.LBB2_7:
0x505: {  	v27 =	vld [tilespmem:s21+$0x40];
	v28 =	vmul.f32 v25, v20;
	v18 =	vshll.u32 v18, $0x10;
	v25 =	vadd.f32 v15, v10;
	s29 =	sadd.s32 $0x100, s29  }
0x506: {  	v10 =	vld [tilespmem:s29+$0x40];
	v26 =	vadd.f32 $2.000000030e-01, v26;
	v18 =	vadd.f32 v18, v24;
	v15 =	vpop (erf);
	(erf) = vrcp.f32 v19  }
0x507: {  	s30 =	sadd.s32 $0x100, s30;
	v30 =	vadd.f32 $3.333333430e-01, v17;
	v29 =	vld [tilespmem:s21+$0xFFFFFFC0];
	v24 =	vadd.f32 $3.333333430e-01, v28;
	v28 =	vand.u32 $0x7FFFFFFF, v25;
	v19 =	vpop (erf)  }
0x508: {  	v31 =	vld [tilespmem:s30+$0x40];
	v26 =	vmul.f32 v26, v16;
	v32 =	vand.u32 $0x7FFFFFFF, v18;
	v33 =	vsub.f32 $0.0e+00, v28;
	v17 =	vpop (erf)  }
0x509: {  	v34 =	vld [tilespmem:s29+$0xFFFFFFC0];
	v28 =	vmul.f32 v24, v20;
	v20 =	vsub.f32 $0.0e+00, v32;
	v24 =	vmul.f32 v23, v21  }
0x50a: {  	v21 =	vmul.f32 v30, v22;
	v35 =	vld [tilespmem:s30+$0xFFFFFFC0];
	v23 =	vadd.f32 $3.333333430e-01, v26;
	v26 =	vmul.f32 $1.442695020e+00, v33  }
0x50b: {  	v22 =	vshll.u32 v27, $0x10;
	v27 =	vand.u32 $0xFFFF0000, v27;
	v30 =	vld [tilespmem:s29+$0xFFFFFF80];
	v32 =	vshll.u32 v10, $0x10  }
0x50c: {  	s14 =	sadd.s32 $0x2, s14;
	v10 =	vand.u32 $0xFFFF0000, v10;
	v33 =	vld [tilespmem:s21+$0xFFFFFF80];
	v22 =	vadd.f32 v32, v22;
	(erf) = vpow2.f32 v26  }
0x50d: {  	p0 =	slt.u32 s14, $0x26;
	v32 =	vshll.u32 v29, $0x10;
	v38 =	vadd.f32 v10, v27;
	v36 =	vld [tilespmem:s30+$0xFFFFFF80];
	v26 =	vshll.u32 v31, $0x10  }
0x50e: {  	v27 =	vand.u32 $0xFFFF0000, v29;
	v29 =	vand.u32 $0xFFFF0000, v31;
	v26 =	vadd.f32 v26, v22  }
0x50f: {  	v37 =	vshll.u32 v34, $0x10;
	v34 =	vand.u32 $0xFFFF0000, v34;
	v22 =	vadd.f32 v29, v38;
	v31 =	vld [tilespmem:s4+$0x30];
	v10 =	vpop (erf)  }
0x510: {  	v29 =	vadd.f32 v37, v32;
	v34 =	vadd.f32 v34, v27;
	v27 =	vand.u32 $0x7FFFFFFF, v26;
	v32 =	vld [tilespmem:s13+$0x30]  }
0x511: {  	v37 =	vshll.u32 v35, $0x10;
	v38 =	vsub.f32 $0.0e+00, v27;
	v27 =	vand.u32 $0x7FFFFFFF, v22  }
0x512: {  	v35 =	vand.u32 $0xFFFF0000, v35;
	v29 =	vadd.f32 v37, v29;
	v37 =	vsub.f32 $0.0e+00, v27;
	v27 =	vld [tilespmem:s2+$0x30]  }
0x513: {  	v39 =	vshll.u32 v33, $0x10;
	v34 =	vadd.f32 v35, v34;
	v35 =	vmul.f32 $1.442695020e+00, v38  }
0x514: {  	v33 =	vand.u32 $0xFFFF0000, v33;
	v38 =	vand.u32 $0x7FFFFFFF, v29;
	v37 =	vmul.f32 $1.442695020e+00, v37  }
0x515: {  	(erf) = vpow2.f32 v35;
	v35 =	vand.u32 $0xFFFF0000, v31;
	v40 =	vand.u32 $0xFFFF0000, v32;
	v41 =	vpop (erf)  }
0x516: {  	v42 =	vld [tilespmem:s21+$0x0];
	(erf) = vpow2.f32 v37;
	v35 =	vadd.f32 v40, v35;
	v37 =	vadd.f32 $2.000000000e+00, v41  }
0x517: {  	v38 =	vsub.f32 $0.0e+00, v38;
	v40 =	vand.u32 $0x7FFFFFFF, v34;
	v43 =	vld [tilespmem:s29+$0x0];
	v44 =	vand.u32 $0xFFFF0000, v27  }
0x518: {  	v40 =	vsub.f32 $0.0e+00, v40;
	v35 =	vadd.f32 v44, v35;
	(erf) = vrcp.f32 v37  }
0x519: {  	v38 =	vmul.f32 $1.442695020e+00, v38;
	v44 =	vshll.u32 v30, $0x10;
	v30 =	vand.u32 $0xFFFF0000, v30;
	v45 =	vld [tilespmem:s30+$0x0]  }
0x51a: {  	v39 =	vadd.f32 v44, v39;
	v40 =	vmul.f32 $1.442695020e+00, v40;
	v35 =	vsub.f32 $0.0e+00, v35  }
0x51b: {  	v44 =	vshll.u32 v36, $0x10;
	v30 =	vadd.f32 v30, v33;
	(erf) = vpow2.f32 v38  }
0x51c: {  	v33 =	vshll.u32 v42, $0x10;
	v38 =	vshll.u32 v43, $0x10;
	v35 =	vmul.f32 $1.442695020e+00, v35  }
0x51d: {  	v42 =	vand.u32 $0xFFFF0000, v42;
	v46 =	vand.u32 $0xFFFF0000, v43;
	v33 =	vadd.f32 v38, v33  }
0x51e: {  	v46 =	vadd.f32 v46, v42;
	v47 =	vshll.u32 v45, $0x10;
	v43 =	vpop (erf);
	(erf) = vpow2.f32 v35  }
0x51f: {  	v33 =	vadd.f32 v47, v33;
	v35 =	vadd.f32 $2.000000000e+00, v43;
	(erf) = vpow2.f32 v40;
	v38 =	vpop (erf)  }
0x520: {  	v36 =	vand.u32 $0xFFFF0000, v36;
	v40 =	vand.u32 $0xFFFF0000, v45;
	v45 =	vadd.f32 $2.000000000e+00, v38  }
0x521: {  	v40 =	vadd.f32 v40, v46;
	v33 =	vsub.f32 $0.0e+00, v33;
	(erf) = vrcp.f32 v35;
	v42 =	vpop (erf)  }
0x522: {  	v39 =	vadd.f32 v44, v39;
	(erf) = vrcp.f32 v45;
	v42 =	vmul.f32 v42, v41  }
0x523: {  	v30 =	vadd.f32 v36, v30;
	v36 =	vsub.f32 $0.0e+00, v40;
	v33 =	vmul.f32 $1.442695020e+00, v33  }
0x524: {  	v39 =	vsub.f32 $0.0e+00, v39;
	v40 =	vmax.f32 v29, $0.0e+00;
	v44 =	vpop (erf);
	v42 =	vmul.f32 v42, v42  }
0x525: {  	v48 =	vmul.f32 $1.442695020e+00, v36;
	v46 =	vadd.f32 $2.000000000e+00, v44;
	(erf) = vpow2.f32 v33  }
0x526: {  	v30 =	vsub.f32 $0.0e+00, v30;
	v33 =	vmul.f32 $1.442695020e+00, v39;
	v39 =	vmul.f32 $1.428571490e-01, v42  }
0x527: {  	v34 =	vmax.f32 v34, $0.0e+00;
	v29 =	vadd.f32 v44, v44;
	(erf) = vpow2.f32 v48;
	v36 =	vpop (erf)  }
0x528: {  	(erf) = vrcp.f32 v46;
	v47 =	vpop (erf);
	v39 =	vadd.f32 $2.000000030e-01, v39;
	v36 =	vadd.f32 $1.000000000e+00, v36  }
0x529: {  	v48 =	vmul.f32 $1.442695020e+00, v30;
	v49 =	vadd.f32 $2.000000000e+00, v47;
	(erf) = vpow2.f32 v33  }
0x52a: {  	v30 =	vadd.f32 v47, v47;
	v33 =	vpop (erf);
	v39 =	vmul.f32 v39, v42;
	v36 =	vmul.f32 v37, v36  }
0x52b: {  	v51 =	vadd.f32 $1.000000000e+00, v28;
	v33 =	vmul.f32 v33, v43;
	(erf) = vrcp.f32 v49;
	v50 =	vpop (erf)  }
0x52c: {  	v28 =	vmul.f32 v50, v38;
	v39 =	vadd.f32 $3.333333430e-01, v39;
	(erf) = vrcp.f32 v36  }
0x52d: {  	v31 =	vshll.u32 v31, $0x10;
	v33 =	vmul.f32 v33, v33;
	(erf) = vpow2.f32 v48  }
0x52e: {  	v32 =	vshll.u32 v32, $0x10;
	v36 =	vmul.f32 v28, v28;
	v48 =	vpop (erf);
	v39 =	vmul.f32 v39, v42  }
0x52f: {  	v28 =	vmul.f32 v46, v40;
	v40 =	vmul.f32 $1.428571490e-01, v33;
	v42 =	vadd.f32 $1.000000000e+00, v48  }
0x530: {  	v41 =	vadd.f32 v41, v41;
	v48 =	vmul.f32 $1.428571490e-01, v36;
	v50 =	vpop (erf);
	v39 =	vadd.f32 $1.000000000e+00, v39  }
0x531: {  	v25 =	vmax.f32 v25, $0.0e+00;
	v40 =	vadd.f32 $2.000000030e-01, v40;
	v54 =	vadd.f32 $1.000000000e+00, v50;
	v52 =	vpop (erf)  }
0x532: {  	v25 =	vmul.f32 v37, v25;
	v48 =	vadd.f32 $2.000000030e-01, v48;
	v53 =	vpop (erf);
	v37 =	vmul.f32 v39, v41  }
0x533: {  	v39 =	vadd.f32 $1.000000000e+00, v53;
	v40 =	vmul.f32 v40, v33;
	v53 =	vmul.f32 v35, v42  }
0x534: {  	v42 =	vmul.f32 v48, v36;
	v48 =	vmul.f32 v45, v54;
	v50 =	vpop (erf);
	v25 =	vadd.f32 v37, v25  }
0x535: {  	v37 =	vmul.f32 v52, v44;
	v40 =	vadd.f32 $3.333333430e-01, v40;
	(erf) = vrcp.f32 v53;
	v41 =	vpop (erf)  }
0x536: {  	v42 =	vadd.f32 $3.333333430e-01, v42;
	v44 =	vpop (erf);
	(erf) = vrcp.f32 v48;
	v25 =	vmul.f32 v25, v41  }
0x537: {  	v41 =	vmul.f32 v50, v47;
	v44 =	vadd.f32 $1.000000000e+00, v44;
	v33 =	vmul.f32 v40, v33  }
0x538: {  	v31 =	vadd.f32 v32, v31;
	v37 =	vmul.f32 v37, v37;
	v36 =	vmul.f32 v42, v36;
	[tilespmem:s19+$0x70] =	vst v25  }
0x539: {  	v25 =	vmul.f32 v41, v41;
	v32 =	vadd.f32 $1.000000000e+00, v33;
	v33 =	vadd.f32 v43, v43  }
0x53a: {  	v26 =	vmax.f32 v26, $0.0e+00;
	v38 =	vadd.f32 v38, v38;
	v36 =	vadd.f32 $1.000000000e+00, v36  }
0x53b: {  	v22 =	vmax.f32 v22, $0.0e+00;
	v26 =	vmul.f32 v35, v26;
	v32 =	vmul.f32 v32, v33  }
0x53c: {  	v27 =	vshll.u32 v27, $0x10;
	v22 =	vmul.f32 v45, v22;
	v40 =	vmul.f32 v36, v38  }
0x53d: {  	v35 =	vmul.f32 $1.428571490e-01, v37;
	v36 =	vmul.f32 $1.428571490e-01, v25;
	v26 =	vadd.f32 v32, v26  }
0x53e: {  	v38 =	vmul.f32 v49, v44;
	v32 =	vmul.f32 v46, v39;
	v22 =	vadd.f32 v40, v22;
	v33 =	vpop (erf)  }
0x53f: {  	v35 =	vadd.f32 $2.000000030e-01, v35;
	v36 =	vadd.f32 $2.000000030e-01, v36;
	v26 =	vmul.f32 v26, v33;
	v33 =	vpop (erf)  }
0x540: {  	v27 =	vadd.f32 v27, v31;
	s19 =	sadd.s32 $0x100, s19;
	v22 =	vmul.f32 v22, v33;
	(erf) = vrcp.f32 v32  }
0x541: {  	v24 =	vadd.f32 $1.000000000e+00, v24;
	v31 =	vmul.f32 v35, v37;
	v32 =	vmul.f32 v36, v25;
	[tilespmem:s19+$0x0] =	vst v26  }
0x542: {  	v26 =	vmul.f32 v49, v34;
	[tilespmem:s19+$0x10] =	vst v22;
	(erf) = vrcp.f32 v38;
	v22 =	vsub.f32 $0.0e+00, v27  }
0x543: {  	v16 =	vmul.f32 v23, v16;
	v27 =	vadd.f32 $3.333333430e-01, v31;
	v31 =	vadd.f32 $3.333333430e-01, v32;
	v32 =	vld [tilespmem:s21+$0x50]  }
0x544: {  	v20 =	vmul.f32 $1.442695020e+00, v20;
	v21 =	vadd.f32 $1.000000000e+00, v21;
	v14 =	vmul.f32 v51, v14;
	v23 =	vld [tilespmem:s29+$0x50]  }
0x545: {  	v16 =	vadd.f32 $1.000000000e+00, v16;
	v27 =	vmul.f32 v27, v37;
	v25 =	vmul.f32 v31, v25  }
0x546: {  	v12 =	vadd.f32 v14, v12;
	v14 =	vmul.f32 $1.442695020e+00, v22;
	v31 =	vld [tilespmem:s30+$0x50];
	(erf) = vpow2.f32 v20  }
0x547: {  	v16 =	vmul.f32 v16, v13;
	v27 =	vadd.f32 $1.000000000e+00, v27;
	v22 =	vadd.f32 $1.000000000e+00, v25  }
0x548: {  	v18 =	vmax.f32 v18, $0.0e+00;
	v12 =	vmul.f32 v12, v19;
	(erf) = vpow2.f32 v14  }
0x549: {  	v13 =	vmul.f32 v27, v29;
	v14 =	vshll.u32 v32, $0x10;
	v19 =	vshll.u32 v23, $0x10;
	v20 =	vpop (erf)  }
0x54a: {  	v25 =	vand.u32 $0xFFFF0000, v32;
	v27 =	vand.u32 $0xFFFF0000, v23;
	v14 =	vadd.f32 v19, v14;
	[tilespmem:s20+$0xFFFFFFC0] =	vst v12  }
0x54b: {  	v12 =	vmul.f32 v22, v30;
	v22 =	vadd.f32 v27, v25;
	v19 =	vshll.u32 v31, $0x10;
	v23 =	vpop (erf)  }
0x54c: {  	v25 =	vadd.f32 v13, v28;
	v13 =	vand.u32 $0xFFFF0000, v31;
	v14 =	vadd.f32 v19, v14  }
0x54d: {  	v9 =	vmul.f32 v9, v4;
	v12 =	vadd.f32 v12, v26;
	v13 =	vadd.f32 v13, v22  }
0x54e: {  	v11 =	vadd.f32 v16, v11;
	v19 =	vmul.f32 v25, v20;
	v22 =	vand.u32 $0x7FFFFFFF, v14  }
0x54f: {  	v12 =	vmul.f32 v12, v23;
	v16 =	vsub.f32 $0.0e+00, v22;
	v22 =	vand.u32 $0x7FFFFFFF, v13;
	v4 =	vpop (erf)  }
0x550: {  	v11 =	vmul.f32 v11, v17;
	[tilespmem:s19+$0xFFFFFF80] =	vst v19;
	v19 =	vsub.f32 $0.0e+00, v22;
	v17 =	vadd.f32 $2.000000000e+00, v4  }
0x551: {  	v9 =	vadd.f32 $1.000000000e+00, v9;
	[tilespmem:s19+$0xFFFFFF90] =	vst v12;
	v12 =	vmul.f32 $1.442695020e+00, v16;
	v16 =	vadd.f32 v4, v4;
	v20 =	vpop (erf)  }
0x552: {  	v22 =	vld [tilespmem:s21+$0xFFFFFFD0];
	v19 =	vmul.f32 $1.442695020e+00, v19;
	[tilespmem:s20+$0xFFFFFFD0] =	vst v11;
	v11 =	vadd.f32 $1.000000000e+00, v20;
	(erf) = vrcp.f32 v17  }
0x553: {  	v6 =	vmul.f32 v24, v6;
	v20 =	vld [tilespmem:s29+$0xFFFFFFD0];
	(erf) = vpow2.f32 v12  }
0x554: {  	v12 =	vld [tilespmem:s30+$0xFFFFFFD0];
	(erf) = vpow2.f32 v19;
	v11 =	vmul.f32 v17, v11  }
0x555: {  	v5 =	vmul.f32 v21, v5;
	v6 =	vadd.f32 v6, v8;
	v8 =	vmul.f32 v9, v3;
	v3 =	vmovc v16;
	v19 =	vld [tilespmem:s21+$0xFFFFFF90]  }
0x556: {  	v16 =	vmul.f32 v17, v18;
	v9 =	vld [tilespmem:s21+$0x10];
	(erf) = vrcp.f32 v11  }
0x557: {  	v7 =	vadd.f32 v5, v7;
	v17 =	vshll.u32 v22, $0x10;
	v18 =	vand.u32 $0xFFFF0000, v22;
	v21 =	vld [tilespmem:s29+$0x10]  }
0x558: {  	v11 =	vadd.f32 v8, v2;
	v2 =	vmovc v16;
	v22 =	vld [tilespmem:s29+$0xFFFFFF90];
	v5 =	vshll.u32 v20, $0x10;
	v20 =	vand.u32 $0xFFFF0000, v20  }
0x559: {  	v8 =	vshll.u32 v12, $0x10;
	v26 =	vadd.f32 v5, v17;
	v16 =	vadd.f32 v20, v18;
	v17 =	vld [tilespmem:s30+$0x10]  }
0x55a: {  	v12 =	vand.u32 $0xFFFF0000, v12;
	v18 =	vshll.u32 v19, $0x10;
	v19 =	vand.u32 $0xFFFF0000, v19;
	v20 =	vld [tilespmem:s30+$0xFFFFFF90]  }
0x55b: {  	v6 =	vmul.f32 v6, v15;
	v23 =	vadd.f32 v8, v26;
	v16 =	vadd.f32 v12, v16;
	v24 =	vld [tilespmem:s4+$0xFFFFFFF0];
	v5 =	vpop (erf)  }
0x55c: {  	v8 =	vshll.u32 v9, $0x10;
	v9 =	vand.u32 $0xFFFF0000, v9;
	v12 =	vshll.u32 v21, $0x10;
	v25 =	vpop (erf);
	v15 =	vld [tilespmem:s13+$0xFFFFFFF0]  }
0x55d: {  	v21 =	vand.u32 $0xFFFF0000, v21;
	v31 =	vadd.f32 v12, v8;
	v26 =	vadd.f32 $2.000000000e+00, v25;
	v27 =	vpop (erf);
	v28 =	vld [tilespmem:s2+$0xFFFFFFF0];
	[tilespmem:s0+$0xFFFFFFE0] =	vst v6  }
0x55e: {  	v21 =	vadd.f32 v21, v9;
	v6 =	vshll.u32 v17, $0x10;
	v29 =	vadd.f32 $2.000000000e+00, v27;
	v8 =	vld [tilespmem:s4+$0xFFFFFFB0];
	s4 =	smov.u32 s21  }
0x55f: {  	v17 =	vand.u32 $0xFFFF0000, v17;
	v30 =	vadd.f32 v6, v31;
	(erf) = vrcp.f32 v26;
	v9 =	vld [tilespmem:s13+$0xFFFFFFB0];
	v12 =	vpop (erf);
	s13 =	smov.u32 s29  }
0x560: {  	v31 =	vand.u32 $0x7FFFFFFF, v23;
	v17 =	vadd.f32 v17, v21;
	(erf) = vrcp.f32 v29;
	v6 =	vld [tilespmem:s2+$0xFFFFFFB0];
	s2 =	smov.u32 s30  }
0x561: {  	v21 =	vsub.f32 $0.0e+00, v31;
	v31 =	vand.u32 $0x7FFFFFFF, v16;
	v30 =	vsub.f32 $0.0e+00, v30  }
0x562: {  	v32 =	vshll.u32 v22, $0x10;
	v31 =	vsub.f32 $0.0e+00, v31;
	v17 =	vsub.f32 $0.0e+00, v17  }
0x563: {  	v22 =	vand.u32 $0xFFFF0000, v22;
	v21 =	vmul.f32 $1.442695020e+00, v21;
	v30 =	vmul.f32 $1.442695020e+00, v30  }
0x564: {  	v18 =	vadd.f32 v32, v18;
	v31 =	vmul.f32 $1.442695020e+00, v31;
	v17 =	vmul.f32 $1.442695020e+00, v17  }
0x565: {  	v33 =	vadd.f32 v22, v19;
	v32 =	vshll.u32 v20, $0x10;
	(erf) = vpow2.f32 v30  }
0x566: {  	v20 =	vand.u32 $0xFFFF0000, v20;
	v18 =	vadd.f32 v32, v18;
	(erf) = vpow2.f32 v17  }
0x567: {  	v22 =	vmax.f32 v23, $0.0e+00;
	v17 =	vadd.f32 v20, v33;
	(erf) = vpow2.f32 v21  }
0x568: {  	v16 =	vmax.f32 v16, $0.0e+00;
	v18 =	vsub.f32 $0.0e+00, v18;
	(erf) = vpow2.f32 v31;
	v19 =	vpop (erf)  }
0x569: {  	v21 =	vshll.u32 v24, $0x10;
	v17 =	vsub.f32 $0.0e+00, v17;
	v19 =	vmul.f32 v19, v25;
	v20 =	vpop (erf)  }
0x56a: {  	v23 =	vand.u32 $0xFFFF0000, v24;
	v18 =	vmul.f32 $1.442695020e+00, v18;
	v20 =	vmul.f32 v20, v27  }
0x56b: {  	v24 =	vshll.u32 v15, $0x10;
	v17 =	vmul.f32 $1.442695020e+00, v17;
	v19 =	vmul.f32 v19, v19  }
0x56c: {  	v15 =	vand.u32 $0xFFFF0000, v15;
	v30 =	vmul.f32 v20, v20;
	(erf) = vpow2.f32 v18  }
0x56d: {  	v18 =	vmul.f32 $1.428571490e-01, v19;
	(erf) = vpow2.f32 v17;
	v17 =	vadd.f32 v24, v21  }
0x56e: {  	v23 =	vadd.f32 v15, v23;
	v24 =	vshll.u32 v28, $0x10;
	v20 =	vmul.f32 $1.428571490e-01, v30;
	v21 =	vpop (erf)  }
0x56f: {  	v28 =	vand.u32 $0xFFFF0000, v28;
	v15 =	vadd.f32 $2.000000030e-01, v18;
	v18 =	vadd.f32 $1.000000000e+00, v21;
	v21 =	vpop (erf)  }
0x570: {  	v32 =	vshll.u32 v8, $0x10;
	v20 =	vadd.f32 $2.000000030e-01, v20;
	v21 =	vadd.f32 $1.000000000e+00, v21;
	v31 =	vpop (erf)  }
0x571: {  	v33 =	vadd.f32 $2.000000000e+00, v31;
	v34 =	vmul.f32 v15, v19;
	v18 =	vmul.f32 v26, v18;
	v35 =	vpop (erf)  }
0x572: {  	v36 =	vadd.f32 $2.000000000e+00, v35;
	v37 =	vmul.f32 v20, v30;
	v21 =	vmul.f32 v29, v21  }
0x573: {  	v15 =	vadd.f32 v31, v31;
	v38 =	vadd.f32 $3.333333430e-01, v34;
	(erf) = vrcp.f32 v18  }
0x574: {  	v20 =	vadd.f32 v35, v35;
	v18 =	vadd.f32 $3.333333430e-01, v37;
	(erf) = vrcp.f32 v21  }
0x575: {  	v21 =	vmul.f32 v38, v19;
	v34 =	vpop (erf);
	(erf) = vrcp.f32 v33;
	v19 =	vadd.f32 v24, v17  }
0x576: {  	v17 =	vadd.f32 $1.000000000e+00, v34;
	v18 =	vmul.f32 v18, v30;
	v24 =	vpop (erf);
	(erf) = vrcp.f32 v36  }
0x577: {  	v25 =	vadd.f32 v25, v25;
	v22 =	vmul.f32 v33, v22;
	v21 =	vadd.f32 $1.000000000e+00, v21  }
0x578: {  	v14 =	vmax.f32 v14, $0.0e+00;
	v27 =	vadd.f32 v27, v27;
	v18 =	vadd.f32 $1.000000000e+00, v18  }
0x579: {  	v13 =	vmax.f32 v13, $0.0e+00;
	v14 =	vmul.f32 v26, v14;
	v21 =	vmul.f32 v21, v25  }
0x57a: {  	v13 =	vmul.f32 v29, v13;
	v24 =	vadd.f32 $1.000000000e+00, v24;
	v26 =	vmul.f32 v18, v27  }
0x57b: {  	v25 =	vmul.f32 v36, v16;
	v27 =	vmul.f32 v33, v17;
	v14 =	vadd.f32 v21, v14  }
0x57c: {  	v16 =	vmul.f32 v36, v24;
	v21 =	vadd.f32 v28, v23;
	v13 =	vadd.f32 v26, v13;
	v18 =	vpop (erf)  }
0x57d: {  	v23 =	vmul.f32 v14, v18;
	(erf) = vrcp.f32 v27;
	v17 =	vpop (erf);
	v18 =	vand.u32 $0x7FFFFFFF, v19  }
0x57e: {  	v13 =	vmul.f32 v13, v17;
	v17 =	vpop (erf);
	(erf) = vrcp.f32 v16;
	v16 =	vand.u32 $0x7FFFFFFF, v21  }
0x57f: {  	v18 =	vsub.f32 $0.0e+00, v18;
	v17 =	vmul.f32 v17, v31;
	[tilespmem:s19+$0x20] =	vst v23;
	v14 =	vpop (erf);
	v16 =	vsub.f32 $0.0e+00, v16  }
0x580: {  	v8 =	vand.u32 $0xFFFF0000, v8;
	v14 =	vmul.f32 v14, v35;
	[tilespmem:s19+$0x30] =	vst v13;
	v13 =	vshll.u32 v9, $0x10  }
0x581: {  	v9 =	vand.u32 $0xFFFF0000, v9;
	v18 =	vmul.f32 $1.442695020e+00, v18;
	v17 =	vmul.f32 v17, v17;
	v23 =	vld [tilespmem:s21+$0x60]  }
0x582: {  	v13 =	vadd.f32 v13, v32;
	v16 =	vmul.f32 $1.442695020e+00, v16;
	v24 =	vmul.f32 v14, v14;
	v14 =	vld [tilespmem:s29+$0x60]  }
0x583: {  	v8 =	vadd.f32 v9, v8;
	v26 =	vmul.f32 $1.428571490e-01, v17;
	(erf) = vpow2.f32 v18  }
0x584: {  	v28 =	vshll.u32 v6, $0x10;
	v9 =	vmul.f32 $1.428571490e-01, v24;
	v18 =	vld [tilespmem:s30+$0x60];
	(erf) = vpow2.f32 v16  }
0x585: {  	v6 =	vand.u32 $0xFFFF0000, v6;
	v16 =	vadd.f32 $2.000000030e-01, v26;
	v26 =	vadd.f32 v28, v13  }
0x586: {  	v4 =	vmul.f32 v5, v4;
	v6 =	vadd.f32 v6, v8;
	v9 =	vadd.f32 $2.000000030e-01, v9;
	v27 =	vpop (erf)  }
0x587: {  	v8 =	vshll.u32 v23, $0x10;
	v5 =	vmul.f32 v16, v17;
	v13 =	vshll.u32 v14, $0x10;
	v28 =	vpop (erf)  }
0x588: {  	v16 =	vand.u32 $0xFFFF0000, v23;
	v14 =	vand.u32 $0xFFFF0000, v14;
	v8 =	vadd.f32 v13, v8  }
0x589: {  	v9 =	vmul.f32 v9, v24;
	v16 =	vadd.f32 v14, v16;
	v13 =	vshll.u32 v18, $0x10  }
0x58a: {  	v5 =	vadd.f32 $3.333333430e-01, v5;
	v23 =	vand.u32 $0xFFFF0000, v18;
	v14 =	vadd.f32 v13, v8  }
0x58b: {  	v4 =	vmul.f32 v4, v4;
	v8 =	vadd.f32 $3.333333430e-01, v9;
	v13 =	vadd.f32 v23, v16  }
0x58c: {  	v16 =	vsub.f32 $0.0e+00, v26;
	v5 =	vmul.f32 v5, v17;
	v9 =	vand.u32 $0x7FFFFFFF, v14;
	v18 =	vpop (erf)  }
0x58d: {  	v8 =	vmul.f32 v8, v24;
	v23 =	vand.u32 $0x7FFFFFFF, v13;
	v9 =	vsub.f32 $0.0e+00, v9;
	v17 =	vpop (erf)  }
0x58e: {  	v24 =	vmul.f32 $1.442695020e+00, v16;
	v5 =	vadd.f32 $1.000000000e+00, v5;
	v23 =	vsub.f32 $0.0e+00, v23  }
0x58f: {  	v16 =	vadd.f32 $2.000000000e+00, v18;
	v8 =	vadd.f32 $1.000000000e+00, v8;
	v9 =	vmul.f32 $1.442695020e+00, v9  }
0x590: {  	v5 =	vmul.f32 v5, v15;
	v23 =	vmul.f32 $1.442695020e+00, v23;
	v15 =	vadd.f32 $2.000000000e+00, v17  }
0x591: {  	v6 =	vsub.f32 $0.0e+00, v6;
	v8 =	vmul.f32 v8, v20;
	(erf) = vpow2.f32 v9  }
0x592: {  	v5 =	vadd.f32 v5, v22;
	v9 =	vmul.f32 $1.428571490e-01, v4;
	(erf) = vpow2.f32 v23  }
0x593: {  	v20 =	vmul.f32 $1.442695020e+00, v6;
	v8 =	vadd.f32 v8, v25;
	(erf) = vrcp.f32 v16  }
0x594: {  	v5 =	vmul.f32 v5, v27;
	v9 =	vadd.f32 $2.000000030e-01, v9;
	v22 =	vld [tilespmem:s21+$0x20];
	(erf) = vrcp.f32 v15  }
0x595: {  	v6 =	vadd.f32 v18, v18;
	v8 =	vmul.f32 v8, v28;
	v23 =	vld [tilespmem:s29+$0x20];
	(erf) = vpow2.f32 v24  }
0x596: {  	v9 =	vmul.f32 v9, v4;
	[tilespmem:s19+$0xFFFFFFA0] =	vst v5;
	v5 =	vadd.f32 v17, v17;
	(erf) = vpow2.f32 v20  }
0x597: {  	v10 =	vmul.f32 v7, v10;
	[tilespmem:s19+$0xFFFFFFB0] =	vst v8;
	v20 =	vld [tilespmem:s30+$0x20];
	v8 =	vmax.f32 v19, $0.0e+00;
	v19 =	vmax.f32 v21, $0.0e+00  }
0x598: {  	v9 =	vadd.f32 $3.333333430e-01, v9;
	v21 =	vld [tilespmem:s21+$0xFFFFFFE0];
	v8 =	vmul.f32 v16, v8;
	v7 =	vmul.f32 v15, v19  }
0x599: {  	v19 =	vld [tilespmem:s29+$0xFFFFFFE0];
	[tilespmem:s0+$0xFFFFFFF0] =	vst v10;
	v10 =	vmul.f32 v11, v1;
	v1 =	vmov v12  }
0x59a: {  	v12 =	vshll.u32 v22, $0x10;
	v22 =	vand.u32 $0xFFFF0000, v22;
	v11 =	vld [tilespmem:s30+$0xFFFFFFE0];
	v24 =	vshll.u32 v23, $0x10;
	v25 =	vpop (erf)  }
0x59b: {  	v23 =	vand.u32 $0xFFFF0000, v23;
	v26 =	vld [tilespmem:s21+$0xFFFFFFA0];
	v12 =	vadd.f32 v24, v12;
	v24 =	vadd.f32 $2.000000000e+00, v25;
	v27 =	vpop (erf);
	[tilespmem:s0+$0x60] =	vst v10;
	s0 =	smov.u32 s20;
	s20 =	smov.u32 s19  }
0x59c: {  	v32 =	vadd.f32 v23, v22;
	v10 =	vld [tilespmem:s29+$0xFFFFFFA0];
	v31 =	vshll.u32 v20, $0x10;
	v23 =	vadd.f32 $2.000000000e+00, v27;
	v29 =	vpop (erf)  }
0x59d: {  	v20 =	vand.u32 $0xFFFF0000, v20;
	v30 =	vld [tilespmem:s30+$0xFFFFFFA0];
	v12 =	vadd.f32 v31, v12;
	(erf) = vrcp.f32 v24;
	v28 =	vpop (erf)  }
0x59e: {  	v31 =	vshll.u32 v21, $0x10;
	v20 =	vadd.f32 v20, v32;
	(erf) = vrcp.f32 v23;
	v22 =	vpop (erf)  }
0x59f: {  	v21 =	vand.u32 $0xFFFF0000, v21;
	v32 =	vshll.u32 v19, $0x10;
	v12 =	vsub.f32 $0.0e+00, v12;
	v33 =	vpop (erf)  }
0x5a0: {  	v19 =	vand.u32 $0xFFFF0000, v19;
	v31 =	vadd.f32 v32, v31;
	v20 =	vsub.f32 $0.0e+00, v20  }
0x5a1: {  	v32 =	vshll.u32 v11, $0x10;
	v19 =	vadd.f32 v19, v21;
	v12 =	vmul.f32 $1.442695020e+00, v12  }
0x5a2: {  	v11 =	vand.u32 $0xFFFF0000, v11;
	v21 =	vadd.f32 v32, v31;
	v20 =	vmul.f32 $1.442695020e+00, v20  }
0x5a3: {  	v31 =	vshll.u32 v26, $0x10;
	v11 =	vadd.f32 v11, v19;
	(erf) = vpow2.f32 v12  }
0x5a4: {  	v12 =	vand.u32 $0xFFFF0000, v26;
	v19 =	vand.u32 $0x7FFFFFFF, v21;
	(erf) = vpow2.f32 v20  }
0x5a5: {  	v26 =	vand.u32 $0x7FFFFFFF, v11;
	v20 =	vshll.u32 v10, $0x10;
	v19 =	vsub.f32 $0.0e+00, v19  }
0x5a6: {  	v10 =	vand.u32 $0xFFFF0000, v10;
	v26 =	vsub.f32 $0.0e+00, v26;
	v20 =	vadd.f32 v20, v31;
	v31 =	vpop (erf)  }
0x5a7: {  	v10 =	vadd.f32 v10, v12;
	v12 =	vmul.f32 $1.442695020e+00, v19;
	v19 =	vmul.f32 v31, v25;
	v31 =	vpop (erf)  }
0x5a8: {  	v32 =	vshll.u32 v30, $0x10;
	v26 =	vmul.f32 $1.442695020e+00, v26;
	v31 =	vmul.f32 v31, v27  }
0x5a9: {  	v30 =	vand.u32 $0xFFFF0000, v30;
	v19 =	vmul.f32 v19, v19;
	(erf) = vpow2.f32 v12  }
0x5aa: {  	v12 =	vadd.f32 v32, v20;
	v20 =	vmul.f32 v31, v31;
	(erf) = vpow2.f32 v26  }
0x5ab: {  	v21 =	vmax.f32 v21, $0.0e+00;
	v10 =	vadd.f32 v30, v10;
	v26 =	vmul.f32 $1.428571490e-01, v19  }
0x5ac: {  	v11 =	vmax.f32 v11, $0.0e+00;
	v12 =	vsub.f32 $0.0e+00, v12;
	v30 =	vmul.f32 $1.428571490e-01, v20;
	v31 =	vpop (erf)  }
0x5ad: {  	v18 =	vmul.f32 v29, v18;
	v26 =	vadd.f32 $2.000000030e-01, v26;
	v31 =	vadd.f32 $1.000000000e+00, v31;
	v32 =	vpop (erf)  }
0x5ae: {  	v12 =	vmul.f32 $1.442695020e+00, v12;
	v29 =	vadd.f32 $2.000000030e-01, v30;
	v30 =	vadd.f32 $1.000000000e+00, v32  }
0x5af: {  	v10 =	vsub.f32 $0.0e+00, v10;
	v26 =	vmul.f32 v26, v19;
	v31 =	vmul.f32 v24, v31  }
0x5b0: {  	v32 =	vadd.f32 $1.000000000e+00, v22;
	v34 =	vmul.f32 v29, v20;
	v35 =	vmul.f32 v23, v30  }
0x5b1: {  	v10 =	vmul.f32 $1.442695020e+00, v10;
	v22 =	vadd.f32 $3.333333430e-01, v26;
	(erf) = vrcp.f32 v31  }
0x5b2: {  	v17 =	vmul.f32 v28, v17;
	v26 =	vadd.f32 $3.333333430e-01, v34;
	v29 =	vpop (erf);
	(erf) = vrcp.f32 v35  }
0x5b3: {  	v28 =	vadd.f32 $2.000000000e+00, v29;
	v19 =	vmul.f32 v22, v19;
	(erf) = vpow2.f32 v12;
	v30 =	vpop (erf)  }
0x5b4: {  	v31 =	vadd.f32 $2.000000000e+00, v30;
	v12 =	vmul.f32 v26, v20;
	(erf) = vpow2.f32 v10  }
0x5b5: {  	v10 =	vadd.f32 $1.000000000e+00, v19;
	v19 =	vadd.f32 v25, v25;
	(erf) = vrcp.f32 v28  }
0x5b6: {  	v14 =	vmax.f32 v14, $0.0e+00;
	v20 =	vadd.f32 v27, v27;
	v12 =	vadd.f32 $1.000000000e+00, v12  }
0x5b7: {  	v13 =	vmax.f32 v13, $0.0e+00;
	v22 =	vmul.f32 v24, v14;
	v10 =	vmul.f32 v10, v19  }
0x5b8: {  	v14 =	vadd.f32 v29, v29;
	v19 =	vmul.f32 v23, v13;
	v23 =	vmul.f32 v12, v20  }
0x5b9: {  	v13 =	vadd.f32 v30, v30;
	v10 =	vadd.f32 v10, v22;
	(erf) = vrcp.f32 v31  }
0x5ba: {  	v11 =	vmul.f32 v31, v11;
	v12 =	vmul.f32 v28, v21;
	v19 =	vadd.f32 v23, v19;
	v20 =	vpop (erf)  }
0x5bb: {  	v21 =	vmul.f32 v18, v18;
	v18 =	vadd.f32 $1.000000000e+00, v33;
	v24 =	vmul.f32 v10, v20;
	v20 =	vpop (erf)  }
0x5bc: {  	v22 =	vmul.f32 v17, v17;
	v19 =	vmul.f32 v19, v20;
	v20 =	vpop (erf)  }
0x5bd: {  	v16 =	vmul.f32 v16, v32;
	v17 =	vadd.f32 $1.000000000e+00, v20;
	[tilespmem:s19+$0x40] =	vst v24;
	v10 =	vpop (erf);
	v20 =	vmul.f32 $1.428571490e-01, v21  }
0x5be: {  	v24 =	vmul.f32 $1.428571490e-01, v22;
	v10 =	vadd.f32 $1.000000000e+00, v10;
	[tilespmem:s19+$0x50] =	vst v19;
	v23 =	vpop (erf);
	v19 =	vmul.f32 v15, v18  }
0x5bf: {  	v27 =	vmul.f32 v23, v29;
	v17 =	vmul.f32 v28, v17;
	v25 =	vld [tilespmem:s21+$0x70];
	v23 =	vadd.f32 $2.000000030e-01, v20  }
0x5c0: {  	v24 =	vadd.f32 $2.000000030e-01, v24;
	v10 =	vmul.f32 v31, v10;
	v26 =	vld [tilespmem:s29+$0x70];
	(erf) = vrcp.f32 v16  }
0x5c1: {  	v20 =	vmul.f32 v27, v27;
	(erf) = vrcp.f32 v17  }
0x5c2: {  	v18 =	vld [tilespmem:s30+$0x70];
	v15 =	vpop (erf);
	(erf) = vrcp.f32 v10;
	v10 =	vmul.f32 v23, v21  }
.Ltmp2:
0x5c3: {  	v27 =	vmul.f32 $1.428571490e-01, v20;
	v15 =	vmul.f32 v15, v30;
	(pc) =	sbr.rel @p0 .LBB2_7-.Ltmp2, $4  }
0x5c4: {  	v17 =	vmul.f32 v24, v22;
	v28 =	vshll.u32 v25, $0x10;
	v23 =	vadd.f32 $3.333333430e-01, v10  }
0x5c5: {  	v10 =	vand.u32 $0xFFFF0000, v25;
	v16 =	vmul.f32 v15, v15;
	v15 =	vand.u32 $0xFFFF0000, v26  }
0x5c6: {  	v25 =	vadd.f32 $2.000000030e-01, v27;
	v24 =	vshll.u32 v26, $0x10;
	v10 =	vadd.f32 v15, v10  }
0x5c7: {  	s21 =	sadd.s32 $0x100, s21;
	v24 =	vadd.f32 v24, v28;
	v26 =	vmul.f32 $1.428571490e-01, v16;
	v15 =	vand.u32 $0xFFFF0000, v18  }
0x5c8: {  	v27 =	vadd.f32 v15, v10;
	_ =	sdelay $0x1  }
0x5c9: {  	v10 =	vand.u32 $0x7FFFFFFF, v27  }
0x5ca: {  	v10 =	vsub.f32 $0.0e+00, v10  }
0x5cb: {  	v28 =	vld [tilespmem:s4+$0x30]  }
0x5cc: {  	v58 =	vld [tilespmem:s13+$0x30];
	v10 =	vmul.f32 $1.442695020e+00, v10  }
0x5cd: {  	(erf) = vrcp.f32 v19  }
0x5ce: {  	(erf) = vpow2.f32 v10  }
0x5cf: {  	v29 =	vld [tilespmem:s2+$0x30];
	_ =	sdelay $0x1  }
0x5d0: {  	v59 =	vand.u32 $0xFFFF0000, v28;
	v30 =	vand.u32 $0xFFFF0000, v58  }
0x5d1: {  	v10 =	vadd.f32 v30, v59  }
0x5d2: {  	v15 =	vpop (erf)  }
0x5d3: {  	v60 =	vpop (erf);
	v31 =	vand.u32 $0xFFFF0000, v29  }
0x5d4: {  	v32 =	vpop (erf);
	v31 =	vadd.f32 v31, v10  }
0x5d5: {  	v10 =	vpop (erf)  }
0x5d6: {  	v31 =	vsub.f32 $0.0e+00, v31;
	v33 =	vpop (erf)  }
0x5d7: {  	v34 =	vadd.f32 $2.000000000e+00, v33  }
0x5d8: {  	v26 =	vadd.f32 $2.000000030e-01, v26;
	v31 =	vmul.f32 $1.442695020e+00, v31  }
0x5d9: {  	v25 =	vmul.f32 v25, v20;
	(erf) = vrcp.f32 v34  }
0x5da: {  	v26 =	vmul.f32 v26, v16;
	(erf) = vpow2.f32 v31  }
0x5db: {  	v25 =	vadd.f32 $3.333333430e-01, v25  }
0x5dc: {  	v26 =	vadd.f32 $3.333333430e-01, v26  }
0x5dd: {  	v61 =	vmul.f32 v25, v20  }
0x5de: {  	v62 =	vmul.f32 v26, v16  }
0x5df: {  	v20 =	vadd.f32 $1.000000000e+00, v61  }
0x5e0: {  	v28 =	vshll.u32 v28, $0x10;
	v19 =	vshll.u32 v58, $0x10;
	v16 =	vadd.f32 $1.000000000e+00, v62  }
0x5e1: {  	v18 =	vshll.u32 v18, $0x10;
	v19 =	vadd.f32 v19, v28;
	v14 =	vmul.f32 v20, v14  }
0x5e2: {  	v18 =	vadd.f32 v18, v24;
	v36 =	vshll.u32 v29, $0x10;
	v13 =	vmul.f32 v16, v13;
	v63 =	vpop (erf)  }
0x5e3: {  	v19 =	vadd.f32 v36, v19;
	v12 =	vadd.f32 v14, v12;
	v31 =	vpop (erf)  }
0x5e4: {  	v37 =	vand.u32 $0x7FFFFFFF, v18;
	v11 =	vadd.f32 v13, v11;
	v35 =	vadd.f32 $1.000000000e+00, v31  }
0x5e5: {  	v38 =	vsub.f32 $0.0e+00, v37;
	v12 =	vmul.f32 v12, v60  }
0x5e6: {  	v40 =	vsub.f32 $0.0e+00, v19;
	v11 =	vmul.f32 v11, v32;
	v39 =	vmul.f32 v34, v35  }
0x5e7: {  	v13 =	vmul.f32 $1.442695020e+00, v38;
	[tilespmem:s20+$0xFFFFFFC0] =	vst v12  }
0x5e8: {  	v41 =	vmul.f32 $1.442695020e+00, v40;
	[tilespmem:s20+$0xFFFFFFD0] =	vst v11;
	(erf) = vrcp.f32 v39  }
0x5e9: {  	v11 =	vld [tilespmem:s4+$0xFFFFFFF0];
	(erf) = vpow2.f32 v13  }
0x5ea: {  	v42 =	vld [tilespmem:s13+$0xFFFFFFF0];
	(erf) = vpow2.f32 v41;
	_ =	sdelay $0x1  }
0x5eb: {  	v43 =	vld [tilespmem:s2+$0xFFFFFFF0];
	_ =	sdelay $0x2  }
0x5ec: {  	v44 =	vshll.u32 v11, $0x10;
	v45 =	vshll.u32 v42, $0x10  }
0x5ed: {  	v11 =	vand.u32 $0xFFFF0000, v11;
	v12 =	vand.u32 $0xFFFF0000, v42;
	v14 =	vadd.f32 v45, v44  }
0x5ee: {  	v47 =	vshll.u32 v43, $0x10;
	v11 =	vadd.f32 v12, v11;
	v46 =	vpop (erf)  }
0x5ef: {  	v14 =	vadd.f32 v47, v14;
	v13 =	vand.u32 $0xFFFF0000, v43;
	v48 =	vpop (erf)  }
0x5f0: {  	v11 =	vadd.f32 v13, v11;
	v49 =	vpop (erf)  }
0x5f1: {  	v50 =	vand.u32 $0x7FFFFFFF, v14;
	v13 =	vadd.f32 $2.000000000e+00, v48;
	v19 =	vadd.f32 $1.000000000e+00, v49  }
0x5f2: {  	v20 =	vsub.f32 $0.0e+00, v50;
	v51 =	vand.u32 $0x7FFFFFFF, v11  }
0x5f3: {  	v24 =	vsub.f32 $0.0e+00, v51;
	v19 =	vmul.f32 v13, v19  }
0x5f4: {  	v20 =	vmul.f32 $1.442695020e+00, v20;
	(erf) = vrcp.f32 v13  }
0x5f5: {  	v52 =	vmul.f32 $1.442695020e+00, v24;
	(erf) = vrcp.f32 v19  }
0x5f6: {  	(erf) = vpow2.f32 v20  }
0x5f7: {  	(erf) = vpow2.f32 v52  }
0x5f8: {  	v55 =	vld [tilespmem:s4+$0xFFFFFFB0]  }
0x5f9: {  	v56 =	vld [tilespmem:s13+$0xFFFFFFB0];
	v25 =	vmul.f32 v63, v33  }
0x5fa: {  	v57 =	vld [tilespmem:s2+$0xFFFFFFB0]  }
0x5fb: {  	v53 =	vmul.f32 v25, v25;
	_ =	sdelay $0x1  }
0x5fc: {  	v54 =	vmul.f32 $1.428571490e-01, v53;
	v58 =	vpop (erf)  }
0x5fd: {  	v59 =	vshll.u32 v55, $0x10;
	v60 =	vshll.u32 v56, $0x10;
	v29 =	vpop (erf)  }
0x5fe: {  	v30 =	vadd.f32 v60, v59;
	v63 =	vshll.u32 v57, $0x10;
	v19 =	vadd.f32 $2.000000030e-01, v54;
	v61 =	vpop (erf)  }
0x5ff: {  	v25 =	vand.u32 $0xFFFF0000, v56;
	v20 =	vand.u32 $0xFFFF0000, v55;
	v62 =	vpop (erf);
	v35 =	vadd.f32 $2.000000000e+00, v61  }
0x600: {  	v19 =	vmul.f32 v19, v53;
	v20 =	vadd.f32 v25, v20;
	v36 =	vadd.f32 $2.000000000e+00, v62  }
0x601: {  	v26 =	vand.u32 $0xFFFF0000, v57;
	v25 =	vadd.f32 v63, v30;
	(erf) = vrcp.f32 v35  }
0x602: {  	v19 =	vadd.f32 $3.333333430e-01, v19;
	v20 =	vadd.f32 v26, v20;
	(erf) = vrcp.f32 v36  }
0x603: {  	v40 =	vsub.f32 $0.0e+00, v25  }
0x604: {  	v19 =	vmul.f32 v19, v53;
	v20 =	vsub.f32 $0.0e+00, v20  }
0x605: {  	v4 =	vmul.f32 v9, v4;
	v42 =	vmax.f32 v27, $0.0e+00;
	v24 =	vmul.f32 $1.442695020e+00, v40  }
0x606: {  	v41 =	vadd.f32 v33, v33;
	v19 =	vadd.f32 $1.000000000e+00, v19;
	v20 =	vmul.f32 $1.442695020e+00, v20  }
0x607: {  	v17 =	vadd.f32 $3.333333430e-01, v17;
	v26 =	vmul.f32 v34, v42;
	(erf) = vpow2.f32 v24  }
0x608: {  	v4 =	vadd.f32 $1.000000000e+00, v4;
	v19 =	vmul.f32 v19, v41;
	(erf) = vpow2.f32 v20  }
0x609: {  	v17 =	vmul.f32 v17, v22  }
0x60a: {  	v3 =	vmul.f32 v4, v3;
	v43 =	vmul.f32 v23, v21;
	v19 =	vadd.f32 v19, v26;
	v44 =	vpop (erf)  }
0x60b: {  	v17 =	vadd.f32 $1.000000000e+00, v17;
	v47 =	vmul.f32 v58, v48;
	v45 =	vpop (erf);
	v21 =	vmul.f32 v44, v61  }
0x60c: {  	v16 =	vmul.f32 v19, v46;
	v46 =	vmul.f32 v45, v62  }
0x60d: {  	v5 =	vmul.f32 v17, v5;
	v21 =	vmul.f32 v21, v21  }
0x60e: {  	v19 =	vmul.f32 v47, v47;
	v9 =	vmul.f32 v46, v46  }
0x60f: {  	v12 =	vadd.f32 v48, v48;
	v20 =	vadd.f32 $1.000000000e+00, v43;
	v48 =	vmul.f32 $1.428571490e-01, v21  }
0x610: {  	v2 =	vadd.f32 v3, v2;
	v51 =	vmul.f32 $1.428571490e-01, v19;
	v49 =	vpop (erf);
	v50 =	vmul.f32 $1.428571490e-01, v9  }
0x611: {  	v6 =	vmul.f32 v20, v6;
	v52 =	vpop (erf);
	v17 =	vadd.f32 $1.000000000e+00, v49;
	v20 =	vadd.f32 $2.000000030e-01, v48  }
0x612: {  	v53 =	vadd.f32 $1.000000000e+00, v52;
	v22 =	vadd.f32 $2.000000030e-01, v50  }
0x613: {  	v23 =	vadd.f32 $2.000000030e-01, v51;
	v17 =	vmul.f32 v35, v17;
	v20 =	vmul.f32 v20, v21  }
0x614: {  	v5 =	vadd.f32 v5, v7;
	v4 =	vmul.f32 v36, v53;
	v54 =	vmul.f32 v22, v9  }
0x615: {  	v55 =	vmul.f32 v23, v19;
	(erf) = vrcp.f32 v17;
	v56 =	vadd.f32 $3.333333430e-01, v20  }
0x616: {  	v1 =	vmul.f32 v2, v1;
	(erf) = vrcp.f32 v4;
	v57 =	vadd.f32 $3.333333430e-01, v54  }
0x617: {  	v5 =	vmul.f32 v5, v10;
	v58 =	vadd.f32 $3.333333430e-01, v55;
	v59 =	vmul.f32 v56, v21  }
0x618: {  	v14 =	vmax.f32 v14, $0.0e+00;
	v60 =	vadd.f32 v61, v61;
	v4 =	vmul.f32 v57, v9  }
0x619: {  	v6 =	vadd.f32 v6, v8;
	v7 =	vmul.f32 v58, v19;
	v8 =	vadd.f32 $1.000000000e+00, v59  }
0x61a: {  	v11 =	vmax.f32 v11, $0.0e+00;
	v61 =	vadd.f32 v62, v62;
	v4 =	vadd.f32 $1.000000000e+00, v4  }
0x61b: {  	v14 =	vmul.f32 v35, v14;
	v7 =	vadd.f32 $1.000000000e+00, v7;
	v8 =	vmul.f32 v8, v60  }
0x61c: {  	v18 =	vmax.f32 v18, $0.0e+00;
	v3 =	vmul.f32 v36, v11;
	v4 =	vmul.f32 v4, v61  }
0x61d: {  	[tilespmem:s0+$0x60] =	vst v1;
	v13 =	vmul.f32 v13, v18;
	v7 =	vmul.f32 v7, v12;
	v8 =	vadd.f32 v8, v14  }
0x61e: {  	[tilespmem:s0+$0xFFFFFFF0] =	vst v5;
	v6 =	vmul.f32 v6, v15;
	v2 =	vpop (erf);
	v3 =	vadd.f32 v4, v3  }
0x61f: {  	[tilespmem:s19+$0x70] =	vst v16;
	v63 =	vadd.f32 v7, v13;
	v62 =	vpop (erf);
	v2 =	vmul.f32 v8, v2  }
0x620: {  	[tilespmem:s0+$0xFFFFFFE0] =	vst v6;
	v1 =	vmul.f32 v3, v62  }
0x621: {  	[tilespmem:s20+$0xFFFFFFE0] =	vst v2;
	v2 =	vmul.f32 v63, v29  }
0x622: {  	[tilespmem:s20+$0xFFFFFFF0] =	vst v1  }
0x623: {  	[tilespmem:s20+$0x60] =	vst v2  }
0x624: {  	v1 =	vld [tilespmem:$0x5180]  }
0x625: {  	v2 =	vld [tilespmem:$0x5190]  }
0x626: {  	s31 =	sadd.s32 $0x1, s31;
	v3 =	vld [tilespmem:$0x5198]  }
0x627: {  	p0 =	sne.s32 s31, $0x7D  }
.Ltmp3:
0x628: {  	_ = 	snop;
	(pc) =	sbr.rel @p0 .LBB2_4-.Ltmp3, $4  }
0x629: {  	[tilespmem:$0x5280] =	vst v1  }
0x62a: {  	[tilespmem:$0x5290] =	vst v2  }
0x62b: {  	s29 =	simm.s32 $0x5280;
	s30 =	simm.s32 $0x8F00;
	[tilespmem:$0x5298] =	vst v3  }
0x62c: {  	[spmem:s28] =	stream.indirect.scatter.add.f32 [tilespmem:s30], [sflag:$0x8], $0x80, s29, s18, $0xb8;
	[tilespmem:$0x1F300] =	vst v63  }
0x62d: {  	s0 =	simm.s32 $0x8  }
0x62e: {  	_ =	swait.ge [sflag:s0], $0x1400  }
0x62f: {  	[sflag:s0] =	ssyncset.done $0x0  }
0x630: {  	[sflag:s0] =	ssyncadd.s32 $0xFFFFEC00  }
0x631: {  	_ =	swait.ge [sflag:s22], $0x1400  }
0x632: {  	[sflag:s22] =	ssyncset.done $0x0  }
0x633: {  	[sflag:s22] =	ssyncadd.s32 $0xFFFFEC00  }
0x634: {  	_ =	swait.ge [sflag:s23], $0x1400  }
0x635: {  	[sflag:s23] =	ssyncset.done $0x0  }
0x636: {  	[sflag:s23] =	ssyncadd.s32 $0xFFFFEC00  }
0x637: {  	_ =	swait.ge [sflag:s24], $0x1400  }
0x638: {  	[sflag:s24] =	ssyncset.done $0x0  }
0x639: {  	[sflag:s24] =	ssyncadd.s32 $0xFFFFEC00  }
0x63a: {  	[bflag:$0x0] =	sbarrier.arrive $0xFFFF  }
0x63b: {  	s13 =	rddreg [dreg:$0x4]  }
0x63c: {  	[tilespmem:s15], [sflag:$0x9] =	stream.linear.gather [spmem:s13], $0x1000, $0x38;
	[tilespmem:$0x1F300] =	vst v63  }
0x63d: {  	_ =	swait.ge [sflag:s16], $0x1000  }
0x63e: {  	[sflag:s16] =	ssyncset.done $0x0  }
0x63f: {  	s31 =	sadd.s32 $0x0, s25;
	[sflag:s16] =	ssyncadd.s32 $0xFFFFF000  }
0x640: {  	[hbm4b:s31+s3] =	stream.linear.scatter [tilespmem:s15], [sflag:$0x9], $0x1000, $0x38;
	[tilespmem:$0x1F300] =	vst v63  }
0x641: {  	_ =	swait.ge [sflag:s16], $0x1000  }
0x642: {  	s0 =	simm.s32 $0x200;
	s2 =	smov.u32 s13;
	[sflag:s16] =	ssyncset.done $0x0  }
.LBB2_10:
0x643: {  	p0 =	sne.s32 s0, $0x2600;
	[sflag:s16] =	ssyncadd.s32 $0xFFFFF000;
	s2 =	sadd.s32 $0x1000, s2  }
0x644: {  	[tilespmem:s15], [sflag:$0x9] =	stream.linear.gather [spmem:s2], $0x1000, $0x38;
	[tilespmem:$0x1F300] =	vst v63  }
0x645: {  	s4 =	smov.u32 s0;
	s0 =	sadd.s32 $0x200, s0;
	_ =	swait.ge [sflag:s16], $0x1000  }
.Ltmp4:
0x646: {  	[sflag:s16] =	ssyncset.done $0x0;
	(pc) =	sbr.rel @p0 .LBB2_10-.Ltmp4, $4  }
0x647: {  	s4 =	sadd.s32 s4, s25;
	[sflag:s16] =	ssyncadd.s32 $0xFFFFF000  }
0x648: {  	[hbm4b:s4+s3] =	stream.linear.scatter [tilespmem:s15], [sflag:$0x9], $0x1000, $0x38;
	[tilespmem:$0x1F300] =	vst v63  }
0x649: {  	_ =	swait.ge [sflag:s16], $0x1000  }
0x64a: {  	[sflag:s16] =	ssyncset.done $0x0  }
0x64b: {  	s2 =	rddreg [dreg:$0x1e]  }
0x64c: {  	s0 =	rddreg [dreg:$0xa];
	s2 =	sadd.s32 $0x1, s2  }
0x64d: {  	p0 =	sne.s32 s2, s0  }
.Ltmp5:
0x64e: {  	_ = 	snop;
	(pc) =	sbr.rel @p0 .LBB2_1-.Ltmp5, $2  }
0x64f: {  	_ =	sdelay $0x2  }
0x650: {  	[sflag:s16] =	ssyncadd.s32 $0xFFFFF000  }
0x651: {  	_ =	sfence.sel $0x180000  }
0x652: {  	[bflag:$0x0] =	sbarrier.arrive $0xFFFF  }
0x653: {  	_ =	strace $0x90000047  }
0x654: {  	s0 =	stileid.u32;
	[bflag:$0x2] =	sbarrier.arrive $0xFFFF  }
0x655: {  	p0 =	sne.s32 s0, $0x0;
	s0 =	rddreg [dreg:$0x3]  }
0x656: {  	s0 =	sadd.s32 @!p0 $0x100000, s0  }
0x657: {  	[sflag:s0] =	ssyncadd.tile.s32 @!p0 $0x1;
	_ =	shalt  }
.Lfunc_end2:
_tile_overlayer_lowered:
.L_overlay_start_2:
0x658: {  	(tag) =	ssettag $0x2  }
0x659: {  	s0 =	rddreg [dreg:$0x0];
	s2 =	stileid.u32  }
0x65a: {  	s1 =	rddreg [dreg:$0x1];
	p0 =	sne.s32 s2, $0x0  }
0x65b: {  	s3 =	rddreg [dreg:$0x2];
	[bflag:$0x3] =	sbarrier.arrive $0xFFFF;
	s2 =	simm.s32 @!p0 $0x1C09  }
0x65c: {  	[timem:s3], [sflag:s2] =	dma.local @!p0 [hbm:s0], s1  }
0x65d: {  	s0 =	simm.s32 @!p0 $0x9  }
0x65e: {  	_ =	swait.ge @!p0 [sflag:s0], s1  }
0x65f: {  	s1 =	ssub.s32 @!p0 $0x0, s1;
	[sflag:s0] =	ssyncset.done @!p0 $0x0  }
0x660: {  	[sflag:s0] =	ssyncadd.s32 @!p0 s1  }
0x661: {  	[bflag:$0x3] =	sbarrier.arrive $0xFFFF  }
0x662: {  	_ =	shalt  }

// kernel: kernel.7.cloned.1.call-start
scs
__scs_entry_jumppad:
0x0: {  	(pc) =	sbr.rel $0x88, $3  }
0x1: {  	(tag) =	ssettag $0x0;
	lr =	simm.s32 $0x1  }
0x2: {  	[smem:$0x3F98] =	sst lr;
	_ =	strace $0xD0000000  }
0x3: {  	_ = 	snop  }
0x4: {  	_ = 	snop  }
0x5: {  	_ = 	snop  }
0x6: {  	_ = 	snop  }
0x7: {  	_ = 	snop  }
__scs_overlays_trampoline_lowered:
0x8: {  	[smem:$0x3FA7] =	sst s0  }
0x9: {  	[smem:$0x3FA8] =	sst s1  }
0xa: {  	[smem:$0x3FA9] =	sst s2  }
0xb: {  	[smem:$0x3FAA] =	sst s3  }
0xc: {  	[smem:$0x3FAB] =	sst s4  }
0xd: {  	[smem:$0x3FAC] =	sst s5  }
0xe: {  	[smem:$0x3FAD] =	sst s6  }
0xf: {  	[smem:$0x3FAE] =	sst s7  }
0x10: {  	[smem:$0x3FAF] =	sst s8  }
0x11: {  	[smem:$0x3FB0] =	sst s9;
	s0 =	simm.s32 @!p0 $0x0  }
0x12: {  	s1 =	sld [smem:$0x3F96];
	s0 =	simm.s32 @p0 $0x1  }
0x13: {  	[smem:$0x3FB1] =	sst s0;
	s0 =	simm.s32 @!p1 $0x0  }
0x14: {  	s2 =	sld [smem:$0x3F95];
	s0 =	simm.s32 @p1 $0x1  }
0x15: {  	[smem:$0x3FB2] =	sst s0;
	s0 =	simm.s32 @!p2 $0x0  }
0x16: {  	s3 =	sld [smem:$0x3FDB];
	s0 =	simm.s32 @p2 $0x1  }
0x17: {  	s4 =	simm.s32 $0x1BF5;
	[smem:$0x3FB4] =	sst s0  }
0x18: {  	s0 =	sld [smem:$0x3F97];
	_ =	swait.ge [sflag:s4], $0x0  }
0x19: {  	s7 =	sld [smem:$0x3F98]  }
0x1a: {  	s8 =	sadd.s32 $0xFFFFE003, lr  }
0x1b: {  	s9 =	sadd.s32 $0xFFFFFEF7, lr;
	s5 =	simm.s32 $0xFFFFFFFF;
	p2 =	slt.u32 s8, $0xFFFFF086  }
0x1c: {  	p1 =	slt.u32 s9, $0xF7A;
	s5 =	simm.s32 @!p2 $0x0  }
0x1d: {  	s5 =	simm.s32 @p1 $0x1;
	p0 =	seq.s32 s7, s2  }
0x1e: {  	s7 =	smul.u32 @!p0 $0xF7A, s2;
	p2 =	seq.s32 @!p0 s5, $0x0  }
0x1f: {  	s9 =	smul.u32 $0xF7A, s1;
	s8 =	simm.s32 @!p0 $0x1BF5;
	p2 =	por !p2, p0  }
0x20: {  	[sflag:s8] =	ssyncset.s32 @!p0 $0xFFFFF086;
	s6 =	sadd.s32 @!p0 s3, s7;
	s7 =	simm.s32 @!p0 $0x108  }
0x21: {  	s3 =	sadd.s32 s3, s9;
	s6 =	sadd.s32 @!p0 $0x88, s6;
	s7 =	simm.s32 @p2 $0x1082  }
0x22: {  	[simem:s7], [sflag:s8] =	dma.local @!p0 [hbm:s6], $0xF7A  }
0x23: {  	s9 =	sor.u32 $0xD0000000, s2;
	s6 =	simm.s32 $0x108;
	_ =	swait.ge @!p0 [sflag:s8], $0x0  }
0x24: {  	s3 =	sadd.s32 $0x88, s3;
	s6 =	simm.s32 @!p1 $0x1082;
	[sflag:s4] =	ssyncset.s32 $0xFFFFF086  }
0x25: {  	[simem:s6], [sflag:s4] =	dma.local [hbm:s3], $0xF7A  }
0x26: {  	[smem:$0x3F98] =	sst s1;
	(tag) =	ssettag s2;
	_ =	strace s9  }
0x27: {  	s1 =	sld [smem:$0x3FA8]  }
0x28: {  	s2 =	sld [smem:$0x3FA9]  }
0x29: {  	s4 =	sld [smem:$0x3FAB]  }
0x2a: {  	p0 =	seq.s32 s5, $0x0;
	s5 =	sld [smem:$0x3FAC]  }
0x2b: {  	s6 =	sld [smem:$0x3FAD]  }
0x2c: {  	s7 =	sld [smem:$0x3FAE]  }
0x2d: {  	s3 =	simm.s32 $0x108;
	s8 =	sld [smem:$0x3FAF]  }
0x2e: {  	s3 =	simm.s32 @!p0 $0x1082;
	s9 =	sld [smem:$0x3FB0]  }
0x2f: {  	lr =	sadd.s32 s0, s3;
	s0 =	sld [smem:$0x3FA7]  }
0x30: {  	s3 =	sld [smem:$0x3FAA]  }
0x31: {  	[smem:$0x3FB3] =	sst s10  }
0x32: {  	s10 =	sld [smem:$0x3FB1];
	_ =	sdelay $0x3  }
0x33: {  	p0 =	seq.s32 s10, $0x1;
	s10 =	sld [smem:$0x3FB3];
	_ =	sdelay $0x3  }
0x34: {  	[smem:$0x3FB3] =	sst s10  }
0x35: {  	s10 =	sld [smem:$0x3FB2];
	_ =	sdelay $0x3  }
0x36: {  	p1 =	seq.s32 s10, $0x1;
	s10 =	sld [smem:$0x3FB3];
	_ =	sdelay $0x3  }
0x37: {  	[smem:$0x3FB3] =	sst s10  }
0x38: {  	s10 =	sld [smem:$0x3FB4]  }
0x39: {  	_ = 	snop;
	(pc) =	sbr.ind lr, $3  }
0x3a: {  	_ = 	snop  }
0x3b: {  	_ = 	snop  }
0x3c: {  	p2 =	seq.s32 s10, $0x1;
	s10 =	sld [smem:$0x3FB3]  }
0x3d: {  	_ =	shalt  }
0x3e: {  	_ =	shalt  }
0x3f: {  	_ =	shalt  }
0x40: {  	_ =	shalt  }
0x41: {  	_ =	shalt  }
0x42: {  	_ =	shalt  }
0x43: {  	_ =	shalt  }
0x44: {  	_ =	shalt  }
0x45: {  	_ =	shalt  }
0x46: {  	_ =	shalt  }
0x47: {  	_ =	shalt  }
0x48: {  	_ =	shalt  }
0x49: {  	_ =	shalt  }
0x4a: {  	_ =	shalt  }
0x4b: {  	_ =	shalt  }
0x4c: {  	_ =	shalt  }
0x4d: {  	_ =	shalt  }
0x4e: {  	_ =	shalt  }
0x4f: {  	_ =	shalt  }
0x50: {  	_ =	shalt  }
0x51: {  	_ =	shalt  }
0x52: {  	_ =	shalt  }
0x53: {  	_ =	shalt  }
0x54: {  	_ =	shalt  }
0x55: {  	_ =	shalt  }
0x56: {  	_ =	shalt  }
0x57: {  	_ =	shalt  }
0x58: {  	_ =	shalt  }
0x59: {  	_ =	shalt  }
0x5a: {  	_ =	shalt  }
0x5b: {  	_ =	shalt  }
0x5c: {  	_ =	shalt  }
0x5d: {  	_ =	shalt  }
0x5e: {  	_ =	shalt  }
0x5f: {  	_ =	shalt  }
0x60: {  	_ =	shalt  }
0x61: {  	_ =	shalt  }
0x62: {  	_ =	shalt  }
0x63: {  	_ =	shalt  }
0x64: {  	_ =	shalt  }
0x65: {  	_ =	shalt  }
0x66: {  	_ =	shalt  }
0x67: {  	_ =	shalt  }
0x68: {  	_ =	shalt  }
0x69: {  	_ =	shalt  }
0x6a: {  	_ =	shalt  }
0x6b: {  	_ =	shalt  }
0x6c: {  	_ =	shalt  }
0x6d: {  	_ =	shalt  }
0x6e: {  	_ =	shalt  }
0x6f: {  	_ =	shalt  }
0x70: {  	_ =	shalt  }
0x71: {  	_ =	shalt  }
0x72: {  	_ =	shalt  }
0x73: {  	_ =	shalt  }
0x74: {  	_ =	shalt  }
0x75: {  	_ =	shalt  }
0x76: {  	_ =	shalt  }
0x77: {  	_ =	shalt  }
0x78: {  	_ =	shalt  }
0x79: {  	_ =	shalt  }
0x7a: {  	_ =	shalt  }
0x7b: {  	_ =	shalt  }
0x7c: {  	_ =	shalt  }
0x7d: {  	_ =	shalt  }
0x7e: {  	_ =	shalt  }
0x7f: {  	_ =	shalt  }
0x80: {  	_ =	shalt  }
0x81: {  	_ =	shalt  }
0x82: {  	_ =	shalt  }
0x83: {  	_ =	shalt  }
0x84: {  	_ =	shalt  }
0x85: {  	_ =	shalt  }
0x86: {  	_ =	shalt  }
0x87: {  	_ =	shalt  }
.Lfunc_end0:
.L_simem_size_0:
called_computation_lowered:
.L_overlay_start_0:
0x88: {  	s2 =	sld [smem:$0x3FD9]  }
0x89: {  	s3 =	sld [smem:$0x3FFE];
	_ =	sdelay $0x1  }
0x8a: {  	s1 =	srdreg.scid  }
0x8b: {  	s0 =	sand.u32 $0x1, s1  }
0x8c: {  	s17 =	sshll.u32 s0, $0xA;
	s2 =	sadd.s32 s3, s2  }
0x8d: {  	s2 =	sadd.s32 s2, s17  }
0x8e: {  	[smem:$0x3FBF] =	sst s2  }
0x8f: {  	_ = 	snop  }
0x90: {  	(tm) =	ssettm $0x1  }
0x91: {  	s18 =	sld [smem:$0x3FFB];
	_ =	sdelay $0x3  }
0x92: {  	_ =	strace s18  }
0x93: {  	s2 =	sld [smem:$0x3FFC];
	_ =	sdelay $0x3  }
0x94: {  	_ =	strace s2  }
0x95: {  	s2 =	sld [smem:$0x3FFD];
	_ =	sdelay $0x3  }
0x96: {  	_ =	strace s2  }
0x97: {  	_ =	strace $0x8FFFFFFF  }
0x98: {  	s19 =	sld [smem:$0x3FDB];
	_ =	sdelay $0x1  }
0x99: {  	s20 =	simm.s32 $_scs_section_size  }
0x9a: {  	s4 =	simm.s32 $_size__tile_overlayer_lowered;
	s5 =	simm.s32 $_tile_overlayer_lowered  }
0x9b: {  	s6 =	simm.s32 $0x1BFF;
	s21 =	sshll.u32 s5, $0x1;
	s3 =	sadd.s32 s20, s19  }
0x9c: {  	s22 =	simm.s32 $0x0;
	s4 =	sshll.u32 s4, $0x1;
	s5 =	sadd.s32 s21, s3  }
0x9d: {  	[timem:s22], [sflag:s6] =	dma.local [hbm:s5], s4  }
0x9e: {  	_ =	swait.ge [sflag:s6], s4  }
0x9f: {  	s4 =	ssub.s32 $0x0, s4;
	[sflag:s6] =	ssyncset.done $0x0  }
0xa0: {  	[sflag:s6] =	ssyncadd.s32 s4;
	_ =	sdelay $0x1  }
0xa1: {  	s23 =	simm.s32 $0x1B8B  }
0xa2: {  	_ =	swait.ge [sflag:s23], $0x1  }
0xa3: {  	[sflag:s23] =	ssyncset.done $0x0  }
0xa4: {  	[sflag:s23] =	ssyncadd.s32 $0xFFFFFFFF  }
0xa5: {  	s4 =	sld [smem:$0x0]  }
0xa6: {  	s5 =	sand.u32 $0xFFFFFFFE, s1  }
0xa7: {  	p0 =	sne.s32 s1, s5  }
0xa8: {  	s5 =	sshll.u32 @p0 s5, $0xE  }
0xa9: {  	s5 =	sadd.s32 @p0 $0x11B8D, s5;
	s6 =	sshll.u32 @p0 s4, $0x11  }
0xaa: {  	s5 =	sor.u32 @p0 s6, s5  }
0xab: {  	[sflag:s5] =	ssyncadd.remote.s32 @p0 $0x1;
	_ =	sdelay $0x1  }
0xac: {  	s5 =	simm.s32 @p0 $0x1B8D  }
0xad: {  	_ =	swait.eq @p0 [sflag:s5], $0x1  }
0xae: {  	[sflag:s5] =	ssyncadd.s32 @p0 $0xFFFFFFFF  }
0xaf: {  	s6 =	sshll.u32 @!p0 s1, $0xE  }
0xb0: {  	s6 =	sor.u32 @!p0 $0x4000, s6;
	s5 =	simm.s32 @!p0 $0x1B8D  }
0xb1: {  	s4 =	sshll.u32 @!p0 s4, $0x11;
	s6 =	sadd.s32 @!p0 $0x11B8D, s6;
	_ =	swait.eq @!p0 [sflag:s5], $0x1  }
0xb2: {  	s4 =	sor.u32 @!p0 s4, s6;
	[sflag:s5] =	ssyncadd.s32 @!p0 $0xFFFFFFFF  }
0xb3: {  	s25 =	simm.s32 $0x1B8E;
	s24 =	sld [smem:$0x3FFE];
	[sflag:s4] =	ssyncadd.remote.s32 @!p0 $0x1  }
0xb4: {  	s26 =	simm.s32 $execute0_lowered;
	[smem:$0x3FD2] =	sst s25  }
0xb5: {  	s5 =	sshll.u32 s26, $0x1;
	_ =	strace $0x80000049;
	[dreg:$0x1] =	wrdreg $0xFFFFFFFF  }
0xb6: {  	s28 =	simm.s32 $_size_execute0_lowered;
	s3 =	sadd.s32 s3, s5;
	[dreg:$0x0] =	wrdreg $0x0  }
0xb7: {  	s5 =	sshll.u32 s28, $0x1;
	[dreg:$0x2] =	wrdreg s3  }
0xb8: {  	[dreg:$0x3] =	wrdreg s5  }
0xb9: {  	[dreg:$0x4] =	wrdreg $0xC0  }
0xba: {  	_ =	task [dreg:s22], $0x5FFFF  }
0xbb: {  	[dreg:$0x1] =	wrdreg $0xFFFFFFFF  }
0xbc: {  	[dreg:$0x0] =	wrdreg $0x60  }
0xbd: {  	[dreg:$0x2] =	wrdreg s24  }
0xbe: {  	[dreg:$0x3] =	wrdreg $0x38800  }
0xbf: {  	[dreg:$0x4] =	wrdreg $0x9  }
0xc0: {  	_ =	task.clear_ibuf [dreg:s22], $0x5FFFF;
	_ =	strace $0x90000049  }
0xc1: {  	s29 =	simm.s32 $0x9;
	_ =	strace $0x8000004B  }
0xc2: {  	_ =	swait.ge [sflag:s29], $0x1  }
0xc3: {  	[sflag:s29] =	ssyncadd.s32 $0xFFFFFFFF  }
0xc4: {  	_ =	strace $0x9000004B  }
0xc5: {  	_ =	sfence  }
0xc6: {  	s30 =	sld [smem:$0x0];
	_ =	sdelay $0x2  }
0xc7: {  	s31 =	sshll.u32 s1, $0xD;
	s1 =	sshrl.u32 s1, $0x2  }
0xc8: {  	s4 =	sand.u32 $0x4000, s31;
	s1 =	sadd.s32 s1, s30  }
0xc9: {  	s0 =	sor.u32 s4, s0;
	s1 =	sshll.u32 s1, $0x11  }
0xca: {  	s0 =	sor.u32 s1, s0  }
0xcb: {  	s0 =	sadd.s32 $0x8F2B, s0  }
0xcc: {  	[sflag:s0] =	ssyncadd.remote.s32 $0x1  }
0xcd: {  	_ =	sfence.sel $0xFFFF  }
0xce: {  	[dreg:$0x0] =	wrdreg $0xFFFFFFFF;
	(pc) =	sbr.abs _section_cstart, $3  }
0xcf: {  	[dreg:$0x1] =	wrdreg $0xFFFFFFFF  }
0xd0: {  	_ =	task.clear_ibuf [dreg:s22], $0x2FFFF;
	_ =	strace $0x9FFFFFFF  }
0xd1: {  	(tm) =	ssettm $0x7FFFFFFF  }
tec
execute0_lowered:
.L_overlay_start_1:
0x0: {  	(tag) =	ssettag $0x1  }
0x1: {  	s0 =	srdreg.scid  }
0x2: {  	s1 =	rddreg [dreg:$0x0];
	s7 =	stileid.u32  }
0x3: {  	s2 =	rddreg [dreg:$0x1];
	s3 =	simm.s32 $0x0;
	s5 =	smul.u32 $0x2710, s7  }
0x4: {  	s28 =	simm.s32 $0x2880;
	s29 =	simm.s32 $0x1;
	s23 =	smul.u32 $0x14000, s7  }
0x5: {  	s30 =	simm.s32 $0x50;
	s0 =	sand.u32 $0x1, s0;
	s7 =	smul.u32 $0x50000, s7  }
0x6: {  	s31 =	simm.s32 $0x80;
	[smem:$0x7FF] =	sst s3;
	s4 =	smul.u32 $0x27100, s0  }
0x7: {  	s6 =	smul.u32 $0x140000, s0;
	_ =	strace $0x8000004A;
	s0 =	ssub.s32 $0x2, s0  }
0x8: {  	s24 =	sshrl.u32 s0, $0x1;
	s7 =	sshrl.u32 s7, $0x2;
	s4 =	sadd.s32 s5, s4  }
0x9: {  	s5 =	sadd.s32 s23, s6;
	s0 =	ssub.s32 s0, s24;
	s4 =	sshrl.u32 s4, $0x3  }
0xa: {  	s5 =	sshrl.u32 s5, $0x3;
	s0 =	smax.u32 s0, $0x1;
	s4 =	sadd.s32 s4, s1  }
0xb: {  	s1 =	sadd.s32 s5, s1;
	s5 =	sadd.s32 s7, s2;
	[dreg:$0x3] =	wrdreg s0  }
0xc: {  	s25 =	sadd.s32 $0x1000, s5;
	s26 =	sadd.s32 $0x2000, s5;
	s8 =	sadd.s32 $0x3000, s5  }
0xd: {  	s9 =	sadd.s32 $0x4000, s5;
	s10 =	sadd.s32 $0x5000, s5;
	s11 =	sadd.s32 $0x6000, s5  }
0xe: {  	s12 =	sadd.s32 $0x7000, s5;
	s13 =	sadd.s32 $0x8000, s5;
	s14 =	sadd.s32 $0x9000, s5  }
0xf: {  	s15 =	sadd.s32 $0xA000, s5;
	s16 =	sadd.s32 $0xB000, s5;
	s17 =	sadd.s32 $0xC000, s5  }
0x10: {  	s18 =	sadd.s32 $0xD000, s5;
	s19 =	sadd.s32 $0xE000, s5;
	s20 =	sadd.s32 $0xF000, s5  }
0x11: {  	s21 =	sadd.s32 $0x10000, s5;
	s22 =	sadd.s32 $0x11000, s5;
	[dreg:$0x4] =	wrdreg s25  }
0x12: {  	v0 =	vimm.f32 $0.0e+00;
	vm0 =	vcmask $0x300;
	s23 =	sadd.s32 $0x12000, s5;
	s24 =	sadd.s32 $0x4EDA00, s4;
	[dreg:$0x5] =	wrdreg s26  }
0x13: {  	v1 =	vsel vm0, $0x3F800000, v0;
	s25 =	sadd.s32 $0x78E00, s1;
	s26 =	sadd.s32 $0x13000, s5;
	s1 =	simm.s32 $0x0  }
.LBB2_1:
0x14: {  	s0 =	simm.s32 $0x0;
	s4 =	simm.s32 $0x200  }
.LBB2_2:
0x15: {  	p0 =	sne.s32 s4, $0x3E00;
	[tilespmem:s0+$0x28F0] =	vst v0  }
0x16: {  	[tilespmem:s0+$0x2880] =	vst v0  }
0x17: {  	[tilespmem:s0+$0x2890] =	vst v0  }
.Ltmp0:
0x18: {  	[tilespmem:s0+$0x28A0] =	vst v0;
	(pc) =	sbr.rel @p0 .LBB2_2-.Ltmp0, $4  }
0x19: {  	[tilespmem:s0+$0x28B0] =	vst v0  }
0x1a: {  	[tilespmem:s0+$0x28C0] =	vst v0  }
0x1b: {  	[tilespmem:s0+$0x28D0] =	vst v0  }
0x1c: {  	[tilespmem:s0+$0x28E0] =	vst v0;
	s0 =	sshra.s32 s4, $0x2;
	s4 =	sadd.s32 $0x200, s4  }
0x1d: {  	[tilespmem:s0+$0x28F0] =	vst v0  }
0x1e: {  	[tilespmem:s0+$0x2880] =	vst v0  }
0x1f: {  	[tilespmem:s0+$0x2890] =	vst v0  }
0x20: {  	[tilespmem:s0+$0x28A0] =	vst v0  }
0x21: {  	[tilespmem:s0+$0x28B0] =	vst v0  }
0x22: {  	[tilespmem:s0+$0x28C0] =	vst v0  }
0x23: {  	[tilespmem:s0+$0x28D0] =	vst v0  }
0x24: {  	[tilespmem:s0+$0x28E0] =	vst v0;
	s0 =	simm.s32 $0x0;
	s4 =	simm.s32 $0x200  }
.LBB2_4:
0x25: {  	p0 =	sne.s32 s4, $0x9E00;
	[tilespmem:s0+$0xF0] =	vst v0  }
0x26: {  	[tilespmem:s0+$0x80] =	vst v1  }
0x27: {  	[tilespmem:s0+$0x90] =	vst v0  }
.Ltmp1:
0x28: {  	[tilespmem:s0+$0xA0] =	vst v0;
	(pc) =	sbr.rel @p0 .LBB2_4-.Ltmp1, $4  }
0x29: {  	[tilespmem:s0+$0xB0] =	vst v0  }
0x2a: {  	[tilespmem:s0+$0xC0] =	vst v0  }
0x2b: {  	[tilespmem:s0+$0xD0] =	vst v0  }
0x2c: {  	[tilespmem:s0+$0xE0] =	vst v0;
	s0 =	sshra.s32 s4, $0x2;
	s4 =	sadd.s32 $0x200, s4  }
0x2d: {  	[tilespmem:s0+$0xF0] =	vst v0  }
0x2e: {  	[tilespmem:s0+$0x80] =	vst v1  }
0x2f: {  	[tilespmem:s0+$0x90] =	vst v0  }
0x30: {  	[tilespmem:s0+$0xA0] =	vst v0  }
0x31: {  	[tilespmem:s0+$0xB0] =	vst v0  }
0x32: {  	[tilespmem:s0+$0xC0] =	vst v0  }
0x33: {  	[tilespmem:s0+$0xD0] =	vst v0  }
0x34: {  	[tilespmem:s0+$0xE0] =	vst v0  }
0x35: {  	[spmem:s5] =	stream.linear.scatter [tilespmem:s28], [sflag:$0x1], $0x1000, $0x38;
	[tilespmem:$0x17880] =	vst v63  }
0x36: {  	_ =	swait.ge [sflag:s29], $0x1000  }
0x37: {  	[sflag:s29] =	ssyncset.done $0x0  }
0x38: {  	s4 =	rddreg [dreg:$0x4];
	[sflag:s29] =	ssyncadd.s32 $0xFFFFF000  }
0x39: {  	[spmem:s4] =	stream.linear.scatter [tilespmem:s28], [sflag:$0x1], $0x1000, $0x38;
	[tilespmem:$0x17880] =	vst v63  }
0x3a: {  	_ =	swait.ge [sflag:s29], $0x1000  }
0x3b: {  	[sflag:s29] =	ssyncset.done $0x0  }
0x3c: {  	s6 =	rddreg [dreg:$0x5];
	[sflag:s29] =	ssyncadd.s32 $0xFFFFF000  }
0x3d: {  	[spmem:s6] =	stream.linear.scatter [tilespmem:s28], [sflag:$0x1], $0x1000, $0x38;
	[tilespmem:$0x17880] =	vst v63  }
0x3e: {  	_ =	swait.ge [sflag:s29], $0x1000  }
0x3f: {  	[sflag:s29] =	ssyncset.done $0x0  }
0x40: {  	[sflag:s29] =	ssyncadd.s32 $0xFFFFF000  }
0x41: {  	[spmem:s8] =	stream.linear.scatter [tilespmem:s28], [sflag:$0x1], $0x1000, $0x38;
	[tilespmem:$0x17880] =	vst v63  }
0x42: {  	_ =	swait.ge [sflag:s29], $0x1000  }
0x43: {  	[sflag:s29] =	ssyncset.done $0x0  }
0x44: {  	[sflag:s29] =	ssyncadd.s32 $0xFFFFF000  }
0x45: {  	[spmem:s9] =	stream.linear.scatter [tilespmem:s28], [sflag:$0x1], $0x1000, $0x38;
	[tilespmem:$0x17880] =	vst v63  }
0x46: {  	_ =	swait.ge [sflag:s29], $0x1000  }
0x47: {  	[sflag:s29] =	ssyncset.done $0x0  }
0x48: {  	[sflag:s29] =	ssyncadd.s32 $0xFFFFF000  }
0x49: {  	[spmem:s10] =	stream.linear.scatter [tilespmem:s28], [sflag:$0x1], $0x1000, $0x38;
	[tilespmem:$0x17880] =	vst v63  }
0x4a: {  	_ =	swait.ge [sflag:s29], $0x1000  }
0x4b: {  	[sflag:s29] =	ssyncset.done $0x0  }
0x4c: {  	[sflag:s29] =	ssyncadd.s32 $0xFFFFF000  }
0x4d: {  	[spmem:s11] =	stream.linear.scatter [tilespmem:s28], [sflag:$0x1], $0x1000, $0x38;
	[tilespmem:$0x17880] =	vst v63  }
0x4e: {  	_ =	swait.ge [sflag:s29], $0x1000  }
0x4f: {  	[sflag:s29] =	ssyncset.done $0x0  }
0x50: {  	[sflag:s29] =	ssyncadd.s32 $0xFFFFF000  }
0x51: {  	[spmem:s12] =	stream.linear.scatter [tilespmem:s28], [sflag:$0x1], $0x1000, $0x38;
	[tilespmem:$0x17880] =	vst v63  }
0x52: {  	_ =	swait.ge [sflag:s29], $0x1000  }
0x53: {  	[sflag:s29] =	ssyncset.done $0x0  }
0x54: {  	[sflag:s29] =	ssyncadd.s32 $0xFFFFF000  }
0x55: {  	[spmem:s13] =	stream.linear.scatter [tilespmem:s28], [sflag:$0x1], $0x1000, $0x38;
	[tilespmem:$0x17880] =	vst v63  }
0x56: {  	_ =	swait.ge [sflag:s29], $0x1000  }
0x57: {  	[sflag:s29] =	ssyncset.done $0x0  }
0x58: {  	[sflag:s29] =	ssyncadd.s32 $0xFFFFF000  }
0x59: {  	[spmem:s14] =	stream.linear.scatter [tilespmem:s28], [sflag:$0x1], $0x1000, $0x38;
	[tilespmem:$0x17880] =	vst v63  }
0x5a: {  	_ =	swait.ge [sflag:s29], $0x1000  }
0x5b: {  	[sflag:s29] =	ssyncset.done $0x0  }
0x5c: {  	[sflag:s29] =	ssyncadd.s32 $0xFFFFF000  }
0x5d: {  	[spmem:s15] =	stream.linear.scatter [tilespmem:s28], [sflag:$0x1], $0x1000, $0x38;
	[tilespmem:$0x17880] =	vst v63  }
0x5e: {  	_ =	swait.ge [sflag:s29], $0x1000  }
0x5f: {  	[sflag:s29] =	ssyncset.done $0x0  }
0x60: {  	[sflag:s29] =	ssyncadd.s32 $0xFFFFF000  }
0x61: {  	[spmem:s16] =	stream.linear.scatter [tilespmem:s28], [sflag:$0x1], $0x1000, $0x38;
	[tilespmem:$0x17880] =	vst v63  }
0x62: {  	_ =	swait.ge [sflag:s29], $0x1000  }
0x63: {  	[sflag:s29] =	ssyncset.done $0x0  }
0x64: {  	[sflag:s29] =	ssyncadd.s32 $0xFFFFF000  }
0x65: {  	[spmem:s17] =	stream.linear.scatter [tilespmem:s28], [sflag:$0x1], $0x1000, $0x38;
	[tilespmem:$0x17880] =	vst v63  }
0x66: {  	_ =	swait.ge [sflag:s29], $0x1000  }
0x67: {  	[sflag:s29] =	ssyncset.done $0x0  }
0x68: {  	[sflag:s29] =	ssyncadd.s32 $0xFFFFF000  }
0x69: {  	[spmem:s18] =	stream.linear.scatter [tilespmem:s28], [sflag:$0x1], $0x1000, $0x38;
	[tilespmem:$0x17880] =	vst v63  }
0x6a: {  	_ =	swait.ge [sflag:s29], $0x1000  }
0x6b: {  	[sflag:s29] =	ssyncset.done $0x0  }
0x6c: {  	[sflag:s29] =	ssyncadd.s32 $0xFFFFF000  }
0x6d: {  	[spmem:s19] =	stream.linear.scatter [tilespmem:s28], [sflag:$0x1], $0x1000, $0x38;
	[tilespmem:$0x17880] =	vst v63  }
0x6e: {  	_ =	swait.ge [sflag:s29], $0x1000  }
0x6f: {  	[sflag:s29] =	ssyncset.done $0x0  }
0x70: {  	[sflag:s29] =	ssyncadd.s32 $0xFFFFF000  }
0x71: {  	[spmem:s20] =	stream.linear.scatter [tilespmem:s28], [sflag:$0x1], $0x1000, $0x38;
	[tilespmem:$0x17880] =	vst v63  }
0x72: {  	_ =	swait.ge [sflag:s29], $0x1000  }
0x73: {  	[sflag:s29] =	ssyncset.done $0x0  }
0x74: {  	[sflag:s29] =	ssyncadd.s32 $0xFFFFF000  }
0x75: {  	[spmem:s21] =	stream.linear.scatter [tilespmem:s28], [sflag:$0x1], $0x1000, $0x38;
	[tilespmem:$0x17880] =	vst v63  }
0x76: {  	_ =	swait.ge [sflag:s29], $0x1000  }
0x77: {  	[sflag:s29] =	ssyncset.done $0x0  }
0x78: {  	[sflag:s29] =	ssyncadd.s32 $0xFFFFF000  }
0x79: {  	[spmem:s22] =	stream.linear.scatter [tilespmem:s28], [sflag:$0x1], $0x1000, $0x38;
	[tilespmem:$0x17880] =	vst v63  }
0x7a: {  	_ =	swait.ge [sflag:s29], $0x1000  }
0x7b: {  	[sflag:s29] =	ssyncset.done $0x0  }
0x7c: {  	[sflag:s29] =	ssyncadd.s32 $0xFFFFF000  }
0x7d: {  	[spmem:s23] =	stream.linear.scatter [tilespmem:s28], [sflag:$0x1], $0x1000, $0x38;
	[tilespmem:$0x17880] =	vst v63  }
0x7e: {  	_ =	swait.ge [sflag:s29], $0x1000  }
0x7f: {  	[sflag:s29] =	ssyncset.done $0x0  }
0x80: {  	[sflag:s29] =	ssyncadd.s32 $0xFFFFF000  }
0x81: {  	[spmem:s26] =	stream.linear.scatter [tilespmem:s28], [sflag:$0x1], $0x1000, $0x38;
	[tilespmem:$0x17880] =	vst v63  }
0x82: {  	_ =	swait.ge [sflag:s29], $0x1000  }
0x83: {  	[sflag:s29] =	ssyncset.done $0x0  }
0x84: {  	[sflag:s29] =	ssyncadd.s32 $0xFFFFF000  }
0x85: {  	s7 =	sadd.s32 $0x0, s24;
	[bflag:$0x0] =	sbarrier.arrive $0xFFFF  }
0x86: {  	[tilespmem:s3], [sflag:$0x1] =	stream.linear.gather [hbm4b:s7+s3], $0x50, $0x38;
	[tilespmem:$0x17880] =	vst v63  }
0x87: {  	_ =	swait.ge [sflag:s29], $0x50  }
0x88: {  	[sflag:s29] =	ssyncset.done $0x0  }
0x89: {  	[sflag:s29] =	ssyncadd.s32 $0xFFFFFFB0  }
0x8a: {  	[spmem:s2] =	stream.indirect.scatter.add.f32 [tilespmem:s31], [sflag:$0x1], $0x80, s3, s30, $0xb8;
	[tilespmem:$0x17880] =	vst v63  }
0x8b: {  	_ =	swait.ge [sflag:s29], $0x2800  }
0x8c: {  	s0 =	simm.s32 $0xA;
	s4 =	simm.s32 $0x14;
	[sflag:s29] =	ssyncset.done $0x0  }
.LBB2_6:
0x8d: {  	s6 =	sadd.s32 s0, s24  }
0x8e: {  	[sflag:s29] =	ssyncadd.s32 $0xFFFFD800;
	s0 =	smov.u32 s4;
	s7 =	sadd.s32 $0xA, s4  }
0x8f: {  	[tilespmem:s3], [sflag:$0x1] =	stream.linear.gather [hbm4b:s6+s3], $0x50, $0x38;
	[tilespmem:$0x17880] =	vst v63  }
0x90: {  	p0 =	sne.s32 s4, $0x4D8;
	_ =	swait.ge [sflag:s29], $0x50  }
.Ltmp2:
0x91: {  	[sflag:s29] =	ssyncset.done $0x0;
	(pc) =	sbr.rel @p0 .LBB2_6-.Ltmp2, $4  }
0x92: {  	[sflag:s29] =	ssyncadd.s32 $0xFFFFFFB0  }
0x93: {  	[spmem:s2] =	stream.indirect.scatter.add.f32 [tilespmem:s31], [sflag:$0x1], $0x80, s3, s30, $0xb8;
	[tilespmem:$0x17880] =	vst v63  }
0x94: {  	_ =	swait.ge [sflag:s29], $0x2800  }
0x95: {  	s4 =	smov.u32 s7;
	[sflag:s29] =	ssyncset.done $0x0  }
0x96: {  	s0 =	sadd.s32 s0, s24;
	[sflag:s29] =	ssyncadd.s32 $0xFFFFD800  }
0x97: {  	[tilespmem:s3], [sflag:$0x1] =	stream.linear.gather [hbm4b:s0+s3], $0x50, $0x38;
	[tilespmem:$0x17880] =	vst v63  }
0x98: {  	_ =	swait.ge [sflag:s29], $0x50  }
0x99: {  	[sflag:s29] =	ssyncset.done $0x0  }
0x9a: {  	[sflag:s29] =	ssyncadd.s32 $0xFFFFFFB0  }
0x9b: {  	[spmem:s2] =	stream.indirect.scatter.add.f32 [tilespmem:s31], [sflag:$0x1], $0x80, s3, s30, $0xb8;
	[tilespmem:$0x17880] =	vst v63  }
0x9c: {  	_ =	swait.ge [sflag:s29], $0x2800  }
0x9d: {  	[sflag:s29] =	ssyncset.done $0x0  }
0x9e: {  	[sflag:s29] =	ssyncadd.s32 $0xFFFFD800  }
0x9f: {  	[bflag:$0x0] =	sbarrier.arrive $0xFFFF  }
0xa0: {  	[tilespmem:s28], [sflag:$0x1] =	stream.linear.gather [spmem:s5], $0x1000, $0x38;
	[tilespmem:$0x17880] =	vst v63  }
0xa1: {  	_ =	swait.ge [sflag:s29], $0x1000  }
0xa2: {  	[sflag:s29] =	ssyncset.done $0x0  }
0xa3: {  	s7 =	sadd.s32 $0x0, s25;
	[sflag:s29] =	ssyncadd.s32 $0xFFFFF000  }
0xa4: {  	[hbm4b:s7+s3] =	stream.linear.scatter [tilespmem:s28], [sflag:$0x1], $0x1000, $0x38;
	[tilespmem:$0x17880] =	vst v63  }
0xa5: {  	_ =	swait.ge [sflag:s29], $0x1000  }
0xa6: {  	s4 =	smov.u32 s5;
	s0 =	simm.s32 $0x200;
	[sflag:s29] =	ssyncset.done $0x0  }
.LBB2_8:
0xa7: {  	p0 =	sne.s32 s0, $0x2600;
	[sflag:s29] =	ssyncadd.s32 $0xFFFFF000;
	s4 =	sadd.s32 $0x1000, s4  }
0xa8: {  	[tilespmem:s28], [sflag:$0x1] =	stream.linear.gather [spmem:s4], $0x1000, $0x38;
	[tilespmem:$0x17880] =	vst v63  }
0xa9: {  	s6 =	smov.u32 s0;
	s0 =	sadd.s32 $0x200, s0;
	_ =	swait.ge [sflag:s29], $0x1000  }
.Ltmp3:
0xaa: {  	[sflag:s29] =	ssyncset.done $0x0;
	(pc) =	sbr.rel @p0 .LBB2_8-.Ltmp3, $4  }
0xab: {  	s6 =	sadd.s32 s6, s25;
	[sflag:s29] =	ssyncadd.s32 $0xFFFFF000  }
0xac: {  	[hbm4b:s6+s3] =	stream.linear.scatter [tilespmem:s28], [sflag:$0x1], $0x1000, $0x38;
	[tilespmem:$0x17880] =	vst v63  }
0xad: {  	_ =	swait.ge [sflag:s29], $0x1000  }
0xae: {  	[sflag:s29] =	ssyncset.done $0x0  }
0xaf: {  	s1 =	sadd.s32 $0x1, s1;
	s0 =	rddreg [dreg:$0x3]  }
0xb0: {  	p0 =	sne.s32 s1, s0  }
.Ltmp4:
0xb1: {  	_ = 	snop;
	(pc) =	sbr.rel @p0 .LBB2_1-.Ltmp4, $2  }
0xb2: {  	_ =	sdelay $0x2  }
0xb3: {  	[sflag:s29] =	ssyncadd.s32 $0xFFFFF000  }
0xb4: {  	_ =	sfence.sel $0x180000  }
0xb5: {  	[bflag:$0x0] =	sbarrier.arrive $0xFFFF  }
0xb6: {  	_ =	strace $0x9000004A  }
0xb7: {  	s0 =	stileid.u32;
	[bflag:$0x2] =	sbarrier.arrive $0xFFFF  }
0xb8: {  	p0 =	sne.s32 s0, $0x0;
	s0 =	rddreg [dreg:$0x2]  }
0xb9: {  	s0 =	sadd.s32 @!p0 $0x100000, s0  }
0xba: {  	[sflag:s0] =	ssyncadd.tile.s32 @!p0 $0x1;
	_ =	shalt  }
.Lfunc_end2:
_tile_overlayer_lowered:
.L_overlay_start_2:
0xbb: {  	(tag) =	ssettag $0x2  }
0xbc: {  	s0 =	rddreg [dreg:$0x0];
	s2 =	stileid.u32  }
0xbd: {  	s1 =	rddreg [dreg:$0x1];
	p0 =	sne.s32 s2, $0x0  }
0xbe: {  	s3 =	rddreg [dreg:$0x2];
	[bflag:$0x3] =	sbarrier.arrive $0xFFFF;
	s2 =	simm.s32 @!p0 $0x1C01  }
0xbf: {  	[timem:s3], [sflag:s2] =	dma.local @!p0 [hbm:s0], s1  }
0xc0: {  	s0 =	simm.s32 @!p0 $0x1  }
0xc1: {  	_ =	swait.ge @!p0 [sflag:s0], s1  }
0xc2: {  	s1 =	ssub.s32 @!p0 $0x0, s1;
	[sflag:s0] =	ssyncset.done @!p0 $0x0  }
0xc3: {  	[sflag:s0] =	ssyncadd.s32 @!p0 s1  }
0xc4: {  	[bflag:$0x3] =	sbarrier.arrive $0xFFFF  }
0xc5: {  	_ =	shalt  }

</sc_bundles>
